<compile_context>
chip_gen: v7x
topology: tpu7x:2x2x1
jax: 0.10.2.dev20260603
libtpu: 0.0.44.dev20260713+nightly
codegen_flags: <defaults>
</compile_context>

<pallas_src>
import jax
import jax.numpy as jnp
from jax import lax
from jax.experimental import pallas as pl
from jax.experimental.pallas import tpu as pltpu
from jax.experimental.pallas import tpu_sc as plsc

N_NODES = 10000
NP = 10240
NFEAT = 128
NCLASS = 40
N_EDGES = 320000
K = 128
CHUNKS = 80
EPT = K * CHUNKS
NTILES = 32
EP = EPT * NTILES
RPT = NP // 16
BR = 1024


def _mesh():
    return plsc.VectorSubcoreMesh(core_axis_name="c", subcore_axis_name="s")


def _deg_body(rcc_hbm, out_hbm, c0, c1, c2, c3, ones, dz, acc,
              si0, si1, si2, si3, ss0, ss1, ss2, ss3):
    cb = (c0, c1, c2, c3)
    si = (si0, si1, si2, si3)
    ss = (ss0, ss1, ss2, ss3)
    cid = lax.axis_index("c")
    sid = lax.axis_index("s")
    tid = cid * 16 + sid

    for j in range(8):
        ones[pl.ds(j * 16, 16)] = jnp.full((16,), 1.0, jnp.float32)

    def zstep(j, _):
        dz[pl.ds(j * 16, 16)] = jnp.zeros((16,), jnp.float32)
        return 0
    lax.fori_loop(0, RPT // 16, zstep, 0)
    pltpu.sync_copy(dz, acc.at[pl.ds(sid * RPT, RPT)])
    plsc.subcore_barrier()

    cbase = tid * CHUNKS

    def iload(g, j):
        pltpu.async_copy(rcc_hbm.at[cbase + g], cb[j], si[j])

    def iwait(j):
        pltpu.make_async_copy(rcc_hbm.at[cbase], cb[j], si[j]).wait()

    def sstart(j):
        pltpu.async_copy(ones, acc.at[cb[j]], ss[j], add=True)

    def swait(j):
        pltpu.make_async_copy(ones, acc.at[cb[j]], ss[j]).wait()

    iload(0, 0)

    def body(m, _):
        for b in range(4):
            g = 4 * m + b
            if b >= 3:
                swait((b - 3) % 4)
            else:
                @pl.when(m >= 1)
                def _(b=b):
                    swait((b + 1) % 4)
            if b < 3:
                iload(g + 1, b + 1)
            else:
                @pl.when(m < CHUNKS // 4 - 1)
                def _(g=g):
                    iload(g + 1, 0)
            iwait(b)
            sstart(b)
        return 0
    lax.fori_loop(0, CHUNKS // 4, body, 0)
    for j in (1, 2, 3):
        swait(j)

    plsc.subcore_barrier()
    pltpu.sync_copy(acc.at[pl.ds(sid * RPT, RPT)],
                    out_hbm.at[cid, pl.ds(sid * RPT, RPT)])


def _deg_call(rc):
    f = pl.kernel(
        _deg_body,
        out_type=jax.ShapeDtypeStruct((2, NP), jnp.float32),
        mesh=_mesh(),
        scratch_types=[
            pltpu.VMEM((K,), jnp.int32),
            pltpu.VMEM((K,), jnp.int32),
            pltpu.VMEM((K,), jnp.int32),
            pltpu.VMEM((K,), jnp.int32),
            pltpu.VMEM((K,), jnp.float32),
            pltpu.VMEM((RPT,), jnp.float32),
            pltpu.VMEM_SHARED((NP,), jnp.float32),
        ] + [pltpu.SemaphoreType.DMA] * 8,
    )
    return f(rc)


def _agg_body(hp_hbm, rcr_hbm, rcc_hbm, out_hbm,
              rb0, rb1, rb2, rb3, rb4, rb5, rb6, rb7,
              cb0, cb1, cb2, cb3, cb4, cb5, cb6, cb7,
              rows0, rows1, acc,
              si0, si1, si2, si3, si4, si5, si6, si7,
              sg0, sg1, ss0, ss1):
    rb = (rb0, rb1, rb2, rb3, rb4, rb5, rb6, rb7)
    cb = (cb0, cb1, cb2, cb3, cb4, cb5, cb6, cb7)
    rows = (rows0, rows1)
    si = (si0, si1, si2, si3, si4, si5, si6, si7)
    sg = (sg0, sg1)
    ss = (ss0, ss1)
    cid = lax.axis_index("c")
    sid = lax.axis_index("s")
    tid = cid * 16 + sid

    cbase = tid * CHUNKS

    def iload(g, j):
        pltpu.async_copy(rcr_hbm.at[cbase + g], rb[j], si[j])
        pltpu.async_copy(rcc_hbm.at[cbase + g], cb[j], si[j])

    def iwait(j):
        pltpu.make_async_copy(rcr_hbm.at[cbase], rb[j], si[j]).wait()
        pltpu.make_async_copy(rcc_hbm.at[cbase], cb[j], si[j]).wait()

    iload(0, 0)
    iload(1, 1)

    def zstep(r, _):
        for j in range(8):
            rows0[r, pl.ds(j * 16, 16)] = jnp.zeros((16,), jnp.float32)
        return 0
    lax.fori_loop(0, K, zstep, 0)
    for k in range(RPT // K):
        pltpu.async_copy(rows0, acc.at[pl.ds(sid * RPT + k * K, K)], ss0)
    for k in range(RPT // K):
        pltpu.make_async_copy(rows0, acc.at[pl.ds(sid * RPT + k * K, K)],
                              ss0).wait()
    plsc.subcore_barrier()

    def gstart(jc, jr):
        pltpu.async_copy(hp_hbm.at[rb[jc]], rows[jr], sg[jr])

    def gwait(jr):
        pltpu.make_async_copy(hp_hbm.at[rb[0]], rows[jr], sg[jr]).wait()

    def sstart(jc, jr):
        pltpu.async_copy(rows[jr], acc.at[cb[jc]], ss[jr], add=True)

    def swait(jr):
        pltpu.make_async_copy(rows[0], acc.at[cb[0]], ss[jr]).wait()

    def body(m, _):
        for b in range(8):
            g_s = 8 * m + b
            if b >= 2:
                swait(b % 2)
            else:
                @pl.when(m >= 1)
                def _(b=b):
                    swait(b % 2)
            if b < 6:
                iload(g_s + 2, (b + 2) % 8)
            else:
                @pl.when(m < CHUNKS // 8 - 1)
                def _(g_s=g_s, b=b):
                    iload(g_s + 2, (b + 2) % 8)
            iwait(b)
            gstart(b, b % 2)
            if b >= 1:
                gwait((b - 1) % 2)
                sstart((b - 1) % 8, (b - 1) % 2)
            else:
                @pl.when(m >= 1)
                def _():
                    gwait(1)
                    sstart(7, 1)
        return 0
    lax.fori_loop(0, CHUNKS // 8, body, 0)
    gwait(1)
    sstart(7, 1)
    for j in range(2):
        swait(j)

    plsc.subcore_barrier()
    pltpu.sync_copy(acc.at[pl.ds(sid * RPT, RPT)],
                    out_hbm.at[cid, pl.ds(sid * RPT, RPT)])


def _agg_call(hp, rcr, rcc):
    f = pl.kernel(
        _agg_body,
        out_type=jax.ShapeDtypeStruct((2, NP, NFEAT), jnp.float32),
        mesh=_mesh(),
        scratch_types=[pltpu.VMEM((K,), jnp.int32)] * 16
        + [pltpu.VMEM((K, NFEAT), jnp.float32)] * 2
        + [pltpu.VMEM_SHARED((NP, NFEAT), jnp.float32)]
        + [pltpu.SemaphoreType.DMA] * 12,
    )
    return f(hp, rcr, rcc)


def _s_of(dp_ref):
    d = dp_ref[0, :] + dp_ref[1, :] + 1.0
    return lax.rsqrt(d)


def _tc1a_body(x_ref, wpre_ref, bpre_ref, w1_ref, t1_ref):
    h0 = jnp.dot(x_ref[:], wpre_ref[:], preferred_element_type=jnp.float32)
    h0 = h0 + bpre_ref[:][None, :]
    t1_ref[:] = jnp.dot(h0, w1_ref[:], preferred_element_type=jnp.float32)


def _tc1b_body(t1_ref, dp_ref, hp1_ref, s_ref):
    s = _s_of(dp_ref)
    s_ref[:] = s[:, None]
    hp1_ref[:] = t1_ref[:] * s[:, None]


def _tc2_body(agg_ref, hp_ref, s_ref, b_ref, w2_ref, hp2_ref):
    s = s_ref[:]
    pre = s * (agg_ref[0] + agg_ref[1] + hp_ref[:]) + b_ref[:][None, :]
    h1 = jnp.maximum(pre, 0.0)
    t2 = jnp.dot(h1, w2_ref[:], preferred_element_type=jnp.float32)
    hp2_ref[:] = t2 * s


def _tc3_body(agg_ref, hp_ref, s_ref, b_ref, wpost_ref, bpost_ref, out_ref):
    s = s_ref[:]
    pre = s * (agg_ref[0] + agg_ref[1] + hp_ref[:]) + b_ref[:][None, :]
    h2 = jnp.maximum(pre, 0.0)
    logits = jnp.dot(h2, wpost_ref[:], preferred_element_type=jnp.float32)
    logits = logits + bpost_ref[:][None, :]
    m = jnp.max(logits, axis=1, keepdims=True)
    lse = jnp.log(jnp.sum(jnp.exp(logits - m), axis=1, keepdims=True)) + m
    out_ref[:] = logits - lse


def _row_spec(feat):
    return pl.BlockSpec((BR, feat), lambda i: (i, 0))


def _full_spec(shape):
    return pl.BlockSpec(shape, lambda i: tuple(0 for _ in shape))


_dp_spec = pl.BlockSpec((2, BR), lambda i: (0, i))
_agg_spec = pl.BlockSpec((2, BR, NFEAT), lambda i: (0, i, 0))
_grid = (NP // BR,)


def _tc1a(x_p, W_pre, b_pre, W1):
    return pl.pallas_call(
        _tc1a_body,
        grid=_grid,
        in_specs=[_row_spec(NFEAT), _full_spec((NFEAT, NFEAT)),
                  _full_spec((NFEAT,)), _full_spec((NFEAT, NFEAT))],
        out_specs=_row_spec(NFEAT),
        out_shape=jax.ShapeDtypeStruct((NP, NFEAT), jnp.float32),
    )(x_p, W_pre, b_pre, W1)


def _tc1b(t1, dp):
    return pl.pallas_call(
        _tc1b_body,
        grid=_grid,
        in_specs=[_row_spec(NFEAT), _dp_spec],
        out_specs=[_row_spec(NFEAT), _row_spec(1)],
        out_shape=[jax.ShapeDtypeStruct((NP, NFEAT), jnp.float32),
                   jax.ShapeDtypeStruct((NP, 1), jnp.float32)],
    )(t1, dp)


def _tc2(agg, hp, s2d, b1, W2):
    return pl.pallas_call(
        _tc2_body,
        grid=_grid,
        in_specs=[_agg_spec, _row_spec(NFEAT), _row_spec(1),
                  _full_spec((NFEAT,)), _full_spec((NFEAT, NFEAT))],
        out_specs=_row_spec(NFEAT),
        out_shape=jax.ShapeDtypeStruct((NP, NFEAT), jnp.float32),
    )(agg, hp, s2d, b1, W2)


def _tc3(agg, hp, s2d, b2, W_post, b_post):
    br = 1000
    return pl.pallas_call(
        _tc3_body,
        grid=(N_NODES // br,),
        in_specs=[pl.BlockSpec((2, br, NFEAT), lambda i: (0, i, 0)),
                  pl.BlockSpec((br, NFEAT), lambda i: (i, 0)),
                  pl.BlockSpec((br, 1), lambda i: (i, 0)),
                  _full_spec((NFEAT,)), _full_spec((NFEAT, NCLASS)),
                  _full_spec((NCLASS,))],
        out_specs=pl.BlockSpec((br, NCLASS), lambda i: (i, 0)),
        out_shape=jax.ShapeDtypeStruct((N_NODES, NCLASS), jnp.float32),
    )(agg, hp, s2d, b2, W_post, b_post)


def kernel(x, edge_index, W_pre, b_pre, W1, b1, W2, b2, W_post, b_post):
    row = edge_index[0].astype(jnp.int32)
    col = edge_index[1].astype(jnp.int32)
    npad = EP - N_EDGES
    pad_r = (jnp.arange(npad, dtype=jnp.int32) * 37) % N_NODES
    pad_c = N_NODES + (jnp.arange(npad, dtype=jnp.int32) % 16)
    rcr = jnp.concatenate([row, pad_r]).reshape(NTILES * CHUNKS, K)
    rcc = jnp.concatenate([col, pad_c]).reshape(NTILES * CHUNKS, K)

    x_p = jnp.pad(x, ((0, NP - N_NODES), (0, 0)))

    dp = _deg_call(rcc)
    t1 = _tc1a(x_p, W_pre, b_pre, W1)
    hp1, s2d = _tc1b(t1, dp)
    agg1 = _agg_call(hp1, rcr, rcc)
    hp2 = _tc2(agg1, hp1, s2d, b1, W2)
    agg2 = _agg_call(hp2, rcr, rcc)
    return _tc3(agg2, hp2, s2d, b2, W_post, b_post)

# --- scband reference (transcript-rebuilt; emitter-appended) ---
"""Pipeline reference for scband-gcn-83657372991833 (READ-ONLY COPY).

The authoritative reference and input builder live on the scoring server;
editing this copy changes nothing except your own understanding.
"""

import jax, jax.numpy as jnp
import numpy as np

N_NODES = 10000
N_EDGES = 320000
NFEAT = 128
NHID = 128
NCLASS = 40


def _gcn_norm(edge_index, num_nodes):
    # add self loops and compute symmetric normalization (as in PyG GCNConv)
    row = edge_index[0]
    col = edge_index[1]
    loop = jnp.arange(num_nodes, dtype=edge_index.dtype)
    row = jnp.concatenate([row, loop])
    col = jnp.concatenate([col, loop])
    deg = jnp.zeros((num_nodes,), dtype=jnp.float32).at[col].add(1.0)
    deg_inv_sqrt = jnp.where(deg > 0, 1.0 / jnp.sqrt(deg), 0.0)
    norm = deg_inv_sqrt[row] * deg_inv_sqrt[col]
    return row, col, norm


def _gcn_conv(x, row, col, norm, W, b, num_nodes):
    h = x @ W
    msg = h[row] * norm[:, None]
    out = jnp.zeros((num_nodes, h.shape[1]), dtype=h.dtype).at[col].add(msg)
    return out + b


def setup_inputs(seed: int = 0):
    key = jax.random.key(seed)
    ks = jax.random.split(key, 8)
    x = jax.random.normal(ks[0], (N_NODES, NFEAT), dtype=jnp.float32)
    edge_index = jax.random.randint(ks[1], (2, N_EDGES), 0, N_NODES)

    def lin(k, fin, fout):
        lim = 1.0 / np.sqrt(fin)
        return jax.random.uniform(k, (fin, fout), dtype=jnp.float32, minval=-lim, maxval=lim)

    W_pre = lin(ks[2], NFEAT, NHID)
    b_pre = jnp.zeros((NHID,), dtype=jnp.float32)
    W1 = lin(ks[3], NHID, NHID)
    b1 = jnp.zeros((NHID,), dtype=jnp.float32)
    W2 = lin(ks[4], NHID, NHID)
    b2 = jnp.zeros((NHID,), dtype=jnp.float32)
    W_post = lin(ks[5], NHID, NCLASS)
    b_post = jnp.zeros((NCLASS,), dtype=jnp.float32)
    return {
        "x": x,
        "edge_index": edge_index,
        "W_pre": W_pre,
        "b_pre": b_pre,
        "W1": W1,
        "b1": b1,
        "W2": W2,
        "b2": b2,
        "W_post": W_post,
        "b_post": b_post,
    }


def reference(x, edge_index, W_pre, b_pre, W1, b1, W2, b2, W_post, b_post):
    # eval-mode forward (drop_rate=0; DropEdge permutation is a no-op for sum aggregation)
    num_nodes = x.shape[0]
    row, col, norm = _gcn_norm(edge_index, num_nodes)
    h = x @ W_pre + b_pre
    h = jax.nn.relu(_gcn_conv(h, row, col, norm, W1, b1, num_nodes))
    h = jax.nn.relu(_gcn_conv(h, row, col, norm, W2, b2, num_nodes))
    out = h @ W_post + b_post
    return jax.nn.log_softmax(out, axis=1)

if __name__ == "__main__":
    import jax
    _d = setup_inputs()
    print(jax.jit(kernel)(*tuple(_d.values())))

</pallas_src>

<mosaic_0001>
#map = affine_map<(d0, d1) -> (0, 0)>
module attributes {stable_mosaic.version = 14 : i64} {
  func.func @_deg_body(%arg0: i32, %arg1: i32, %arg2: memref<2560x128xi32, #tpu.memory_space<hbm>>, %arg3: memref<2x10240xf32, #tpu.memory_space<hbm>>, %arg4: memref<128xi32, #tpu.memory_space<vmem>>, %arg5: memref<128xi32, #tpu.memory_space<vmem>>, %arg6: memref<128xi32, #tpu.memory_space<vmem>>, %arg7: memref<128xi32, #tpu.memory_space<vmem>>, %arg8: memref<128xf32, #tpu.memory_space<vmem>>, %arg9: memref<640xf32, #tpu.memory_space<vmem>>, %arg10: memref<10240xf32, #tpu.memory_space<vmem_shared>>, %arg11: memref<!tpu.dma_semaphore, #tpu.memory_space<semaphore_mem>>, %arg12: memref<!tpu.dma_semaphore, #tpu.memory_space<semaphore_mem>>, %arg13: memref<!tpu.dma_semaphore, #tpu.memory_space<semaphore_mem>>, %arg14: memref<!tpu.dma_semaphore, #tpu.memory_space<semaphore_mem>>, %arg15: memref<!tpu.dma_semaphore, #tpu.memory_space<semaphore_mem>>, %arg16: memref<!tpu.dma_semaphore, #tpu.memory_space<semaphore_mem>>, %arg17: memref<!tpu.dma_semaphore, #tpu.memory_space<semaphore_mem>>, %arg18: memref<!tpu.dma_semaphore, #tpu.memory_space<semaphore_mem>>) attributes {dimension_semantics = [#tpu.dimension_semantics<core_parallel>, #tpu.dimension_semantics<subcore_parallel>], iteration_bounds = array<i64: 2, 16>, scalar_prefetch = 0 : i64, scratch_operands = 15 : i64, tpu.core_type = #tpu.core_type<sc_vector_subcore>, window_params = [{transform_indices = #map}, {transform_indices = #map}]} {
    %mul3A = arith.constant 16 : i32
    %mul3A_0 = arith.muli %arg0, %mul3A : i32
    %add3A = arith.addi %mul3A_0, %arg1 : i32
    %broadcast_in_dim3A = arith.constant 1.000000e+00 : f32
    %broadcast_in_dim3A_1 = vector.broadcast %broadcast_in_dim3A : f32 to vector<16xf32>
    %swap3A = arith.constant 0 : index
    %swap3A_2 = tpu.vector_load %arg8[%swap3A] {strides = array<i32>} : memref<128xf32, #tpu.memory_space<vmem>>, vector<16xf32>,
    %swap3A_3 = vector.shape_cast %swap3A_2 : vector<16xf32> to vector<16xf32>
    %swap3A_4 = vector.shape_cast %broadcast_in_dim3A_1 : vector<16xf32> to vector<16xf32>
    tpu.vector_store %arg8[%swap3A], %swap3A_4 {strides = array<i32>} : memref<128xf32, #tpu.memory_space<vmem>>, vector<16xf32>,
    %broadcast_in_dim3A_5 = arith.constant 1.000000e+00 : f32
    %broadcast_in_dim3A_6 = vector.broadcast %broadcast_in_dim3A_5 : f32 to vector<16xf32>
    %swap3A_7 = arith.constant 16 : index
    %swap3A_8 = tpu.vector_load %arg8[%swap3A_7] {strides = array<i32>} : memref<128xf32, #tpu.memory_space<vmem>>, vector<16xf32>,
    %swap3A_9 = vector.shape_cast %swap3A_8 : vector<16xf32> to vector<16xf32>
    %swap3A_10 = vector.shape_cast %broadcast_in_dim3A_6 : vector<16xf32> to vector<16xf32>
    tpu.vector_store %arg8[%swap3A_7], %swap3A_10 {strides = array<i32>} : memref<128xf32, #tpu.memory_space<vmem>>, vector<16xf32>,
    %broadcast_in_dim3A_11 = arith.constant 1.000000e+00 : f32
    %broadcast_in_dim3A_12 = vector.broadcast %broadcast_in_dim3A_11 : f32 to vector<16xf32>
    %swap3A_13 = arith.constant 32 : index
    %swap3A_14 = tpu.vector_load %arg8[%swap3A_13] {strides = array<i32>} : memref<128xf32, #tpu.memory_space<vmem>>, vector<16xf32>,
    %swap3A_15 = vector.shape_cast %swap3A_14 : vector<16xf32> to vector<16xf32>
    %swap3A_16 = vector.shape_cast %broadcast_in_dim3A_12 : vector<16xf32> to vector<16xf32>
    tpu.vector_store %arg8[%swap3A_13], %swap3A_16 {strides = array<i32>} : memref<128xf32, #tpu.memory_space<vmem>>, vector<16xf32>,
    %broadcast_in_dim3A_17 = arith.constant 1.000000e+00 : f32
    %broadcast_in_dim3A_18 = vector.broadcast %broadcast_in_dim3A_17 : f32 to vector<16xf32>
    %swap3A_19 = arith.constant 48 : index
    %swap3A_20 = tpu.vector_load %arg8[%swap3A_19] {strides = array<i32>} : memref<128xf32, #tpu.memory_space<vmem>>, vector<16xf32>,
    %swap3A_21 = vector.shape_cast %swap3A_20 : vector<16xf32> to vector<16xf32>
    %swap3A_22 = vector.shape_cast %broadcast_in_dim3A_18 : vector<16xf32> to vector<16xf32>
    tpu.vector_store %arg8[%swap3A_19], %swap3A_22 {strides = array<i32>} : memref<128xf32, #tpu.memory_space<vmem>>, vector<16xf32>,
    %broadcast_in_dim3A_23 = arith.constant 1.000000e+00 : f32
    %broadcast_in_dim3A_24 = vector.broadcast %broadcast_in_dim3A_23 : f32 to vector<16xf32>
    %swap3A_25 = arith.constant 64 : index
    %swap3A_26 = tpu.vector_load %arg8[%swap3A_25] {strides = array<i32>} : memref<128xf32, #tpu.memory_space<vmem>>, vector<16xf32>,
    %swap3A_27 = vector.shape_cast %swap3A_26 : vector<16xf32> to vector<16xf32>
    %swap3A_28 = vector.shape_cast %broadcast_in_dim3A_24 : vector<16xf32> to vector<16xf32>
    tpu.vector_store %arg8[%swap3A_25], %swap3A_28 {strides = array<i32>} : memref<128xf32, #tpu.memory_space<vmem>>, vector<16xf32>,
    %broadcast_in_dim3A_29 = arith.constant 1.000000e+00 : f32
    %broadcast_in_dim3A_30 = vector.broadcast %broadcast_in_dim3A_29 : f32 to vector<16xf32>
    %swap3A_31 = arith.constant 80 : index
    %swap3A_32 = tpu.vector_load %arg8[%swap3A_31] {strides = array<i32>} : memref<128xf32, #tpu.memory_space<vmem>>, vector<16xf32>,
    %swap3A_33 = vector.shape_cast %swap3A_32 : vector<16xf32> to vector<16xf32>
    %swap3A_34 = vector.shape_cast %broadcast_in_dim3A_30 : vector<16xf32> to vector<16xf32>
    tpu.vector_store %arg8[%swap3A_31], %swap3A_34 {strides = array<i32>} : memref<128xf32, #tpu.memory_space<vmem>>, vector<16xf32>,
    %broadcast_in_dim3A_35 = arith.constant 1.000000e+00 : f32
    %broadcast_in_dim3A_36 = vector.broadcast %broadcast_in_dim3A_35 : f32 to vector<16xf32>
    %swap3A_37 = arith.constant 96 : index
    %swap3A_38 = tpu.vector_load %arg8[%swap3A_37] {strides = array<i32>} : memref<128xf32, #tpu.memory_space<vmem>>, vector<16xf32>,
    %swap3A_39 = vector.shape_cast %swap3A_38 : vector<16xf32> to vector<16xf32>
    %swap3A_40 = vector.shape_cast %broadcast_in_dim3A_36 : vector<16xf32> to vector<16xf32>
    tpu.vector_store %arg8[%swap3A_37], %swap3A_40 {strides = array<i32>} : memref<128xf32, #tpu.memory_space<vmem>>, vector<16xf32>,
    %broadcast_in_dim3A_41 = arith.constant 1.000000e+00 : f32
    %broadcast_in_dim3A_42 = vector.broadcast %broadcast_in_dim3A_41 : f32 to vector<16xf32>
    %swap3A_43 = arith.constant 112 : index
    %swap3A_44 = tpu.vector_load %arg8[%swap3A_43] {strides = array<i32>} : memref<128xf32, #tpu.memory_space<vmem>>, vector<16xf32>,
    %swap3A_45 = vector.shape_cast %swap3A_44 : vector<16xf32> to vector<16xf32>
    %swap3A_46 = vector.shape_cast %broadcast_in_dim3A_42 : vector<16xf32> to vector<16xf32>
    tpu.vector_store %arg8[%swap3A_43], %swap3A_46 {strides = array<i32>} : memref<128xf32, #tpu.memory_space<vmem>>, vector<16xf32>,
    %scan3A = arith.constant 0 : i32
    %scan3A_47 = arith.constant 0 : i32
    %scan3A_48 = arith.constant 40 : i32
    %scan3A_49 = arith.addi %scan3A_47, %scan3A_48 : i32
    %scan3A_50 = arith.constant 1 : i32
    %scan3A_51 = scf.for %scan3A_81 = %scan3A_47 to %scan3A_49 step %scan3A_50 iter_args(%scan3A_82 = %scan3A) -> (i32)  : i32 {
      %broadcast_in_dim3A_83 = arith.constant 0.000000e+00 : f32
      %broadcast_in_dim3A_84 = vector.broadcast %broadcast_in_dim3A_83 : f32 to vector<16xf32>
      %mul3A_85 = arith.constant 16 : i32
      %mul3A_86 = arith.muli %scan3A_81, %mul3A_85 : i32
      %swap3A_87 = arith.index_cast %mul3A_86 : i32 to index
      %swap3A_88 = tpu.vector_load %arg9[%swap3A_87] {strides = array<i32>} : memref<640xf32, #tpu.memory_space<vmem>>, vector<16xf32>,
      %swap3A_89 = vector.shape_cast %swap3A_88 : vector<16xf32> to vector<16xf32>
      %swap3A_90 = vector.shape_cast %broadcast_in_dim3A_84 : vector<16xf32> to vector<16xf32>
      tpu.vector_store %arg9[%swap3A_87], %swap3A_90 {strides = array<i32>} : memref<640xf32, #tpu.memory_space<vmem>>, vector<16xf32>,
      %scan3A_91 = arith.constant 0 : i32
      scf.yield %scan3A_91 : i32
    }
    %scan3A_52 = arith.constant 40 : i32
    %mul3A_53 = arith.constant 640 : i32
    %mul3A_54 = arith.muli %arg1, %mul3A_53 : i32
    "tpu.region"() ({
      %run_scoped3A = tpu.sem_alloc : memref<!tpu.dma_semaphore, #tpu.memory_space<semaphore_mem>>
      %dma_start3A_81 = tpu.memref_slice %arg10[%mul3A_54] : memref<10240xf32, #tpu.memory_space<vmem_shared>> -> memref<640xf32, #tpu.memory_space<vmem_shared>>
      %dma_start3A_82 = tpu.memref_slice %arg10[%mul3A_54] : memref<10240xf32, #tpu.memory_space<vmem_shared>> -> memref<640xf32, #tpu.memory_space<vmem_shared>>
      tpu.enqueue_dma source(%arg9 : memref<640xf32, #tpu.memory_space<vmem>>) target(%dma_start3A_82 : memref<640xf32, #tpu.memory_space<vmem_shared>>) target_semaphore(%run_scoped3A : memref<!tpu.dma_semaphore, #tpu.memory_space<semaphore_mem>>)
      %dma_wait3A_83 = tpu.memref_slice %arg10[%mul3A_54] : memref<10240xf32, #tpu.memory_space<vmem_shared>> -> memref<640xf32, #tpu.memory_space<vmem_shared>>
      %dma_wait3A_84 = tpu.memref_slice %arg10[%mul3A_54] : memref<10240xf32, #tpu.memory_space<vmem_shared>> -> memref<640xf32, #tpu.memory_space<vmem_shared>>
      tpu.wait_dma2 semaphore(%run_scoped3A : memref<!tpu.dma_semaphore, #tpu.memory_space<semaphore_mem>>) src(%arg9 : memref<640xf32, #tpu.memory_space<vmem>>) dst(%dma_wait3A_84 : memref<640xf32, #tpu.memory_space<vmem_shared>>)
      tpu.yield
    }) : () -> ()
    %barrier3A = arith.constant 0 : index
    tpu.barrier barrier_id(%barrier3A)
    %mul3A_55 = arith.constant 80 : i32
    %mul3A_56 = arith.muli %add3A, %mul3A_55 : i32
    %add3A_57 = arith.constant 0 : i32
    %add3A_58 = arith.addi %mul3A_56, %add3A_57 : i32
    %dma_start3A = arith.constant 0 : i32
    %dma_start3A_59 = tpu.memref_slice %arg2[%add3A_58, %dma_start3A] : memref<2560x128xi32, #tpu.memory_space<hbm>> -> memref<1x128xi32, #tpu.memory_space<hbm>>
    %dma_start3A_60 = tpu.memref_squeeze %dma_start3A_59 : memref<1x128xi32, #tpu.memory_space<hbm>> -> memref<128xi32, #tpu.memory_space<hbm>>
    %dma_start3A_61 = arith.constant 0 : i32
    %dma_start3A_62 = tpu.memref_slice %arg2[%add3A_58, %dma_start3A_61] : memref<2560x128xi32, #tpu.memory_space<hbm>> -> memref<1x128xi32, #tpu.memory_space<hbm>>
    %dma_start3A_63 = tpu.memref_squeeze %dma_start3A_62 : memref<1x128xi32, #tpu.memory_space<hbm>> -> memref<128xi32, #tpu.memory_space<hbm>>
    tpu.enqueue_dma source(%dma_start3A_63 : memref<128xi32, #tpu.memory_space<hbm>>) target(%arg4 : memref<128xi32, #tpu.memory_space<vmem>>) target_semaphore(%arg11 : memref<!tpu.dma_semaphore, #tpu.memory_space<semaphore_mem>>)
    %scan3A_64 = arith.constant 0 : i32
    %scan3A_65 = arith.constant 0 : i32
    %scan3A_66 = arith.constant 20 : i32
    %scan3A_67 = arith.addi %scan3A_65, %scan3A_66 : i32
    %scan3A_68 = arith.constant 1 : i32
    %scan3A_69 = scf.for %scan3A_81 = %scan3A_65 to %scan3A_67 step %scan3A_68 iter_args(%scan3A_82 = %scan3A_64) -> (i32)  : i32 {
      %mul3A_83 = arith.constant 4 : i32
      %mul3A_84 = arith.muli %mul3A_83, %scan3A_81 : i32
      %add3A_85 = arith.constant 0 : i32
      %add3A_86 = arith.addi %mul3A_84, %add3A_85 : i32
      %ge3A = arith.constant 1 : i32
      %ge3A_87 = arith.cmpi sge, %scan3A_81, %ge3A : i32
      %convert_element_type3A = arith.extui %ge3A_87 : i1 to i32
      %cond3A = arith.constant 0 : i32
      %cond3A_88 = arith.cmpi ne, %convert_element_type3A, %cond3A : i32
      scf.if %cond3A_88 {
        %dma_wait3A_177 = arith.constant 0 : i32
        %dma_wait3A_178 = tpu.memref_slice %arg10[%dma_wait3A_177] : memref<10240xf32, #tpu.memory_space<vmem_shared>> -> memref<10240xf32, #tpu.memory_space<vmem_shared>>
        tpu.wait_indirect_dma semaphore(%arg16 : memref<!tpu.dma_semaphore, #tpu.memory_space<semaphore_mem>>) src(%arg8 : memref<128xf32, #tpu.memory_space<vmem>>) dst(%dma_wait3A_178 : memref<10240xf32, #tpu.memory_space<vmem_shared>>)
      } else {
      }
      %add3A_89 = arith.constant 1 : i32
      %add3A_90 = arith.addi %add3A_86, %add3A_89 : i32
      %add3A_91 = arith.addi %mul3A_56, %add3A_90 : i32
      %dma_start3A_92 = arith.constant 0 : i32
      %dma_start3A_93 = tpu.memref_slice %arg2[%add3A_91, %dma_start3A_92] : memref<2560x128xi32, #tpu.memory_space<hbm>> -> memref<1x128xi32, #tpu.memory_space<hbm>>
      %dma_start3A_94 = tpu.memref_squeeze %dma_start3A_93 : memref<1x128xi32, #tpu.memory_space<hbm>> -> memref<128xi32, #tpu.memory_space<hbm>>
      %dma_start3A_95 = arith.constant 0 : i32
      %dma_start3A_96 = tpu.memref_slice %arg2[%add3A_91, %dma_start3A_95] : memref<2560x128xi32, #tpu.memory_space<hbm>> -> memref<1x128xi32, #tpu.memory_space<hbm>>
      %dma_start3A_97 = tpu.memref_squeeze %dma_start3A_96 : memref<1x128xi32, #tpu.memory_space<hbm>> -> memref<128xi32, #tpu.memory_space<hbm>>
      tpu.enqueue_dma source(%dma_start3A_97 : memref<128xi32, #tpu.memory_space<hbm>>) target(%arg5 : memref<128xi32, #tpu.memory_space<vmem>>) target_semaphore(%arg12 : memref<!tpu.dma_semaphore, #tpu.memory_space<semaphore_mem>>)
      %dma_wait3A_98 = arith.constant 0 : i32
      %dma_wait3A_99 = tpu.memref_slice %arg2[%mul3A_56, %dma_wait3A_98] : memref<2560x128xi32, #tpu.memory_space<hbm>> -> memref<1x128xi32, #tpu.memory_space<hbm>>
      %dma_wait3A_100 = tpu.memref_squeeze %dma_wait3A_99 : memref<1x128xi32, #tpu.memory_space<hbm>> -> memref<128xi32, #tpu.memory_space<hbm>>
      %dma_wait3A_101 = arith.constant 0 : i32
      %dma_wait3A_102 = tpu.memref_slice %arg2[%mul3A_56, %dma_wait3A_101] : memref<2560x128xi32, #tpu.memory_space<hbm>> -> memref<1x128xi32, #tpu.memory_space<hbm>>
      %dma_wait3A_103 = tpu.memref_squeeze %dma_wait3A_102 : memref<1x128xi32, #tpu.memory_space<hbm>> -> memref<128xi32, #tpu.memory_space<hbm>>
      tpu.wait_dma2 semaphore(%arg11 : memref<!tpu.dma_semaphore, #tpu.memory_space<semaphore_mem>>) src(%dma_wait3A_103 : memref<128xi32, #tpu.memory_space<hbm>>) dst(%arg4 : memref<128xi32, #tpu.memory_space<vmem>>)
      %dma_start3A_104 = arith.constant 0 : i32
      %dma_start3A_105 = tpu.memref_slice %arg10[%dma_start3A_104] : memref<10240xf32, #tpu.memory_space<vmem_shared>> -> memref<10240xf32, #tpu.memory_space<vmem_shared>>
      tpu.enqueue_indirect_dma source(%arg8 : memref<128xf32, #tpu.memory_space<vmem>>) target(%dma_start3A_105 : memref<10240xf32, #tpu.memory_space<vmem_shared>>) offsets(%arg4 : memref<128xi32, #tpu.memory_space<vmem>>) semaphore(%arg15 : memref<!tpu.dma_semaphore, #tpu.memory_space<semaphore_mem>>) {add = true}
      %mul3A_106 = arith.constant 4 : i32
      %mul3A_107 = arith.muli %mul3A_106, %scan3A_81 : i32
      %add3A_108 = arith.constant 1 : i32
      %add3A_109 = arith.addi %mul3A_107, %add3A_108 : i32
      %ge3A_110 = arith.constant 1 : i32
      %ge3A_111 = arith.cmpi sge, %scan3A_81, %ge3A_110 : i32
      %convert_element_type3A_112 = arith.extui %ge3A_111 : i1 to i32
      %cond3A_113 = arith.constant 0 : i32
      %cond3A_114 = arith.cmpi ne, %convert_element_type3A_112, %cond3A_113 : i32
      scf.if %cond3A_114 {
        %dma_wait3A_177 = arith.constant 0 : i32
        %dma_wait3A_178 = tpu.memref_slice %arg10[%dma_wait3A_177] : memref<10240xf32, #tpu.memory_space<vmem_shared>> -> memref<10240xf32, #tpu.memory_space<vmem_shared>>
        tpu.wait_indirect_dma semaphore(%arg17 : memref<!tpu.dma_semaphore, #tpu.memory_space<semaphore_mem>>) src(%arg8 : memref<128xf32, #tpu.memory_space<vmem>>) dst(%dma_wait3A_178 : memref<10240xf32, #tpu.memory_space<vmem_shared>>)
      } else {
      }
      %add3A_115 = arith.constant 1 : i32
      %add3A_116 = arith.addi %add3A_109, %add3A_115 : i32
      %add3A_117 = arith.addi %mul3A_56, %add3A_116 : i32
      %dma_start3A_118 = arith.constant 0 : i32
      %dma_start3A_119 = tpu.memref_slice %arg2[%add3A_117, %dma_start3A_118] : memref<2560x128xi32, #tpu.memory_space<hbm>> -> memref<1x128xi32, #tpu.memory_space<hbm>>
      %dma_start3A_120 = tpu.memref_squeeze %dma_start3A_119 : memref<1x128xi32, #tpu.memory_space<hbm>> -> memref<128xi32, #tpu.memory_space<hbm>>
      %dma_start3A_121 = arith.constant 0 : i32
      %dma_start3A_122 = tpu.memref_slice %arg2[%add3A_117, %dma_start3A_121] : memref<2560x128xi32, #tpu.memory_space<hbm>> -> memref<1x128xi32, #tpu.memory_space<hbm>>
      %dma_start3A_123 = tpu.memref_squeeze %dma_start3A_122 : memref<1x128xi32, #tpu.memory_space<hbm>> -> memref<128xi32, #tpu.memory_space<hbm>>
      tpu.enqueue_dma source(%dma_start3A_123 : memref<128xi32, #tpu.memory_space<hbm>>) target(%arg6 : memref<128xi32, #tpu.memory_space<vmem>>) target_semaphore(%arg13 : memref<!tpu.dma_semaphore, #tpu.memory_space<semaphore_mem>>)
      %dma_wait3A_124 = arith.constant 0 : i32
      %dma_wait3A_125 = tpu.memref_slice %arg2[%mul3A_56, %dma_wait3A_124] : memref<2560x128xi32, #tpu.memory_space<hbm>> -> memref<1x128xi32, #tpu.memory_space<hbm>>
      %dma_wait3A_126 = tpu.memref_squeeze %dma_wait3A_125 : memref<1x128xi32, #tpu.memory_space<hbm>> -> memref<128xi32, #tpu.memory_space<hbm>>
      %dma_wait3A_127 = arith.constant 0 : i32
      %dma_wait3A_128 = tpu.memref_slice %arg2[%mul3A_56, %dma_wait3A_127] : memref<2560x128xi32, #tpu.memory_space<hbm>> -> memref<1x128xi32, #tpu.memory_space<hbm>>
      %dma_wait3A_129 = tpu.memref_squeeze %dma_wait3A_128 : memref<1x128xi32, #tpu.memory_space<hbm>> -> memref<128xi32, #tpu.memory_space<hbm>>
      tpu.wait_dma2 semaphore(%arg12 : memref<!tpu.dma_semaphore, #tpu.memory_space<semaphore_mem>>) src(%dma_wait3A_129 : memref<128xi32, #tpu.memory_space<hbm>>) dst(%arg5 : memref<128xi32, #tpu.memory_space<vmem>>)
      %dma_start3A_130 = arith.constant 0 : i32
      %dma_start3A_131 = tpu.memref_slice %arg10[%dma_start3A_130] : memref<10240xf32, #tpu.memory_space<vmem_shared>> -> memref<10240xf32, #tpu.memory_space<vmem_shared>>
      tpu.enqueue_indirect_dma source(%arg8 : memref<128xf32, #tpu.memory_space<vmem>>) target(%dma_start3A_131 : memref<10240xf32, #tpu.memory_space<vmem_shared>>) offsets(%arg5 : memref<128xi32, #tpu.memory_space<vmem>>) semaphore(%arg16 : memref<!tpu.dma_semaphore, #tpu.memory_space<semaphore_mem>>) {add = true}
      %mul3A_132 = arith.constant 4 : i32
      %mul3A_133 = arith.muli %mul3A_132, %scan3A_81 : i32
      %add3A_134 = arith.constant 2 : i32
      %add3A_135 = arith.addi %mul3A_133, %add3A_134 : i32
      %ge3A_136 = arith.constant 1 : i32
      %ge3A_137 = arith.cmpi sge, %scan3A_81, %ge3A_136 : i32
      %convert_element_type3A_138 = arith.extui %ge3A_137 : i1 to i32
      %cond3A_139 = arith.constant 0 : i32
      %cond3A_140 = arith.cmpi ne, %convert_element_type3A_138, %cond3A_139 : i32
      scf.if %cond3A_140 {
        %dma_wait3A_177 = arith.constant 0 : i32
        %dma_wait3A_178 = tpu.memref_slice %arg10[%dma_wait3A_177] : memref<10240xf32, #tpu.memory_space<vmem_shared>> -> memref<10240xf32, #tpu.memory_space<vmem_shared>>
        tpu.wait_indirect_dma semaphore(%arg18 : memref<!tpu.dma_semaphore, #tpu.memory_space<semaphore_mem>>) src(%arg8 : memref<128xf32, #tpu.memory_space<vmem>>) dst(%dma_wait3A_178 : memref<10240xf32, #tpu.memory_space<vmem_shared>>)
      } else {
      }
      %add3A_141 = arith.constant 1 : i32
      %add3A_142 = arith.addi %add3A_135, %add3A_141 : i32
      %add3A_143 = arith.addi %mul3A_56, %add3A_142 : i32
      %dma_start3A_144 = arith.constant 0 : i32
      %dma_start3A_145 = tpu.memref_slice %arg2[%add3A_143, %dma_start3A_144] : memref<2560x128xi32, #tpu.memory_space<hbm>> -> memref<1x128xi32, #tpu.memory_space<hbm>>
      %dma_start3A_146 = tpu.memref_squeeze %dma_start3A_145 : memref<1x128xi32, #tpu.memory_space<hbm>> -> memref<128xi32, #tpu.memory_space<hbm>>
      %dma_start3A_147 = arith.constant 0 : i32
      %dma_start3A_148 = tpu.memref_slice %arg2[%add3A_143, %dma_start3A_147] : memref<2560x128xi32, #tpu.memory_space<hbm>> -> memref<1x128xi32, #tpu.memory_space<hbm>>
      %dma_start3A_149 = tpu.memref_squeeze %dma_start3A_148 : memref<1x128xi32, #tpu.memory_space<hbm>> -> memref<128xi32, #tpu.memory_space<hbm>>
      tpu.enqueue_dma source(%dma_start3A_149 : memref<128xi32, #tpu.memory_space<hbm>>) target(%arg7 : memref<128xi32, #tpu.memory_space<vmem>>) target_semaphore(%arg14 : memref<!tpu.dma_semaphore, #tpu.memory_space<semaphore_mem>>)
      %dma_wait3A_150 = arith.constant 0 : i32
      %dma_wait3A_151 = tpu.memref_slice %arg2[%mul3A_56, %dma_wait3A_150] : memref<2560x128xi32, #tpu.memory_space<hbm>> -> memref<1x128xi32, #tpu.memory_space<hbm>>
      %dma_wait3A_152 = tpu.memref_squeeze %dma_wait3A_151 : memref<1x128xi32, #tpu.memory_space<hbm>> -> memref<128xi32, #tpu.memory_space<hbm>>
      %dma_wait3A_153 = arith.constant 0 : i32
      %dma_wait3A_154 = tpu.memref_slice %arg2[%mul3A_56, %dma_wait3A_153] : memref<2560x128xi32, #tpu.memory_space<hbm>> -> memref<1x128xi32, #tpu.memory_space<hbm>>
      %dma_wait3A_155 = tpu.memref_squeeze %dma_wait3A_154 : memref<1x128xi32, #tpu.memory_space<hbm>> -> memref<128xi32, #tpu.memory_space<hbm>>
      tpu.wait_dma2 semaphore(%arg13 : memref<!tpu.dma_semaphore, #tpu.memory_space<semaphore_mem>>) src(%dma_wait3A_155 : memref<128xi32, #tpu.memory_space<hbm>>) dst(%arg6 : memref<128xi32, #tpu.memory_space<vmem>>)
      %dma_start3A_156 = arith.constant 0 : i32
      %dma_start3A_157 = tpu.memref_slice %arg10[%dma_start3A_156] : memref<10240xf32, #tpu.memory_space<vmem_shared>> -> memref<10240xf32, #tpu.memory_space<vmem_shared>>
      tpu.enqueue_indirect_dma source(%arg8 : memref<128xf32, #tpu.memory_space<vmem>>) target(%dma_start3A_157 : memref<10240xf32, #tpu.memory_space<vmem_shared>>) offsets(%arg6 : memref<128xi32, #tpu.memory_space<vmem>>) semaphore(%arg17 : memref<!tpu.dma_semaphore, #tpu.memory_space<semaphore_mem>>) {add = true}
      %mul3A_158 = arith.constant 4 : i32
      %mul3A_159 = arith.muli %mul3A_158, %scan3A_81 : i32
      %add3A_160 = arith.constant 3 : i32
      %add3A_161 = arith.addi %mul3A_159, %add3A_160 : i32
      %dma_wait3A_162 = arith.constant 0 : i32
      %dma_wait3A_163 = tpu.memref_slice %arg10[%dma_wait3A_162] : memref<10240xf32, #tpu.memory_space<vmem_shared>> -> memref<10240xf32, #tpu.memory_space<vmem_shared>>
      tpu.wait_indirect_dma semaphore(%arg15 : memref<!tpu.dma_semaphore, #tpu.memory_space<semaphore_mem>>) src(%arg8 : memref<128xf32, #tpu.memory_space<vmem>>) dst(%dma_wait3A_163 : memref<10240xf32, #tpu.memory_space<vmem_shared>>)
      %lt3A = arith.constant 19 : i32
      %lt3A_164 = arith.cmpi slt, %scan3A_81, %lt3A : i32
      %convert_element_type3A_165 = arith.extui %lt3A_164 : i1 to i32
      %cond3A_166 = arith.constant 0 : i32
      %cond3A_167 = arith.cmpi ne, %convert_element_type3A_165, %cond3A_166 : i32
      scf.if %cond3A_167 {
        %add3A_177 = arith.constant 1 : i32
        %add3A_178 = arith.addi %add3A_161, %add3A_177 : i32
        %add3A_179 = arith.addi %mul3A_56, %add3A_178 : i32
        %dma_start3A_180 = arith.constant 0 : i32
        %dma_start3A_181 = tpu.memref_slice %arg2[%add3A_179, %dma_start3A_180] : memref<2560x128xi32, #tpu.memory_space<hbm>> -> memref<1x128xi32, #tpu.memory_space<hbm>>
        %dma_start3A_182 = tpu.memref_squeeze %dma_start3A_181 : memref<1x128xi32, #tpu.memory_space<hbm>> -> memref<128xi32, #tpu.memory_space<hbm>>
        %dma_start3A_183 = arith.constant 0 : i32
        %dma_start3A_184 = tpu.memref_slice %arg2[%add3A_179, %dma_start3A_183] : memref<2560x128xi32, #tpu.memory_space<hbm>> -> memref<1x128xi32, #tpu.memory_space<hbm>>
        %dma_start3A_185 = tpu.memref_squeeze %dma_start3A_184 : memref<1x128xi32, #tpu.memory_space<hbm>> -> memref<128xi32, #tpu.memory_space<hbm>>
        tpu.enqueue_dma source(%dma_start3A_185 : memref<128xi32, #tpu.memory_space<hbm>>) target(%arg4 : memref<128xi32, #tpu.memory_space<vmem>>) target_semaphore(%arg11 : memref<!tpu.dma_semaphore, #tpu.memory_space<semaphore_mem>>)
      } else {
      }
      %dma_wait3A_168 = arith.constant 0 : i32
      %dma_wait3A_169 = tpu.memref_slice %arg2[%mul3A_56, %dma_wait3A_168] : memref<2560x128xi32, #tpu.memory_space<hbm>> -> memref<1x128xi32, #tpu.memory_space<hbm>>
      %dma_wait3A_170 = tpu.memref_squeeze %dma_wait3A_169 : memref<1x128xi32, #tpu.memory_space<hbm>> -> memref<128xi32, #tpu.memory_space<hbm>>
      %dma_wait3A_171 = arith.constant 0 : i32
      %dma_wait3A_172 = tpu.memref_slice %arg2[%mul3A_56, %dma_wait3A_171] : memref<2560x128xi32, #tpu.memory_space<hbm>> -> memref<1x128xi32, #tpu.memory_space<hbm>>
      %dma_wait3A_173 = tpu.memref_squeeze %dma_wait3A_172 : memref<1x128xi32, #tpu.memory_space<hbm>> -> memref<128xi32, #tpu.memory_space<hbm>>
      tpu.wait_dma2 semaphore(%arg14 : memref<!tpu.dma_semaphore, #tpu.memory_space<semaphore_mem>>) src(%dma_wait3A_173 : memref<128xi32, #tpu.memory_space<hbm>>) dst(%arg7 : memref<128xi32, #tpu.memory_space<vmem>>)
      %dma_start3A_174 = arith.constant 0 : i32
      %dma_start3A_175 = tpu.memref_slice %arg10[%dma_start3A_174] : memref<10240xf32, #tpu.memory_space<vmem_shared>> -> memref<10240xf32, #tpu.memory_space<vmem_shared>>
      tpu.enqueue_indirect_dma source(%arg8 : memref<128xf32, #tpu.memory_space<vmem>>) target(%dma_start3A_175 : memref<10240xf32, #tpu.memory_space<vmem_shared>>) offsets(%arg7 : memref<128xi32, #tpu.memory_space<vmem>>) semaphore(%arg18 : memref<!tpu.dma_semaphore, #tpu.memory_space<semaphore_mem>>) {add = true}
      %scan3A_176 = arith.constant 0 : i32
      scf.yield %scan3A_176 : i32
    }
    %scan3A_70 = arith.constant 20 : i32
    %dma_wait3A = arith.constant 0 : i32
    %dma_wait3A_71 = tpu.memref_slice %arg10[%dma_wait3A] : memref<10240xf32, #tpu.memory_space<vmem_shared>> -> memref<10240xf32, #tpu.memory_space<vmem_shared>>
    tpu.wait_indirect_dma semaphore(%arg16 : memref<!tpu.dma_semaphore, #tpu.memory_space<semaphore_mem>>) src(%arg8 : memref<128xf32, #tpu.memory_space<vmem>>) dst(%dma_wait3A_71 : memref<10240xf32, #tpu.memory_space<vmem_shared>>)
    %dma_wait3A_72 = arith.constant 0 : i32
    %dma_wait3A_73 = tpu.memref_slice %arg10[%dma_wait3A_72] : memref<10240xf32, #tpu.memory_space<vmem_shared>> -> memref<10240xf32, #tpu.memory_space<vmem_shared>>
    tpu.wait_indirect_dma semaphore(%arg17 : memref<!tpu.dma_semaphore, #tpu.memory_space<semaphore_mem>>) src(%arg8 : memref<128xf32, #tpu.memory_space<vmem>>) dst(%dma_wait3A_73 : memref<10240xf32, #tpu.memory_space<vmem_shared>>)
    %dma_wait3A_74 = arith.constant 0 : i32
    %dma_wait3A_75 = tpu.memref_slice %arg10[%dma_wait3A_74] : memref<10240xf32, #tpu.memory_space<vmem_shared>> -> memref<10240xf32, #tpu.memory_space<vmem_shared>>
    tpu.wait_indirect_dma semaphore(%arg18 : memref<!tpu.dma_semaphore, #tpu.memory_space<semaphore_mem>>) src(%arg8 : memref<128xf32, #tpu.memory_space<vmem>>) dst(%dma_wait3A_75 : memref<10240xf32, #tpu.memory_space<vmem_shared>>)
    %barrier3A_76 = arith.constant 0 : index
    tpu.barrier barrier_id(%barrier3A_76)
    %mul3A_77 = arith.constant 640 : i32
    %mul3A_78 = arith.muli %arg1, %mul3A_77 : i32
    %mul3A_79 = arith.constant 640 : i32
    %mul3A_80 = arith.muli %arg1, %mul3A_79 : i32
    "tpu.region"() ({
      %run_scoped3A = tpu.sem_alloc : memref<!tpu.dma_semaphore, #tpu.memory_space<semaphore_mem>>
      %dma_start3A_81 = tpu.memref_slice %arg3[%arg0, %mul3A_80] : memref<2x10240xf32, #tpu.memory_space<hbm>> -> memref<1x640xf32, #tpu.memory_space<hbm>>
      %dma_start3A_82 = tpu.memref_squeeze %dma_start3A_81 : memref<1x640xf32, #tpu.memory_space<hbm>> -> memref<640xf32, #tpu.memory_space<hbm>>
      %dma_start3A_83 = tpu.memref_slice %arg10[%mul3A_78] : memref<10240xf32, #tpu.memory_space<vmem_shared>> -> memref<640xf32, #tpu.memory_space<vmem_shared>>
      tpu.enqueue_dma source(%dma_start3A_83 : memref<640xf32, #tpu.memory_space<vmem_shared>>) target(%dma_start3A_82 : memref<640xf32, #tpu.memory_space<hbm>>) target_semaphore(%run_scoped3A : memref<!tpu.dma_semaphore, #tpu.memory_space<semaphore_mem>>)
      %dma_wait3A_84 = tpu.memref_slice %arg3[%arg0, %mul3A_80] : memref<2x10240xf32, #tpu.memory_space<hbm>> -> memref<1x640xf32, #tpu.memory_space<hbm>>
      %dma_wait3A_85 = tpu.memref_squeeze %dma_wait3A_84 : memref<1x640xf32, #tpu.memory_space<hbm>> -> memref<640xf32, #tpu.memory_space<hbm>>
      %dma_wait3A_86 = tpu.memref_slice %arg10[%mul3A_78] : memref<10240xf32, #tpu.memory_space<vmem_shared>> -> memref<640xf32, #tpu.memory_space<vmem_shared>>
      tpu.wait_dma2 semaphore(%run_scoped3A : memref<!tpu.dma_semaphore, #tpu.memory_space<semaphore_mem>>) src(%dma_wait3A_86 : memref<640xf32, #tpu.memory_space<vmem_shared>>) dst(%dma_wait3A_85 : memref<640xf32, #tpu.memory_space<hbm>>)
      tpu.yield
    }) : () -> ()
    return
  }
}

#map = affine_map<(d0, d1) -> (0, 0)>
#map1 = affine_map<(d0, d1) -> (0, 0, 0)>
module attributes {stable_mosaic.version = 14 : i64} {
  func.func @_agg_body(%arg0: i32, %arg1: i32, %arg2: memref<10240x128xf32, #tpu.memory_space<hbm>>, %arg3: memref<2560x128xi32, #tpu.memory_space<hbm>>, %arg4: memref<2560x128xi32, #tpu.memory_space<hbm>>, %arg5: memref<2x10240x128xf32, #tpu.memory_space<hbm>>, %arg6: memref<128xi32, #tpu.memory_space<vmem>>, %arg7: memref<128xi32, #tpu.memory_space<vmem>>, %arg8: memref<128xi32, #tpu.memory_space<vmem>>, %arg9: memref<128xi32, #tpu.memory_space<vmem>>, %arg10: memref<128xi32, #tpu.memory_space<vmem>>, %arg11: memref<128xi32, #tpu.memory_space<vmem>>, %arg12: memref<128xi32, #tpu.memory_space<vmem>>, %arg13: memref<128xi32, #tpu.memory_space<vmem>>, %arg14: memref<128xi32, #tpu.memory_space<vmem>>, %arg15: memref<128xi32, #tpu.memory_space<vmem>>, %arg16: memref<128xi32, #tpu.memory_space<vmem>>, %arg17: memref<128xi32, #tpu.memory_space<vmem>>, %arg18: memref<128xi32, #tpu.memory_space<vmem>>, %arg19: memref<128xi32, #tpu.memory_space<vmem>>, %arg20: memref<128xi32, #tpu.memory_space<vmem>>, %arg21: memref<128xi32, #tpu.memory_space<vmem>>, %arg22: memref<128x128xf32, #tpu.memory_space<vmem>>, %arg23: memref<128x128xf32, #tpu.memory_space<vmem>>, %arg24: memref<10240x128xf32, #tpu.memory_space<vmem_shared>>, %arg25: memref<!tpu.dma_semaphore, #tpu.memory_space<semaphore_mem>>, %arg26: memref<!tpu.dma_semaphore, #tpu.memory_space<semaphore_mem>>, %arg27: memref<!tpu.dma_semaphore, #tpu.memory_space<semaphore_mem>>, %arg28: memref<!tpu.dma_semaphore, #tpu.memory_space<semaphore_mem>>, %arg29: memref<!tpu.dma_semaphore, #tpu.memory_space<semaphore_mem>>, %arg30: memref<!tpu.dma_semaphore, #tpu.memory_space<semaphore_mem>>, %arg31: memref<!tpu.dma_semaphore, #tpu.memory_space<semaphore_mem>>, %arg32: memref<!tpu.dma_semaphore, #tpu.memory_space<semaphore_mem>>, %arg33: memref<!tpu.dma_semaphore, #tpu.memory_space<semaphore_mem>>, %arg34: memref<!tpu.dma_semaphore, #tpu.memory_space<semaphore_mem>>, %arg35: memref<!tpu.dma_semaphore, #tpu.memory_space<semaphore_mem>>, %arg36: memref<!tpu.dma_semaphore, #tpu.memory_space<semaphore_mem>>) attributes {dimension_semantics = [#tpu.dimension_semantics<core_parallel>, #tpu.dimension_semantics<subcore_parallel>], iteration_bounds = array<i64: 2, 16>, scalar_prefetch = 0 : i64, scratch_operands = 31 : i64, tpu.core_type = #tpu.core_type<sc_vector_subcore>, window_params = [{transform_indices = #map}, {transform_indices = #map}, {transform_indices = #map}, {transform_indices = #map1}]} {
    %mul3A = arith.constant 16 : i32
    %mul3A_0 = arith.muli %arg0, %mul3A : i32
    %add3A = arith.addi %mul3A_0, %arg1 : i32
    %mul3A_1 = arith.constant 80 : i32
    %mul3A_2 = arith.muli %add3A, %mul3A_1 : i32
    %add3A_3 = arith.constant 0 : i32
    %add3A_4 = arith.addi %mul3A_2, %add3A_3 : i32
    %dma_start3A = arith.constant 0 : i32
    %dma_start3A_5 = tpu.memref_slice %arg3[%add3A_4, %dma_start3A] : memref<2560x128xi32, #tpu.memory_space<hbm>> -> memref<1x128xi32, #tpu.memory_space<hbm>>
    %dma_start3A_6 = tpu.memref_squeeze %dma_start3A_5 : memref<1x128xi32, #tpu.memory_space<hbm>> -> memref<128xi32, #tpu.memory_space<hbm>>
    %dma_start3A_7 = arith.constant 0 : i32
    %dma_start3A_8 = tpu.memref_slice %arg3[%add3A_4, %dma_start3A_7] : memref<2560x128xi32, #tpu.memory_space<hbm>> -> memref<1x128xi32, #tpu.memory_space<hbm>>
    %dma_start3A_9 = tpu.memref_squeeze %dma_start3A_8 : memref<1x128xi32, #tpu.memory_space<hbm>> -> memref<128xi32, #tpu.memory_space<hbm>>
    tpu.enqueue_dma source(%dma_start3A_9 : memref<128xi32, #tpu.memory_space<hbm>>) target(%arg6 : memref<128xi32, #tpu.memory_space<vmem>>) target_semaphore(%arg25 : memref<!tpu.dma_semaphore, #tpu.memory_space<semaphore_mem>>)
    %add3A_10 = arith.constant 0 : i32
    %add3A_11 = arith.addi %mul3A_2, %add3A_10 : i32
    %dma_start3A_12 = arith.constant 0 : i32
    %dma_start3A_13 = tpu.memref_slice %arg4[%add3A_11, %dma_start3A_12] : memref<2560x128xi32, #tpu.memory_space<hbm>> -> memref<1x128xi32, #tpu.memory_space<hbm>>
    %dma_start3A_14 = tpu.memref_squeeze %dma_start3A_13 : memref<1x128xi32, #tpu.memory_space<hbm>> -> memref<128xi32, #tpu.memory_space<hbm>>
    %dma_start3A_15 = arith.constant 0 : i32
    %dma_start3A_16 = tpu.memref_slice %arg4[%add3A_11, %dma_start3A_15] : memref<2560x128xi32, #tpu.memory_space<hbm>> -> memref<1x128xi32, #tpu.memory_space<hbm>>
    %dma_start3A_17 = tpu.memref_squeeze %dma_start3A_16 : memref<1x128xi32, #tpu.memory_space<hbm>> -> memref<128xi32, #tpu.memory_space<hbm>>
    tpu.enqueue_dma source(%dma_start3A_17 : memref<128xi32, #tpu.memory_space<hbm>>) target(%arg14 : memref<128xi32, #tpu.memory_space<vmem>>) target_semaphore(%arg25 : memref<!tpu.dma_semaphore, #tpu.memory_space<semaphore_mem>>)
    %add3A_18 = arith.constant 1 : i32
    %add3A_19 = arith.addi %mul3A_2, %add3A_18 : i32
    %dma_start3A_20 = arith.constant 0 : i32
    %dma_start3A_21 = tpu.memref_slice %arg3[%add3A_19, %dma_start3A_20] : memref<2560x128xi32, #tpu.memory_space<hbm>> -> memref<1x128xi32, #tpu.memory_space<hbm>>
    %dma_start3A_22 = tpu.memref_squeeze %dma_start3A_21 : memref<1x128xi32, #tpu.memory_space<hbm>> -> memref<128xi32, #tpu.memory_space<hbm>>
    %dma_start3A_23 = arith.constant 0 : i32
    %dma_start3A_24 = tpu.memref_slice %arg3[%add3A_19, %dma_start3A_23] : memref<2560x128xi32, #tpu.memory_space<hbm>> -> memref<1x128xi32, #tpu.memory_space<hbm>>
    %dma_start3A_25 = tpu.memref_squeeze %dma_start3A_24 : memref<1x128xi32, #tpu.memory_space<hbm>> -> memref<128xi32, #tpu.memory_space<hbm>>
    tpu.enqueue_dma source(%dma_start3A_25 : memref<128xi32, #tpu.memory_space<hbm>>) target(%arg7 : memref<128xi32, #tpu.memory_space<vmem>>) target_semaphore(%arg26 : memref<!tpu.dma_semaphore, #tpu.memory_space<semaphore_mem>>)
    %add3A_26 = arith.constant 1 : i32
    %add3A_27 = arith.addi %mul3A_2, %add3A_26 : i32
    %dma_start3A_28 = arith.constant 0 : i32
    %dma_start3A_29 = tpu.memref_slice %arg4[%add3A_27, %dma_start3A_28] : memref<2560x128xi32, #tpu.memory_space<hbm>> -> memref<1x128xi32, #tpu.memory_space<hbm>>
    %dma_start3A_30 = tpu.memref_squeeze %dma_start3A_29 : memref<1x128xi32, #tpu.memory_space<hbm>> -> memref<128xi32, #tpu.memory_space<hbm>>
    %dma_start3A_31 = arith.constant 0 : i32
    %dma_start3A_32 = tpu.memref_slice %arg4[%add3A_27, %dma_start3A_31] : memref<2560x128xi32, #tpu.memory_space<hbm>> -> memref<1x128xi32, #tpu.memory_space<hbm>>
    %dma_start3A_33 = tpu.memref_squeeze %dma_start3A_32 : memref<1x128xi32, #tpu.memory_space<hbm>> -> memref<128xi32, #tpu.memory_space<hbm>>
    tpu.enqueue_dma source(%dma_start3A_33 : memref<128xi32, #tpu.memory_space<hbm>>) target(%arg15 : memref<128xi32, #tpu.memory_space<vmem>>) target_semaphore(%arg26 : memref<!tpu.dma_semaphore, #tpu.memory_space<semaphore_mem>>)
    %scan3A = arith.constant 0 : i32
    %scan3A_34 = arith.constant 0 : i32
    %scan3A_35 = arith.constant 128 : i32
    %scan3A_36 = arith.addi %scan3A_34, %scan3A_35 : i32
    %scan3A_37 = arith.constant 1 : i32
    %scan3A_38 = scf.for %scan3A_143 = %scan3A_34 to %scan3A_36 step %scan3A_37 iter_args(%scan3A_144 = %scan3A) -> (i32)  : i32 {
      %broadcast_in_dim3A = arith.constant 0.000000e+00 : f32
      %broadcast_in_dim3A_145 = vector.broadcast %broadcast_in_dim3A : f32 to vector<16xf32>
      %swap3A = arith.index_cast %scan3A_143 : i32 to index
      %swap3A_146 = arith.constant 0 : index
      %swap3A_147 = tpu.vector_load %arg22[%swap3A, %swap3A_146] {strides = array<i32>} : memref<128x128xf32, #tpu.memory_space<vmem>>, vector<1x16xf32>,
      %swap3A_148 = vector.shape_cast %swap3A_147 : vector<1x16xf32> to vector<16xf32>
      %swap3A_149 = vector.shape_cast %broadcast_in_dim3A_145 : vector<16xf32> to vector<1x16xf32>
      tpu.vector_store %arg22[%swap3A, %swap3A_146], %swap3A_149 {strides = array<i32>} : memref<128x128xf32, #tpu.memory_space<vmem>>, vector<1x16xf32>,
      %broadcast_in_dim3A_150 = arith.constant 0.000000e+00 : f32
      %broadcast_in_dim3A_151 = vector.broadcast %broadcast_in_dim3A_150 : f32 to vector<16xf32>
      %swap3A_152 = arith.index_cast %scan3A_143 : i32 to index
      %swap3A_153 = arith.constant 16 : index
      %swap3A_154 = tpu.vector_load %arg22[%swap3A_152, %swap3A_153] {strides = array<i32>} : memref<128x128xf32, #tpu.memory_space<vmem>>, vector<1x16xf32>,
      %swap3A_155 = vector.shape_cast %swap3A_154 : vector<1x16xf32> to vector<16xf32>
      %swap3A_156 = vector.shape_cast %broadcast_in_dim3A_151 : vector<16xf32> to vector<1x16xf32>
      tpu.vector_store %arg22[%swap3A_152, %swap3A_153], %swap3A_156 {strides = array<i32>} : memref<128x128xf32, #tpu.memory_space<vmem>>, vector<1x16xf32>,
      %broadcast_in_dim3A_157 = arith.constant 0.000000e+00 : f32
      %broadcast_in_dim3A_158 = vector.broadcast %broadcast_in_dim3A_157 : f32 to vector<16xf32>
      %swap3A_159 = arith.index_cast %scan3A_143 : i32 to index
      %swap3A_160 = arith.constant 32 : index
      %swap3A_161 = tpu.vector_load %arg22[%swap3A_159, %swap3A_160] {strides = array<i32>} : memref<128x128xf32, #tpu.memory_space<vmem>>, vector<1x16xf32>,
      %swap3A_162 = vector.shape_cast %swap3A_161 : vector<1x16xf32> to vector<16xf32>
      %swap3A_163 = vector.shape_cast %broadcast_in_dim3A_158 : vector<16xf32> to vector<1x16xf32>
      tpu.vector_store %arg22[%swap3A_159, %swap3A_160], %swap3A_163 {strides = array<i32>} : memref<128x128xf32, #tpu.memory_space<vmem>>, vector<1x16xf32>,
      %broadcast_in_dim3A_164 = arith.constant 0.000000e+00 : f32
      %broadcast_in_dim3A_165 = vector.broadcast %broadcast_in_dim3A_164 : f32 to vector<16xf32>
      %swap3A_166 = arith.index_cast %scan3A_143 : i32 to index
      %swap3A_167 = arith.constant 48 : index
      %swap3A_168 = tpu.vector_load %arg22[%swap3A_166, %swap3A_167] {strides = array<i32>} : memref<128x128xf32, #tpu.memory_space<vmem>>, vector<1x16xf32>,
      %swap3A_169 = vector.shape_cast %swap3A_168 : vector<1x16xf32> to vector<16xf32>
      %swap3A_170 = vector.shape_cast %broadcast_in_dim3A_165 : vector<16xf32> to vector<1x16xf32>
      tpu.vector_store %arg22[%swap3A_166, %swap3A_167], %swap3A_170 {strides = array<i32>} : memref<128x128xf32, #tpu.memory_space<vmem>>, vector<1x16xf32>,
      %broadcast_in_dim3A_171 = arith.constant 0.000000e+00 : f32
      %broadcast_in_dim3A_172 = vector.broadcast %broadcast_in_dim3A_171 : f32 to vector<16xf32>
      %swap3A_173 = arith.index_cast %scan3A_143 : i32 to index
      %swap3A_174 = arith.constant 64 : index
      %swap3A_175 = tpu.vector_load %arg22[%swap3A_173, %swap3A_174] {strides = array<i32>} : memref<128x128xf32, #tpu.memory_space<vmem>>, vector<1x16xf32>,
      %swap3A_176 = vector.shape_cast %swap3A_175 : vector<1x16xf32> to vector<16xf32>
      %swap3A_177 = vector.shape_cast %broadcast_in_dim3A_172 : vector<16xf32> to vector<1x16xf32>
      tpu.vector_store %arg22[%swap3A_173, %swap3A_174], %swap3A_177 {strides = array<i32>} : memref<128x128xf32, #tpu.memory_space<vmem>>, vector<1x16xf32>,
      %broadcast_in_dim3A_178 = arith.constant 0.000000e+00 : f32
      %broadcast_in_dim3A_179 = vector.broadcast %broadcast_in_dim3A_178 : f32 to vector<16xf32>
      %swap3A_180 = arith.index_cast %scan3A_143 : i32 to index
      %swap3A_181 = arith.constant 80 : index
      %swap3A_182 = tpu.vector_load %arg22[%swap3A_180, %swap3A_181] {strides = array<i32>} : memref<128x128xf32, #tpu.memory_space<vmem>>, vector<1x16xf32>,
      %swap3A_183 = vector.shape_cast %swap3A_182 : vector<1x16xf32> to vector<16xf32>
      %swap3A_184 = vector.shape_cast %broadcast_in_dim3A_179 : vector<16xf32> to vector<1x16xf32>
      tpu.vector_store %arg22[%swap3A_180, %swap3A_181], %swap3A_184 {strides = array<i32>} : memref<128x128xf32, #tpu.memory_space<vmem>>, vector<1x16xf32>,
      %broadcast_in_dim3A_185 = arith.constant 0.000000e+00 : f32
      %broadcast_in_dim3A_186 = vector.broadcast %broadcast_in_dim3A_185 : f32 to vector<16xf32>
      %swap3A_187 = arith.index_cast %scan3A_143 : i32 to index
      %swap3A_188 = arith.constant 96 : index
      %swap3A_189 = tpu.vector_load %arg22[%swap3A_187, %swap3A_188] {strides = array<i32>} : memref<128x128xf32, #tpu.memory_space<vmem>>, vector<1x16xf32>,
      %swap3A_190 = vector.shape_cast %swap3A_189 : vector<1x16xf32> to vector<16xf32>
      %swap3A_191 = vector.shape_cast %broadcast_in_dim3A_186 : vector<16xf32> to vector<1x16xf32>
      tpu.vector_store %arg22[%swap3A_187, %swap3A_188], %swap3A_191 {strides = array<i32>} : memref<128x128xf32, #tpu.memory_space<vmem>>, vector<1x16xf32>,
      %broadcast_in_dim3A_192 = arith.constant 0.000000e+00 : f32
      %broadcast_in_dim3A_193 = vector.broadcast %broadcast_in_dim3A_192 : f32 to vector<16xf32>
      %swap3A_194 = arith.index_cast %scan3A_143 : i32 to index
      %swap3A_195 = arith.constant 112 : index
      %swap3A_196 = tpu.vector_load %arg22[%swap3A_194, %swap3A_195] {strides = array<i32>} : memref<128x128xf32, #tpu.memory_space<vmem>>, vector<1x16xf32>,
      %swap3A_197 = vector.shape_cast %swap3A_196 : vector<1x16xf32> to vector<16xf32>
      %swap3A_198 = vector.shape_cast %broadcast_in_dim3A_193 : vector<16xf32> to vector<1x16xf32>
      tpu.vector_store %arg22[%swap3A_194, %swap3A_195], %swap3A_198 {strides = array<i32>} : memref<128x128xf32, #tpu.memory_space<vmem>>, vector<1x16xf32>,
      %scan3A_199 = arith.constant 0 : i32
      scf.yield %scan3A_199 : i32
    }
    %scan3A_39 = arith.constant 128 : i32
    %mul3A_40 = arith.constant 640 : i32
    %mul3A_41 = arith.muli %arg1, %mul3A_40 : i32
    %add3A_42 = arith.constant 0 : i32
    %add3A_43 = arith.addi %mul3A_41, %add3A_42 : i32
    %dma_start3A_44 = arith.constant 0 : i32
    %dma_start3A_45 = tpu.memref_slice %arg24[%add3A_43, %dma_start3A_44] : memref<10240x128xf32, #tpu.memory_space<vmem_shared>> -> memref<128x128xf32, #tpu.memory_space<vmem_shared>>
    %dma_start3A_46 = arith.constant 0 : i32
    %dma_start3A_47 = tpu.memref_slice %arg24[%add3A_43, %dma_start3A_46] : memref<10240x128xf32, #tpu.memory_space<vmem_shared>> -> memref<128x128xf32, #tpu.memory_space<vmem_shared>>
    tpu.enqueue_dma source(%arg22 : memref<128x128xf32, #tpu.memory_space<vmem>>) target(%dma_start3A_47 : memref<128x128xf32, #tpu.memory_space<vmem_shared>>) target_semaphore(%arg35 : memref<!tpu.dma_semaphore, #tpu.memory_space<semaphore_mem>>)
    %mul3A_48 = arith.constant 640 : i32
    %mul3A_49 = arith.muli %arg1, %mul3A_48 : i32
    %add3A_50 = arith.constant 128 : i32
    %add3A_51 = arith.addi %mul3A_49, %add3A_50 : i32
    %dma_start3A_52 = arith.constant 0 : i32
    %dma_start3A_53 = tpu.memref_slice %arg24[%add3A_51, %dma_start3A_52] : memref<10240x128xf32, #tpu.memory_space<vmem_shared>> -> memref<128x128xf32, #tpu.memory_space<vmem_shared>>
    %dma_start3A_54 = arith.constant 0 : i32
    %dma_start3A_55 = tpu.memref_slice %arg24[%add3A_51, %dma_start3A_54] : memref<10240x128xf32, #tpu.memory_space<vmem_shared>> -> memref<128x128xf32, #tpu.memory_space<vmem_shared>>
    tpu.enqueue_dma source(%arg22 : memref<128x128xf32, #tpu.memory_space<vmem>>) target(%dma_start3A_55 : memref<128x128xf32, #tpu.memory_space<vmem_shared>>) target_semaphore(%arg35 : memref<!tpu.dma_semaphore, #tpu.memory_space<semaphore_mem>>)
    %mul3A_56 = arith.constant 640 : i32
    %mul3A_57 = arith.muli %arg1, %mul3A_56 : i32
    %add3A_58 = arith.constant 256 : i32
    %add3A_59 = arith.addi %mul3A_57, %add3A_58 : i32
    %dma_start3A_60 = arith.constant 0 : i32
    %dma_start3A_61 = tpu.memref_slice %arg24[%add3A_59, %dma_start3A_60] : memref<10240x128xf32, #tpu.memory_space<vmem_shared>> -> memref<128x128xf32, #tpu.memory_space<vmem_shared>>
    %dma_start3A_62 = arith.constant 0 : i32
    %dma_start3A_63 = tpu.memref_slice %arg24[%add3A_59, %dma_start3A_62] : memref<10240x128xf32, #tpu.memory_space<vmem_shared>> -> memref<128x128xf32, #tpu.memory_space<vmem_shared>>
    tpu.enqueue_dma source(%arg22 : memref<128x128xf32, #tpu.memory_space<vmem>>) target(%dma_start3A_63 : memref<128x128xf32, #tpu.memory_space<vmem_shared>>) target_semaphore(%arg35 : memref<!tpu.dma_semaphore, #tpu.memory_space<semaphore_mem>>)
    %mul3A_64 = arith.constant 640 : i32
    %mul3A_65 = arith.muli %arg1, %mul3A_64 : i32
    %add3A_66 = arith.constant 384 : i32
    %add3A_67 = arith.addi %mul3A_65, %add3A_66 : i32
    %dma_start3A_68 = arith.constant 0 : i32
    %dma_start3A_69 = tpu.memref_slice %arg24[%add3A_67, %dma_start3A_68] : memref<10240x128xf32, #tpu.memory_space<vmem_shared>> -> memref<128x128xf32, #tpu.memory_space<vmem_shared>>
    %dma_start3A_70 = arith.constant 0 : i32
    %dma_start3A_71 = tpu.memref_slice %arg24[%add3A_67, %dma_start3A_70] : memref<10240x128xf32, #tpu.memory_space<vmem_shared>> -> memref<128x128xf32, #tpu.memory_space<vmem_shared>>
    tpu.enqueue_dma source(%arg22 : memref<128x128xf32, #tpu.memory_space<vmem>>) target(%dma_start3A_71 : memref<128x128xf32, #tpu.memory_space<vmem_shared>>) target_semaphore(%arg35 : memref<!tpu.dma_semaphore, #tpu.memory_space<semaphore_mem>>)
    %mul3A_72 = arith.constant 640 : i32
    %mul3A_73 = arith.muli %arg1, %mul3A_72 : i32
    %add3A_74 = arith.constant 512 : i32
    %add3A_75 = arith.addi %mul3A_73, %add3A_74 : i32
    %dma_start3A_76 = arith.constant 0 : i32
    %dma_start3A_77 = tpu.memref_slice %arg24[%add3A_75, %dma_start3A_76] : memref<10240x128xf32, #tpu.memory_space<vmem_shared>> -> memref<128x128xf32, #tpu.memory_space<vmem_shared>>
    %dma_start3A_78 = arith.constant 0 : i32
    %dma_start3A_79 = tpu.memref_slice %arg24[%add3A_75, %dma_start3A_78] : memref<10240x128xf32, #tpu.memory_space<vmem_shared>> -> memref<128x128xf32, #tpu.memory_space<vmem_shared>>
    tpu.enqueue_dma source(%arg22 : memref<128x128xf32, #tpu.memory_space<vmem>>) target(%dma_start3A_79 : memref<128x128xf32, #tpu.memory_space<vmem_shared>>) target_semaphore(%arg35 : memref<!tpu.dma_semaphore, #tpu.memory_space<semaphore_mem>>)
    %mul3A_80 = arith.constant 640 : i32
    %mul3A_81 = arith.muli %arg1, %mul3A_80 : i32
    %add3A_82 = arith.constant 0 : i32
    %add3A_83 = arith.addi %mul3A_81, %add3A_82 : i32
    %dma_wait3A = arith.constant 0 : i32
    %dma_wait3A_84 = tpu.memref_slice %arg24[%add3A_83, %dma_wait3A] : memref<10240x128xf32, #tpu.memory_space<vmem_shared>> -> memref<128x128xf32, #tpu.memory_space<vmem_shared>>
    %dma_wait3A_85 = arith.constant 0 : i32
    %dma_wait3A_86 = tpu.memref_slice %arg24[%add3A_83, %dma_wait3A_85] : memref<10240x128xf32, #tpu.memory_space<vmem_shared>> -> memref<128x128xf32, #tpu.memory_space<vmem_shared>>
    tpu.wait_dma2 semaphore(%arg35 : memref<!tpu.dma_semaphore, #tpu.memory_space<semaphore_mem>>) src(%arg22 : memref<128x128xf32, #tpu.memory_space<vmem>>) dst(%dma_wait3A_86 : memref<128x128xf32, #tpu.memory_space<vmem_shared>>)
    %mul3A_87 = arith.constant 640 : i32
    %mul3A_88 = arith.muli %arg1, %mul3A_87 : i32
    %add3A_89 = arith.constant 128 : i32
    %add3A_90 = arith.addi %mul3A_88, %add3A_89 : i32
    %dma_wait3A_91 = arith.constant 0 : i32
    %dma_wait3A_92 = tpu.memref_slice %arg24[%add3A_90, %dma_wait3A_91] : memref<10240x128xf32, #tpu.memory_space<vmem_shared>> -> memref<128x128xf32, #tpu.memory_space<vmem_shared>>
    %dma_wait3A_93 = arith.constant 0 : i32
    %dma_wait3A_94 = tpu.memref_slice %arg24[%add3A_90, %dma_wait3A_93] : memref<10240x128xf32, #tpu.memory_space<vmem_shared>> -> memref<128x128xf32, #tpu.memory_space<vmem_shared>>
    tpu.wait_dma2 semaphore(%arg35 : memref<!tpu.dma_semaphore, #tpu.memory_space<semaphore_mem>>) src(%arg22 : memref<128x128xf32, #tpu.memory_space<vmem>>) dst(%dma_wait3A_94 : memref<128x128xf32, #tpu.memory_space<vmem_shared>>)
    %mul3A_95 = arith.constant 640 : i32
    %mul3A_96 = arith.muli %arg1, %mul3A_95 : i32
    %add3A_97 = arith.constant 256 : i32
    %add3A_98 = arith.addi %mul3A_96, %add3A_97 : i32
    %dma_wait3A_99 = arith.constant 0 : i32
    %dma_wait3A_100 = tpu.memref_slice %arg24[%add3A_98, %dma_wait3A_99] : memref<10240x128xf32, #tpu.memory_space<vmem_shared>> -> memref<128x128xf32, #tpu.memory_space<vmem_shared>>
    %dma_wait3A_101 = arith.constant 0 : i32
    %dma_wait3A_102 = tpu.memref_slice %arg24[%add3A_98, %dma_wait3A_101] : memref<10240x128xf32, #tpu.memory_space<vmem_shared>> -> memref<128x128xf32, #tpu.memory_space<vmem_shared>>
    tpu.wait_dma2 semaphore(%arg35 : memref<!tpu.dma_semaphore, #tpu.memory_space<semaphore_mem>>) src(%arg22 : memref<128x128xf32, #tpu.memory_space<vmem>>) dst(%dma_wait3A_102 : memref<128x128xf32, #tpu.memory_space<vmem_shared>>)
    %mul3A_103 = arith.constant 640 : i32
    %mul3A_104 = arith.muli %arg1, %mul3A_103 : i32
    %add3A_105 = arith.constant 384 : i32
    %add3A_106 = arith.addi %mul3A_104, %add3A_105 : i32
    %dma_wait3A_107 = arith.constant 0 : i32
    %dma_wait3A_108 = tpu.memref_slice %arg24[%add3A_106, %dma_wait3A_107] : memref<10240x128xf32, #tpu.memory_space<vmem_shared>> -> memref<128x128xf32, #tpu.memory_space<vmem_shared>>
    %dma_wait3A_109 = arith.constant 0 : i32
    %dma_wait3A_110 = tpu.memref_slice %arg24[%add3A_106, %dma_wait3A_109] : memref<10240x128xf32, #tpu.memory_space<vmem_shared>> -> memref<128x128xf32, #tpu.memory_space<vmem_shared>>
    tpu.wait_dma2 semaphore(%arg35 : memref<!tpu.dma_semaphore, #tpu.memory_space<semaphore_mem>>) src(%arg22 : memref<128x128xf32, #tpu.memory_space<vmem>>) dst(%dma_wait3A_110 : memref<128x128xf32, #tpu.memory_space<vmem_shared>>)
    %mul3A_111 = arith.constant 640 : i32
    %mul3A_112 = arith.muli %arg1, %mul3A_111 : i32
    %add3A_113 = arith.constant 512 : i32
    %add3A_114 = arith.addi %mul3A_112, %add3A_113 : i32
    %dma_wait3A_115 = arith.constant 0 : i32
    %dma_wait3A_116 = tpu.memref_slice %arg24[%add3A_114, %dma_wait3A_115] : memref<10240x128xf32, #tpu.memory_space<vmem_shared>> -> memref<128x128xf32, #tpu.memory_space<vmem_shared>>
    %dma_wait3A_117 = arith.constant 0 : i32
    %dma_wait3A_118 = tpu.memref_slice %arg24[%add3A_114, %dma_wait3A_117] : memref<10240x128xf32, #tpu.memory_space<vmem_shared>> -> memref<128x128xf32, #tpu.memory_space<vmem_shared>>
    tpu.wait_dma2 semaphore(%arg35 : memref<!tpu.dma_semaphore, #tpu.memory_space<semaphore_mem>>) src(%arg22 : memref<128x128xf32, #tpu.memory_space<vmem>>) dst(%dma_wait3A_118 : memref<128x128xf32, #tpu.memory_space<vmem_shared>>)
    %barrier3A = arith.constant 0 : index
    tpu.barrier barrier_id(%barrier3A)
    %scan3A_119 = arith.constant 0 : i32
    %scan3A_120 = arith.constant 0 : i32
    %scan3A_121 = arith.constant 10 : i32
    %scan3A_122 = arith.addi %scan3A_120, %scan3A_121 : i32
    %scan3A_123 = arith.constant 1 : i32
    %scan3A_124 = scf.for %scan3A_143 = %scan3A_120 to %scan3A_122 step %scan3A_123 iter_args(%scan3A_144 = %scan3A_119) -> (i32)  : i32 {
      %mul3A_145 = arith.constant 8 : i32
      %mul3A_146 = arith.muli %mul3A_145, %scan3A_143 : i32
      %add3A_147 = arith.constant 0 : i32
      %add3A_148 = arith.addi %mul3A_146, %add3A_147 : i32
      %ge3A = arith.constant 1 : i32
      %ge3A_149 = arith.cmpi sge, %scan3A_143, %ge3A : i32
      %convert_element_type3A = arith.extui %ge3A_149 : i1 to i32
      %cond3A = arith.constant 0 : i32
      %cond3A_150 = arith.cmpi ne, %convert_element_type3A, %cond3A : i32
      scf.if %cond3A_150 {
        %dma_wait3A_475 = arith.constant 0 : i32
        %dma_wait3A_476 = arith.constant 0 : i32
        %dma_wait3A_477 = tpu.memref_slice %arg24[%dma_wait3A_475, %dma_wait3A_476] : memref<10240x128xf32, #tpu.memory_space<vmem_shared>> -> memref<10240x128xf32, #tpu.memory_space<vmem_shared>>
        tpu.wait_indirect_dma semaphore(%arg35 : memref<!tpu.dma_semaphore, #tpu.memory_space<semaphore_mem>>) src(%arg22 : memref<128x128xf32, #tpu.memory_space<vmem>>) dst(%dma_wait3A_477 : memref<10240x128xf32, #tpu.memory_space<vmem_shared>>)
      } else {
      }
      %add3A_151 = arith.constant 2 : i32
      %add3A_152 = arith.addi %add3A_148, %add3A_151 : i32
      %add3A_153 = arith.addi %mul3A_2, %add3A_152 : i32
      %dma_start3A_154 = arith.constant 0 : i32
      %dma_start3A_155 = tpu.memref_slice %arg3[%add3A_153, %dma_start3A_154] : memref<2560x128xi32, #tpu.memory_space<hbm>> -> memref<1x128xi32, #tpu.memory_space<hbm>>
      %dma_start3A_156 = tpu.memref_squeeze %dma_start3A_155 : memref<1x128xi32, #tpu.memory_space<hbm>> -> memref<128xi32, #tpu.memory_space<hbm>>
      %dma_start3A_157 = arith.constant 0 : i32
      %dma_start3A_158 = tpu.memref_slice %arg3[%add3A_153, %dma_start3A_157] : memref<2560x128xi32, #tpu.memory_space<hbm>> -> memref<1x128xi32, #tpu.memory_space<hbm>>
      %dma_start3A_159 = tpu.memref_squeeze %dma_start3A_158 : memref<1x128xi32, #tpu.memory_space<hbm>> -> memref<128xi32, #tpu.memory_space<hbm>>
      tpu.enqueue_dma source(%dma_start3A_159 : memref<128xi32, #tpu.memory_space<hbm>>) target(%arg8 : memref<128xi32, #tpu.memory_space<vmem>>) target_semaphore(%arg27 : memref<!tpu.dma_semaphore, #tpu.memory_space<semaphore_mem>>)
      %add3A_160 = arith.addi %mul3A_2, %add3A_152 : i32
      %dma_start3A_161 = arith.constant 0 : i32
      %dma_start3A_162 = tpu.memref_slice %arg4[%add3A_160, %dma_start3A_161] : memref<2560x128xi32, #tpu.memory_space<hbm>> -> memref<1x128xi32, #tpu.memory_space<hbm>>
      %dma_start3A_163 = tpu.memref_squeeze %dma_start3A_162 : memref<1x128xi32, #tpu.memory_space<hbm>> -> memref<128xi32, #tpu.memory_space<hbm>>
      %dma_start3A_164 = arith.constant 0 : i32
      %dma_start3A_165 = tpu.memref_slice %arg4[%add3A_160, %dma_start3A_164] : memref<2560x128xi32, #tpu.memory_space<hbm>> -> memref<1x128xi32, #tpu.memory_space<hbm>>
      %dma_start3A_166 = tpu.memref_squeeze %dma_start3A_165 : memref<1x128xi32, #tpu.memory_space<hbm>> -> memref<128xi32, #tpu.memory_space<hbm>>
      tpu.enqueue_dma source(%dma_start3A_166 : memref<128xi32, #tpu.memory_space<hbm>>) target(%arg16 : memref<128xi32, #tpu.memory_space<vmem>>) target_semaphore(%arg27 : memref<!tpu.dma_semaphore, #tpu.memory_space<semaphore_mem>>)
      %dma_wait3A_167 = arith.constant 0 : i32
      %dma_wait3A_168 = tpu.memref_slice %arg3[%mul3A_2, %dma_wait3A_167] : memref<2560x128xi32, #tpu.memory_space<hbm>> -> memref<1x128xi32, #tpu.memory_space<hbm>>
      %dma_wait3A_169 = tpu.memref_squeeze %dma_wait3A_168 : memref<1x128xi32, #tpu.memory_space<hbm>> -> memref<128xi32, #tpu.memory_space<hbm>>
      %dma_wait3A_170 = arith.constant 0 : i32
      %dma_wait3A_171 = tpu.memref_slice %arg3[%mul3A_2, %dma_wait3A_170] : memref<2560x128xi32, #tpu.memory_space<hbm>> -> memref<1x128xi32, #tpu.memory_space<hbm>>
      %dma_wait3A_172 = tpu.memref_squeeze %dma_wait3A_171 : memref<1x128xi32, #tpu.memory_space<hbm>> -> memref<128xi32, #tpu.memory_space<hbm>>
      tpu.wait_dma2 semaphore(%arg25 : memref<!tpu.dma_semaphore, #tpu.memory_space<semaphore_mem>>) src(%dma_wait3A_172 : memref<128xi32, #tpu.memory_space<hbm>>) dst(%arg6 : memref<128xi32, #tpu.memory_space<vmem>>)
      %dma_wait3A_173 = arith.constant 0 : i32
      %dma_wait3A_174 = tpu.memref_slice %arg4[%mul3A_2, %dma_wait3A_173] : memref<2560x128xi32, #tpu.memory_space<hbm>> -> memref<1x128xi32, #tpu.memory_space<hbm>>
      %dma_wait3A_175 = tpu.memref_squeeze %dma_wait3A_174 : memref<1x128xi32, #tpu.memory_space<hbm>> -> memref<128xi32, #tpu.memory_space<hbm>>
      %dma_wait3A_176 = arith.constant 0 : i32
      %dma_wait3A_177 = tpu.memref_slice %arg4[%mul3A_2, %dma_wait3A_176] : memref<2560x128xi32, #tpu.memory_space<hbm>> -> memref<1x128xi32, #tpu.memory_space<hbm>>
      %dma_wait3A_178 = tpu.memref_squeeze %dma_wait3A_177 : memref<1x128xi32, #tpu.memory_space<hbm>> -> memref<128xi32, #tpu.memory_space<hbm>>
      tpu.wait_dma2 semaphore(%arg25 : memref<!tpu.dma_semaphore, #tpu.memory_space<semaphore_mem>>) src(%dma_wait3A_178 : memref<128xi32, #tpu.memory_space<hbm>>) dst(%arg14 : memref<128xi32, #tpu.memory_space<vmem>>)
      %dma_start3A_179 = arith.constant 0 : i32
      %dma_start3A_180 = arith.constant 0 : i32
      %dma_start3A_181 = tpu.memref_slice %arg2[%dma_start3A_179, %dma_start3A_180] : memref<10240x128xf32, #tpu.memory_space<hbm>> -> memref<10240x128xf32, #tpu.memory_space<hbm>>
      tpu.enqueue_indirect_dma source(%dma_start3A_181 : memref<10240x128xf32, #tpu.memory_space<hbm>>) target(%arg22 : memref<128x128xf32, #tpu.memory_space<vmem>>) offsets(%arg6 : memref<128xi32, #tpu.memory_space<vmem>>) semaphore(%arg33 : memref<!tpu.dma_semaphore, #tpu.memory_space<semaphore_mem>>)
      %ge3A_182 = arith.constant 1 : i32
      %ge3A_183 = arith.cmpi sge, %scan3A_143, %ge3A_182 : i32
      %convert_element_type3A_184 = arith.extui %ge3A_183 : i1 to i32
      %cond3A_185 = arith.constant 0 : i32
      %cond3A_186 = arith.cmpi ne, %convert_element_type3A_184, %cond3A_185 : i32
      scf.if %cond3A_186 {
        %dma_wait3A_475 = arith.constant 0 : i32
        %dma_wait3A_476 = arith.constant 0 : i32
        %dma_wait3A_477 = tpu.memref_slice %arg2[%dma_wait3A_475, %dma_wait3A_476] : memref<10240x128xf32, #tpu.memory_space<hbm>> -> memref<10240x128xf32, #tpu.memory_space<hbm>>
        tpu.wait_indirect_dma semaphore(%arg34 : memref<!tpu.dma_semaphore, #tpu.memory_space<semaphore_mem>>) src(%dma_wait3A_477 : memref<10240x128xf32, #tpu.memory_space<hbm>>) dst(%arg23 : memref<128x128xf32, #tpu.memory_space<vmem>>)
        %dma_start3A_478 = arith.constant 0 : i32
        %dma_start3A_479 = arith.constant 0 : i32
        %dma_start3A_480 = tpu.memref_slice %arg24[%dma_start3A_478, %dma_start3A_479] : memref<10240x128xf32, #tpu.memory_space<vmem_shared>> -> memref<10240x128xf32, #tpu.memory_space<vmem_shared>>
        tpu.enqueue_indirect_dma source(%arg23 : memref<128x128xf32, #tpu.memory_space<vmem>>) target(%dma_start3A_480 : memref<10240x128xf32, #tpu.memory_space<vmem_shared>>) offsets(%arg21 : memref<128xi32, #tpu.memory_space<vmem>>) semaphore(%arg36 : memref<!tpu.dma_semaphore, #tpu.memory_space<semaphore_mem>>) {add = true}
      } else {
      }
      %mul3A_187 = arith.constant 8 : i32
      %mul3A_188 = arith.muli %mul3A_187, %scan3A_143 : i32
      %add3A_189 = arith.constant 1 : i32
      %add3A_190 = arith.addi %mul3A_188, %add3A_189 : i32
      %ge3A_191 = arith.constant 1 : i32
      %ge3A_192 = arith.cmpi sge, %scan3A_143, %ge3A_191 : i32
      %convert_element_type3A_193 = arith.extui %ge3A_192 : i1 to i32
      %cond3A_194 = arith.constant 0 : i32
      %cond3A_195 = arith.cmpi ne, %convert_element_type3A_193, %cond3A_194 : i32
      scf.if %cond3A_195 {
        %dma_wait3A_475 = arith.constant 0 : i32
        %dma_wait3A_476 = arith.constant 0 : i32
        %dma_wait3A_477 = tpu.memref_slice %arg24[%dma_wait3A_475, %dma_wait3A_476] : memref<10240x128xf32, #tpu.memory_space<vmem_shared>> -> memref<10240x128xf32, #tpu.memory_space<vmem_shared>>
        tpu.wait_indirect_dma semaphore(%arg36 : memref<!tpu.dma_semaphore, #tpu.memory_space<semaphore_mem>>) src(%arg22 : memref<128x128xf32, #tpu.memory_space<vmem>>) dst(%dma_wait3A_477 : memref<10240x128xf32, #tpu.memory_space<vmem_shared>>)
      } else {
      }
      %add3A_196 = arith.constant 2 : i32
      %add3A_197 = arith.addi %add3A_190, %add3A_196 : i32
      %add3A_198 = arith.addi %mul3A_2, %add3A_197 : i32
      %dma_start3A_199 = arith.constant 0 : i32
      %dma_start3A_200 = tpu.memref_slice %arg3[%add3A_198, %dma_start3A_199] : memref<2560x128xi32, #tpu.memory_space<hbm>> -> memref<1x128xi32, #tpu.memory_space<hbm>>
      %dma_start3A_201 = tpu.memref_squeeze %dma_start3A_200 : memref<1x128xi32, #tpu.memory_space<hbm>> -> memref<128xi32, #tpu.memory_space<hbm>>
      %dma_start3A_202 = arith.constant 0 : i32
      %dma_start3A_203 = tpu.memref_slice %arg3[%add3A_198, %dma_start3A_202] : memref<2560x128xi32, #tpu.memory_space<hbm>> -> memref<1x128xi32, #tpu.memory_space<hbm>>
      %dma_start3A_204 = tpu.memref_squeeze %dma_start3A_203 : memref<1x128xi32, #tpu.memory_space<hbm>> -> memref<128xi32, #tpu.memory_space<hbm>>
      tpu.enqueue_dma source(%dma_start3A_204 : memref<128xi32, #tpu.memory_space<hbm>>) target(%arg9 : memref<128xi32, #tpu.memory_space<vmem>>) target_semaphore(%arg28 : memref<!tpu.dma_semaphore, #tpu.memory_space<semaphore_mem>>)
      %add3A_205 = arith.addi %mul3A_2, %add3A_197 : i32
      %dma_start3A_206 = arith.constant 0 : i32
      %dma_start3A_207 = tpu.memref_slice %arg4[%add3A_205, %dma_start3A_206] : memref<2560x128xi32, #tpu.memory_space<hbm>> -> memref<1x128xi32, #tpu.memory_space<hbm>>
      %dma_start3A_208 = tpu.memref_squeeze %dma_start3A_207 : memref<1x128xi32, #tpu.memory_space<hbm>> -> memref<128xi32, #tpu.memory_space<hbm>>
      %dma_start3A_209 = arith.constant 0 : i32
      %dma_start3A_210 = tpu.memref_slice %arg4[%add3A_205, %dma_start3A_209] : memref<2560x128xi32, #tpu.memory_space<hbm>> -> memref<1x128xi32, #tpu.memory_space<hbm>>
      %dma_start3A_211 = tpu.memref_squeeze %dma_start3A_210 : memref<1x128xi32, #tpu.memory_space<hbm>> -> memref<128xi32, #tpu.memory_space<hbm>>
      tpu.enqueue_dma source(%dma_start3A_211 : memref<128xi32, #tpu.memory_space<hbm>>) target(%arg17 : memref<128xi32, #tpu.memory_space<vmem>>) target_semaphore(%arg28 : memref<!tpu.dma_semaphore, #tpu.memory_space<semaphore_mem>>)
      %dma_wait3A_212 = arith.constant 0 : i32
      %dma_wait3A_213 = tpu.memref_slice %arg3[%mul3A_2, %dma_wait3A_212] : memref<2560x128xi32, #tpu.memory_space<hbm>> -> memref<1x128xi32, #tpu.memory_space<hbm>>
      %dma_wait3A_214 = tpu.memref_squeeze %dma_wait3A_213 : memref<1x128xi32, #tpu.memory_space<hbm>> -> memref<128xi32, #tpu.memory_space<hbm>>
      %dma_wait3A_215 = arith.constant 0 : i32
      %dma_wait3A_216 = tpu.memref_slice %arg3[%mul3A_2, %dma_wait3A_215] : memref<2560x128xi32, #tpu.memory_space<hbm>> -> memref<1x128xi32, #tpu.memory_space<hbm>>
      %dma_wait3A_217 = tpu.memref_squeeze %dma_wait3A_216 : memref<1x128xi32, #tpu.memory_space<hbm>> -> memref<128xi32, #tpu.memory_space<hbm>>
      tpu.wait_dma2 semaphore(%arg26 : memref<!tpu.dma_semaphore, #tpu.memory_space<semaphore_mem>>) src(%dma_wait3A_217 : memref<128xi32, #tpu.memory_space<hbm>>) dst(%arg7 : memref<128xi32, #tpu.memory_space<vmem>>)
      %dma_wait3A_218 = arith.constant 0 : i32
      %dma_wait3A_219 = tpu.memref_slice %arg4[%mul3A_2, %dma_wait3A_218] : memref<2560x128xi32, #tpu.memory_space<hbm>> -> memref<1x128xi32, #tpu.memory_space<hbm>>
      %dma_wait3A_220 = tpu.memref_squeeze %dma_wait3A_219 : memref<1x128xi32, #tpu.memory_space<hbm>> -> memref<128xi32, #tpu.memory_space<hbm>>
      %dma_wait3A_221 = arith.constant 0 : i32
      %dma_wait3A_222 = tpu.memref_slice %arg4[%mul3A_2, %dma_wait3A_221] : memref<2560x128xi32, #tpu.memory_space<hbm>> -> memref<1x128xi32, #tpu.memory_space<hbm>>
      %dma_wait3A_223 = tpu.memref_squeeze %dma_wait3A_222 : memref<1x128xi32, #tpu.memory_space<hbm>> -> memref<128xi32, #tpu.memory_space<hbm>>
      tpu.wait_dma2 semaphore(%arg26 : memref<!tpu.dma_semaphore, #tpu.memory_space<semaphore_mem>>) src(%dma_wait3A_223 : memref<128xi32, #tpu.memory_space<hbm>>) dst(%arg15 : memref<128xi32, #tpu.memory_space<vmem>>)
      %dma_start3A_224 = arith.constant 0 : i32
      %dma_start3A_225 = arith.constant 0 : i32
      %dma_start3A_226 = tpu.memref_slice %arg2[%dma_start3A_224, %dma_start3A_225] : memref<10240x128xf32, #tpu.memory_space<hbm>> -> memref<10240x128xf32, #tpu.memory_space<hbm>>
      tpu.enqueue_indirect_dma source(%dma_start3A_226 : memref<10240x128xf32, #tpu.memory_space<hbm>>) target(%arg23 : memref<128x128xf32, #tpu.memory_space<vmem>>) offsets(%arg7 : memref<128xi32, #tpu.memory_space<vmem>>) semaphore(%arg34 : memref<!tpu.dma_semaphore, #tpu.memory_space<semaphore_mem>>)
      %dma_wait3A_227 = arith.constant 0 : i32
      %dma_wait3A_228 = arith.constant 0 : i32
      %dma_wait3A_229 = tpu.memref_slice %arg2[%dma_wait3A_227, %dma_wait3A_228] : memref<10240x128xf32, #tpu.memory_space<hbm>> -> memref<10240x128xf32, #tpu.memory_space<hbm>>
      tpu.wait_indirect_dma semaphore(%arg33 : memref<!tpu.dma_semaphore, #tpu.memory_space<semaphore_mem>>) src(%dma_wait3A_229 : memref<10240x128xf32, #tpu.memory_space<hbm>>) dst(%arg22 : memref<128x128xf32, #tpu.memory_space<vmem>>)
      %dma_start3A_230 = arith.constant 0 : i32
      %dma_start3A_231 = arith.constant 0 : i32
      %dma_start3A_232 = tpu.memref_slice %arg24[%dma_start3A_230, %dma_start3A_231] : memref<10240x128xf32, #tpu.memory_space<vmem_shared>> -> memref<10240x128xf32, #tpu.memory_space<vmem_shared>>
      tpu.enqueue_indirect_dma source(%arg22 : memref<128x128xf32, #tpu.memory_space<vmem>>) target(%dma_start3A_232 : memref<10240x128xf32, #tpu.memory_space<vmem_shared>>) offsets(%arg14 : memref<128xi32, #tpu.memory_space<vmem>>) semaphore(%arg35 : memref<!tpu.dma_semaphore, #tpu.memory_space<semaphore_mem>>) {add = true}
      %mul3A_233 = arith.constant 8 : i32
      %mul3A_234 = arith.muli %mul3A_233, %scan3A_143 : i32
      %add3A_235 = arith.constant 2 : i32
      %add3A_236 = arith.addi %mul3A_234, %add3A_235 : i32
      %dma_wait3A_237 = arith.constant 0 : i32
      %dma_wait3A_238 = arith.constant 0 : i32
      %dma_wait3A_239 = tpu.memref_slice %arg24[%dma_wait3A_237, %dma_wait3A_238] : memref<10240x128xf32, #tpu.memory_space<vmem_shared>> -> memref<10240x128xf32, #tpu.memory_space<vmem_shared>>
      tpu.wait_indirect_dma semaphore(%arg35 : memref<!tpu.dma_semaphore, #tpu.memory_space<semaphore_mem>>) src(%arg22 : memref<128x128xf32, #tpu.memory_space<vmem>>) dst(%dma_wait3A_239 : memref<10240x128xf32, #tpu.memory_space<vmem_shared>>)
      %add3A_240 = arith.constant 2 : i32
      %add3A_241 = arith.addi %add3A_236, %add3A_240 : i32
      %add3A_242 = arith.addi %mul3A_2, %add3A_241 : i32
      %dma_start3A_243 = arith.constant 0 : i32
      %dma_start3A_244 = tpu.memref_slice %arg3[%add3A_242, %dma_start3A_243] : memref<2560x128xi32, #tpu.memory_space<hbm>> -> memref<1x128xi32, #tpu.memory_space<hbm>>
      %dma_start3A_245 = tpu.memref_squeeze %dma_start3A_244 : memref<1x128xi32, #tpu.memory_space<hbm>> -> memref<128xi32, #tpu.memory_space<hbm>>
      %dma_start3A_246 = arith.constant 0 : i32
      %dma_start3A_247 = tpu.memref_slice %arg3[%add3A_242, %dma_start3A_246] : memref<2560x128xi32, #tpu.memory_space<hbm>> -> memref<1x128xi32, #tpu.memory_space<hbm>>
      %dma_start3A_248 = tpu.memref_squeeze %dma_start3A_247 : memref<1x128xi32, #tpu.memory_space<hbm>> -> memref<128xi32, #tpu.memory_space<hbm>>
      tpu.enqueue_dma source(%dma_start3A_248 : memref<128xi32, #tpu.memory_space<hbm>>) target(%arg10 : memref<128xi32, #tpu.memory_space<vmem>>) target_semaphore(%arg29 : memref<!tpu.dma_semaphore, #tpu.memory_space<semaphore_mem>>)
      %add3A_249 = arith.addi %mul3A_2, %add3A_241 : i32
      %dma_start3A_250 = arith.constant 0 : i32
      %dma_start3A_251 = tpu.memref_slice %arg4[%add3A_249, %dma_start3A_250] : memref<2560x128xi32, #tpu.memory_space<hbm>> -> memref<1x128xi32, #tpu.memory_space<hbm>>
      %dma_start3A_252 = tpu.memref_squeeze %dma_start3A_251 : memref<1x128xi32, #tpu.memory_space<hbm>> -> memref<128xi32, #tpu.memory_space<hbm>>
      %dma_start3A_253 = arith.constant 0 : i32
      %dma_start3A_254 = tpu.memref_slice %arg4[%add3A_249, %dma_start3A_253] : memref<2560x128xi32, #tpu.memory_space<hbm>> -> memref<1x128xi32, #tpu.memory_space<hbm>>
      %dma_start3A_255 = tpu.memref_squeeze %dma_start3A_254 : memref<1x128xi32, #tpu.memory_space<hbm>> -> memref<128xi32, #tpu.memory_space<hbm>>
      tpu.enqueue_dma source(%dma_start3A_255 : memref<128xi32, #tpu.memory_space<hbm>>) target(%arg18 : memref<128xi32, #tpu.memory_space<vmem>>) target_semaphore(%arg29 : memref<!tpu.dma_semaphore, #tpu.memory_space<semaphore_mem>>)
      %dma_wait3A_256 = arith.constant 0 : i32
      %dma_wait3A_257 = tpu.memref_slice %arg3[%mul3A_2, %dma_wait3A_256] : memref<2560x128xi32, #tpu.memory_space<hbm>> -> memref<1x128xi32, #tpu.memory_space<hbm>>
      %dma_wait3A_258 = tpu.memref_squeeze %dma_wait3A_257 : memref<1x128xi32, #tpu.memory_space<hbm>> -> memref<128xi32, #tpu.memory_space<hbm>>
      %dma_wait3A_259 = arith.constant 0 : i32
      %dma_wait3A_260 = tpu.memref_slice %arg3[%mul3A_2, %dma_wait3A_259] : memref<2560x128xi32, #tpu.memory_space<hbm>> -> memref<1x128xi32, #tpu.memory_space<hbm>>
      %dma_wait3A_261 = tpu.memref_squeeze %dma_wait3A_260 : memref<1x128xi32, #tpu.memory_space<hbm>> -> memref<128xi32, #tpu.memory_space<hbm>>
      tpu.wait_dma2 semaphore(%arg27 : memref<!tpu.dma_semaphore, #tpu.memory_space<semaphore_mem>>) src(%dma_wait3A_261 : memref<128xi32, #tpu.memory_space<hbm>>) dst(%arg8 : memref<128xi32, #tpu.memory_space<vmem>>)
      %dma_wait3A_262 = arith.constant 0 : i32
      %dma_wait3A_263 = tpu.memref_slice %arg4[%mul3A_2, %dma_wait3A_262] : memref<2560x128xi32, #tpu.memory_space<hbm>> -> memref<1x128xi32, #tpu.memory_space<hbm>>
      %dma_wait3A_264 = tpu.memref_squeeze %dma_wait3A_263 : memref<1x128xi32, #tpu.memory_space<hbm>> -> memref<128xi32, #tpu.memory_space<hbm>>
      %dma_wait3A_265 = arith.constant 0 : i32
      %dma_wait3A_266 = tpu.memref_slice %arg4[%mul3A_2, %dma_wait3A_265] : memref<2560x128xi32, #tpu.memory_space<hbm>> -> memref<1x128xi32, #tpu.memory_space<hbm>>
      %dma_wait3A_267 = tpu.memref_squeeze %dma_wait3A_266 : memref<1x128xi32, #tpu.memory_space<hbm>> -> memref<128xi32, #tpu.memory_space<hbm>>
      tpu.wait_dma2 semaphore(%arg27 : memref<!tpu.dma_semaphore, #tpu.memory_space<semaphore_mem>>) src(%dma_wait3A_267 : memref<128xi32, #tpu.memory_space<hbm>>) dst(%arg16 : memref<128xi32, #tpu.memory_space<vmem>>)
      %dma_start3A_268 = arith.constant 0 : i32
      %dma_start3A_269 = arith.constant 0 : i32
      %dma_start3A_270 = tpu.memref_slice %arg2[%dma_start3A_268, %dma_start3A_269] : memref<10240x128xf32, #tpu.memory_space<hbm>> -> memref<10240x128xf32, #tpu.memory_space<hbm>>
      tpu.enqueue_indirect_dma source(%dma_start3A_270 : memref<10240x128xf32, #tpu.memory_space<hbm>>) target(%arg22 : memref<128x128xf32, #tpu.memory_space<vmem>>) offsets(%arg8 : memref<128xi32, #tpu.memory_space<vmem>>) semaphore(%arg33 : memref<!tpu.dma_semaphore, #tpu.memory_space<semaphore_mem>>)
      %dma_wait3A_271 = arith.constant 0 : i32
      %dma_wait3A_272 = arith.constant 0 : i32
      %dma_wait3A_273 = tpu.memref_slice %arg2[%dma_wait3A_271, %dma_wait3A_272] : memref<10240x128xf32, #tpu.memory_space<hbm>> -> memref<10240x128xf32, #tpu.memory_space<hbm>>
      tpu.wait_indirect_dma semaphore(%arg34 : memref<!tpu.dma_semaphore, #tpu.memory_space<semaphore_mem>>) src(%dma_wait3A_273 : memref<10240x128xf32, #tpu.memory_space<hbm>>) dst(%arg23 : memref<128x128xf32, #tpu.memory_space<vmem>>)
      %dma_start3A_274 = arith.constant 0 : i32
      %dma_start3A_275 = arith.constant 0 : i32
      %dma_start3A_276 = tpu.memref_slice %arg24[%dma_start3A_274, %dma_start3A_275] : memref<10240x128xf32, #tpu.memory_space<vmem_shared>> -> memref<10240x128xf32, #tpu.memory_space<vmem_shared>>
      tpu.enqueue_indirect_dma source(%arg23 : memref<128x128xf32, #tpu.memory_space<vmem>>) target(%dma_start3A_276 : memref<10240x128xf32, #tpu.memory_space<vmem_shared>>) offsets(%arg15 : memref<128xi32, #tpu.memory_space<vmem>>) semaphore(%arg36 : memref<!tpu.dma_semaphore, #tpu.memory_space<semaphore_mem>>) {add = true}
      %mul3A_277 = arith.constant 8 : i32
      %mul3A_278 = arith.muli %mul3A_277, %scan3A_143 : i32
      %add3A_279 = arith.constant 3 : i32
      %add3A_280 = arith.addi %mul3A_278, %add3A_279 : i32
      %dma_wait3A_281 = arith.constant 0 : i32
      %dma_wait3A_282 = arith.constant 0 : i32
      %dma_wait3A_283 = tpu.memref_slice %arg24[%dma_wait3A_281, %dma_wait3A_282] : memref<10240x128xf32, #tpu.memory_space<vmem_shared>> -> memref<10240x128xf32, #tpu.memory_space<vmem_shared>>
      tpu.wait_indirect_dma semaphore(%arg36 : memref<!tpu.dma_semaphore, #tpu.memory_space<semaphore_mem>>) src(%arg22 : memref<128x128xf32, #tpu.memory_space<vmem>>) dst(%dma_wait3A_283 : memref<10240x128xf32, #tpu.memory_space<vmem_shared>>)
      %add3A_284 = arith.constant 2 : i32
      %add3A_285 = arith.addi %add3A_280, %add3A_284 : i32
      %add3A_286 = arith.addi %mul3A_2, %add3A_285 : i32
      %dma_start3A_287 = arith.constant 0 : i32
      %dma_start3A_288 = tpu.memref_slice %arg3[%add3A_286, %dma_start3A_287] : memref<2560x128xi32, #tpu.memory_space<hbm>> -> memref<1x128xi32, #tpu.memory_space<hbm>>
      %dma_start3A_289 = tpu.memref_squeeze %dma_start3A_288 : memref<1x128xi32, #tpu.memory_space<hbm>> -> memref<128xi32, #tpu.memory_space<hbm>>
      %dma_start3A_290 = arith.constant 0 : i32
      %dma_start3A_291 = tpu.memref_slice %arg3[%add3A_286, %dma_start3A_290] : memref<2560x128xi32, #tpu.memory_space<hbm>> -> memref<1x128xi32, #tpu.memory_space<hbm>>
      %dma_start3A_292 = tpu.memref_squeeze %dma_start3A_291 : memref<1x128xi32, #tpu.memory_space<hbm>> -> memref<128xi32, #tpu.memory_space<hbm>>
      tpu.enqueue_dma source(%dma_start3A_292 : memref<128xi32, #tpu.memory_space<hbm>>) target(%arg11 : memref<128xi32, #tpu.memory_space<vmem>>) target_semaphore(%arg30 : memref<!tpu.dma_semaphore, #tpu.memory_space<semaphore_mem>>)
      %add3A_293 = arith.addi %mul3A_2, %add3A_285 : i32
      %dma_start3A_294 = arith.constant 0 : i32
      %dma_start3A_295 = tpu.memref_slice %arg4[%add3A_293, %dma_start3A_294] : memref<2560x128xi32, #tpu.memory_space<hbm>> -> memref<1x128xi32, #tpu.memory_space<hbm>>
      %dma_start3A_296 = tpu.memref_squeeze %dma_start3A_295 : memref<1x128xi32, #tpu.memory_space<hbm>> -> memref<128xi32, #tpu.memory_space<hbm>>
      %dma_start3A_297 = arith.constant 0 : i32
      %dma_start3A_298 = tpu.memref_slice %arg4[%add3A_293, %dma_start3A_297] : memref<2560x128xi32, #tpu.memory_space<hbm>> -> memref<1x128xi32, #tpu.memory_space<hbm>>
      %dma_start3A_299 = tpu.memref_squeeze %dma_start3A_298 : memref<1x128xi32, #tpu.memory_space<hbm>> -> memref<128xi32, #tpu.memory_space<hbm>>
      tpu.enqueue_dma source(%dma_start3A_299 : memref<128xi32, #tpu.memory_space<hbm>>) target(%arg19 : memref<128xi32, #tpu.memory_space<vmem>>) target_semaphore(%arg30 : memref<!tpu.dma_semaphore, #tpu.memory_space<semaphore_mem>>)
      %dma_wait3A_300 = arith.constant 0 : i32
      %dma_wait3A_301 = tpu.memref_slice %arg3[%mul3A_2, %dma_wait3A_300] : memref<2560x128xi32, #tpu.memory_space<hbm>> -> memref<1x128xi32, #tpu.memory_space<hbm>>
      %dma_wait3A_302 = tpu.memref_squeeze %dma_wait3A_301 : memref<1x128xi32, #tpu.memory_space<hbm>> -> memref<128xi32, #tpu.memory_space<hbm>>
      %dma_wait3A_303 = arith.constant 0 : i32
      %dma_wait3A_304 = tpu.memref_slice %arg3[%mul3A_2, %dma_wait3A_303] : memref<2560x128xi32, #tpu.memory_space<hbm>> -> memref<1x128xi32, #tpu.memory_space<hbm>>
      %dma_wait3A_305 = tpu.memref_squeeze %dma_wait3A_304 : memref<1x128xi32, #tpu.memory_space<hbm>> -> memref<128xi32, #tpu.memory_space<hbm>>
      tpu.wait_dma2 semaphore(%arg28 : memref<!tpu.dma_semaphore, #tpu.memory_space<semaphore_mem>>) src(%dma_wait3A_305 : memref<128xi32, #tpu.memory_space<hbm>>) dst(%arg9 : memref<128xi32, #tpu.memory_space<vmem>>)
      %dma_wait3A_306 = arith.constant 0 : i32
      %dma_wait3A_307 = tpu.memref_slice %arg4[%mul3A_2, %dma_wait3A_306] : memref<2560x128xi32, #tpu.memory_space<hbm>> -> memref<1x128xi32, #tpu.memory_space<hbm>>
      %dma_wait3A_308 = tpu.memref_squeeze %dma_wait3A_307 : memref<1x128xi32, #tpu.memory_space<hbm>> -> memref<128xi32, #tpu.memory_space<hbm>>
      %dma_wait3A_309 = arith.constant 0 : i32
      %dma_wait3A_310 = tpu.memref_slice %arg4[%mul3A_2, %dma_wait3A_309] : memref<2560x128xi32, #tpu.memory_space<hbm>> -> memref<1x128xi32, #tpu.memory_space<hbm>>
      %dma_wait3A_311 = tpu.memref_squeeze %dma_wait3A_310 : memref<1x128xi32, #tpu.memory_space<hbm>> -> memref<128xi32, #tpu.memory_space<hbm>>
      tpu.wait_dma2 semaphore(%arg28 : memref<!tpu.dma_semaphore, #tpu.memory_space<semaphore_mem>>) src(%dma_wait3A_311 : memref<128xi32, #tpu.memory_space<hbm>>) dst(%arg17 : memref<128xi32, #tpu.memory_space<vmem>>)
      %dma_start3A_312 = arith.constant 0 : i32
      %dma_start3A_313 = arith.constant 0 : i32
      %dma_start3A_314 = tpu.memref_slice %arg2[%dma_start3A_312, %dma_start3A_313] : memref<10240x128xf32, #tpu.memory_space<hbm>> -> memref<10240x128xf32, #tpu.memory_space<hbm>>
      tpu.enqueue_indirect_dma source(%dma_start3A_314 : memref<10240x128xf32, #tpu.memory_space<hbm>>) target(%arg23 : memref<128x128xf32, #tpu.memory_space<vmem>>) offsets(%arg9 : memref<128xi32, #tpu.memory_space<vmem>>) semaphore(%arg34 : memref<!tpu.dma_semaphore, #tpu.memory_space<semaphore_mem>>)
      %dma_wait3A_315 = arith.constant 0 : i32
      %dma_wait3A_316 = arith.constant 0 : i32
      %dma_wait3A_317 = tpu.memref_slice %arg2[%dma_wait3A_315, %dma_wait3A_316] : memref<10240x128xf32, #tpu.memory_space<hbm>> -> memref<10240x128xf32, #tpu.memory_space<hbm>>
      tpu.wait_indirect_dma semaphore(%arg33 : memref<!tpu.dma_semaphore, #tpu.memory_space<semaphore_mem>>) src(%dma_wait3A_317 : memref<10240x128xf32, #tpu.memory_space<hbm>>) dst(%arg22 : memref<128x128xf32, #tpu.memory_space<vmem>>)
      %dma_start3A_318 = arith.constant 0 : i32
      %dma_start3A_319 = arith.constant 0 : i32
      %dma_start3A_320 = tpu.memref_slice %arg24[%dma_start3A_318, %dma_start3A_319] : memref<10240x128xf32, #tpu.memory_space<vmem_shared>> -> memref<10240x128xf32, #tpu.memory_space<vmem_shared>>
      tpu.enqueue_indirect_dma source(%arg22 : memref<128x128xf32, #tpu.memory_space<vmem>>) target(%dma_start3A_320 : memref<10240x128xf32, #tpu.memory_space<vmem_shared>>) offsets(%arg16 : memref<128xi32, #tpu.memory_space<vmem>>) semaphore(%arg35 : memref<!tpu.dma_semaphore, #tpu.memory_space<semaphore_mem>>) {add = true}
      %mul3A_321 = arith.constant 8 : i32
      %mul3A_322 = arith.muli %mul3A_321, %scan3A_143 : i32
      %add3A_323 = arith.constant 4 : i32
      %add3A_324 = arith.addi %mul3A_322, %add3A_323 : i32
      %dma_wait3A_325 = arith.constant 0 : i32
      %dma_wait3A_326 = arith.constant 0 : i32
      %dma_wait3A_327 = tpu.memref_slice %arg24[%dma_wait3A_325, %dma_wait3A_326] : memref<10240x128xf32, #tpu.memory_space<vmem_shared>> -> memref<10240x128xf32, #tpu.memory_space<vmem_shared>>
      tpu.wait_indirect_dma semaphore(%arg35 : memref<!tpu.dma_semaphore, #tpu.memory_space<semaphore_mem>>) src(%arg22 : memref<128x128xf32, #tpu.memory_space<vmem>>) dst(%dma_wait3A_327 : memref<10240x128xf32, #tpu.memory_space<vmem_shared>>)
      %add3A_328 = arith.constant 2 : i32
      %add3A_329 = arith.addi %add3A_324, %add3A_328 : i32
      %add3A_330 = arith.addi %mul3A_2, %add3A_329 : i32
      %dma_start3A_331 = arith.constant 0 : i32
      %dma_start3A_332 = tpu.memref_slice %arg3[%add3A_330, %dma_start3A_331] : memref<2560x128xi32, #tpu.memory_space<hbm>> -> memref<1x128xi32, #tpu.memory_space<hbm>>
      %dma_start3A_333 = tpu.memref_squeeze %dma_start3A_332 : memref<1x128xi32, #tpu.memory_space<hbm>> -> memref<128xi32, #tpu.memory_space<hbm>>
      %dma_start3A_334 = arith.constant 0 : i32
      %dma_start3A_335 = tpu.memref_slice %arg3[%add3A_330, %dma_start3A_334] : memref<2560x128xi32, #tpu.memory_space<hbm>> -> memref<1x128xi32, #tpu.memory_space<hbm>>
      %dma_start3A_336 = tpu.memref_squeeze %dma_start3A_335 : memref<1x128xi32, #tpu.memory_space<hbm>> -> memref<128xi32, #tpu.memory_space<hbm>>
      tpu.enqueue_dma source(%dma_start3A_336 : memref<128xi32, #tpu.memory_space<hbm>>) target(%arg12 : memref<128xi32, #tpu.memory_space<vmem>>) target_semaphore(%arg31 : memref<!tpu.dma_semaphore, #tpu.memory_space<semaphore_mem>>)
      %add3A_337 = arith.addi %mul3A_2, %add3A_329 : i32
      %dma_start3A_338 = arith.constant 0 : i32
      %dma_start3A_339 = tpu.memref_slice %arg4[%add3A_337, %dma_start3A_338] : memref<2560x128xi32, #tpu.memory_space<hbm>> -> memref<1x128xi32, #tpu.memory_space<hbm>>
      %dma_start3A_340 = tpu.memref_squeeze %dma_start3A_339 : memref<1x128xi32, #tpu.memory_space<hbm>> -> memref<128xi32, #tpu.memory_space<hbm>>
      %dma_start3A_341 = arith.constant 0 : i32
      %dma_start3A_342 = tpu.memref_slice %arg4[%add3A_337, %dma_start3A_341] : memref<2560x128xi32, #tpu.memory_space<hbm>> -> memref<1x128xi32, #tpu.memory_space<hbm>>
      %dma_start3A_343 = tpu.memref_squeeze %dma_start3A_342 : memref<1x128xi32, #tpu.memory_space<hbm>> -> memref<128xi32, #tpu.memory_space<hbm>>
      tpu.enqueue_dma source(%dma_start3A_343 : memref<128xi32, #tpu.memory_space<hbm>>) target(%arg20 : memref<128xi32, #tpu.memory_space<vmem>>) target_semaphore(%arg31 : memref<!tpu.dma_semaphore, #tpu.memory_space<semaphore_mem>>)
      %dma_wait3A_344 = arith.constant 0 : i32
      %dma_wait3A_345 = tpu.memref_slice %arg3[%mul3A_2, %dma_wait3A_344] : memref<2560x128xi32, #tpu.memory_space<hbm>> -> memref<1x128xi32, #tpu.memory_space<hbm>>
      %dma_wait3A_346 = tpu.memref_squeeze %dma_wait3A_345 : memref<1x128xi32, #tpu.memory_space<hbm>> -> memref<128xi32, #tpu.memory_space<hbm>>
      %dma_wait3A_347 = arith.constant 0 : i32
      %dma_wait3A_348 = tpu.memref_slice %arg3[%mul3A_2, %dma_wait3A_347] : memref<2560x128xi32, #tpu.memory_space<hbm>> -> memref<1x128xi32, #tpu.memory_space<hbm>>
      %dma_wait3A_349 = tpu.memref_squeeze %dma_wait3A_348 : memref<1x128xi32, #tpu.memory_space<hbm>> -> memref<128xi32, #tpu.memory_space<hbm>>
      tpu.wait_dma2 semaphore(%arg29 : memref<!tpu.dma_semaphore, #tpu.memory_space<semaphore_mem>>) src(%dma_wait3A_349 : memref<128xi32, #tpu.memory_space<hbm>>) dst(%arg10 : memref<128xi32, #tpu.memory_space<vmem>>)
      %dma_wait3A_350 = arith.constant 0 : i32
      %dma_wait3A_351 = tpu.memref_slice %arg4[%mul3A_2, %dma_wait3A_350] : memref<2560x128xi32, #tpu.memory_space<hbm>> -> memref<1x128xi32, #tpu.memory_space<hbm>>
      %dma_wait3A_352 = tpu.memref_squeeze %dma_wait3A_351 : memref<1x128xi32, #tpu.memory_space<hbm>> -> memref<128xi32, #tpu.memory_space<hbm>>
      %dma_wait3A_353 = arith.constant 0 : i32
      %dma_wait3A_354 = tpu.memref_slice %arg4[%mul3A_2, %dma_wait3A_353] : memref<2560x128xi32, #tpu.memory_space<hbm>> -> memref<1x128xi32, #tpu.memory_space<hbm>>
      %dma_wait3A_355 = tpu.memref_squeeze %dma_wait3A_354 : memref<1x128xi32, #tpu.memory_space<hbm>> -> memref<128xi32, #tpu.memory_space<hbm>>
      tpu.wait_dma2 semaphore(%arg29 : memref<!tpu.dma_semaphore, #tpu.memory_space<semaphore_mem>>) src(%dma_wait3A_355 : memref<128xi32, #tpu.memory_space<hbm>>) dst(%arg18 : memref<128xi32, #tpu.memory_space<vmem>>)
      %dma_start3A_356 = arith.constant 0 : i32
      %dma_start3A_357 = arith.constant 0 : i32
      %dma_start3A_358 = tpu.memref_slice %arg2[%dma_start3A_356, %dma_start3A_357] : memref<10240x128xf32, #tpu.memory_space<hbm>> -> memref<10240x128xf32, #tpu.memory_space<hbm>>
      tpu.enqueue_indirect_dma source(%dma_start3A_358 : memref<10240x128xf32, #tpu.memory_space<hbm>>) target(%arg22 : memref<128x128xf32, #tpu.memory_space<vmem>>) offsets(%arg10 : memref<128xi32, #tpu.memory_space<vmem>>) semaphore(%arg33 : memref<!tpu.dma_semaphore, #tpu.memory_space<semaphore_mem>>)
      %dma_wait3A_359 = arith.constant 0 : i32
      %dma_wait3A_360 = arith.constant 0 : i32
      %dma_wait3A_361 = tpu.memref_slice %arg2[%dma_wait3A_359, %dma_wait3A_360] : memref<10240x128xf32, #tpu.memory_space<hbm>> -> memref<10240x128xf32, #tpu.memory_space<hbm>>
      tpu.wait_indirect_dma semaphore(%arg34 : memref<!tpu.dma_semaphore, #tpu.memory_space<semaphore_mem>>) src(%dma_wait3A_361 : memref<10240x128xf32, #tpu.memory_space<hbm>>) dst(%arg23 : memref<128x128xf32, #tpu.memory_space<vmem>>)
      %dma_start3A_362 = arith.constant 0 : i32
      %dma_start3A_363 = arith.constant 0 : i32
      %dma_start3A_364 = tpu.memref_slice %arg24[%dma_start3A_362, %dma_start3A_363] : memref<10240x128xf32, #tpu.memory_space<vmem_shared>> -> memref<10240x128xf32, #tpu.memory_space<vmem_shared>>
      tpu.enqueue_indirect_dma source(%arg23 : memref<128x128xf32, #tpu.memory_space<vmem>>) target(%dma_start3A_364 : memref<10240x128xf32, #tpu.memory_space<vmem_shared>>) offsets(%arg17 : memref<128xi32, #tpu.memory_space<vmem>>) semaphore(%arg36 : memref<!tpu.dma_semaphore, #tpu.memory_space<semaphore_mem>>) {add = true}
      %mul3A_365 = arith.constant 8 : i32
      %mul3A_366 = arith.muli %mul3A_365, %scan3A_143 : i32
      %add3A_367 = arith.constant 5 : i32
      %add3A_368 = arith.addi %mul3A_366, %add3A_367 : i32
      %dma_wait3A_369 = arith.constant 0 : i32
      %dma_wait3A_370 = arith.constant 0 : i32
      %dma_wait3A_371 = tpu.memref_slice %arg24[%dma_wait3A_369, %dma_wait3A_370] : memref<10240x128xf32, #tpu.memory_space<vmem_shared>> -> memref<10240x128xf32, #tpu.memory_space<vmem_shared>>
      tpu.wait_indirect_dma semaphore(%arg36 : memref<!tpu.dma_semaphore, #tpu.memory_space<semaphore_mem>>) src(%arg22 : memref<128x128xf32, #tpu.memory_space<vmem>>) dst(%dma_wait3A_371 : memref<10240x128xf32, #tpu.memory_space<vmem_shared>>)
      %add3A_372 = arith.constant 2 : i32
      %add3A_373 = arith.addi %add3A_368, %add3A_372 : i32
      %add3A_374 = arith.addi %mul3A_2, %add3A_373 : i32
      %dma_start3A_375 = arith.constant 0 : i32
      %dma_start3A_376 = tpu.memref_slice %arg3[%add3A_374, %dma_start3A_375] : memref<2560x128xi32, #tpu.memory_space<hbm>> -> memref<1x128xi32, #tpu.memory_space<hbm>>
      %dma_start3A_377 = tpu.memref_squeeze %dma_start3A_376 : memref<1x128xi32, #tpu.memory_space<hbm>> -> memref<128xi32, #tpu.memory_space<hbm>>
      %dma_start3A_378 = arith.constant 0 : i32
      %dma_start3A_379 = tpu.memref_slice %arg3[%add3A_374, %dma_start3A_378] : memref<2560x128xi32, #tpu.memory_space<hbm>> -> memref<1x128xi32, #tpu.memory_space<hbm>>
      %dma_start3A_380 = tpu.memref_squeeze %dma_start3A_379 : memref<1x128xi32, #tpu.memory_space<hbm>> -> memref<128xi32, #tpu.memory_space<hbm>>
      tpu.enqueue_dma source(%dma_start3A_380 : memref<128xi32, #tpu.memory_space<hbm>>) target(%arg13 : memref<128xi32, #tpu.memory_space<vmem>>) target_semaphore(%arg32 : memref<!tpu.dma_semaphore, #tpu.memory_space<semaphore_mem>>)
      %add3A_381 = arith.addi %mul3A_2, %add3A_373 : i32
      %dma_start3A_382 = arith.constant 0 : i32
      %dma_start3A_383 = tpu.memref_slice %arg4[%add3A_381, %dma_start3A_382] : memref<2560x128xi32, #tpu.memory_space<hbm>> -> memref<1x128xi32, #tpu.memory_space<hbm>>
      %dma_start3A_384 = tpu.memref_squeeze %dma_start3A_383 : memref<1x128xi32, #tpu.memory_space<hbm>> -> memref<128xi32, #tpu.memory_space<hbm>>
      %dma_start3A_385 = arith.constant 0 : i32
      %dma_start3A_386 = tpu.memref_slice %arg4[%add3A_381, %dma_start3A_385] : memref<2560x128xi32, #tpu.memory_space<hbm>> -> memref<1x128xi32, #tpu.memory_space<hbm>>
      %dma_start3A_387 = tpu.memref_squeeze %dma_start3A_386 : memref<1x128xi32, #tpu.memory_space<hbm>> -> memref<128xi32, #tpu.memory_space<hbm>>
      tpu.enqueue_dma source(%dma_start3A_387 : memref<128xi32, #tpu.memory_space<hbm>>) target(%arg21 : memref<128xi32, #tpu.memory_space<vmem>>) target_semaphore(%arg32 : memref<!tpu.dma_semaphore, #tpu.memory_space<semaphore_mem>>)
      %dma_wait3A_388 = arith.constant 0 : i32
      %dma_wait3A_389 = tpu.memref_slice %arg3[%mul3A_2, %dma_wait3A_388] : memref<2560x128xi32, #tpu.memory_space<hbm>> -> memref<1x128xi32, #tpu.memory_space<hbm>>
      %dma_wait3A_390 = tpu.memref_squeeze %dma_wait3A_389 : memref<1x128xi32, #tpu.memory_space<hbm>> -> memref<128xi32, #tpu.memory_space<hbm>>
      %dma_wait3A_391 = arith.constant 0 : i32
      %dma_wait3A_392 = tpu.memref_slice %arg3[%mul3A_2, %dma_wait3A_391] : memref<2560x128xi32, #tpu.memory_space<hbm>> -> memref<1x128xi32, #tpu.memory_space<hbm>>
      %dma_wait3A_393 = tpu.memref_squeeze %dma_wait3A_392 : memref<1x128xi32, #tpu.memory_space<hbm>> -> memref<128xi32, #tpu.memory_space<hbm>>
      tpu.wait_dma2 semaphore(%arg30 : memref<!tpu.dma_semaphore, #tpu.memory_space<semaphore_mem>>) src(%dma_wait3A_393 : memref<128xi32, #tpu.memory_space<hbm>>) dst(%arg11 : memref<128xi32, #tpu.memory_space<vmem>>)
      %dma_wait3A_394 = arith.constant 0 : i32
      %dma_wait3A_395 = tpu.memref_slice %arg4[%mul3A_2, %dma_wait3A_394] : memref<2560x128xi32, #tpu.memory_space<hbm>> -> memref<1x128xi32, #tpu.memory_space<hbm>>
      %dma_wait3A_396 = tpu.memref_squeeze %dma_wait3A_395 : memref<1x128xi32, #tpu.memory_space<hbm>> -> memref<128xi32, #tpu.memory_space<hbm>>
      %dma_wait3A_397 = arith.constant 0 : i32
      %dma_wait3A_398 = tpu.memref_slice %arg4[%mul3A_2, %dma_wait3A_397] : memref<2560x128xi32, #tpu.memory_space<hbm>> -> memref<1x128xi32, #tpu.memory_space<hbm>>
      %dma_wait3A_399 = tpu.memref_squeeze %dma_wait3A_398 : memref<1x128xi32, #tpu.memory_space<hbm>> -> memref<128xi32, #tpu.memory_space<hbm>>
      tpu.wait_dma2 semaphore(%arg30 : memref<!tpu.dma_semaphore, #tpu.memory_space<semaphore_mem>>) src(%dma_wait3A_399 : memref<128xi32, #tpu.memory_space<hbm>>) dst(%arg19 : memref<128xi32, #tpu.memory_space<vmem>>)
      %dma_start3A_400 = arith.constant 0 : i32
      %dma_start3A_401 = arith.constant 0 : i32
      %dma_start3A_402 = tpu.memref_slice %arg2[%dma_start3A_400, %dma_start3A_401] : memref<10240x128xf32, #tpu.memory_space<hbm>> -> memref<10240x128xf32, #tpu.memory_space<hbm>>
      tpu.enqueue_indirect_dma source(%dma_start3A_402 : memref<10240x128xf32, #tpu.memory_space<hbm>>) target(%arg23 : memref<128x128xf32, #tpu.memory_space<vmem>>) offsets(%arg11 : memref<128xi32, #tpu.memory_space<vmem>>) semaphore(%arg34 : memref<!tpu.dma_semaphore, #tpu.memory_space<semaphore_mem>>)
      %dma_wait3A_403 = arith.constant 0 : i32
      %dma_wait3A_404 = arith.constant 0 : i32
      %dma_wait3A_405 = tpu.memref_slice %arg2[%dma_wait3A_403, %dma_wait3A_404] : memref<10240x128xf32, #tpu.memory_space<hbm>> -> memref<10240x128xf32, #tpu.memory_space<hbm>>
      tpu.wait_indirect_dma semaphore(%arg33 : memref<!tpu.dma_semaphore, #tpu.memory_space<semaphore_mem>>) src(%dma_wait3A_405 : memref<10240x128xf32, #tpu.memory_space<hbm>>) dst(%arg22 : memref<128x128xf32, #tpu.memory_space<vmem>>)
      %dma_start3A_406 = arith.constant 0 : i32
      %dma_start3A_407 = arith.constant 0 : i32
      %dma_start3A_408 = tpu.memref_slice %arg24[%dma_start3A_406, %dma_start3A_407] : memref<10240x128xf32, #tpu.memory_space<vmem_shared>> -> memref<10240x128xf32, #tpu.memory_space<vmem_shared>>
      tpu.enqueue_indirect_dma source(%arg22 : memref<128x128xf32, #tpu.memory_space<vmem>>) target(%dma_start3A_408 : memref<10240x128xf32, #tpu.memory_space<vmem_shared>>) offsets(%arg18 : memref<128xi32, #tpu.memory_space<vmem>>) semaphore(%arg35 : memref<!tpu.dma_semaphore, #tpu.memory_space<semaphore_mem>>) {add = true}
      %mul3A_409 = arith.constant 8 : i32
      %mul3A_410 = arith.muli %mul3A_409, %scan3A_143 : i32
      %add3A_411 = arith.constant 6 : i32
      %add3A_412 = arith.addi %mul3A_410, %add3A_411 : i32
      %dma_wait3A_413 = arith.constant 0 : i32
      %dma_wait3A_414 = arith.constant 0 : i32
      %dma_wait3A_415 = tpu.memref_slice %arg24[%dma_wait3A_413, %dma_wait3A_414] : memref<10240x128xf32, #tpu.memory_space<vmem_shared>> -> memref<10240x128xf32, #tpu.memory_space<vmem_shared>>
      tpu.wait_indirect_dma semaphore(%arg35 : memref<!tpu.dma_semaphore, #tpu.memory_space<semaphore_mem>>) src(%arg22 : memref<128x128xf32, #tpu.memory_space<vmem>>) dst(%dma_wait3A_415 : memref<10240x128xf32, #tpu.memory_space<vmem_shared>>)
      %lt3A = arith.constant 9 : i32
      %lt3A_416 = arith.cmpi slt, %scan3A_143, %lt3A : i32
      %convert_element_type3A_417 = arith.extui %lt3A_416 : i1 to i32
      %cond3A_418 = arith.constant 0 : i32
      %cond3A_419 = arith.cmpi ne, %convert_element_type3A_417, %cond3A_418 : i32
      scf.if %cond3A_419 {
        %add3A_475 = arith.constant 2 : i32
        %add3A_476 = arith.addi %add3A_412, %add3A_475 : i32
        %add3A_477 = arith.addi %mul3A_2, %add3A_476 : i32
        %dma_start3A_478 = arith.constant 0 : i32
        %dma_start3A_479 = tpu.memref_slice %arg3[%add3A_477, %dma_start3A_478] : memref<2560x128xi32, #tpu.memory_space<hbm>> -> memref<1x128xi32, #tpu.memory_space<hbm>>
        %dma_start3A_480 = tpu.memref_squeeze %dma_start3A_479 : memref<1x128xi32, #tpu.memory_space<hbm>> -> memref<128xi32, #tpu.memory_space<hbm>>
        %dma_start3A_481 = arith.constant 0 : i32
        %dma_start3A_482 = tpu.memref_slice %arg3[%add3A_477, %dma_start3A_481] : memref<2560x128xi32, #tpu.memory_space<hbm>> -> memref<1x128xi32, #tpu.memory_space<hbm>>
        %dma_start3A_483 = tpu.memref_squeeze %dma_start3A_482 : memref<1x128xi32, #tpu.memory_space<hbm>> -> memref<128xi32, #tpu.memory_space<hbm>>
        tpu.enqueue_dma source(%dma_start3A_483 : memref<128xi32, #tpu.memory_space<hbm>>) target(%arg6 : memref<128xi32, #tpu.memory_space<vmem>>) target_semaphore(%arg25 : memref<!tpu.dma_semaphore, #tpu.memory_space<semaphore_mem>>)
        %add3A_484 = arith.addi %mul3A_2, %add3A_476 : i32
        %dma_start3A_485 = arith.constant 0 : i32
        %dma_start3A_486 = tpu.memref_slice %arg4[%add3A_484, %dma_start3A_485] : memref<2560x128xi32, #tpu.memory_space<hbm>> -> memref<1x128xi32, #tpu.memory_space<hbm>>
        %dma_start3A_487 = tpu.memref_squeeze %dma_start3A_486 : memref<1x128xi32, #tpu.memory_space<hbm>> -> memref<128xi32, #tpu.memory_space<hbm>>
        %dma_start3A_488 = arith.constant 0 : i32
        %dma_start3A_489 = tpu.memref_slice %arg4[%add3A_484, %dma_start3A_488] : memref<2560x128xi32, #tpu.memory_space<hbm>> -> memref<1x128xi32, #tpu.memory_space<hbm>>
        %dma_start3A_490 = tpu.memref_squeeze %dma_start3A_489 : memref<1x128xi32, #tpu.memory_space<hbm>> -> memref<128xi32, #tpu.memory_space<hbm>>
        tpu.enqueue_dma source(%dma_start3A_490 : memref<128xi32, #tpu.memory_space<hbm>>) target(%arg14 : memref<128xi32, #tpu.memory_space<vmem>>) target_semaphore(%arg25 : memref<!tpu.dma_semaphore, #tpu.memory_space<semaphore_mem>>)
      } else {
      }
      %dma_wait3A_420 = arith.constant 0 : i32
      %dma_wait3A_421 = tpu.memref_slice %arg3[%mul3A_2, %dma_wait3A_420] : memref<2560x128xi32, #tpu.memory_space<hbm>> -> memref<1x128xi32, #tpu.memory_space<hbm>>
      %dma_wait3A_422 = tpu.memref_squeeze %dma_wait3A_421 : memref<1x128xi32, #tpu.memory_space<hbm>> -> memref<128xi32, #tpu.memory_space<hbm>>
      %dma_wait3A_423 = arith.constant 0 : i32
      %dma_wait3A_424 = tpu.memref_slice %arg3[%mul3A_2, %dma_wait3A_423] : memref<2560x128xi32, #tpu.memory_space<hbm>> -> memref<1x128xi32, #tpu.memory_space<hbm>>
      %dma_wait3A_425 = tpu.memref_squeeze %dma_wait3A_424 : memref<1x128xi32, #tpu.memory_space<hbm>> -> memref<128xi32, #tpu.memory_space<hbm>>
      tpu.wait_dma2 semaphore(%arg31 : memref<!tpu.dma_semaphore, #tpu.memory_space<semaphore_mem>>) src(%dma_wait3A_425 : memref<128xi32, #tpu.memory_space<hbm>>) dst(%arg12 : memref<128xi32, #tpu.memory_space<vmem>>)
      %dma_wait3A_426 = arith.constant 0 : i32
      %dma_wait3A_427 = tpu.memref_slice %arg4[%mul3A_2, %dma_wait3A_426] : memref<2560x128xi32, #tpu.memory_space<hbm>> -> memref<1x128xi32, #tpu.memory_space<hbm>>
      %dma_wait3A_428 = tpu.memref_squeeze %dma_wait3A_427 : memref<1x128xi32, #tpu.memory_space<hbm>> -> memref<128xi32, #tpu.memory_space<hbm>>
      %dma_wait3A_429 = arith.constant 0 : i32
      %dma_wait3A_430 = tpu.memref_slice %arg4[%mul3A_2, %dma_wait3A_429] : memref<2560x128xi32, #tpu.memory_space<hbm>> -> memref<1x128xi32, #tpu.memory_space<hbm>>
      %dma_wait3A_431 = tpu.memref_squeeze %dma_wait3A_430 : memref<1x128xi32, #tpu.memory_space<hbm>> -> memref<128xi32, #tpu.memory_space<hbm>>
      tpu.wait_dma2 semaphore(%arg31 : memref<!tpu.dma_semaphore, #tpu.memory_space<semaphore_mem>>) src(%dma_wait3A_431 : memref<128xi32, #tpu.memory_space<hbm>>) dst(%arg20 : memref<128xi32, #tpu.memory_space<vmem>>)
      %dma_start3A_432 = arith.constant 0 : i32
      %dma_start3A_433 = arith.constant 0 : i32
      %dma_start3A_434 = tpu.memref_slice %arg2[%dma_start3A_432, %dma_start3A_433] : memref<10240x128xf32, #tpu.memory_space<hbm>> -> memref<10240x128xf32, #tpu.memory_space<hbm>>
      tpu.enqueue_indirect_dma source(%dma_start3A_434 : memref<10240x128xf32, #tpu.memory_space<hbm>>) target(%arg22 : memref<128x128xf32, #tpu.memory_space<vmem>>) offsets(%arg12 : memref<128xi32, #tpu.memory_space<vmem>>) semaphore(%arg33 : memref<!tpu.dma_semaphore, #tpu.memory_space<semaphore_mem>>)
      %dma_wait3A_435 = arith.constant 0 : i32
      %dma_wait3A_436 = arith.constant 0 : i32
      %dma_wait3A_437 = tpu.memref_slice %arg2[%dma_wait3A_435, %dma_wait3A_436] : memref<10240x128xf32, #tpu.memory_space<hbm>> -> memref<10240x128xf32, #tpu.memory_space<hbm>>
      tpu.wait_indirect_dma semaphore(%arg34 : memref<!tpu.dma_semaphore, #tpu.memory_space<semaphore_mem>>) src(%dma_wait3A_437 : memref<10240x128xf32, #tpu.memory_space<hbm>>) dst(%arg23 : memref<128x128xf32, #tpu.memory_space<vmem>>)
      %dma_start3A_438 = arith.constant 0 : i32
      %dma_start3A_439 = arith.constant 0 : i32
      %dma_start3A_440 = tpu.memref_slice %arg24[%dma_start3A_438, %dma_start3A_439] : memref<10240x128xf32, #tpu.memory_space<vmem_shared>> -> memref<10240x128xf32, #tpu.memory_space<vmem_shared>>
      tpu.enqueue_indirect_dma source(%arg23 : memref<128x128xf32, #tpu.memory_space<vmem>>) target(%dma_start3A_440 : memref<10240x128xf32, #tpu.memory_space<vmem_shared>>) offsets(%arg19 : memref<128xi32, #tpu.memory_space<vmem>>) semaphore(%arg36 : memref<!tpu.dma_semaphore, #tpu.memory_space<semaphore_mem>>) {add = true}
      %mul3A_441 = arith.constant 8 : i32
      %mul3A_442 = arith.muli %mul3A_441, %scan3A_143 : i32
      %add3A_443 = arith.constant 7 : i32
      %add3A_444 = arith.addi %mul3A_442, %add3A_443 : i32
      %dma_wait3A_445 = arith.constant 0 : i32
      %dma_wait3A_446 = arith.constant 0 : i32
      %dma_wait3A_447 = tpu.memref_slice %arg24[%dma_wait3A_445, %dma_wait3A_446] : memref<10240x128xf32, #tpu.memory_space<vmem_shared>> -> memref<10240x128xf32, #tpu.memory_space<vmem_shared>>
      tpu.wait_indirect_dma semaphore(%arg36 : memref<!tpu.dma_semaphore, #tpu.memory_space<semaphore_mem>>) src(%arg22 : memref<128x128xf32, #tpu.memory_space<vmem>>) dst(%dma_wait3A_447 : memref<10240x128xf32, #tpu.memory_space<vmem_shared>>)
      %lt3A_448 = arith.constant 9 : i32
      %lt3A_449 = arith.cmpi slt, %scan3A_143, %lt3A_448 : i32
      %convert_element_type3A_450 = arith.extui %lt3A_449 : i1 to i32
      %cond3A_451 = arith.constant 0 : i32
      %cond3A_452 = arith.cmpi ne, %convert_element_type3A_450, %cond3A_451 : i32
      scf.if %cond3A_452 {
        %add3A_475 = arith.constant 2 : i32
        %add3A_476 = arith.addi %add3A_444, %add3A_475 : i32
        %add3A_477 = arith.addi %mul3A_2, %add3A_476 : i32
        %dma_start3A_478 = arith.constant 0 : i32
        %dma_start3A_479 = tpu.memref_slice %arg3[%add3A_477, %dma_start3A_478] : memref<2560x128xi32, #tpu.memory_space<hbm>> -> memref<1x128xi32, #tpu.memory_space<hbm>>
        %dma_start3A_480 = tpu.memref_squeeze %dma_start3A_479 : memref<1x128xi32, #tpu.memory_space<hbm>> -> memref<128xi32, #tpu.memory_space<hbm>>
        %dma_start3A_481 = arith.constant 0 : i32
        %dma_start3A_482 = tpu.memref_slice %arg3[%add3A_477, %dma_start3A_481] : memref<2560x128xi32, #tpu.memory_space<hbm>> -> memref<1x128xi32, #tpu.memory_space<hbm>>
        %dma_start3A_483 = tpu.memref_squeeze %dma_start3A_482 : memref<1x128xi32, #tpu.memory_space<hbm>> -> memref<128xi32, #tpu.memory_space<hbm>>
        tpu.enqueue_dma source(%dma_start3A_483 : memref<128xi32, #tpu.memory_space<hbm>>) target(%arg7 : memref<128xi32, #tpu.memory_space<vmem>>) target_semaphore(%arg26 : memref<!tpu.dma_semaphore, #tpu.memory_space<semaphore_mem>>)
        %add3A_484 = arith.addi %mul3A_2, %add3A_476 : i32
        %dma_start3A_485 = arith.constant 0 : i32
        %dma_start3A_486 = tpu.memref_slice %arg4[%add3A_484, %dma_start3A_485] : memref<2560x128xi32, #tpu.memory_space<hbm>> -> memref<1x128xi32, #tpu.memory_space<hbm>>
        %dma_start3A_487 = tpu.memref_squeeze %dma_start3A_486 : memref<1x128xi32, #tpu.memory_space<hbm>> -> memref<128xi32, #tpu.memory_space<hbm>>
        %dma_start3A_488 = arith.constant 0 : i32
        %dma_start3A_489 = tpu.memref_slice %arg4[%add3A_484, %dma_start3A_488] : memref<2560x128xi32, #tpu.memory_space<hbm>> -> memref<1x128xi32, #tpu.memory_space<hbm>>
        %dma_start3A_490 = tpu.memref_squeeze %dma_start3A_489 : memref<1x128xi32, #tpu.memory_space<hbm>> -> memref<128xi32, #tpu.memory_space<hbm>>
        tpu.enqueue_dma source(%dma_start3A_490 : memref<128xi32, #tpu.memory_space<hbm>>) target(%arg15 : memref<128xi32, #tpu.memory_space<vmem>>) target_semaphore(%arg26 : memref<!tpu.dma_semaphore, #tpu.memory_space<semaphore_mem>>)
      } else {
      }
      %dma_wait3A_453 = arith.constant 0 : i32
      %dma_wait3A_454 = tpu.memref_slice %arg3[%mul3A_2, %dma_wait3A_453] : memref<2560x128xi32, #tpu.memory_space<hbm>> -> memref<1x128xi32, #tpu.memory_space<hbm>>
      %dma_wait3A_455 = tpu.memref_squeeze %dma_wait3A_454 : memref<1x128xi32, #tpu.memory_space<hbm>> -> memref<128xi32, #tpu.memory_space<hbm>>
      %dma_wait3A_456 = arith.constant 0 : i32
      %dma_wait3A_457 = tpu.memref_slice %arg3[%mul3A_2, %dma_wait3A_456] : memref<2560x128xi32, #tpu.memory_space<hbm>> -> memref<1x128xi32, #tpu.memory_space<hbm>>
      %dma_wait3A_458 = tpu.memref_squeeze %dma_wait3A_457 : memref<1x128xi32, #tpu.memory_space<hbm>> -> memref<128xi32, #tpu.memory_space<hbm>>
      tpu.wait_dma2 semaphore(%arg32 : memref<!tpu.dma_semaphore, #tpu.memory_space<semaphore_mem>>) src(%dma_wait3A_458 : memref<128xi32, #tpu.memory_space<hbm>>) dst(%arg13 : memref<128xi32, #tpu.memory_space<vmem>>)
      %dma_wait3A_459 = arith.constant 0 : i32
      %dma_wait3A_460 = tpu.memref_slice %arg4[%mul3A_2, %dma_wait3A_459] : memref<2560x128xi32, #tpu.memory_space<hbm>> -> memref<1x128xi32, #tpu.memory_space<hbm>>
      %dma_wait3A_461 = tpu.memref_squeeze %dma_wait3A_460 : memref<1x128xi32, #tpu.memory_space<hbm>> -> memref<128xi32, #tpu.memory_space<hbm>>
      %dma_wait3A_462 = arith.constant 0 : i32
      %dma_wait3A_463 = tpu.memref_slice %arg4[%mul3A_2, %dma_wait3A_462] : memref<2560x128xi32, #tpu.memory_space<hbm>> -> memref<1x128xi32, #tpu.memory_space<hbm>>
      %dma_wait3A_464 = tpu.memref_squeeze %dma_wait3A_463 : memref<1x128xi32, #tpu.memory_space<hbm>> -> memref<128xi32, #tpu.memory_space<hbm>>
      tpu.wait_dma2 semaphore(%arg32 : memref<!tpu.dma_semaphore, #tpu.memory_space<semaphore_mem>>) src(%dma_wait3A_464 : memref<128xi32, #tpu.memory_space<hbm>>) dst(%arg21 : memref<128xi32, #tpu.memory_space<vmem>>)
      %dma_start3A_465 = arith.constant 0 : i32
      %dma_start3A_466 = arith.constant 0 : i32
      %dma_start3A_467 = tpu.memref_slice %arg2[%dma_start3A_465, %dma_start3A_466] : memref<10240x128xf32, #tpu.memory_space<hbm>> -> memref<10240x128xf32, #tpu.memory_space<hbm>>
      tpu.enqueue_indirect_dma source(%dma_start3A_467 : memref<10240x128xf32, #tpu.memory_space<hbm>>) target(%arg23 : memref<128x128xf32, #tpu.memory_space<vmem>>) offsets(%arg13 : memref<128xi32, #tpu.memory_space<vmem>>) semaphore(%arg34 : memref<!tpu.dma_semaphore, #tpu.memory_space<semaphore_mem>>)
      %dma_wait3A_468 = arith.constant 0 : i32
      %dma_wait3A_469 = arith.constant 0 : i32
      %dma_wait3A_470 = tpu.memref_slice %arg2[%dma_wait3A_468, %dma_wait3A_469] : memref<10240x128xf32, #tpu.memory_space<hbm>> -> memref<10240x128xf32, #tpu.memory_space<hbm>>
      tpu.wait_indirect_dma semaphore(%arg33 : memref<!tpu.dma_semaphore, #tpu.memory_space<semaphore_mem>>) src(%dma_wait3A_470 : memref<10240x128xf32, #tpu.memory_space<hbm>>) dst(%arg22 : memref<128x128xf32, #tpu.memory_space<vmem>>)
      %dma_start3A_471 = arith.constant 0 : i32
      %dma_start3A_472 = arith.constant 0 : i32
      %dma_start3A_473 = tpu.memref_slice %arg24[%dma_start3A_471, %dma_start3A_472] : memref<10240x128xf32, #tpu.memory_space<vmem_shared>> -> memref<10240x128xf32, #tpu.memory_space<vmem_shared>>
      tpu.enqueue_indirect_dma source(%arg22 : memref<128x128xf32, #tpu.memory_space<vmem>>) target(%dma_start3A_473 : memref<10240x128xf32, #tpu.memory_space<vmem_shared>>) offsets(%arg20 : memref<128xi32, #tpu.memory_space<vmem>>) semaphore(%arg35 : memref<!tpu.dma_semaphore, #tpu.memory_space<semaphore_mem>>) {add = true}
      %scan3A_474 = arith.constant 0 : i32
      scf.yield %scan3A_474 : i32
    }
    %scan3A_125 = arith.constant 10 : i32
    %dma_wait3A_126 = arith.constant 0 : i32
    %dma_wait3A_127 = arith.constant 0 : i32
    %dma_wait3A_128 = tpu.memref_slice %arg2[%dma_wait3A_126, %dma_wait3A_127] : memref<10240x128xf32, #tpu.memory_space<hbm>> -> memref<10240x128xf32, #tpu.memory_space<hbm>>
    tpu.wait_indirect_dma semaphore(%arg34 : memref<!tpu.dma_semaphore, #tpu.memory_space<semaphore_mem>>) src(%dma_wait3A_128 : memref<10240x128xf32, #tpu.memory_space<hbm>>) dst(%arg23 : memref<128x128xf32, #tpu.memory_space<vmem>>)
    %dma_start3A_129 = arith.constant 0 : i32
    %dma_start3A_130 = arith.constant 0 : i32
    %dma_start3A_131 = tpu.memref_slice %arg24[%dma_start3A_129, %dma_start3A_130] : memref<10240x128xf32, #tpu.memory_space<vmem_shared>> -> memref<10240x128xf32, #tpu.memory_space<vmem_shared>>
    tpu.enqueue_indirect_dma source(%arg23 : memref<128x128xf32, #tpu.memory_space<vmem>>) target(%dma_start3A_131 : memref<10240x128xf32, #tpu.memory_space<vmem_shared>>) offsets(%arg21 : memref<128xi32, #tpu.memory_space<vmem>>) semaphore(%arg36 : memref<!tpu.dma_semaphore, #tpu.memory_space<semaphore_mem>>) {add = true}
    %dma_wait3A_132 = arith.constant 0 : i32
    %dma_wait3A_133 = arith.constant 0 : i32
    %dma_wait3A_134 = tpu.memref_slice %arg24[%dma_wait3A_132, %dma_wait3A_133] : memref<10240x128xf32, #tpu.memory_space<vmem_shared>> -> memref<10240x128xf32, #tpu.memory_space<vmem_shared>>
    tpu.wait_indirect_dma semaphore(%arg35 : memref<!tpu.dma_semaphore, #tpu.memory_space<semaphore_mem>>) src(%arg22 : memref<128x128xf32, #tpu.memory_space<vmem>>) dst(%dma_wait3A_134 : memref<10240x128xf32, #tpu.memory_space<vmem_shared>>)
    %dma_wait3A_135 = arith.constant 0 : i32
    %dma_wait3A_136 = arith.constant 0 : i32
    %dma_wait3A_137 = tpu.memref_slice %arg24[%dma_wait3A_135, %dma_wait3A_136] : memref<10240x128xf32, #tpu.memory_space<vmem_shared>> -> memref<10240x128xf32, #tpu.memory_space<vmem_shared>>
    tpu.wait_indirect_dma semaphore(%arg36 : memref<!tpu.dma_semaphore, #tpu.memory_space<semaphore_mem>>) src(%arg22 : memref<128x128xf32, #tpu.memory_space<vmem>>) dst(%dma_wait3A_137 : memref<10240x128xf32, #tpu.memory_space<vmem_shared>>)
    %barrier3A_138 = arith.constant 0 : index
    tpu.barrier barrier_id(%barrier3A_138)
    %mul3A_139 = arith.constant 640 : i32
    %mul3A_140 = arith.muli %arg1, %mul3A_139 : i32
    %mul3A_141 = arith.constant 640 : i32
    %mul3A_142 = arith.muli %arg1, %mul3A_141 : i32
    "tpu.region"() ({
      %run_scoped3A = tpu.sem_alloc : memref<!tpu.dma_semaphore, #tpu.memory_space<semaphore_mem>>
      %dma_start3A_143 = arith.constant 0 : i32
      %dma_start3A_144 = tpu.memref_slice %arg5[%arg0, %mul3A_142, %dma_start3A_143] : memref<2x10240x128xf32, #tpu.memory_space<hbm>> -> memref<1x640x128xf32, #tpu.memory_space<hbm>>
      %dma_start3A_145 = tpu.memref_squeeze %dma_start3A_144 : memref<1x640x128xf32, #tpu.memory_space<hbm>> -> memref<640x128xf32, #tpu.memory_space<hbm>>
      %dma_start3A_146 = arith.constant 0 : i32
      %dma_start3A_147 = tpu.memref_slice %arg24[%mul3A_140, %dma_start3A_146] : memref<10240x128xf32, #tpu.memory_space<vmem_shared>> -> memref<640x128xf32, #tpu.memory_space<vmem_shared>>
      tpu.enqueue_dma source(%dma_start3A_147 : memref<640x128xf32, #tpu.memory_space<vmem_shared>>) target(%dma_start3A_145 : memref<640x128xf32, #tpu.memory_space<hbm>>) target_semaphore(%run_scoped3A : memref<!tpu.dma_semaphore, #tpu.memory_space<semaphore_mem>>)
      %dma_wait3A_148 = arith.constant 0 : i32
      %dma_wait3A_149 = tpu.memref_slice %arg5[%arg0, %mul3A_142, %dma_wait3A_148] : memref<2x10240x128xf32, #tpu.memory_space<hbm>> -> memref<1x640x128xf32, #tpu.memory_space<hbm>>
      %dma_wait3A_150 = tpu.memref_squeeze %dma_wait3A_149 : memref<1x640x128xf32, #tpu.memory_space<hbm>> -> memref<640x128xf32, #tpu.memory_space<hbm>>
      %dma_wait3A_151 = arith.constant 0 : i32
      %dma_wait3A_152 = tpu.memref_slice %arg24[%mul3A_140, %dma_wait3A_151] : memref<10240x128xf32, #tpu.memory_space<vmem_shared>> -> memref<640x128xf32, #tpu.memory_space<vmem_shared>>
      tpu.wait_dma2 semaphore(%run_scoped3A : memref<!tpu.dma_semaphore, #tpu.memory_space<semaphore_mem>>) src(%dma_wait3A_152 : memref<640x128xf32, #tpu.memory_space<vmem_shared>>) dst(%dma_wait3A_150 : memref<640x128xf32, #tpu.memory_space<hbm>>)
      tpu.yield
    }) : () -> ()
    return
  }
}

#map = affine_map<(d0, d1) -> (0, 0)>
#map1 = affine_map<(d0, d1) -> (0, 0, 0)>
module attributes {stable_mosaic.version = 14 : i64} {
  func.func @_agg_body(%arg0: i32, %arg1: i32, %arg2: memref<10240x128xf32, #tpu.memory_space<hbm>>, %arg3: memref<2560x128xi32, #tpu.memory_space<hbm>>, %arg4: memref<2560x128xi32, #tpu.memory_space<hbm>>, %arg5: memref<2x10240x128xf32, #tpu.memory_space<hbm>>, %arg6: memref<128xi32, #tpu.memory_space<vmem>>, %arg7: memref<128xi32, #tpu.memory_space<vmem>>, %arg8: memref<128xi32, #tpu.memory_space<vmem>>, %arg9: memref<128xi32, #tpu.memory_space<vmem>>, %arg10: memref<128xi32, #tpu.memory_space<vmem>>, %arg11: memref<128xi32, #tpu.memory_space<vmem>>, %arg12: memref<128xi32, #tpu.memory_space<vmem>>, %arg13: memref<128xi32, #tpu.memory_space<vmem>>, %arg14: memref<128xi32, #tpu.memory_space<vmem>>, %arg15: memref<128xi32, #tpu.memory_space<vmem>>, %arg16: memref<128xi32, #tpu.memory_space<vmem>>, %arg17: memref<128xi32, #tpu.memory_space<vmem>>, %arg18: memref<128xi32, #tpu.memory_space<vmem>>, %arg19: memref<128xi32, #tpu.memory_space<vmem>>, %arg20: memref<128xi32, #tpu.memory_space<vmem>>, %arg21: memref<128xi32, #tpu.memory_space<vmem>>, %arg22: memref<128x128xf32, #tpu.memory_space<vmem>>, %arg23: memref<128x128xf32, #tpu.memory_space<vmem>>, %arg24: memref<10240x128xf32, #tpu.memory_space<vmem_shared>>, %arg25: memref<!tpu.dma_semaphore, #tpu.memory_space<semaphore_mem>>, %arg26: memref<!tpu.dma_semaphore, #tpu.memory_space<semaphore_mem>>, %arg27: memref<!tpu.dma_semaphore, #tpu.memory_space<semaphore_mem>>, %arg28: memref<!tpu.dma_semaphore, #tpu.memory_space<semaphore_mem>>, %arg29: memref<!tpu.dma_semaphore, #tpu.memory_space<semaphore_mem>>, %arg30: memref<!tpu.dma_semaphore, #tpu.memory_space<semaphore_mem>>, %arg31: memref<!tpu.dma_semaphore, #tpu.memory_space<semaphore_mem>>, %arg32: memref<!tpu.dma_semaphore, #tpu.memory_space<semaphore_mem>>, %arg33: memref<!tpu.dma_semaphore, #tpu.memory_space<semaphore_mem>>, %arg34: memref<!tpu.dma_semaphore, #tpu.memory_space<semaphore_mem>>, %arg35: memref<!tpu.dma_semaphore, #tpu.memory_space<semaphore_mem>>, %arg36: memref<!tpu.dma_semaphore, #tpu.memory_space<semaphore_mem>>) attributes {dimension_semantics = [#tpu.dimension_semantics<core_parallel>, #tpu.dimension_semantics<subcore_parallel>], iteration_bounds = array<i64: 2, 16>, scalar_prefetch = 0 : i64, scratch_operands = 31 : i64, tpu.core_type = #tpu.core_type<sc_vector_subcore>, window_params = [{transform_indices = #map}, {transform_indices = #map}, {transform_indices = #map}, {transform_indices = #map1}]} {
    %mul3A = arith.constant 16 : i32
    %mul3A_0 = arith.muli %arg0, %mul3A : i32
    %add3A = arith.addi %mul3A_0, %arg1 : i32
    %mul3A_1 = arith.constant 80 : i32
    %mul3A_2 = arith.muli %add3A, %mul3A_1 : i32
    %add3A_3 = arith.constant 0 : i32
    %add3A_4 = arith.addi %mul3A_2, %add3A_3 : i32
    %dma_start3A = arith.constant 0 : i32
    %dma_start3A_5 = tpu.memref_slice %arg3[%add3A_4, %dma_start3A] : memref<2560x128xi32, #tpu.memory_space<hbm>> -> memref<1x128xi32, #tpu.memory_space<hbm>>
    %dma_start3A_6 = tpu.memref_squeeze %dma_start3A_5 : memref<1x128xi32, #tpu.memory_space<hbm>> -> memref<128xi32, #tpu.memory_space<hbm>>
    %dma_start3A_7 = arith.constant 0 : i32
    %dma_start3A_8 = tpu.memref_slice %arg3[%add3A_4, %dma_start3A_7] : memref<2560x128xi32, #tpu.memory_space<hbm>> -> memref<1x128xi32, #tpu.memory_space<hbm>>
    %dma_start3A_9 = tpu.memref_squeeze %dma_start3A_8 : memref<1x128xi32, #tpu.memory_space<hbm>> -> memref<128xi32, #tpu.memory_space<hbm>>
    tpu.enqueue_dma source(%dma_start3A_9 : memref<128xi32, #tpu.memory_space<hbm>>) target(%arg6 : memref<128xi32, #tpu.memory_space<vmem>>) target_semaphore(%arg25 : memref<!tpu.dma_semaphore, #tpu.memory_space<semaphore_mem>>)
    %add3A_10 = arith.constant 0 : i32
    %add3A_11 = arith.addi %mul3A_2, %add3A_10 : i32
    %dma_start3A_12 = arith.constant 0 : i32
    %dma_start3A_13 = tpu.memref_slice %arg4[%add3A_11, %dma_start3A_12] : memref<2560x128xi32, #tpu.memory_space<hbm>> -> memref<1x128xi32, #tpu.memory_space<hbm>>
    %dma_start3A_14 = tpu.memref_squeeze %dma_start3A_13 : memref<1x128xi32, #tpu.memory_space<hbm>> -> memref<128xi32, #tpu.memory_space<hbm>>
    %dma_start3A_15 = arith.constant 0 : i32
    %dma_start3A_16 = tpu.memref_slice %arg4[%add3A_11, %dma_start3A_15] : memref<2560x128xi32, #tpu.memory_space<hbm>> -> memref<1x128xi32, #tpu.memory_space<hbm>>
    %dma_start3A_17 = tpu.memref_squeeze %dma_start3A_16 : memref<1x128xi32, #tpu.memory_space<hbm>> -> memref<128xi32, #tpu.memory_space<hbm>>
    tpu.enqueue_dma source(%dma_start3A_17 : memref<128xi32, #tpu.memory_space<hbm>>) target(%arg14 : memref<128xi32, #tpu.memory_space<vmem>>) target_semaphore(%arg25 : memref<!tpu.dma_semaphore, #tpu.memory_space<semaphore_mem>>)
    %add3A_18 = arith.constant 1 : i32
    %add3A_19 = arith.addi %mul3A_2, %add3A_18 : i32
    %dma_start3A_20 = arith.constant 0 : i32
    %dma_start3A_21 = tpu.memref_slice %arg3[%add3A_19, %dma_start3A_20] : memref<2560x128xi32, #tpu.memory_space<hbm>> -> memref<1x128xi32, #tpu.memory_space<hbm>>
    %dma_start3A_22 = tpu.memref_squeeze %dma_start3A_21 : memref<1x128xi32, #tpu.memory_space<hbm>> -> memref<128xi32, #tpu.memory_space<hbm>>
    %dma_start3A_23 = arith.constant 0 : i32
    %dma_start3A_24 = tpu.memref_slice %arg3[%add3A_19, %dma_start3A_23] : memref<2560x128xi32, #tpu.memory_space<hbm>> -> memref<1x128xi32, #tpu.memory_space<hbm>>
    %dma_start3A_25 = tpu.memref_squeeze %dma_start3A_24 : memref<1x128xi32, #tpu.memory_space<hbm>> -> memref<128xi32, #tpu.memory_space<hbm>>
    tpu.enqueue_dma source(%dma_start3A_25 : memref<128xi32, #tpu.memory_space<hbm>>) target(%arg7 : memref<128xi32, #tpu.memory_space<vmem>>) target_semaphore(%arg26 : memref<!tpu.dma_semaphore, #tpu.memory_space<semaphore_mem>>)
    %add3A_26 = arith.constant 1 : i32
    %add3A_27 = arith.addi %mul3A_2, %add3A_26 : i32
    %dma_start3A_28 = arith.constant 0 : i32
    %dma_start3A_29 = tpu.memref_slice %arg4[%add3A_27, %dma_start3A_28] : memref<2560x128xi32, #tpu.memory_space<hbm>> -> memref<1x128xi32, #tpu.memory_space<hbm>>
    %dma_start3A_30 = tpu.memref_squeeze %dma_start3A_29 : memref<1x128xi32, #tpu.memory_space<hbm>> -> memref<128xi32, #tpu.memory_space<hbm>>
    %dma_start3A_31 = arith.constant 0 : i32
    %dma_start3A_32 = tpu.memref_slice %arg4[%add3A_27, %dma_start3A_31] : memref<2560x128xi32, #tpu.memory_space<hbm>> -> memref<1x128xi32, #tpu.memory_space<hbm>>
    %dma_start3A_33 = tpu.memref_squeeze %dma_start3A_32 : memref<1x128xi32, #tpu.memory_space<hbm>> -> memref<128xi32, #tpu.memory_space<hbm>>
    tpu.enqueue_dma source(%dma_start3A_33 : memref<128xi32, #tpu.memory_space<hbm>>) target(%arg15 : memref<128xi32, #tpu.memory_space<vmem>>) target_semaphore(%arg26 : memref<!tpu.dma_semaphore, #tpu.memory_space<semaphore_mem>>)
    %scan3A = arith.constant 0 : i32
    %scan3A_34 = arith.constant 0 : i32
    %scan3A_35 = arith.constant 128 : i32
    %scan3A_36 = arith.addi %scan3A_34, %scan3A_35 : i32
    %scan3A_37 = arith.constant 1 : i32
    %scan3A_38 = scf.for %scan3A_143 = %scan3A_34 to %scan3A_36 step %scan3A_37 iter_args(%scan3A_144 = %scan3A) -> (i32)  : i32 {
      %broadcast_in_dim3A = arith.constant 0.000000e+00 : f32
      %broadcast_in_dim3A_145 = vector.broadcast %broadcast_in_dim3A : f32 to vector<16xf32>
      %swap3A = arith.index_cast %scan3A_143 : i32 to index
      %swap3A_146 = arith.constant 0 : index
      %swap3A_147 = tpu.vector_load %arg22[%swap3A, %swap3A_146] {strides = array<i32>} : memref<128x128xf32, #tpu.memory_space<vmem>>, vector<1x16xf32>,
      %swap3A_148 = vector.shape_cast %swap3A_147 : vector<1x16xf32> to vector<16xf32>
      %swap3A_149 = vector.shape_cast %broadcast_in_dim3A_145 : vector<16xf32> to vector<1x16xf32>
      tpu.vector_store %arg22[%swap3A, %swap3A_146], %swap3A_149 {strides = array<i32>} : memref<128x128xf32, #tpu.memory_space<vmem>>, vector<1x16xf32>,
      %broadcast_in_dim3A_150 = arith.constant 0.000000e+00 : f32
      %broadcast_in_dim3A_151 = vector.broadcast %broadcast_in_dim3A_150 : f32 to vector<16xf32>
      %swap3A_152 = arith.index_cast %scan3A_143 : i32 to index
      %swap3A_153 = arith.constant 16 : index
      %swap3A_154 = tpu.vector_load %arg22[%swap3A_152, %swap3A_153] {strides = array<i32>} : memref<128x128xf32, #tpu.memory_space<vmem>>, vector<1x16xf32>,
      %swap3A_155 = vector.shape_cast %swap3A_154 : vector<1x16xf32> to vector<16xf32>
      %swap3A_156 = vector.shape_cast %broadcast_in_dim3A_151 : vector<16xf32> to vector<1x16xf32>
      tpu.vector_store %arg22[%swap3A_152, %swap3A_153], %swap3A_156 {strides = array<i32>} : memref<128x128xf32, #tpu.memory_space<vmem>>, vector<1x16xf32>,
      %broadcast_in_dim3A_157 = arith.constant 0.000000e+00 : f32
      %broadcast_in_dim3A_158 = vector.broadcast %broadcast_in_dim3A_157 : f32 to vector<16xf32>
      %swap3A_159 = arith.index_cast %scan3A_143 : i32 to index
      %swap3A_160 = arith.constant 32 : index
      %swap3A_161 = tpu.vector_load %arg22[%swap3A_159, %swap3A_160] {strides = array<i32>} : memref<128x128xf32, #tpu.memory_space<vmem>>, vector<1x16xf32>,
      %swap3A_162 = vector.shape_cast %swap3A_161 : vector<1x16xf32> to vector<16xf32>
      %swap3A_163 = vector.shape_cast %broadcast_in_dim3A_158 : vector<16xf32> to vector<1x16xf32>
      tpu.vector_store %arg22[%swap3A_159, %swap3A_160], %swap3A_163 {strides = array<i32>} : memref<128x128xf32, #tpu.memory_space<vmem>>, vector<1x16xf32>,
      %broadcast_in_dim3A_164 = arith.constant 0.000000e+00 : f32
      %broadcast_in_dim3A_165 = vector.broadcast %broadcast_in_dim3A_164 : f32 to vector<16xf32>
      %swap3A_166 = arith.index_cast %scan3A_143 : i32 to index
      %swap3A_167 = arith.constant 48 : index
      %swap3A_168 = tpu.vector_load %arg22[%swap3A_166, %swap3A_167] {strides = array<i32>} : memref<128x128xf32, #tpu.memory_space<vmem>>, vector<1x16xf32>,
      %swap3A_169 = vector.shape_cast %swap3A_168 : vector<1x16xf32> to vector<16xf32>
      %swap3A_170 = vector.shape_cast %broadcast_in_dim3A_165 : vector<16xf32> to vector<1x16xf32>
      tpu.vector_store %arg22[%swap3A_166, %swap3A_167], %swap3A_170 {strides = array<i32>} : memref<128x128xf32, #tpu.memory_space<vmem>>, vector<1x16xf32>,
      %broadcast_in_dim3A_171 = arith.constant 0.000000e+00 : f32
      %broadcast_in_dim3A_172 = vector.broadcast %broadcast_in_dim3A_171 : f32 to vector<16xf32>
      %swap3A_173 = arith.index_cast %scan3A_143 : i32 to index
      %swap3A_174 = arith.constant 64 : index
      %swap3A_175 = tpu.vector_load %arg22[%swap3A_173, %swap3A_174] {strides = array<i32>} : memref<128x128xf32, #tpu.memory_space<vmem>>, vector<1x16xf32>,
      %swap3A_176 = vector.shape_cast %swap3A_175 : vector<1x16xf32> to vector<16xf32>
      %swap3A_177 = vector.shape_cast %broadcast_in_dim3A_172 : vector<16xf32> to vector<1x16xf32>
      tpu.vector_store %arg22[%swap3A_173, %swap3A_174], %swap3A_177 {strides = array<i32>} : memref<128x128xf32, #tpu.memory_space<vmem>>, vector<1x16xf32>,
      %broadcast_in_dim3A_178 = arith.constant 0.000000e+00 : f32
      %broadcast_in_dim3A_179 = vector.broadcast %broadcast_in_dim3A_178 : f32 to vector<16xf32>
      %swap3A_180 = arith.index_cast %scan3A_143 : i32 to index
      %swap3A_181 = arith.constant 80 : index
      %swap3A_182 = tpu.vector_load %arg22[%swap3A_180, %swap3A_181] {strides = array<i32>} : memref<128x128xf32, #tpu.memory_space<vmem>>, vector<1x16xf32>,
      %swap3A_183 = vector.shape_cast %swap3A_182 : vector<1x16xf32> to vector<16xf32>
      %swap3A_184 = vector.shape_cast %broadcast_in_dim3A_179 : vector<16xf32> to vector<1x16xf32>
      tpu.vector_store %arg22[%swap3A_180, %swap3A_181], %swap3A_184 {strides = array<i32>} : memref<128x128xf32, #tpu.memory_space<vmem>>, vector<1x16xf32>,
      %broadcast_in_dim3A_185 = arith.constant 0.000000e+00 : f32
      %broadcast_in_dim3A_186 = vector.broadcast %broadcast_in_dim3A_185 : f32 to vector<16xf32>
      %swap3A_187 = arith.index_cast %scan3A_143 : i32 to index
      %swap3A_188 = arith.constant 96 : index
      %swap3A_189 = tpu.vector_load %arg22[%swap3A_187, %swap3A_188] {strides = array<i32>} : memref<128x128xf32, #tpu.memory_space<vmem>>, vector<1x16xf32>,
      %swap3A_190 = vector.shape_cast %swap3A_189 : vector<1x16xf32> to vector<16xf32>
      %swap3A_191 = vector.shape_cast %broadcast_in_dim3A_186 : vector<16xf32> to vector<1x16xf32>
      tpu.vector_store %arg22[%swap3A_187, %swap3A_188], %swap3A_191 {strides = array<i32>} : memref<128x128xf32, #tpu.memory_space<vmem>>, vector<1x16xf32>,
      %broadcast_in_dim3A_192 = arith.constant 0.000000e+00 : f32
      %broadcast_in_dim3A_193 = vector.broadcast %broadcast_in_dim3A_192 : f32 to vector<16xf32>
      %swap3A_194 = arith.index_cast %scan3A_143 : i32 to index
      %swap3A_195 = arith.constant 112 : index
      %swap3A_196 = tpu.vector_load %arg22[%swap3A_194, %swap3A_195] {strides = array<i32>} : memref<128x128xf32, #tpu.memory_space<vmem>>, vector<1x16xf32>,
      %swap3A_197 = vector.shape_cast %swap3A_196 : vector<1x16xf32> to vector<16xf32>
      %swap3A_198 = vector.shape_cast %broadcast_in_dim3A_193 : vector<16xf32> to vector<1x16xf32>
      tpu.vector_store %arg22[%swap3A_194, %swap3A_195], %swap3A_198 {strides = array<i32>} : memref<128x128xf32, #tpu.memory_space<vmem>>, vector<1x16xf32>,
      %scan3A_199 = arith.constant 0 : i32
      scf.yield %scan3A_199 : i32
    }
    %scan3A_39 = arith.constant 128 : i32
    %mul3A_40 = arith.constant 640 : i32
    %mul3A_41 = arith.muli %arg1, %mul3A_40 : i32
    %add3A_42 = arith.constant 0 : i32
    %add3A_43 = arith.addi %mul3A_41, %add3A_42 : i32
    %dma_start3A_44 = arith.constant 0 : i32
    %dma_start3A_45 = tpu.memref_slice %arg24[%add3A_43, %dma_start3A_44] : memref<10240x128xf32, #tpu.memory_space<vmem_shared>> -> memref<128x128xf32, #tpu.memory_space<vmem_shared>>
    %dma_start3A_46 = arith.constant 0 : i32
    %dma_start3A_47 = tpu.memref_slice %arg24[%add3A_43, %dma_start3A_46] : memref<10240x128xf32, #tpu.memory_space<vmem_shared>> -> memref<128x128xf32, #tpu.memory_space<vmem_shared>>
    tpu.enqueue_dma source(%arg22 : memref<128x128xf32, #tpu.memory_space<vmem>>) target(%dma_start3A_47 : memref<128x128xf32, #tpu.memory_space<vmem_shared>>) target_semaphore(%arg35 : memref<!tpu.dma_semaphore, #tpu.memory_space<semaphore_mem>>)
    %mul3A_48 = arith.constant 640 : i32
    %mul3A_49 = arith.muli %arg1, %mul3A_48 : i32
    %add3A_50 = arith.constant 128 : i32
    %add3A_51 = arith.addi %mul3A_49, %add3A_50 : i32
    %dma_start3A_52 = arith.constant 0 : i32
    %dma_start3A_53 = tpu.memref_slice %arg24[%add3A_51, %dma_start3A_52] : memref<10240x128xf32, #tpu.memory_space<vmem_shared>> -> memref<128x128xf32, #tpu.memory_space<vmem_shared>>
    %dma_start3A_54 = arith.constant 0 : i32
    %dma_start3A_55 = tpu.memref_slice %arg24[%add3A_51, %dma_start3A_54] : memref<10240x128xf32, #tpu.memory_space<vmem_shared>> -> memref<128x128xf32, #tpu.memory_space<vmem_shared>>
    tpu.enqueue_dma source(%arg22 : memref<128x128xf32, #tpu.memory_space<vmem>>) target(%dma_start3A_55 : memref<128x128xf32, #tpu.memory_space<vmem_shared>>) target_semaphore(%arg35 : memref<!tpu.dma_semaphore, #tpu.memory_space<semaphore_mem>>)
    %mul3A_56 = arith.constant 640 : i32
    %mul3A_57 = arith.muli %arg1, %mul3A_56 : i32
    %add3A_58 = arith.constant 256 : i32
    %add3A_59 = arith.addi %mul3A_57, %add3A_58 : i32
    %dma_start3A_60 = arith.constant 0 : i32
    %dma_start3A_61 = tpu.memref_slice %arg24[%add3A_59, %dma_start3A_60] : memref<10240x128xf32, #tpu.memory_space<vmem_shared>> -> memref<128x128xf32, #tpu.memory_space<vmem_shared>>
    %dma_start3A_62 = arith.constant 0 : i32
    %dma_start3A_63 = tpu.memref_slice %arg24[%add3A_59, %dma_start3A_62] : memref<10240x128xf32, #tpu.memory_space<vmem_shared>> -> memref<128x128xf32, #tpu.memory_space<vmem_shared>>
    tpu.enqueue_dma source(%arg22 : memref<128x128xf32, #tpu.memory_space<vmem>>) target(%dma_start3A_63 : memref<128x128xf32, #tpu.memory_space<vmem_shared>>) target_semaphore(%arg35 : memref<!tpu.dma_semaphore, #tpu.memory_space<semaphore_mem>>)
    %mul3A_64 = arith.constant 640 : i32
    %mul3A_65 = arith.muli %arg1, %mul3A_64 : i32
    %add3A_66 = arith.constant 384 : i32
    %add3A_67 = arith.addi %mul3A_65, %add3A_66 : i32
    %dma_start3A_68 = arith.constant 0 : i32
    %dma_start3A_69 = tpu.memref_slice %arg24[%add3A_67, %dma_start3A_68] : memref<10240x128xf32, #tpu.memory_space<vmem_shared>> -> memref<128x128xf32, #tpu.memory_space<vmem_shared>>
    %dma_start3A_70 = arith.constant 0 : i32
    %dma_start3A_71 = tpu.memref_slice %arg24[%add3A_67, %dma_start3A_70] : memref<10240x128xf32, #tpu.memory_space<vmem_shared>> -> memref<128x128xf32, #tpu.memory_space<vmem_shared>>
    tpu.enqueue_dma source(%arg22 : memref<128x128xf32, #tpu.memory_space<vmem>>) target(%dma_start3A_71 : memref<128x128xf32, #tpu.memory_space<vmem_shared>>) target_semaphore(%arg35 : memref<!tpu.dma_semaphore, #tpu.memory_space<semaphore_mem>>)
    %mul3A_72 = arith.constant 640 : i32
    %mul3A_73 = arith.muli %arg1, %mul3A_72 : i32
    %add3A_74 = arith.constant 512 : i32
    %add3A_75 = arith.addi %mul3A_73, %add3A_74 : i32
    %dma_start3A_76 = arith.constant 0 : i32
    %dma_start3A_77 = tpu.memref_slice %arg24[%add3A_75, %dma_start3A_76] : memref<10240x128xf32, #tpu.memory_space<vmem_shared>> -> memref<128x128xf32, #tpu.memory_space<vmem_shared>>
    %dma_start3A_78 = arith.constant 0 : i32
    %dma_start3A_79 = tpu.memref_slice %arg24[%add3A_75, %dma_start3A_78] : memref<10240x128xf32, #tpu.memory_space<vmem_shared>> -> memref<128x128xf32, #tpu.memory_space<vmem_shared>>
    tpu.enqueue_dma source(%arg22 : memref<128x128xf32, #tpu.memory_space<vmem>>) target(%dma_start3A_79 : memref<128x128xf32, #tpu.memory_space<vmem_shared>>) target_semaphore(%arg35 : memref<!tpu.dma_semaphore, #tpu.memory_space<semaphore_mem>>)
    %mul3A_80 = arith.constant 640 : i32
    %mul3A_81 = arith.muli %arg1, %mul3A_80 : i32
    %add3A_82 = arith.constant 0 : i32
    %add3A_83 = arith.addi %mul3A_81, %add3A_82 : i32
    %dma_wait3A = arith.constant 0 : i32
    %dma_wait3A_84 = tpu.memref_slice %arg24[%add3A_83, %dma_wait3A] : memref<10240x128xf32, #tpu.memory_space<vmem_shared>> -> memref<128x128xf32, #tpu.memory_space<vmem_shared>>
    %dma_wait3A_85 = arith.constant 0 : i32
    %dma_wait3A_86 = tpu.memref_slice %arg24[%add3A_83, %dma_wait3A_85] : memref<10240x128xf32, #tpu.memory_space<vmem_shared>> -> memref<128x128xf32, #tpu.memory_space<vmem_shared>>
    tpu.wait_dma2 semaphore(%arg35 : memref<!tpu.dma_semaphore, #tpu.memory_space<semaphore_mem>>) src(%arg22 : memref<128x128xf32, #tpu.memory_space<vmem>>) dst(%dma_wait3A_86 : memref<128x128xf32, #tpu.memory_space<vmem_shared>>)
    %mul3A_87 = arith.constant 640 : i32
    %mul3A_88 = arith.muli %arg1, %mul3A_87 : i32
    %add3A_89 = arith.constant 128 : i32
    %add3A_90 = arith.addi %mul3A_88, %add3A_89 : i32
    %dma_wait3A_91 = arith.constant 0 : i32
    %dma_wait3A_92 = tpu.memref_slice %arg24[%add3A_90, %dma_wait3A_91] : memref<10240x128xf32, #tpu.memory_space<vmem_shared>> -> memref<128x128xf32, #tpu.memory_space<vmem_shared>>
    %dma_wait3A_93 = arith.constant 0 : i32
    %dma_wait3A_94 = tpu.memref_slice %arg24[%add3A_90, %dma_wait3A_93] : memref<10240x128xf32, #tpu.memory_space<vmem_shared>> -> memref<128x128xf32, #tpu.memory_space<vmem_shared>>
    tpu.wait_dma2 semaphore(%arg35 : memref<!tpu.dma_semaphore, #tpu.memory_space<semaphore_mem>>) src(%arg22 : memref<128x128xf32, #tpu.memory_space<vmem>>) dst(%dma_wait3A_94 : memref<128x128xf32, #tpu.memory_space<vmem_shared>>)
    %mul3A_95 = arith.constant 640 : i32
    %mul3A_96 = arith.muli %arg1, %mul3A_95 : i32
    %add3A_97 = arith.constant 256 : i32
    %add3A_98 = arith.addi %mul3A_96, %add3A_97 : i32
    %dma_wait3A_99 = arith.constant 0 : i32
    %dma_wait3A_100 = tpu.memref_slice %arg24[%add3A_98, %dma_wait3A_99] : memref<10240x128xf32, #tpu.memory_space<vmem_shared>> -> memref<128x128xf32, #tpu.memory_space<vmem_shared>>
    %dma_wait3A_101 = arith.constant 0 : i32
    %dma_wait3A_102 = tpu.memref_slice %arg24[%add3A_98, %dma_wait3A_101] : memref<10240x128xf32, #tpu.memory_space<vmem_shared>> -> memref<128x128xf32, #tpu.memory_space<vmem_shared>>
    tpu.wait_dma2 semaphore(%arg35 : memref<!tpu.dma_semaphore, #tpu.memory_space<semaphore_mem>>) src(%arg22 : memref<128x128xf32, #tpu.memory_space<vmem>>) dst(%dma_wait3A_102 : memref<128x128xf32, #tpu.memory_space<vmem_shared>>)
    %mul3A_103 = arith.constant 640 : i32
    %mul3A_104 = arith.muli %arg1, %mul3A_103 : i32
    %add3A_105 = arith.constant 384 : i32
    %add3A_106 = arith.addi %mul3A_104, %add3A_105 : i32
    %dma_wait3A_107 = arith.constant 0 : i32
    %dma_wait3A_108 = tpu.memref_slice %arg24[%add3A_106, %dma_wait3A_107] : memref<10240x128xf32, #tpu.memory_space<vmem_shared>> -> memref<128x128xf32, #tpu.memory_space<vmem_shared>>
    %dma_wait3A_109 = arith.constant 0 : i32
    %dma_wait3A_110 = tpu.memref_slice %arg24[%add3A_106, %dma_wait3A_109] : memref<10240x128xf32, #tpu.memory_space<vmem_shared>> -> memref<128x128xf32, #tpu.memory_space<vmem_shared>>
    tpu.wait_dma2 semaphore(%arg35 : memref<!tpu.dma_semaphore, #tpu.memory_space<semaphore_mem>>) src(%arg22 : memref<128x128xf32, #tpu.memory_space<vmem>>) dst(%dma_wait3A_110 : memref<128x128xf32, #tpu.memory_space<vmem_shared>>)
    %mul3A_111 = arith.constant 640 : i32
    %mul3A_112 = arith.muli %arg1, %mul3A_111 : i32
    %add3A_113 = arith.constant 512 : i32
    %add3A_114 = arith.addi %mul3A_112, %add3A_113 : i32
    %dma_wait3A_115 = arith.constant 0 : i32
    %dma_wait3A_116 = tpu.memref_slice %arg24[%add3A_114, %dma_wait3A_115] : memref<10240x128xf32, #tpu.memory_space<vmem_shared>> -> memref<128x128xf32, #tpu.memory_space<vmem_shared>>
    %dma_wait3A_117 = arith.constant 0 : i32
    %dma_wait3A_118 = tpu.memref_slice %arg24[%add3A_114, %dma_wait3A_117] : memref<10240x128xf32, #tpu.memory_space<vmem_shared>> -> memref<128x128xf32, #tpu.memory_space<vmem_shared>>
    tpu.wait_dma2 semaphore(%arg35 : memref<!tpu.dma_semaphore, #tpu.memory_space<semaphore_mem>>) src(%arg22 : memref<128x128xf32, #tpu.memory_space<vmem>>) dst(%dma_wait3A_118 : memref<128x128xf32, #tpu.memory_space<vmem_shared>>)
    %barrier3A = arith.constant 0 : index
    tpu.barrier barrier_id(%barrier3A)
    %scan3A_119 = arith.constant 0 : i32
    %scan3A_120 = arith.constant 0 : i32
    %scan3A_121 = arith.constant 10 : i32
    %scan3A_122 = arith.addi %scan3A_120, %scan3A_121 : i32
    %scan3A_123 = arith.constant 1 : i32
    %scan3A_124 = scf.for %scan3A_143 = %scan3A_120 to %scan3A_122 step %scan3A_123 iter_args(%scan3A_144 = %scan3A_119) -> (i32)  : i32 {
      %mul3A_145 = arith.constant 8 : i32
      %mul3A_146 = arith.muli %mul3A_145, %scan3A_143 : i32
      %add3A_147 = arith.constant 0 : i32
      %add3A_148 = arith.addi %mul3A_146, %add3A_147 : i32
      %ge3A = arith.constant 1 : i32
      %ge3A_149 = arith.cmpi sge, %scan3A_143, %ge3A : i32
      %convert_element_type3A = arith.extui %ge3A_149 : i1 to i32
      %cond3A = arith.constant 0 : i32
      %cond3A_150 = arith.cmpi ne, %convert_element_type3A, %cond3A : i32
      scf.if %cond3A_150 {
        %dma_wait3A_475 = arith.constant 0 : i32
        %dma_wait3A_476 = arith.constant 0 : i32
        %dma_wait3A_477 = tpu.memref_slice %arg24[%dma_wait3A_475, %dma_wait3A_476] : memref<10240x128xf32, #tpu.memory_space<vmem_shared>> -> memref<10240x128xf32, #tpu.memory_space<vmem_shared>>
        tpu.wait_indirect_dma semaphore(%arg35 : memref<!tpu.dma_semaphore, #tpu.memory_space<semaphore_mem>>) src(%arg22 : memref<128x128xf32, #tpu.memory_space<vmem>>) dst(%dma_wait3A_477 : memref<10240x128xf32, #tpu.memory_space<vmem_shared>>)
      } else {
      }
      %add3A_151 = arith.constant 2 : i32
      %add3A_152 = arith.addi %add3A_148, %add3A_151 : i32
      %add3A_153 = arith.addi %mul3A_2, %add3A_152 : i32
      %dma_start3A_154 = arith.constant 0 : i32
      %dma_start3A_155 = tpu.memref_slice %arg3[%add3A_153, %dma_start3A_154] : memref<2560x128xi32, #tpu.memory_space<hbm>> -> memref<1x128xi32, #tpu.memory_space<hbm>>
      %dma_start3A_156 = tpu.memref_squeeze %dma_start3A_155 : memref<1x128xi32, #tpu.memory_space<hbm>> -> memref<128xi32, #tpu.memory_space<hbm>>
      %dma_start3A_157 = arith.constant 0 : i32
      %dma_start3A_158 = tpu.memref_slice %arg3[%add3A_153, %dma_start3A_157] : memref<2560x128xi32, #tpu.memory_space<hbm>> -> memref<1x128xi32, #tpu.memory_space<hbm>>
      %dma_start3A_159 = tpu.memref_squeeze %dma_start3A_158 : memref<1x128xi32, #tpu.memory_space<hbm>> -> memref<128xi32, #tpu.memory_space<hbm>>
      tpu.enqueue_dma source(%dma_start3A_159 : memref<128xi32, #tpu.memory_space<hbm>>) target(%arg8 : memref<128xi32, #tpu.memory_space<vmem>>) target_semaphore(%arg27 : memref<!tpu.dma_semaphore, #tpu.memory_space<semaphore_mem>>)
      %add3A_160 = arith.addi %mul3A_2, %add3A_152 : i32
      %dma_start3A_161 = arith.constant 0 : i32
      %dma_start3A_162 = tpu.memref_slice %arg4[%add3A_160, %dma_start3A_161] : memref<2560x128xi32, #tpu.memory_space<hbm>> -> memref<1x128xi32, #tpu.memory_space<hbm>>
      %dma_start3A_163 = tpu.memref_squeeze %dma_start3A_162 : memref<1x128xi32, #tpu.memory_space<hbm>> -> memref<128xi32, #tpu.memory_space<hbm>>
      %dma_start3A_164 = arith.constant 0 : i32
      %dma_start3A_165 = tpu.memref_slice %arg4[%add3A_160, %dma_start3A_164] : memref<2560x128xi32, #tpu.memory_space<hbm>> -> memref<1x128xi32, #tpu.memory_space<hbm>>
      %dma_start3A_166 = tpu.memref_squeeze %dma_start3A_165 : memref<1x128xi32, #tpu.memory_space<hbm>> -> memref<128xi32, #tpu.memory_space<hbm>>
      tpu.enqueue_dma source(%dma_start3A_166 : memref<128xi32, #tpu.memory_space<hbm>>) target(%arg16 : memref<128xi32, #tpu.memory_space<vmem>>) target_semaphore(%arg27 : memref<!tpu.dma_semaphore, #tpu.memory_space<semaphore_mem>>)
      %dma_wait3A_167 = arith.constant 0 : i32
      %dma_wait3A_168 = tpu.memref_slice %arg3[%mul3A_2, %dma_wait3A_167] : memref<2560x128xi32, #tpu.memory_space<hbm>> -> memref<1x128xi32, #tpu.memory_space<hbm>>
      %dma_wait3A_169 = tpu.memref_squeeze %dma_wait3A_168 : memref<1x128xi32, #tpu.memory_space<hbm>> -> memref<128xi32, #tpu.memory_space<hbm>>
      %dma_wait3A_170 = arith.constant 0 : i32
      %dma_wait3A_171 = tpu.memref_slice %arg3[%mul3A_2, %dma_wait3A_170] : memref<2560x128xi32, #tpu.memory_space<hbm>> -> memref<1x128xi32, #tpu.memory_space<hbm>>
      %dma_wait3A_172 = tpu.memref_squeeze %dma_wait3A_171 : memref<1x128xi32, #tpu.memory_space<hbm>> -> memref<128xi32, #tpu.memory_space<hbm>>
      tpu.wait_dma2 semaphore(%arg25 : memref<!tpu.dma_semaphore, #tpu.memory_space<semaphore_mem>>) src(%dma_wait3A_172 : memref<128xi32, #tpu.memory_space<hbm>>) dst(%arg6 : memref<128xi32, #tpu.memory_space<vmem>>)
      %dma_wait3A_173 = arith.constant 0 : i32
      %dma_wait3A_174 = tpu.memref_slice %arg4[%mul3A_2, %dma_wait3A_173] : memref<2560x128xi32, #tpu.memory_space<hbm>> -> memref<1x128xi32, #tpu.memory_space<hbm>>
      %dma_wait3A_175 = tpu.memref_squeeze %dma_wait3A_174 : memref<1x128xi32, #tpu.memory_space<hbm>> -> memref<128xi32, #tpu.memory_space<hbm>>
      %dma_wait3A_176 = arith.constant 0 : i32
      %dma_wait3A_177 = tpu.memref_slice %arg4[%mul3A_2, %dma_wait3A_176] : memref<2560x128xi32, #tpu.memory_space<hbm>> -> memref<1x128xi32, #tpu.memory_space<hbm>>
      %dma_wait3A_178 = tpu.memref_squeeze %dma_wait3A_177 : memref<1x128xi32, #tpu.memory_space<hbm>> -> memref<128xi32, #tpu.memory_space<hbm>>
      tpu.wait_dma2 semaphore(%arg25 : memref<!tpu.dma_semaphore, #tpu.memory_space<semaphore_mem>>) src(%dma_wait3A_178 : memref<128xi32, #tpu.memory_space<hbm>>) dst(%arg14 : memref<128xi32, #tpu.memory_space<vmem>>)
      %dma_start3A_179 = arith.constant 0 : i32
      %dma_start3A_180 = arith.constant 0 : i32
      %dma_start3A_181 = tpu.memref_slice %arg2[%dma_start3A_179, %dma_start3A_180] : memref<10240x128xf32, #tpu.memory_space<hbm>> -> memref<10240x128xf32, #tpu.memory_space<hbm>>
      tpu.enqueue_indirect_dma source(%dma_start3A_181 : memref<10240x128xf32, #tpu.memory_space<hbm>>) target(%arg22 : memref<128x128xf32, #tpu.memory_space<vmem>>) offsets(%arg6 : memref<128xi32, #tpu.memory_space<vmem>>) semaphore(%arg33 : memref<!tpu.dma_semaphore, #tpu.memory_space<semaphore_mem>>)
      %ge3A_182 = arith.constant 1 : i32
      %ge3A_183 = arith.cmpi sge, %scan3A_143, %ge3A_182 : i32
      %convert_element_type3A_184 = arith.extui %ge3A_183 : i1 to i32
      %cond3A_185 = arith.constant 0 : i32
      %cond3A_186 = arith.cmpi ne, %convert_element_type3A_184, %cond3A_185 : i32
      scf.if %cond3A_186 {
        %dma_wait3A_475 = arith.constant 0 : i32
        %dma_wait3A_476 = arith.constant 0 : i32
        %dma_wait3A_477 = tpu.memref_slice %arg2[%dma_wait3A_475, %dma_wait3A_476] : memref<10240x128xf32, #tpu.memory_space<hbm>> -> memref<10240x128xf32, #tpu.memory_space<hbm>>
        tpu.wait_indirect_dma semaphore(%arg34 : memref<!tpu.dma_semaphore, #tpu.memory_space<semaphore_mem>>) src(%dma_wait3A_477 : memref<10240x128xf32, #tpu.memory_space<hbm>>) dst(%arg23 : memref<128x128xf32, #tpu.memory_space<vmem>>)
        %dma_start3A_478 = arith.constant 0 : i32
        %dma_start3A_479 = arith.constant 0 : i32
        %dma_start3A_480 = tpu.memref_slice %arg24[%dma_start3A_478, %dma_start3A_479] : memref<10240x128xf32, #tpu.memory_space<vmem_shared>> -> memref<10240x128xf32, #tpu.memory_space<vmem_shared>>
        tpu.enqueue_indirect_dma source(%arg23 : memref<128x128xf32, #tpu.memory_space<vmem>>) target(%dma_start3A_480 : memref<10240x128xf32, #tpu.memory_space<vmem_shared>>) offsets(%arg21 : memref<128xi32, #tpu.memory_space<vmem>>) semaphore(%arg36 : memref<!tpu.dma_semaphore, #tpu.memory_space<semaphore_mem>>) {add = true}
      } else {
      }
      %mul3A_187 = arith.constant 8 : i32
      %mul3A_188 = arith.muli %mul3A_187, %scan3A_143 : i32
      %add3A_189 = arith.constant 1 : i32
      %add3A_190 = arith.addi %mul3A_188, %add3A_189 : i32
      %ge3A_191 = arith.constant 1 : i32
      %ge3A_192 = arith.cmpi sge, %scan3A_143, %ge3A_191 : i32
      %convert_element_type3A_193 = arith.extui %ge3A_192 : i1 to i32
      %cond3A_194 = arith.constant 0 : i32
      %cond3A_195 = arith.cmpi ne, %convert_element_type3A_193, %cond3A_194 : i32
      scf.if %cond3A_195 {
        %dma_wait3A_475 = arith.constant 0 : i32
        %dma_wait3A_476 = arith.constant 0 : i32
        %dma_wait3A_477 = tpu.memref_slice %arg24[%dma_wait3A_475, %dma_wait3A_476] : memref<10240x128xf32, #tpu.memory_space<vmem_shared>> -> memref<10240x128xf32, #tpu.memory_space<vmem_shared>>
        tpu.wait_indirect_dma semaphore(%arg36 : memref<!tpu.dma_semaphore, #tpu.memory_space<semaphore_mem>>) src(%arg22 : memref<128x128xf32, #tpu.memory_space<vmem>>) dst(%dma_wait3A_477 : memref<10240x128xf32, #tpu.memory_space<vmem_shared>>)
      } else {
      }
      %add3A_196 = arith.constant 2 : i32
      %add3A_197 = arith.addi %add3A_190, %add3A_196 : i32
      %add3A_198 = arith.addi %mul3A_2, %add3A_197 : i32
      %dma_start3A_199 = arith.constant 0 : i32
      %dma_start3A_200 = tpu.memref_slice %arg3[%add3A_198, %dma_start3A_199] : memref<2560x128xi32, #tpu.memory_space<hbm>> -> memref<1x128xi32, #tpu.memory_space<hbm>>
      %dma_start3A_201 = tpu.memref_squeeze %dma_start3A_200 : memref<1x128xi32, #tpu.memory_space<hbm>> -> memref<128xi32, #tpu.memory_space<hbm>>
      %dma_start3A_202 = arith.constant 0 : i32
      %dma_start3A_203 = tpu.memref_slice %arg3[%add3A_198, %dma_start3A_202] : memref<2560x128xi32, #tpu.memory_space<hbm>> -> memref<1x128xi32, #tpu.memory_space<hbm>>
      %dma_start3A_204 = tpu.memref_squeeze %dma_start3A_203 : memref<1x128xi32, #tpu.memory_space<hbm>> -> memref<128xi32, #tpu.memory_space<hbm>>
      tpu.enqueue_dma source(%dma_start3A_204 : memref<128xi32, #tpu.memory_space<hbm>>) target(%arg9 : memref<128xi32, #tpu.memory_space<vmem>>) target_semaphore(%arg28 : memref<!tpu.dma_semaphore, #tpu.memory_space<semaphore_mem>>)
      %add3A_205 = arith.addi %mul3A_2, %add3A_197 : i32
      %dma_start3A_206 = arith.constant 0 : i32
      %dma_start3A_207 = tpu.memref_slice %arg4[%add3A_205, %dma_start3A_206] : memref<2560x128xi32, #tpu.memory_space<hbm>> -> memref<1x128xi32, #tpu.memory_space<hbm>>
      %dma_start3A_208 = tpu.memref_squeeze %dma_start3A_207 : memref<1x128xi32, #tpu.memory_space<hbm>> -> memref<128xi32, #tpu.memory_space<hbm>>
      %dma_start3A_209 = arith.constant 0 : i32
      %dma_start3A_210 = tpu.memref_slice %arg4[%add3A_205, %dma_start3A_209] : memref<2560x128xi32, #tpu.memory_space<hbm>> -> memref<1x128xi32, #tpu.memory_space<hbm>>
      %dma_start3A_211 = tpu.memref_squeeze %dma_start3A_210 : memref<1x128xi32, #tpu.memory_space<hbm>> -> memref<128xi32, #tpu.memory_space<hbm>>
      tpu.enqueue_dma source(%dma_start3A_211 : memref<128xi32, #tpu.memory_space<hbm>>) target(%arg17 : memref<128xi32, #tpu.memory_space<vmem>>) target_semaphore(%arg28 : memref<!tpu.dma_semaphore, #tpu.memory_space<semaphore_mem>>)
      %dma_wait3A_212 = arith.constant 0 : i32
      %dma_wait3A_213 = tpu.memref_slice %arg3[%mul3A_2, %dma_wait3A_212] : memref<2560x128xi32, #tpu.memory_space<hbm>> -> memref<1x128xi32, #tpu.memory_space<hbm>>
      %dma_wait3A_214 = tpu.memref_squeeze %dma_wait3A_213 : memref<1x128xi32, #tpu.memory_space<hbm>> -> memref<128xi32, #tpu.memory_space<hbm>>
      %dma_wait3A_215 = arith.constant 0 : i32
      %dma_wait3A_216 = tpu.memref_slice %arg3[%mul3A_2, %dma_wait3A_215] : memref<2560x128xi32, #tpu.memory_space<hbm>> -> memref<1x128xi32, #tpu.memory_space<hbm>>
      %dma_wait3A_217 = tpu.memref_squeeze %dma_wait3A_216 : memref<1x128xi32, #tpu.memory_space<hbm>> -> memref<128xi32, #tpu.memory_space<hbm>>
      tpu.wait_dma2 semaphore(%arg26 : memref<!tpu.dma_semaphore, #tpu.memory_space<semaphore_mem>>) src(%dma_wait3A_217 : memref<128xi32, #tpu.memory_space<hbm>>) dst(%arg7 : memref<128xi32, #tpu.memory_space<vmem>>)
      %dma_wait3A_218 = arith.constant 0 : i32
      %dma_wait3A_219 = tpu.memref_slice %arg4[%mul3A_2, %dma_wait3A_218] : memref<2560x128xi32, #tpu.memory_space<hbm>> -> memref<1x128xi32, #tpu.memory_space<hbm>>
      %dma_wait3A_220 = tpu.memref_squeeze %dma_wait3A_219 : memref<1x128xi32, #tpu.memory_space<hbm>> -> memref<128xi32, #tpu.memory_space<hbm>>
      %dma_wait3A_221 = arith.constant 0 : i32
      %dma_wait3A_222 = tpu.memref_slice %arg4[%mul3A_2, %dma_wait3A_221] : memref<2560x128xi32, #tpu.memory_space<hbm>> -> memref<1x128xi32, #tpu.memory_space<hbm>>
      %dma_wait3A_223 = tpu.memref_squeeze %dma_wait3A_222 : memref<1x128xi32, #tpu.memory_space<hbm>> -> memref<128xi32, #tpu.memory_space<hbm>>
      tpu.wait_dma2 semaphore(%arg26 : memref<!tpu.dma_semaphore, #tpu.memory_space<semaphore_mem>>) src(%dma_wait3A_223 : memref<128xi32, #tpu.memory_space<hbm>>) dst(%arg15 : memref<128xi32, #tpu.memory_space<vmem>>)
      %dma_start3A_224 = arith.constant 0 : i32
      %dma_start3A_225 = arith.constant 0 : i32
      %dma_start3A_226 = tpu.memref_slice %arg2[%dma_start3A_224, %dma_start3A_225] : memref<10240x128xf32, #tpu.memory_space<hbm>> -> memref<10240x128xf32, #tpu.memory_space<hbm>>
      tpu.enqueue_indirect_dma source(%dma_start3A_226 : memref<10240x128xf32, #tpu.memory_space<hbm>>) target(%arg23 : memref<128x128xf32, #tpu.memory_space<vmem>>) offsets(%arg7 : memref<128xi32, #tpu.memory_space<vmem>>) semaphore(%arg34 : memref<!tpu.dma_semaphore, #tpu.memory_space<semaphore_mem>>)
      %dma_wait3A_227 = arith.constant 0 : i32
      %dma_wait3A_228 = arith.constant 0 : i32
      %dma_wait3A_229 = tpu.memref_slice %arg2[%dma_wait3A_227, %dma_wait3A_228] : memref<10240x128xf32, #tpu.memory_space<hbm>> -> memref<10240x128xf32, #tpu.memory_space<hbm>>
      tpu.wait_indirect_dma semaphore(%arg33 : memref<!tpu.dma_semaphore, #tpu.memory_space<semaphore_mem>>) src(%dma_wait3A_229 : memref<10240x128xf32, #tpu.memory_space<hbm>>) dst(%arg22 : memref<128x128xf32, #tpu.memory_space<vmem>>)
      %dma_start3A_230 = arith.constant 0 : i32
      %dma_start3A_231 = arith.constant 0 : i32
      %dma_start3A_232 = tpu.memref_slice %arg24[%dma_start3A_230, %dma_start3A_231] : memref<10240x128xf32, #tpu.memory_space<vmem_shared>> -> memref<10240x128xf32, #tpu.memory_space<vmem_shared>>
      tpu.enqueue_indirect_dma source(%arg22 : memref<128x128xf32, #tpu.memory_space<vmem>>) target(%dma_start3A_232 : memref<10240x128xf32, #tpu.memory_space<vmem_shared>>) offsets(%arg14 : memref<128xi32, #tpu.memory_space<vmem>>) semaphore(%arg35 : memref<!tpu.dma_semaphore, #tpu.memory_space<semaphore_mem>>) {add = true}
      %mul3A_233 = arith.constant 8 : i32
      %mul3A_234 = arith.muli %mul3A_233, %scan3A_143 : i32
      %add3A_235 = arith.constant 2 : i32
      %add3A_236 = arith.addi %mul3A_234, %add3A_235 : i32
      %dma_wait3A_237 = arith.constant 0 : i32
      %dma_wait3A_238 = arith.constant 0 : i32
      %dma_wait3A_239 = tpu.memref_slice %arg24[%dma_wait3A_237, %dma_wait3A_238] : memref<10240x128xf32, #tpu.memory_space<vmem_shared>> -> memref<10240x128xf32, #tpu.memory_space<vmem_shared>>
      tpu.wait_indirect_dma semaphore(%arg35 : memref<!tpu.dma_semaphore, #tpu.memory_space<semaphore_mem>>) src(%arg22 : memref<128x128xf32, #tpu.memory_space<vmem>>) dst(%dma_wait3A_239 : memref<10240x128xf32, #tpu.memory_space<vmem_shared>>)
      %add3A_240 = arith.constant 2 : i32
      %add3A_241 = arith.addi %add3A_236, %add3A_240 : i32
      %add3A_242 = arith.addi %mul3A_2, %add3A_241 : i32
      %dma_start3A_243 = arith.constant 0 : i32
      %dma_start3A_244 = tpu.memref_slice %arg3[%add3A_242, %dma_start3A_243] : memref<2560x128xi32, #tpu.memory_space<hbm>> -> memref<1x128xi32, #tpu.memory_space<hbm>>
      %dma_start3A_245 = tpu.memref_squeeze %dma_start3A_244 : memref<1x128xi32, #tpu.memory_space<hbm>> -> memref<128xi32, #tpu.memory_space<hbm>>
      %dma_start3A_246 = arith.constant 0 : i32
      %dma_start3A_247 = tpu.memref_slice %arg3[%add3A_242, %dma_start3A_246] : memref<2560x128xi32, #tpu.memory_space<hbm>> -> memref<1x128xi32, #tpu.memory_space<hbm>>
      %dma_start3A_248 = tpu.memref_squeeze %dma_start3A_247 : memref<1x128xi32, #tpu.memory_space<hbm>> -> memref<128xi32, #tpu.memory_space<hbm>>
      tpu.enqueue_dma source(%dma_start3A_248 : memref<128xi32, #tpu.memory_space<hbm>>) target(%arg10 : memref<128xi32, #tpu.memory_space<vmem>>) target_semaphore(%arg29 : memref<!tpu.dma_semaphore, #tpu.memory_space<semaphore_mem>>)
      %add3A_249 = arith.addi %mul3A_2, %add3A_241 : i32
      %dma_start3A_250 = arith.constant 0 : i32
      %dma_start3A_251 = tpu.memref_slice %arg4[%add3A_249, %dma_start3A_250] : memref<2560x128xi32, #tpu.memory_space<hbm>> -> memref<1x128xi32, #tpu.memory_space<hbm>>
      %dma_start3A_252 = tpu.memref_squeeze %dma_start3A_251 : memref<1x128xi32, #tpu.memory_space<hbm>> -> memref<128xi32, #tpu.memory_space<hbm>>
      %dma_start3A_253 = arith.constant 0 : i32
      %dma_start3A_254 = tpu.memref_slice %arg4[%add3A_249, %dma_start3A_253] : memref<2560x128xi32, #tpu.memory_space<hbm>> -> memref<1x128xi32, #tpu.memory_space<hbm>>
      %dma_start3A_255 = tpu.memref_squeeze %dma_start3A_254 : memref<1x128xi32, #tpu.memory_space<hbm>> -> memref<128xi32, #tpu.memory_space<hbm>>
      tpu.enqueue_dma source(%dma_start3A_255 : memref<128xi32, #tpu.memory_space<hbm>>) target(%arg18 : memref<128xi32, #tpu.memory_space<vmem>>) target_semaphore(%arg29 : memref<!tpu.dma_semaphore, #tpu.memory_space<semaphore_mem>>)
      %dma_wait3A_256 = arith.constant 0 : i32
      %dma_wait3A_257 = tpu.memref_slice %arg3[%mul3A_2, %dma_wait3A_256] : memref<2560x128xi32, #tpu.memory_space<hbm>> -> memref<1x128xi32, #tpu.memory_space<hbm>>
      %dma_wait3A_258 = tpu.memref_squeeze %dma_wait3A_257 : memref<1x128xi32, #tpu.memory_space<hbm>> -> memref<128xi32, #tpu.memory_space<hbm>>
      %dma_wait3A_259 = arith.constant 0 : i32
      %dma_wait3A_260 = tpu.memref_slice %arg3[%mul3A_2, %dma_wait3A_259] : memref<2560x128xi32, #tpu.memory_space<hbm>> -> memref<1x128xi32, #tpu.memory_space<hbm>>
      %dma_wait3A_261 = tpu.memref_squeeze %dma_wait3A_260 : memref<1x128xi32, #tpu.memory_space<hbm>> -> memref<128xi32, #tpu.memory_space<hbm>>
      tpu.wait_dma2 semaphore(%arg27 : memref<!tpu.dma_semaphore, #tpu.memory_space<semaphore_mem>>) src(%dma_wait3A_261 : memref<128xi32, #tpu.memory_space<hbm>>) dst(%arg8 : memref<128xi32, #tpu.memory_space<vmem>>)
      %dma_wait3A_262 = arith.constant 0 : i32
      %dma_wait3A_263 = tpu.memref_slice %arg4[%mul3A_2, %dma_wait3A_262] : memref<2560x128xi32, #tpu.memory_space<hbm>> -> memref<1x128xi32, #tpu.memory_space<hbm>>
      %dma_wait3A_264 = tpu.memref_squeeze %dma_wait3A_263 : memref<1x128xi32, #tpu.memory_space<hbm>> -> memref<128xi32, #tpu.memory_space<hbm>>
      %dma_wait3A_265 = arith.constant 0 : i32
      %dma_wait3A_266 = tpu.memref_slice %arg4[%mul3A_2, %dma_wait3A_265] : memref<2560x128xi32, #tpu.memory_space<hbm>> -> memref<1x128xi32, #tpu.memory_space<hbm>>
      %dma_wait3A_267 = tpu.memref_squeeze %dma_wait3A_266 : memref<1x128xi32, #tpu.memory_space<hbm>> -> memref<128xi32, #tpu.memory_space<hbm>>
      tpu.wait_dma2 semaphore(%arg27 : memref<!tpu.dma_semaphore, #tpu.memory_space<semaphore_mem>>) src(%dma_wait3A_267 : memref<128xi32, #tpu.memory_space<hbm>>) dst(%arg16 : memref<128xi32, #tpu.memory_space<vmem>>)
      %dma_start3A_268 = arith.constant 0 : i32
      %dma_start3A_269 = arith.constant 0 : i32
      %dma_start3A_270 = tpu.memref_slice %arg2[%dma_start3A_268, %dma_start3A_269] : memref<10240x128xf32, #tpu.memory_space<hbm>> -> memref<10240x128xf32, #tpu.memory_space<hbm>>
      tpu.enqueue_indirect_dma source(%dma_start3A_270 : memref<10240x128xf32, #tpu.memory_space<hbm>>) target(%arg22 : memref<128x128xf32, #tpu.memory_space<vmem>>) offsets(%arg8 : memref<128xi32, #tpu.memory_space<vmem>>) semaphore(%arg33 : memref<!tpu.dma_semaphore, #tpu.memory_space<semaphore_mem>>)
      %dma_wait3A_271 = arith.constant 0 : i32
      %dma_wait3A_272 = arith.constant 0 : i32
      %dma_wait3A_273 = tpu.memref_slice %arg2[%dma_wait3A_271, %dma_wait3A_272] : memref<10240x128xf32, #tpu.memory_space<hbm>> -> memref<10240x128xf32, #tpu.memory_space<hbm>>
      tpu.wait_indirect_dma semaphore(%arg34 : memref<!tpu.dma_semaphore, #tpu.memory_space<semaphore_mem>>) src(%dma_wait3A_273 : memref<10240x128xf32, #tpu.memory_space<hbm>>) dst(%arg23 : memref<128x128xf32, #tpu.memory_space<vmem>>)
      %dma_start3A_274 = arith.constant 0 : i32
      %dma_start3A_275 = arith.constant 0 : i32
      %dma_start3A_276 = tpu.memref_slice %arg24[%dma_start3A_274, %dma_start3A_275] : memref<10240x128xf32, #tpu.memory_space<vmem_shared>> -> memref<10240x128xf32, #tpu.memory_space<vmem_shared>>
      tpu.enqueue_indirect_dma source(%arg23 : memref<128x128xf32, #tpu.memory_space<vmem>>) target(%dma_start3A_276 : memref<10240x128xf32, #tpu.memory_space<vmem_shared>>) offsets(%arg15 : memref<128xi32, #tpu.memory_space<vmem>>) semaphore(%arg36 : memref<!tpu.dma_semaphore, #tpu.memory_space<semaphore_mem>>) {add = true}
      %mul3A_277 = arith.constant 8 : i32
      %mul3A_278 = arith.muli %mul3A_277, %scan3A_143 : i32
      %add3A_279 = arith.constant 3 : i32
      %add3A_280 = arith.addi %mul3A_278, %add3A_279 : i32
      %dma_wait3A_281 = arith.constant 0 : i32
      %dma_wait3A_282 = arith.constant 0 : i32
      %dma_wait3A_283 = tpu.memref_slice %arg24[%dma_wait3A_281, %dma_wait3A_282] : memref<10240x128xf32, #tpu.memory_space<vmem_shared>> -> memref<10240x128xf32, #tpu.memory_space<vmem_shared>>
      tpu.wait_indirect_dma semaphore(%arg36 : memref<!tpu.dma_semaphore, #tpu.memory_space<semaphore_mem>>) src(%arg22 : memref<128x128xf32, #tpu.memory_space<vmem>>) dst(%dma_wait3A_283 : memref<10240x128xf32, #tpu.memory_space<vmem_shared>>)
      %add3A_284 = arith.constant 2 : i32
      %add3A_285 = arith.addi %add3A_280, %add3A_284 : i32
      %add3A_286 = arith.addi %mul3A_2, %add3A_285 : i32
      %dma_start3A_287 = arith.constant 0 : i32
      %dma_start3A_288 = tpu.memref_slice %arg3[%add3A_286, %dma_start3A_287] : memref<2560x128xi32, #tpu.memory_space<hbm>> -> memref<1x128xi32, #tpu.memory_space<hbm>>
      %dma_start3A_289 = tpu.memref_squeeze %dma_start3A_288 : memref<1x128xi32, #tpu.memory_space<hbm>> -> memref<128xi32, #tpu.memory_space<hbm>>
      %dma_start3A_290 = arith.constant 0 : i32
      %dma_start3A_291 = tpu.memref_slice %arg3[%add3A_286, %dma_start3A_290] : memref<2560x128xi32, #tpu.memory_space<hbm>> -> memref<1x128xi32, #tpu.memory_space<hbm>>
      %dma_start3A_292 = tpu.memref_squeeze %dma_start3A_291 : memref<1x128xi32, #tpu.memory_space<hbm>> -> memref<128xi32, #tpu.memory_space<hbm>>
      tpu.enqueue_dma source(%dma_start3A_292 : memref<128xi32, #tpu.memory_space<hbm>>) target(%arg11 : memref<128xi32, #tpu.memory_space<vmem>>) target_semaphore(%arg30 : memref<!tpu.dma_semaphore, #tpu.memory_space<semaphore_mem>>)
      %add3A_293 = arith.addi %mul3A_2, %add3A_285 : i32
      %dma_start3A_294 = arith.constant 0 : i32
      %dma_start3A_295 = tpu.memref_slice %arg4[%add3A_293, %dma_start3A_294] : memref<2560x128xi32, #tpu.memory_space<hbm>> -> memref<1x128xi32, #tpu.memory_space<hbm>>
      %dma_start3A_296 = tpu.memref_squeeze %dma_start3A_295 : memref<1x128xi32, #tpu.memory_space<hbm>> -> memref<128xi32, #tpu.memory_space<hbm>>
      %dma_start3A_297 = arith.constant 0 : i32
      %dma_start3A_298 = tpu.memref_slice %arg4[%add3A_293, %dma_start3A_297] : memref<2560x128xi32, #tpu.memory_space<hbm>> -> memref<1x128xi32, #tpu.memory_space<hbm>>
      %dma_start3A_299 = tpu.memref_squeeze %dma_start3A_298 : memref<1x128xi32, #tpu.memory_space<hbm>> -> memref<128xi32, #tpu.memory_space<hbm>>
      tpu.enqueue_dma source(%dma_start3A_299 : memref<128xi32, #tpu.memory_space<hbm>>) target(%arg19 : memref<128xi32, #tpu.memory_space<vmem>>) target_semaphore(%arg30 : memref<!tpu.dma_semaphore, #tpu.memory_space<semaphore_mem>>)
      %dma_wait3A_300 = arith.constant 0 : i32
      %dma_wait3A_301 = tpu.memref_slice %arg3[%mul3A_2, %dma_wait3A_300] : memref<2560x128xi32, #tpu.memory_space<hbm>> -> memref<1x128xi32, #tpu.memory_space<hbm>>
      %dma_wait3A_302 = tpu.memref_squeeze %dma_wait3A_301 : memref<1x128xi32, #tpu.memory_space<hbm>> -> memref<128xi32, #tpu.memory_space<hbm>>
      %dma_wait3A_303 = arith.constant 0 : i32
      %dma_wait3A_304 = tpu.memref_slice %arg3[%mul3A_2, %dma_wait3A_303] : memref<2560x128xi32, #tpu.memory_space<hbm>> -> memref<1x128xi32, #tpu.memory_space<hbm>>
      %dma_wait3A_305 = tpu.memref_squeeze %dma_wait3A_304 : memref<1x128xi32, #tpu.memory_space<hbm>> -> memref<128xi32, #tpu.memory_space<hbm>>
      tpu.wait_dma2 semaphore(%arg28 : memref<!tpu.dma_semaphore, #tpu.memory_space<semaphore_mem>>) src(%dma_wait3A_305 : memref<128xi32, #tpu.memory_space<hbm>>) dst(%arg9 : memref<128xi32, #tpu.memory_space<vmem>>)
      %dma_wait3A_306 = arith.constant 0 : i32
      %dma_wait3A_307 = tpu.memref_slice %arg4[%mul3A_2, %dma_wait3A_306] : memref<2560x128xi32, #tpu.memory_space<hbm>> -> memref<1x128xi32, #tpu.memory_space<hbm>>
      %dma_wait3A_308 = tpu.memref_squeeze %dma_wait3A_307 : memref<1x128xi32, #tpu.memory_space<hbm>> -> memref<128xi32, #tpu.memory_space<hbm>>
      %dma_wait3A_309 = arith.constant 0 : i32
      %dma_wait3A_310 = tpu.memref_slice %arg4[%mul3A_2, %dma_wait3A_309] : memref<2560x128xi32, #tpu.memory_space<hbm>> -> memref<1x128xi32, #tpu.memory_space<hbm>>
      %dma_wait3A_311 = tpu.memref_squeeze %dma_wait3A_310 : memref<1x128xi32, #tpu.memory_space<hbm>> -> memref<128xi32, #tpu.memory_space<hbm>>
      tpu.wait_dma2 semaphore(%arg28 : memref<!tpu.dma_semaphore, #tpu.memory_space<semaphore_mem>>) src(%dma_wait3A_311 : memref<128xi32, #tpu.memory_space<hbm>>) dst(%arg17 : memref<128xi32, #tpu.memory_space<vmem>>)
      %dma_start3A_312 = arith.constant 0 : i32
      %dma_start3A_313 = arith.constant 0 : i32
      %dma_start3A_314 = tpu.memref_slice %arg2[%dma_start3A_312, %dma_start3A_313] : memref<10240x128xf32, #tpu.memory_space<hbm>> -> memref<10240x128xf32, #tpu.memory_space<hbm>>
      tpu.enqueue_indirect_dma source(%dma_start3A_314 : memref<10240x128xf32, #tpu.memory_space<hbm>>) target(%arg23 : memref<128x128xf32, #tpu.memory_space<vmem>>) offsets(%arg9 : memref<128xi32, #tpu.memory_space<vmem>>) semaphore(%arg34 : memref<!tpu.dma_semaphore, #tpu.memory_space<semaphore_mem>>)
      %dma_wait3A_315 = arith.constant 0 : i32
      %dma_wait3A_316 = arith.constant 0 : i32
      %dma_wait3A_317 = tpu.memref_slice %arg2[%dma_wait3A_315, %dma_wait3A_316] : memref<10240x128xf32, #tpu.memory_space<hbm>> -> memref<10240x128xf32, #tpu.memory_space<hbm>>
      tpu.wait_indirect_dma semaphore(%arg33 : memref<!tpu.dma_semaphore, #tpu.memory_space<semaphore_mem>>) src(%dma_wait3A_317 : memref<10240x128xf32, #tpu.memory_space<hbm>>) dst(%arg22 : memref<128x128xf32, #tpu.memory_space<vmem>>)
      %dma_start3A_318 = arith.constant 0 : i32
      %dma_start3A_319 = arith.constant 0 : i32
      %dma_start3A_320 = tpu.memref_slice %arg24[%dma_start3A_318, %dma_start3A_319] : memref<10240x128xf32, #tpu.memory_space<vmem_shared>> -> memref<10240x128xf32, #tpu.memory_space<vmem_shared>>
      tpu.enqueue_indirect_dma source(%arg22 : memref<128x128xf32, #tpu.memory_space<vmem>>) target(%dma_start3A_320 : memref<10240x128xf32, #tpu.memory_space<vmem_shared>>) offsets(%arg16 : memref<128xi32, #tpu.memory_space<vmem>>) semaphore(%arg35 : memref<!tpu.dma_semaphore, #tpu.memory_space<semaphore_mem>>) {add = true}
      %mul3A_321 = arith.constant 8 : i32
      %mul3A_322 = arith.muli %mul3A_321, %scan3A_143 : i32
      %add3A_323 = arith.constant 4 : i32
      %add3A_324 = arith.addi %mul3A_322, %add3A_323 : i32
      %dma_wait3A_325 = arith.constant 0 : i32
      %dma_wait3A_326 = arith.constant 0 : i32
      %dma_wait3A_327 = tpu.memref_slice %arg24[%dma_wait3A_325, %dma_wait3A_326] : memref<10240x128xf32, #tpu.memory_space<vmem_shared>> -> memref<10240x128xf32, #tpu.memory_space<vmem_shared>>
      tpu.wait_indirect_dma semaphore(%arg35 : memref<!tpu.dma_semaphore, #tpu.memory_space<semaphore_mem>>) src(%arg22 : memref<128x128xf32, #tpu.memory_space<vmem>>) dst(%dma_wait3A_327 : memref<10240x128xf32, #tpu.memory_space<vmem_shared>>)
      %add3A_328 = arith.constant 2 : i32
      %add3A_329 = arith.addi %add3A_324, %add3A_328 : i32
      %add3A_330 = arith.addi %mul3A_2, %add3A_329 : i32
      %dma_start3A_331 = arith.constant 0 : i32
      %dma_start3A_332 = tpu.memref_slice %arg3[%add3A_330, %dma_start3A_331] : memref<2560x128xi32, #tpu.memory_space<hbm>> -> memref<1x128xi32, #tpu.memory_space<hbm>>
      %dma_start3A_333 = tpu.memref_squeeze %dma_start3A_332 : memref<1x128xi32, #tpu.memory_space<hbm>> -> memref<128xi32, #tpu.memory_space<hbm>>
      %dma_start3A_334 = arith.constant 0 : i32
      %dma_start3A_335 = tpu.memref_slice %arg3[%add3A_330, %dma_start3A_334] : memref<2560x128xi32, #tpu.memory_space<hbm>> -> memref<1x128xi32, #tpu.memory_space<hbm>>
      %dma_start3A_336 = tpu.memref_squeeze %dma_start3A_335 : memref<1x128xi32, #tpu.memory_space<hbm>> -> memref<128xi32, #tpu.memory_space<hbm>>
      tpu.enqueue_dma source(%dma_start3A_336 : memref<128xi32, #tpu.memory_space<hbm>>) target(%arg12 : memref<128xi32, #tpu.memory_space<vmem>>) target_semaphore(%arg31 : memref<!tpu.dma_semaphore, #tpu.memory_space<semaphore_mem>>)
      %add3A_337 = arith.addi %mul3A_2, %add3A_329 : i32
      %dma_start3A_338 = arith.constant 0 : i32
      %dma_start3A_339 = tpu.memref_slice %arg4[%add3A_337, %dma_start3A_338] : memref<2560x128xi32, #tpu.memory_space<hbm>> -> memref<1x128xi32, #tpu.memory_space<hbm>>
      %dma_start3A_340 = tpu.memref_squeeze %dma_start3A_339 : memref<1x128xi32, #tpu.memory_space<hbm>> -> memref<128xi32, #tpu.memory_space<hbm>>
      %dma_start3A_341 = arith.constant 0 : i32
      %dma_start3A_342 = tpu.memref_slice %arg4[%add3A_337, %dma_start3A_341] : memref<2560x128xi32, #tpu.memory_space<hbm>> -> memref<1x128xi32, #tpu.memory_space<hbm>>
      %dma_start3A_343 = tpu.memref_squeeze %dma_start3A_342 : memref<1x128xi32, #tpu.memory_space<hbm>> -> memref<128xi32, #tpu.memory_space<hbm>>
      tpu.enqueue_dma source(%dma_start3A_343 : memref<128xi32, #tpu.memory_space<hbm>>) target(%arg20 : memref<128xi32, #tpu.memory_space<vmem>>) target_semaphore(%arg31 : memref<!tpu.dma_semaphore, #tpu.memory_space<semaphore_mem>>)
      %dma_wait3A_344 = arith.constant 0 : i32
      %dma_wait3A_345 = tpu.memref_slice %arg3[%mul3A_2, %dma_wait3A_344] : memref<2560x128xi32, #tpu.memory_space<hbm>> -> memref<1x128xi32, #tpu.memory_space<hbm>>
      %dma_wait3A_346 = tpu.memref_squeeze %dma_wait3A_345 : memref<1x128xi32, #tpu.memory_space<hbm>> -> memref<128xi32, #tpu.memory_space<hbm>>
      %dma_wait3A_347 = arith.constant 0 : i32
      %dma_wait3A_348 = tpu.memref_slice %arg3[%mul3A_2, %dma_wait3A_347] : memref<2560x128xi32, #tpu.memory_space<hbm>> -> memref<1x128xi32, #tpu.memory_space<hbm>>
      %dma_wait3A_349 = tpu.memref_squeeze %dma_wait3A_348 : memref<1x128xi32, #tpu.memory_space<hbm>> -> memref<128xi32, #tpu.memory_space<hbm>>
      tpu.wait_dma2 semaphore(%arg29 : memref<!tpu.dma_semaphore, #tpu.memory_space<semaphore_mem>>) src(%dma_wait3A_349 : memref<128xi32, #tpu.memory_space<hbm>>) dst(%arg10 : memref<128xi32, #tpu.memory_space<vmem>>)
      %dma_wait3A_350 = arith.constant 0 : i32
      %dma_wait3A_351 = tpu.memref_slice %arg4[%mul3A_2, %dma_wait3A_350] : memref<2560x128xi32, #tpu.memory_space<hbm>> -> memref<1x128xi32, #tpu.memory_space<hbm>>
      %dma_wait3A_352 = tpu.memref_squeeze %dma_wait3A_351 : memref<1x128xi32, #tpu.memory_space<hbm>> -> memref<128xi32, #tpu.memory_space<hbm>>
      %dma_wait3A_353 = arith.constant 0 : i32
      %dma_wait3A_354 = tpu.memref_slice %arg4[%mul3A_2, %dma_wait3A_353] : memref<2560x128xi32, #tpu.memory_space<hbm>> -> memref<1x128xi32, #tpu.memory_space<hbm>>
      %dma_wait3A_355 = tpu.memref_squeeze %dma_wait3A_354 : memref<1x128xi32, #tpu.memory_space<hbm>> -> memref<128xi32, #tpu.memory_space<hbm>>
      tpu.wait_dma2 semaphore(%arg29 : memref<!tpu.dma_semaphore, #tpu.memory_space<semaphore_mem>>) src(%dma_wait3A_355 : memref<128xi32, #tpu.memory_space<hbm>>) dst(%arg18 : memref<128xi32, #tpu.memory_space<vmem>>)
      %dma_start3A_356 = arith.constant 0 : i32
      %dma_start3A_357 = arith.constant 0 : i32
      %dma_start3A_358 = tpu.memref_slice %arg2[%dma_start3A_356, %dma_start3A_357] : memref<10240x128xf32, #tpu.memory_space<hbm>> -> memref<10240x128xf32, #tpu.memory_space<hbm>>
      tpu.enqueue_indirect_dma source(%dma_start3A_358 : memref<10240x128xf32, #tpu.memory_space<hbm>>) target(%arg22 : memref<128x128xf32, #tpu.memory_space<vmem>>) offsets(%arg10 : memref<128xi32, #tpu.memory_space<vmem>>) semaphore(%arg33 : memref<!tpu.dma_semaphore, #tpu.memory_space<semaphore_mem>>)
      %dma_wait3A_359 = arith.constant 0 : i32
      %dma_wait3A_360 = arith.constant 0 : i32
      %dma_wait3A_361 = tpu.memref_slice %arg2[%dma_wait3A_359, %dma_wait3A_360] : memref<10240x128xf32, #tpu.memory_space<hbm>> -> memref<10240x128xf32, #tpu.memory_space<hbm>>
      tpu.wait_indirect_dma semaphore(%arg34 : memref<!tpu.dma_semaphore, #tpu.memory_space<semaphore_mem>>) src(%dma_wait3A_361 : memref<10240x128xf32, #tpu.memory_space<hbm>>) dst(%arg23 : memref<128x128xf32, #tpu.memory_space<vmem>>)
      %dma_start3A_362 = arith.constant 0 : i32
      %dma_start3A_363 = arith.constant 0 : i32
      %dma_start3A_364 = tpu.memref_slice %arg24[%dma_start3A_362, %dma_start3A_363] : memref<10240x128xf32, #tpu.memory_space<vmem_shared>> -> memref<10240x128xf32, #tpu.memory_space<vmem_shared>>
      tpu.enqueue_indirect_dma source(%arg23 : memref<128x128xf32, #tpu.memory_space<vmem>>) target(%dma_start3A_364 : memref<10240x128xf32, #tpu.memory_space<vmem_shared>>) offsets(%arg17 : memref<128xi32, #tpu.memory_space<vmem>>) semaphore(%arg36 : memref<!tpu.dma_semaphore, #tpu.memory_space<semaphore_mem>>) {add = true}
      %mul3A_365 = arith.constant 8 : i32
      %mul3A_366 = arith.muli %mul3A_365, %scan3A_143 : i32
      %add3A_367 = arith.constant 5 : i32
      %add3A_368 = arith.addi %mul3A_366, %add3A_367 : i32
      %dma_wait3A_369 = arith.constant 0 : i32
      %dma_wait3A_370 = arith.constant 0 : i32
      %dma_wait3A_371 = tpu.memref_slice %arg24[%dma_wait3A_369, %dma_wait3A_370] : memref<10240x128xf32, #tpu.memory_space<vmem_shared>> -> memref<10240x128xf32, #tpu.memory_space<vmem_shared>>
      tpu.wait_indirect_dma semaphore(%arg36 : memref<!tpu.dma_semaphore, #tpu.memory_space<semaphore_mem>>) src(%arg22 : memref<128x128xf32, #tpu.memory_space<vmem>>) dst(%dma_wait3A_371 : memref<10240x128xf32, #tpu.memory_space<vmem_shared>>)
      %add3A_372 = arith.constant 2 : i32
      %add3A_373 = arith.addi %add3A_368, %add3A_372 : i32
      %add3A_374 = arith.addi %mul3A_2, %add3A_373 : i32
      %dma_start3A_375 = arith.constant 0 : i32
      %dma_start3A_376 = tpu.memref_slice %arg3[%add3A_374, %dma_start3A_375] : memref<2560x128xi32, #tpu.memory_space<hbm>> -> memref<1x128xi32, #tpu.memory_space<hbm>>
      %dma_start3A_377 = tpu.memref_squeeze %dma_start3A_376 : memref<1x128xi32, #tpu.memory_space<hbm>> -> memref<128xi32, #tpu.memory_space<hbm>>
      %dma_start3A_378 = arith.constant 0 : i32
      %dma_start3A_379 = tpu.memref_slice %arg3[%add3A_374, %dma_start3A_378] : memref<2560x128xi32, #tpu.memory_space<hbm>> -> memref<1x128xi32, #tpu.memory_space<hbm>>
      %dma_start3A_380 = tpu.memref_squeeze %dma_start3A_379 : memref<1x128xi32, #tpu.memory_space<hbm>> -> memref<128xi32, #tpu.memory_space<hbm>>
      tpu.enqueue_dma source(%dma_start3A_380 : memref<128xi32, #tpu.memory_space<hbm>>) target(%arg13 : memref<128xi32, #tpu.memory_space<vmem>>) target_semaphore(%arg32 : memref<!tpu.dma_semaphore, #tpu.memory_space<semaphore_mem>>)
      %add3A_381 = arith.addi %mul3A_2, %add3A_373 : i32
      %dma_start3A_382 = arith.constant 0 : i32
      %dma_start3A_383 = tpu.memref_slice %arg4[%add3A_381, %dma_start3A_382] : memref<2560x128xi32, #tpu.memory_space<hbm>> -> memref<1x128xi32, #tpu.memory_space<hbm>>
      %dma_start3A_384 = tpu.memref_squeeze %dma_start3A_383 : memref<1x128xi32, #tpu.memory_space<hbm>> -> memref<128xi32, #tpu.memory_space<hbm>>
      %dma_start3A_385 = arith.constant 0 : i32
      %dma_start3A_386 = tpu.memref_slice %arg4[%add3A_381, %dma_start3A_385] : memref<2560x128xi32, #tpu.memory_space<hbm>> -> memref<1x128xi32, #tpu.memory_space<hbm>>
      %dma_start3A_387 = tpu.memref_squeeze %dma_start3A_386 : memref<1x128xi32, #tpu.memory_space<hbm>> -> memref<128xi32, #tpu.memory_space<hbm>>
      tpu.enqueue_dma source(%dma_start3A_387 : memref<128xi32, #tpu.memory_space<hbm>>) target(%arg21 : memref<128xi32, #tpu.memory_space<vmem>>) target_semaphore(%arg32 : memref<!tpu.dma_semaphore, #tpu.memory_space<semaphore_mem>>)
      %dma_wait3A_388 = arith.constant 0 : i32
      %dma_wait3A_389 = tpu.memref_slice %arg3[%mul3A_2, %dma_wait3A_388] : memref<2560x128xi32, #tpu.memory_space<hbm>> -> memref<1x128xi32, #tpu.memory_space<hbm>>
      %dma_wait3A_390 = tpu.memref_squeeze %dma_wait3A_389 : memref<1x128xi32, #tpu.memory_space<hbm>> -> memref<128xi32, #tpu.memory_space<hbm>>
      %dma_wait3A_391 = arith.constant 0 : i32
      %dma_wait3A_392 = tpu.memref_slice %arg3[%mul3A_2, %dma_wait3A_391] : memref<2560x128xi32, #tpu.memory_space<hbm>> -> memref<1x128xi32, #tpu.memory_space<hbm>>
      %dma_wait3A_393 = tpu.memref_squeeze %dma_wait3A_392 : memref<1x128xi32, #tpu.memory_space<hbm>> -> memref<128xi32, #tpu.memory_space<hbm>>
      tpu.wait_dma2 semaphore(%arg30 : memref<!tpu.dma_semaphore, #tpu.memory_space<semaphore_mem>>) src(%dma_wait3A_393 : memref<128xi32, #tpu.memory_space<hbm>>) dst(%arg11 : memref<128xi32, #tpu.memory_space<vmem>>)
      %dma_wait3A_394 = arith.constant 0 : i32
      %dma_wait3A_395 = tpu.memref_slice %arg4[%mul3A_2, %dma_wait3A_394] : memref<2560x128xi32, #tpu.memory_space<hbm>> -> memref<1x128xi32, #tpu.memory_space<hbm>>
      %dma_wait3A_396 = tpu.memref_squeeze %dma_wait3A_395 : memref<1x128xi32, #tpu.memory_space<hbm>> -> memref<128xi32, #tpu.memory_space<hbm>>
      %dma_wait3A_397 = arith.constant 0 : i32
      %dma_wait3A_398 = tpu.memref_slice %arg4[%mul3A_2, %dma_wait3A_397] : memref<2560x128xi32, #tpu.memory_space<hbm>> -> memref<1x128xi32, #tpu.memory_space<hbm>>
      %dma_wait3A_399 = tpu.memref_squeeze %dma_wait3A_398 : memref<1x128xi32, #tpu.memory_space<hbm>> -> memref<128xi32, #tpu.memory_space<hbm>>
      tpu.wait_dma2 semaphore(%arg30 : memref<!tpu.dma_semaphore, #tpu.memory_space<semaphore_mem>>) src(%dma_wait3A_399 : memref<128xi32, #tpu.memory_space<hbm>>) dst(%arg19 : memref<128xi32, #tpu.memory_space<vmem>>)
      %dma_start3A_400 = arith.constant 0 : i32
      %dma_start3A_401 = arith.constant 0 : i32
      %dma_start3A_402 = tpu.memref_slice %arg2[%dma_start3A_400, %dma_start3A_401] : memref<10240x128xf32, #tpu.memory_space<hbm>> -> memref<10240x128xf32, #tpu.memory_space<hbm>>
      tpu.enqueue_indirect_dma source(%dma_start3A_402 : memref<10240x128xf32, #tpu.memory_space<hbm>>) target(%arg23 : memref<128x128xf32, #tpu.memory_space<vmem>>) offsets(%arg11 : memref<128xi32, #tpu.memory_space<vmem>>) semaphore(%arg34 : memref<!tpu.dma_semaphore, #tpu.memory_space<semaphore_mem>>)
      %dma_wait3A_403 = arith.constant 0 : i32
      %dma_wait3A_404 = arith.constant 0 : i32
      %dma_wait3A_405 = tpu.memref_slice %arg2[%dma_wait3A_403, %dma_wait3A_404] : memref<10240x128xf32, #tpu.memory_space<hbm>> -> memref<10240x128xf32, #tpu.memory_space<hbm>>
      tpu.wait_indirect_dma semaphore(%arg33 : memref<!tpu.dma_semaphore, #tpu.memory_space<semaphore_mem>>) src(%dma_wait3A_405 : memref<10240x128xf32, #tpu.memory_space<hbm>>) dst(%arg22 : memref<128x128xf32, #tpu.memory_space<vmem>>)
      %dma_start3A_406 = arith.constant 0 : i32
      %dma_start3A_407 = arith.constant 0 : i32
      %dma_start3A_408 = tpu.memref_slice %arg24[%dma_start3A_406, %dma_start3A_407] : memref<10240x128xf32, #tpu.memory_space<vmem_shared>> -> memref<10240x128xf32, #tpu.memory_space<vmem_shared>>
      tpu.enqueue_indirect_dma source(%arg22 : memref<128x128xf32, #tpu.memory_space<vmem>>) target(%dma_start3A_408 : memref<10240x128xf32, #tpu.memory_space<vmem_shared>>) offsets(%arg18 : memref<128xi32, #tpu.memory_space<vmem>>) semaphore(%arg35 : memref<!tpu.dma_semaphore, #tpu.memory_space<semaphore_mem>>) {add = true}
      %mul3A_409 = arith.constant 8 : i32
      %mul3A_410 = arith.muli %mul3A_409, %scan3A_143 : i32
      %add3A_411 = arith.constant 6 : i32
      %add3A_412 = arith.addi %mul3A_410, %add3A_411 : i32
      %dma_wait3A_413 = arith.constant 0 : i32
      %dma_wait3A_414 = arith.constant 0 : i32
      %dma_wait3A_415 = tpu.memref_slice %arg24[%dma_wait3A_413, %dma_wait3A_414] : memref<10240x128xf32, #tpu.memory_space<vmem_shared>> -> memref<10240x128xf32, #tpu.memory_space<vmem_shared>>
      tpu.wait_indirect_dma semaphore(%arg35 : memref<!tpu.dma_semaphore, #tpu.memory_space<semaphore_mem>>) src(%arg22 : memref<128x128xf32, #tpu.memory_space<vmem>>) dst(%dma_wait3A_415 : memref<10240x128xf32, #tpu.memory_space<vmem_shared>>)
      %lt3A = arith.constant 9 : i32
      %lt3A_416 = arith.cmpi slt, %scan3A_143, %lt3A : i32
      %convert_element_type3A_417 = arith.extui %lt3A_416 : i1 to i32
      %cond3A_418 = arith.constant 0 : i32
      %cond3A_419 = arith.cmpi ne, %convert_element_type3A_417, %cond3A_418 : i32
      scf.if %cond3A_419 {
        %add3A_475 = arith.constant 2 : i32
        %add3A_476 = arith.addi %add3A_412, %add3A_475 : i32
        %add3A_477 = arith.addi %mul3A_2, %add3A_476 : i32
        %dma_start3A_478 = arith.constant 0 : i32
        %dma_start3A_479 = tpu.memref_slice %arg3[%add3A_477, %dma_start3A_478] : memref<2560x128xi32, #tpu.memory_space<hbm>> -> memref<1x128xi32, #tpu.memory_space<hbm>>
        %dma_start3A_480 = tpu.memref_squeeze %dma_start3A_479 : memref<1x128xi32, #tpu.memory_space<hbm>> -> memref<128xi32, #tpu.memory_space<hbm>>
        %dma_start3A_481 = arith.constant 0 : i32
        %dma_start3A_482 = tpu.memref_slice %arg3[%add3A_477, %dma_start3A_481] : memref<2560x128xi32, #tpu.memory_space<hbm>> -> memref<1x128xi32, #tpu.memory_space<hbm>>
        %dma_start3A_483 = tpu.memref_squeeze %dma_start3A_482 : memref<1x128xi32, #tpu.memory_space<hbm>> -> memref<128xi32, #tpu.memory_space<hbm>>
        tpu.enqueue_dma source(%dma_start3A_483 : memref<128xi32, #tpu.memory_space<hbm>>) target(%arg6 : memref<128xi32, #tpu.memory_space<vmem>>) target_semaphore(%arg25 : memref<!tpu.dma_semaphore, #tpu.memory_space<semaphore_mem>>)
        %add3A_484 = arith.addi %mul3A_2, %add3A_476 : i32
        %dma_start3A_485 = arith.constant 0 : i32
        %dma_start3A_486 = tpu.memref_slice %arg4[%add3A_484, %dma_start3A_485] : memref<2560x128xi32, #tpu.memory_space<hbm>> -> memref<1x128xi32, #tpu.memory_space<hbm>>
        %dma_start3A_487 = tpu.memref_squeeze %dma_start3A_486 : memref<1x128xi32, #tpu.memory_space<hbm>> -> memref<128xi32, #tpu.memory_space<hbm>>
        %dma_start3A_488 = arith.constant 0 : i32
        %dma_start3A_489 = tpu.memref_slice %arg4[%add3A_484, %dma_start3A_488] : memref<2560x128xi32, #tpu.memory_space<hbm>> -> memref<1x128xi32, #tpu.memory_space<hbm>>
        %dma_start3A_490 = tpu.memref_squeeze %dma_start3A_489 : memref<1x128xi32, #tpu.memory_space<hbm>> -> memref<128xi32, #tpu.memory_space<hbm>>
        tpu.enqueue_dma source(%dma_start3A_490 : memref<128xi32, #tpu.memory_space<hbm>>) target(%arg14 : memref<128xi32, #tpu.memory_space<vmem>>) target_semaphore(%arg25 : memref<!tpu.dma_semaphore, #tpu.memory_space<semaphore_mem>>)
      } else {
      }
      %dma_wait3A_420 = arith.constant 0 : i32
      %dma_wait3A_421 = tpu.memref_slice %arg3[%mul3A_2, %dma_wait3A_420] : memref<2560x128xi32, #tpu.memory_space<hbm>> -> memref<1x128xi32, #tpu.memory_space<hbm>>
      %dma_wait3A_422 = tpu.memref_squeeze %dma_wait3A_421 : memref<1x128xi32, #tpu.memory_space<hbm>> -> memref<128xi32, #tpu.memory_space<hbm>>
      %dma_wait3A_423 = arith.constant 0 : i32
      %dma_wait3A_424 = tpu.memref_slice %arg3[%mul3A_2, %dma_wait3A_423] : memref<2560x128xi32, #tpu.memory_space<hbm>> -> memref<1x128xi32, #tpu.memory_space<hbm>>
      %dma_wait3A_425 = tpu.memref_squeeze %dma_wait3A_424 : memref<1x128xi32, #tpu.memory_space<hbm>> -> memref<128xi32, #tpu.memory_space<hbm>>
      tpu.wait_dma2 semaphore(%arg31 : memref<!tpu.dma_semaphore, #tpu.memory_space<semaphore_mem>>) src(%dma_wait3A_425 : memref<128xi32, #tpu.memory_space<hbm>>) dst(%arg12 : memref<128xi32, #tpu.memory_space<vmem>>)
      %dma_wait3A_426 = arith.constant 0 : i32
      %dma_wait3A_427 = tpu.memref_slice %arg4[%mul3A_2, %dma_wait3A_426] : memref<2560x128xi32, #tpu.memory_space<hbm>> -> memref<1x128xi32, #tpu.memory_space<hbm>>
      %dma_wait3A_428 = tpu.memref_squeeze %dma_wait3A_427 : memref<1x128xi32, #tpu.memory_space<hbm>> -> memref<128xi32, #tpu.memory_space<hbm>>
      %dma_wait3A_429 = arith.constant 0 : i32
      %dma_wait3A_430 = tpu.memref_slice %arg4[%mul3A_2, %dma_wait3A_429] : memref<2560x128xi32, #tpu.memory_space<hbm>> -> memref<1x128xi32, #tpu.memory_space<hbm>>
      %dma_wait3A_431 = tpu.memref_squeeze %dma_wait3A_430 : memref<1x128xi32, #tpu.memory_space<hbm>> -> memref<128xi32, #tpu.memory_space<hbm>>
      tpu.wait_dma2 semaphore(%arg31 : memref<!tpu.dma_semaphore, #tpu.memory_space<semaphore_mem>>) src(%dma_wait3A_431 : memref<128xi32, #tpu.memory_space<hbm>>) dst(%arg20 : memref<128xi32, #tpu.memory_space<vmem>>)
      %dma_start3A_432 = arith.constant 0 : i32
      %dma_start3A_433 = arith.constant 0 : i32
      %dma_start3A_434 = tpu.memref_slice %arg2[%dma_start3A_432, %dma_start3A_433] : memref<10240x128xf32, #tpu.memory_space<hbm>> -> memref<10240x128xf32, #tpu.memory_space<hbm>>
      tpu.enqueue_indirect_dma source(%dma_start3A_434 : memref<10240x128xf32, #tpu.memory_space<hbm>>) target(%arg22 : memref<128x128xf32, #tpu.memory_space<vmem>>) offsets(%arg12 : memref<128xi32, #tpu.memory_space<vmem>>) semaphore(%arg33 : memref<!tpu.dma_semaphore, #tpu.memory_space<semaphore_mem>>)
      %dma_wait3A_435 = arith.constant 0 : i32
      %dma_wait3A_436 = arith.constant 0 : i32
      %dma_wait3A_437 = tpu.memref_slice %arg2[%dma_wait3A_435, %dma_wait3A_436] : memref<10240x128xf32, #tpu.memory_space<hbm>> -> memref<10240x128xf32, #tpu.memory_space<hbm>>
      tpu.wait_indirect_dma semaphore(%arg34 : memref<!tpu.dma_semaphore, #tpu.memory_space<semaphore_mem>>) src(%dma_wait3A_437 : memref<10240x128xf32, #tpu.memory_space<hbm>>) dst(%arg23 : memref<128x128xf32, #tpu.memory_space<vmem>>)
      %dma_start3A_438 = arith.constant 0 : i32
      %dma_start3A_439 = arith.constant 0 : i32
      %dma_start3A_440 = tpu.memref_slice %arg24[%dma_start3A_438, %dma_start3A_439] : memref<10240x128xf32, #tpu.memory_space<vmem_shared>> -> memref<10240x128xf32, #tpu.memory_space<vmem_shared>>
      tpu.enqueue_indirect_dma source(%arg23 : memref<128x128xf32, #tpu.memory_space<vmem>>) target(%dma_start3A_440 : memref<10240x128xf32, #tpu.memory_space<vmem_shared>>) offsets(%arg19 : memref<128xi32, #tpu.memory_space<vmem>>) semaphore(%arg36 : memref<!tpu.dma_semaphore, #tpu.memory_space<semaphore_mem>>) {add = true}
      %mul3A_441 = arith.constant 8 : i32
      %mul3A_442 = arith.muli %mul3A_441, %scan3A_143 : i32
      %add3A_443 = arith.constant 7 : i32
      %add3A_444 = arith.addi %mul3A_442, %add3A_443 : i32
      %dma_wait3A_445 = arith.constant 0 : i32
      %dma_wait3A_446 = arith.constant 0 : i32
      %dma_wait3A_447 = tpu.memref_slice %arg24[%dma_wait3A_445, %dma_wait3A_446] : memref<10240x128xf32, #tpu.memory_space<vmem_shared>> -> memref<10240x128xf32, #tpu.memory_space<vmem_shared>>
      tpu.wait_indirect_dma semaphore(%arg36 : memref<!tpu.dma_semaphore, #tpu.memory_space<semaphore_mem>>) src(%arg22 : memref<128x128xf32, #tpu.memory_space<vmem>>) dst(%dma_wait3A_447 : memref<10240x128xf32, #tpu.memory_space<vmem_shared>>)
      %lt3A_448 = arith.constant 9 : i32
      %lt3A_449 = arith.cmpi slt, %scan3A_143, %lt3A_448 : i32
      %convert_element_type3A_450 = arith.extui %lt3A_449 : i1 to i32
      %cond3A_451 = arith.constant 0 : i32
      %cond3A_452 = arith.cmpi ne, %convert_element_type3A_450, %cond3A_451 : i32
      scf.if %cond3A_452 {
        %add3A_475 = arith.constant 2 : i32
        %add3A_476 = arith.addi %add3A_444, %add3A_475 : i32
        %add3A_477 = arith.addi %mul3A_2, %add3A_476 : i32
        %dma_start3A_478 = arith.constant 0 : i32
        %dma_start3A_479 = tpu.memref_slice %arg3[%add3A_477, %dma_start3A_478] : memref<2560x128xi32, #tpu.memory_space<hbm>> -> memref<1x128xi32, #tpu.memory_space<hbm>>
        %dma_start3A_480 = tpu.memref_squeeze %dma_start3A_479 : memref<1x128xi32, #tpu.memory_space<hbm>> -> memref<128xi32, #tpu.memory_space<hbm>>
        %dma_start3A_481 = arith.constant 0 : i32
        %dma_start3A_482 = tpu.memref_slice %arg3[%add3A_477, %dma_start3A_481] : memref<2560x128xi32, #tpu.memory_space<hbm>> -> memref<1x128xi32, #tpu.memory_space<hbm>>
        %dma_start3A_483 = tpu.memref_squeeze %dma_start3A_482 : memref<1x128xi32, #tpu.memory_space<hbm>> -> memref<128xi32, #tpu.memory_space<hbm>>
        tpu.enqueue_dma source(%dma_start3A_483 : memref<128xi32, #tpu.memory_space<hbm>>) target(%arg7 : memref<128xi32, #tpu.memory_space<vmem>>) target_semaphore(%arg26 : memref<!tpu.dma_semaphore, #tpu.memory_space<semaphore_mem>>)
        %add3A_484 = arith.addi %mul3A_2, %add3A_476 : i32
        %dma_start3A_485 = arith.constant 0 : i32
        %dma_start3A_486 = tpu.memref_slice %arg4[%add3A_484, %dma_start3A_485] : memref<2560x128xi32, #tpu.memory_space<hbm>> -> memref<1x128xi32, #tpu.memory_space<hbm>>
        %dma_start3A_487 = tpu.memref_squeeze %dma_start3A_486 : memref<1x128xi32, #tpu.memory_space<hbm>> -> memref<128xi32, #tpu.memory_space<hbm>>
        %dma_start3A_488 = arith.constant 0 : i32
        %dma_start3A_489 = tpu.memref_slice %arg4[%add3A_484, %dma_start3A_488] : memref<2560x128xi32, #tpu.memory_space<hbm>> -> memref<1x128xi32, #tpu.memory_space<hbm>>
        %dma_start3A_490 = tpu.memref_squeeze %dma_start3A_489 : memref<1x128xi32, #tpu.memory_space<hbm>> -> memref<128xi32, #tpu.memory_space<hbm>>
        tpu.enqueue_dma source(%dma_start3A_490 : memref<128xi32, #tpu.memory_space<hbm>>) target(%arg15 : memref<128xi32, #tpu.memory_space<vmem>>) target_semaphore(%arg26 : memref<!tpu.dma_semaphore, #tpu.memory_space<semaphore_mem>>)
      } else {
      }
      %dma_wait3A_453 = arith.constant 0 : i32
      %dma_wait3A_454 = tpu.memref_slice %arg3[%mul3A_2, %dma_wait3A_453] : memref<2560x128xi32, #tpu.memory_space<hbm>> -> memref<1x128xi32, #tpu.memory_space<hbm>>
      %dma_wait3A_455 = tpu.memref_squeeze %dma_wait3A_454 : memref<1x128xi32, #tpu.memory_space<hbm>> -> memref<128xi32, #tpu.memory_space<hbm>>
      %dma_wait3A_456 = arith.constant 0 : i32
      %dma_wait3A_457 = tpu.memref_slice %arg3[%mul3A_2, %dma_wait3A_456] : memref<2560x128xi32, #tpu.memory_space<hbm>> -> memref<1x128xi32, #tpu.memory_space<hbm>>
      %dma_wait3A_458 = tpu.memref_squeeze %dma_wait3A_457 : memref<1x128xi32, #tpu.memory_space<hbm>> -> memref<128xi32, #tpu.memory_space<hbm>>
      tpu.wait_dma2 semaphore(%arg32 : memref<!tpu.dma_semaphore, #tpu.memory_space<semaphore_mem>>) src(%dma_wait3A_458 : memref<128xi32, #tpu.memory_space<hbm>>) dst(%arg13 : memref<128xi32, #tpu.memory_space<vmem>>)
      %dma_wait3A_459 = arith.constant 0 : i32
      %dma_wait3A_460 = tpu.memref_slice %arg4[%mul3A_2, %dma_wait3A_459] : memref<2560x128xi32, #tpu.memory_space<hbm>> -> memref<1x128xi32, #tpu.memory_space<hbm>>
      %dma_wait3A_461 = tpu.memref_squeeze %dma_wait3A_460 : memref<1x128xi32, #tpu.memory_space<hbm>> -> memref<128xi32, #tpu.memory_space<hbm>>
      %dma_wait3A_462 = arith.constant 0 : i32
      %dma_wait3A_463 = tpu.memref_slice %arg4[%mul3A_2, %dma_wait3A_462] : memref<2560x128xi32, #tpu.memory_space<hbm>> -> memref<1x128xi32, #tpu.memory_space<hbm>>
      %dma_wait3A_464 = tpu.memref_squeeze %dma_wait3A_463 : memref<1x128xi32, #tpu.memory_space<hbm>> -> memref<128xi32, #tpu.memory_space<hbm>>
      tpu.wait_dma2 semaphore(%arg32 : memref<!tpu.dma_semaphore, #tpu.memory_space<semaphore_mem>>) src(%dma_wait3A_464 : memref<128xi32, #tpu.memory_space<hbm>>) dst(%arg21 : memref<128xi32, #tpu.memory_space<vmem>>)
      %dma_start3A_465 = arith.constant 0 : i32
      %dma_start3A_466 = arith.constant 0 : i32
      %dma_start3A_467 = tpu.memref_slice %arg2[%dma_start3A_465, %dma_start3A_466] : memref<10240x128xf32, #tpu.memory_space<hbm>> -> memref<10240x128xf32, #tpu.memory_space<hbm>>
      tpu.enqueue_indirect_dma source(%dma_start3A_467 : memref<10240x128xf32, #tpu.memory_space<hbm>>) target(%arg23 : memref<128x128xf32, #tpu.memory_space<vmem>>) offsets(%arg13 : memref<128xi32, #tpu.memory_space<vmem>>) semaphore(%arg34 : memref<!tpu.dma_semaphore, #tpu.memory_space<semaphore_mem>>)
      %dma_wait3A_468 = arith.constant 0 : i32
      %dma_wait3A_469 = arith.constant 0 : i32
      %dma_wait3A_470 = tpu.memref_slice %arg2[%dma_wait3A_468, %dma_wait3A_469] : memref<10240x128xf32, #tpu.memory_space<hbm>> -> memref<10240x128xf32, #tpu.memory_space<hbm>>
      tpu.wait_indirect_dma semaphore(%arg33 : memref<!tpu.dma_semaphore, #tpu.memory_space<semaphore_mem>>) src(%dma_wait3A_470 : memref<10240x128xf32, #tpu.memory_space<hbm>>) dst(%arg22 : memref<128x128xf32, #tpu.memory_space<vmem>>)
      %dma_start3A_471 = arith.constant 0 : i32
      %dma_start3A_472 = arith.constant 0 : i32
      %dma_start3A_473 = tpu.memref_slice %arg24[%dma_start3A_471, %dma_start3A_472] : memref<10240x128xf32, #tpu.memory_space<vmem_shared>> -> memref<10240x128xf32, #tpu.memory_space<vmem_shared>>
      tpu.enqueue_indirect_dma source(%arg22 : memref<128x128xf32, #tpu.memory_space<vmem>>) target(%dma_start3A_473 : memref<10240x128xf32, #tpu.memory_space<vmem_shared>>) offsets(%arg20 : memref<128xi32, #tpu.memory_space<vmem>>) semaphore(%arg35 : memref<!tpu.dma_semaphore, #tpu.memory_space<semaphore_mem>>) {add = true}
      %scan3A_474 = arith.constant 0 : i32
      scf.yield %scan3A_474 : i32
    }
    %scan3A_125 = arith.constant 10 : i32
    %dma_wait3A_126 = arith.constant 0 : i32
    %dma_wait3A_127 = arith.constant 0 : i32
    %dma_wait3A_128 = tpu.memref_slice %arg2[%dma_wait3A_126, %dma_wait3A_127] : memref<10240x128xf32, #tpu.memory_space<hbm>> -> memref<10240x128xf32, #tpu.memory_space<hbm>>
    tpu.wait_indirect_dma semaphore(%arg34 : memref<!tpu.dma_semaphore, #tpu.memory_space<semaphore_mem>>) src(%dma_wait3A_128 : memref<10240x128xf32, #tpu.memory_space<hbm>>) dst(%arg23 : memref<128x128xf32, #tpu.memory_space<vmem>>)
    %dma_start3A_129 = arith.constant 0 : i32
    %dma_start3A_130 = arith.constant 0 : i32
    %dma_start3A_131 = tpu.memref_slice %arg24[%dma_start3A_129, %dma_start3A_130] : memref<10240x128xf32, #tpu.memory_space<vmem_shared>> -> memref<10240x128xf32, #tpu.memory_space<vmem_shared>>
    tpu.enqueue_indirect_dma source(%arg23 : memref<128x128xf32, #tpu.memory_space<vmem>>) target(%dma_start3A_131 : memref<10240x128xf32, #tpu.memory_space<vmem_shared>>) offsets(%arg21 : memref<128xi32, #tpu.memory_space<vmem>>) semaphore(%arg36 : memref<!tpu.dma_semaphore, #tpu.memory_space<semaphore_mem>>) {add = true}
    %dma_wait3A_132 = arith.constant 0 : i32
    %dma_wait3A_133 = arith.constant 0 : i32
    %dma_wait3A_134 = tpu.memref_slice %arg24[%dma_wait3A_132, %dma_wait3A_133] : memref<10240x128xf32, #tpu.memory_space<vmem_shared>> -> memref<10240x128xf32, #tpu.memory_space<vmem_shared>>
    tpu.wait_indirect_dma semaphore(%arg35 : memref<!tpu.dma_semaphore, #tpu.memory_space<semaphore_mem>>) src(%arg22 : memref<128x128xf32, #tpu.memory_space<vmem>>) dst(%dma_wait3A_134 : memref<10240x128xf32, #tpu.memory_space<vmem_shared>>)
    %dma_wait3A_135 = arith.constant 0 : i32
    %dma_wait3A_136 = arith.constant 0 : i32
    %dma_wait3A_137 = tpu.memref_slice %arg24[%dma_wait3A_135, %dma_wait3A_136] : memref<10240x128xf32, #tpu.memory_space<vmem_shared>> -> memref<10240x128xf32, #tpu.memory_space<vmem_shared>>
    tpu.wait_indirect_dma semaphore(%arg36 : memref<!tpu.dma_semaphore, #tpu.memory_space<semaphore_mem>>) src(%arg22 : memref<128x128xf32, #tpu.memory_space<vmem>>) dst(%dma_wait3A_137 : memref<10240x128xf32, #tpu.memory_space<vmem_shared>>)
    %barrier3A_138 = arith.constant 0 : index
    tpu.barrier barrier_id(%barrier3A_138)
    %mul3A_139 = arith.constant 640 : i32
    %mul3A_140 = arith.muli %arg1, %mul3A_139 : i32
    %mul3A_141 = arith.constant 640 : i32
    %mul3A_142 = arith.muli %arg1, %mul3A_141 : i32
    "tpu.region"() ({
      %run_scoped3A = tpu.sem_alloc : memref<!tpu.dma_semaphore, #tpu.memory_space<semaphore_mem>>
      %dma_start3A_143 = arith.constant 0 : i32
      %dma_start3A_144 = tpu.memref_slice %arg5[%arg0, %mul3A_142, %dma_start3A_143] : memref<2x10240x128xf32, #tpu.memory_space<hbm>> -> memref<1x640x128xf32, #tpu.memory_space<hbm>>
      %dma_start3A_145 = tpu.memref_squeeze %dma_start3A_144 : memref<1x640x128xf32, #tpu.memory_space<hbm>> -> memref<640x128xf32, #tpu.memory_space<hbm>>
      %dma_start3A_146 = arith.constant 0 : i32
      %dma_start3A_147 = tpu.memref_slice %arg24[%mul3A_140, %dma_start3A_146] : memref<10240x128xf32, #tpu.memory_space<vmem_shared>> -> memref<640x128xf32, #tpu.memory_space<vmem_shared>>
      tpu.enqueue_dma source(%dma_start3A_147 : memref<640x128xf32, #tpu.memory_space<vmem_shared>>) target(%dma_start3A_145 : memref<640x128xf32, #tpu.memory_space<hbm>>) target_semaphore(%run_scoped3A : memref<!tpu.dma_semaphore, #tpu.memory_space<semaphore_mem>>)
      %dma_wait3A_148 = arith.constant 0 : i32
      %dma_wait3A_149 = tpu.memref_slice %arg5[%arg0, %mul3A_142, %dma_wait3A_148] : memref<2x10240x128xf32, #tpu.memory_space<hbm>> -> memref<1x640x128xf32, #tpu.memory_space<hbm>>
      %dma_wait3A_150 = tpu.memref_squeeze %dma_wait3A_149 : memref<1x640x128xf32, #tpu.memory_space<hbm>> -> memref<640x128xf32, #tpu.memory_space<hbm>>
      %dma_wait3A_151 = arith.constant 0 : i32
      %dma_wait3A_152 = tpu.memref_slice %arg24[%mul3A_140, %dma_wait3A_151] : memref<10240x128xf32, #tpu.memory_space<vmem_shared>> -> memref<640x128xf32, #tpu.memory_space<vmem_shared>>
      tpu.wait_dma2 semaphore(%run_scoped3A : memref<!tpu.dma_semaphore, #tpu.memory_space<semaphore_mem>>) src(%dma_wait3A_152 : memref<640x128xf32, #tpu.memory_space<vmem_shared>>) dst(%dma_wait3A_150 : memref<640x128xf32, #tpu.memory_space<hbm>>)
      tpu.yield
    }) : () -> ()
    return
  }
}

module attributes {stable_mosaic.version = 14 : i64} {
  func.func @_tc1a_body(%arg0: i32, %arg1: memref<1024x128xf32, #tpu.memory_space<vmem>>, %arg2: memref<128x128xf32, #tpu.memory_space<vmem>>, %arg3: memref<128xf32, #tpu.memory_space<vmem>>, %arg4: memref<128x128xf32, #tpu.memory_space<vmem>>, %arg5: memref<1024x128xf32, #tpu.memory_space<vmem>>) attributes {dimension_semantics = [#tpu.dimension_semantics<arbitrary>], iteration_bounds = array<i64: 10>, scalar_prefetch = 0 : i64, scratch_operands = 0 : i64, tpu.core_type = #tpu.core_type<tc>, window_params = [{transform_indices = @transform_0, window_bounds = array<i64: 1024, 128>}, {pipeline_mode = #tpu.pipeline_mode<synchronous>, transform_indices = @transform_1, window_bounds = array<i64: 128, 128>}, {pipeline_mode = #tpu.pipeline_mode<synchronous>, transform_indices = @transform_2, window_bounds = array<i64: 128>}, {pipeline_mode = #tpu.pipeline_mode<synchronous>, transform_indices = @transform_3, window_bounds = array<i64: 128, 128>}, {transform_indices = @transform_4, window_bounds = array<i64: 1024, 128>}]} {
    %get3A = arith.constant 0 : index
    %get3A_0 = arith.constant 0 : index
    %get3A_1 = vector.load %arg1[%get3A, %get3A_0] : memref<1024x128xf32, #tpu.memory_space<vmem>>, vector<1024x128xf32>
    %get3A_2 = arith.constant 0 : index
    %get3A_3 = arith.constant 0 : index
    %get3A_4 = vector.load %arg2[%get3A_2, %get3A_3] : memref<128x128xf32, #tpu.memory_space<vmem>>, vector<128x128xf32>
    %dot_general3A = arith.constant dense<0.000000e+00> : vector<1024x128xf32>
    %dot_general3A_5 = tpu.matmul %get3A_1, %get3A_4, %dot_general3A {dimension_numbers = #tpu.dot_dimension_numbers<[1], [0], [0], [1], [0, 0, 1, 1], [], []>, transpose_lhs_hint = false} : vector<1024x128xf32>, vector<128x128xf32>, vector<1024x128xf32> -> vector<1024x128xf32>
    %get3A_6 = arith.constant 0 : index
    %get3A_7 = vector.load %arg3[%get3A_6] : memref<128xf32, #tpu.memory_space<vmem>>, vector<128xf32>
    %broadcast_in_dim3A = vector.shape_cast %get3A_7 : vector<128xf32> to vector<1x128xf32>
    %add3A = vector.broadcast %broadcast_in_dim3A : vector<1x128xf32> to vector<1024x128xf32>
    %add3A_8 = arith.addf %dot_general3A_5, %add3A : vector<1024x128xf32>
    %get3A_9 = arith.constant 0 : index
    %get3A_10 = arith.constant 0 : index
    %get3A_11 = vector.load %arg4[%get3A_9, %get3A_10] : memref<128x128xf32, #tpu.memory_space<vmem>>, vector<128x128xf32>
    %dot_general3A_12 = arith.constant dense<0.000000e+00> : vector<1024x128xf32>
    %dot_general3A_13 = tpu.matmul %add3A_8, %get3A_11, %dot_general3A_12 {dimension_numbers = #tpu.dot_dimension_numbers<[1], [0], [0], [1], [0, 0, 1, 1], [], []>, transpose_lhs_hint = false} : vector<1024x128xf32>, vector<128x128xf32>, vector<1024x128xf32> -> vector<1024x128xf32>
    %swap3A = arith.constant 0 : index
    %swap3A_14 = arith.constant 0 : index
    %swap3A_15 = vector.load %arg5[%swap3A, %swap3A_14] : memref<1024x128xf32, #tpu.memory_space<vmem>>, vector<1024x128xf32>
    tpu.vector_store %arg5[%swap3A, %swap3A_14], %dot_general3A_13 {strides = array<i32>} : memref<1024x128xf32, #tpu.memory_space<vmem>>, vector<1024x128xf32>,
    return
  }
  func.func @transform_0(%arg0: i32) -> (i32, i32) {
    %c0_i32 = arith.constant 0 : i32
    %c0_i32_0 = arith.constant 0 : i32
    return %arg0, %c0_i32 : i32, i32
  }
  func.func @transform_1(%arg0: i32) -> (i32, i32) {
    %c0_i32 = arith.constant 0 : i32
    %c0_i32_0 = arith.constant 0 : i32
    %c0_i32_1 = arith.constant 0 : i32
    return %c0_i32, %c0_i32_0 : i32, i32
  }
  func.func @transform_2(%arg0: i32) -> i32 {
    %c0_i32 = arith.constant 0 : i32
    %c0_i32_0 = arith.constant 0 : i32
    return %c0_i32 : i32
  }
  func.func @transform_3(%arg0: i32) -> (i32, i32) {
    %c0_i32 = arith.constant 0 : i32
    %c0_i32_0 = arith.constant 0 : i32
    %c0_i32_1 = arith.constant 0 : i32
    return %c0_i32, %c0_i32_0 : i32, i32
  }
  func.func @transform_4(%arg0: i32) -> (i32, i32) {
    %c0_i32 = arith.constant 0 : i32
    %c0_i32_0 = arith.constant 0 : i32
    return %arg0, %c0_i32 : i32, i32
  }
}

module attributes {stable_mosaic.version = 14 : i64} {
  func.func @_tc1b_body(%arg0: i32, %arg1: memref<1024x128xf32, #tpu.memory_space<vmem>>, %arg2: memref<2x1024xf32, #tpu.memory_space<vmem>>, %arg3: memref<1024x128xf32, #tpu.memory_space<vmem>>, %arg4: memref<1024x1xf32, #tpu.memory_space<vmem>>) attributes {dimension_semantics = [#tpu.dimension_semantics<arbitrary>], iteration_bounds = array<i64: 10>, scalar_prefetch = 0 : i64, scratch_operands = 0 : i64, tpu.core_type = #tpu.core_type<tc>, window_params = [{transform_indices = @transform_0, window_bounds = array<i64: 1024, 128>}, {transform_indices = @transform_1, window_bounds = array<i64: 2, 1024>}, {transform_indices = @transform_2, window_bounds = array<i64: 1024, 128>}, {transform_indices = @transform_3, window_bounds = array<i64: 1024, 1>}]} {
    %get3A = arith.constant 0 : index
    %get3A_0 = arith.constant 0 : index
    %get3A_1 = vector.load %arg2[%get3A, %get3A_0] : memref<2x1024xf32, #tpu.memory_space<vmem>>, vector<1x1024xf32>
    %get3A_2 = vector.shape_cast %get3A_1 : vector<1x1024xf32> to vector<1024xf32>
    %get3A_3 = arith.constant 1 : index
    %get3A_4 = arith.constant 0 : index
    %get3A_5 = vector.load %arg2[%get3A_3, %get3A_4] : memref<2x1024xf32, #tpu.memory_space<vmem>>, vector<1x1024xf32>
    %get3A_6 = vector.shape_cast %get3A_5 : vector<1x1024xf32> to vector<1024xf32>
    %add3A = arith.addf %get3A_2, %get3A_6 : vector<1024xf32>
    %add3A_7 = arith.constant 1.000000e+00 : f32
    %add3A_8 = vector.broadcast %add3A_7 : f32 to vector<1024xf32>
    %add3A_9 = arith.addf %add3A, %add3A_8 : vector<1024xf32>
    %rsqrt3A = math.rsqrt %add3A_9 : vector<1024xf32>
    %broadcast_in_dim3A = vector.shape_cast %rsqrt3A : vector<1024xf32> to vector<1024x1xf32>
    %swap3A = arith.constant 0 : index
    %swap3A_10 = arith.constant 0 : index
    %swap3A_11 = vector.load %arg4[%swap3A, %swap3A_10] : memref<1024x1xf32, #tpu.memory_space<vmem>>, vector<1024x1xf32>
    tpu.vector_store %arg4[%swap3A, %swap3A_10], %broadcast_in_dim3A {strides = array<i32>} : memref<1024x1xf32, #tpu.memory_space<vmem>>, vector<1024x1xf32>,
    %get3A_12 = arith.constant 0 : index
    %get3A_13 = arith.constant 0 : index
    %get3A_14 = vector.load %arg1[%get3A_12, %get3A_13] : memref<1024x128xf32, #tpu.memory_space<vmem>>, vector<1024x128xf32>
    %broadcast_in_dim3A_15 = vector.shape_cast %rsqrt3A : vector<1024xf32> to vector<1024x1xf32>
    %mul3A = vector.broadcast %broadcast_in_dim3A_15 : vector<1024x1xf32> to vector<1024x128xf32>
    %mul3A_16 = arith.mulf %get3A_14, %mul3A : vector<1024x128xf32>
    %swap3A_17 = arith.constant 0 : index
    %swap3A_18 = arith.constant 0 : index
    %swap3A_19 = vector.load %arg3[%swap3A_17, %swap3A_18] : memref<1024x128xf32, #tpu.memory_space<vmem>>, vector<1024x128xf32>
    tpu.vector_store %arg3[%swap3A_17, %swap3A_18], %mul3A_16 {strides = array<i32>} : memref<1024x128xf32, #tpu.memory_space<vmem>>, vector<1024x128xf32>,
    return
  }
  func.func @transform_0(%arg0: i32) -> (i32, i32) {
    %c0_i32 = arith.constant 0 : i32
    %c0_i32_0 = arith.constant 0 : i32
    return %arg0, %c0_i32 : i32, i32
  }
  func.func @transform_1(%arg0: i32) -> (i32, i32) {
    %c0_i32 = arith.constant 0 : i32
    %c0_i32_0 = arith.constant 0 : i32
    return %c0_i32, %arg0 : i32, i32
  }
  func.func @transform_2(%arg0: i32) -> (i32, i32) {
    %c0_i32 = arith.constant 0 : i32
    %c0_i32_0 = arith.constant 0 : i32
    return %arg0, %c0_i32 : i32, i32
  }
  func.func @transform_3(%arg0: i32) -> (i32, i32) {
    %c0_i32 = arith.constant 0 : i32
    %c0_i32_0 = arith.constant 0 : i32
    return %arg0, %c0_i32 : i32, i32
  }
}

module attributes {stable_mosaic.version = 14 : i64} {
  func.func @_tc2_body(%arg0: i32, %arg1: memref<2x1024x128xf32, #tpu.memory_space<vmem>>, %arg2: memref<1024x128xf32, #tpu.memory_space<vmem>>, %arg3: memref<1024x1xf32, #tpu.memory_space<vmem>>, %arg4: memref<128xf32, #tpu.memory_space<vmem>>, %arg5: memref<128x128xf32, #tpu.memory_space<vmem>>, %arg6: memref<1024x128xf32, #tpu.memory_space<vmem>>) attributes {dimension_semantics = [#tpu.dimension_semantics<arbitrary>], iteration_bounds = array<i64: 10>, scalar_prefetch = 0 : i64, scratch_operands = 0 : i64, tpu.core_type = #tpu.core_type<tc>, window_params = [{transform_indices = @transform_0, window_bounds = array<i64: 2, 1024, 128>}, {transform_indices = @transform_1, window_bounds = array<i64: 1024, 128>}, {transform_indices = @transform_2, window_bounds = array<i64: 1024, 1>}, {pipeline_mode = #tpu.pipeline_mode<synchronous>, transform_indices = @transform_3, window_bounds = array<i64: 128>}, {pipeline_mode = #tpu.pipeline_mode<synchronous>, transform_indices = @transform_4, window_bounds = array<i64: 128, 128>}, {transform_indices = @transform_5, window_bounds = array<i64: 1024, 128>}]} {
    %get3A = arith.constant 0 : index
    %get3A_0 = arith.constant 0 : index
    %get3A_1 = vector.load %arg3[%get3A, %get3A_0] : memref<1024x1xf32, #tpu.memory_space<vmem>>, vector<1024x1xf32>
    %get3A_2 = arith.constant 0 : index
    %get3A_3 = arith.constant 0 : index
    %get3A_4 = arith.constant 0 : index
    %get3A_5 = vector.load %arg1[%get3A_2, %get3A_3, %get3A_4] : memref<2x1024x128xf32, #tpu.memory_space<vmem>>, vector<1x1024x128xf32>
    %get3A_6 = vector.shape_cast %get3A_5 : vector<1x1024x128xf32> to vector<1024x128xf32>
    %get3A_7 = arith.constant 1 : index
    %get3A_8 = arith.constant 0 : index
    %get3A_9 = arith.constant 0 : index
    %get3A_10 = vector.load %arg1[%get3A_7, %get3A_8, %get3A_9] : memref<2x1024x128xf32, #tpu.memory_space<vmem>>, vector<1x1024x128xf32>
    %get3A_11 = vector.shape_cast %get3A_10 : vector<1x1024x128xf32> to vector<1024x128xf32>
    %add3A = arith.addf %get3A_6, %get3A_11 : vector<1024x128xf32>
    %get3A_12 = arith.constant 0 : index
    %get3A_13 = arith.constant 0 : index
    %get3A_14 = vector.load %arg2[%get3A_12, %get3A_13] : memref<1024x128xf32, #tpu.memory_space<vmem>>, vector<1024x128xf32>
    %add3A_15 = arith.addf %add3A, %get3A_14 : vector<1024x128xf32>
    %mul3A = vector.broadcast %get3A_1 : vector<1024x1xf32> to vector<1024x128xf32>
    %mul3A_16 = arith.mulf %mul3A, %add3A_15 : vector<1024x128xf32>
    %get3A_17 = arith.constant 0 : index
    %get3A_18 = vector.load %arg4[%get3A_17] : memref<128xf32, #tpu.memory_space<vmem>>, vector<128xf32>
    %broadcast_in_dim3A = vector.shape_cast %get3A_18 : vector<128xf32> to vector<1x128xf32>
    %add3A_19 = vector.broadcast %broadcast_in_dim3A : vector<1x128xf32> to vector<1024x128xf32>
    %add3A_20 = arith.addf %mul3A_16, %add3A_19 : vector<1024x128xf32>
    %max3A = arith.constant 0.000000e+00 : f32
    %max3A_21 = vector.broadcast %max3A : f32 to vector<1024x128xf32>
    %max3A_22 = arith.maximumf %add3A_20, %max3A_21 : vector<1024x128xf32>
    %get3A_23 = arith.constant 0 : index
    %get3A_24 = arith.constant 0 : index
    %get3A_25 = vector.load %arg5[%get3A_23, %get3A_24] : memref<128x128xf32, #tpu.memory_space<vmem>>, vector<128x128xf32>
    %dot_general3A = arith.constant dense<0.000000e+00> : vector<1024x128xf32>
    %dot_general3A_26 = tpu.matmul %max3A_22, %get3A_25, %dot_general3A {dimension_numbers = #tpu.dot_dimension_numbers<[1], [0], [0], [1], [0, 0, 1, 1], [], []>, transpose_lhs_hint = false} : vector<1024x128xf32>, vector<128x128xf32>, vector<1024x128xf32> -> vector<1024x128xf32>
    %mul3A_27 = vector.broadcast %get3A_1 : vector<1024x1xf32> to vector<1024x128xf32>
    %mul3A_28 = arith.mulf %dot_general3A_26, %mul3A_27 : vector<1024x128xf32>
    %swap3A = arith.constant 0 : index
    %swap3A_29 = arith.constant 0 : index
    %swap3A_30 = vector.load %arg6[%swap3A, %swap3A_29] : memref<1024x128xf32, #tpu.memory_space<vmem>>, vector<1024x128xf32>
    tpu.vector_store %arg6[%swap3A, %swap3A_29], %mul3A_28 {strides = array<i32>} : memref<1024x128xf32, #tpu.memory_space<vmem>>, vector<1024x128xf32>,
    return
  }
  func.func @transform_0(%arg0: i32) -> (i32, i32, i32) {
    %c0_i32 = arith.constant 0 : i32
    %c0_i32_0 = arith.constant 0 : i32
    %c0_i32_1 = arith.constant 0 : i32
    return %c0_i32, %arg0, %c0_i32_0 : i32, i32, i32
  }
  func.func @transform_1(%arg0: i32) -> (i32, i32) {
    %c0_i32 = arith.constant 0 : i32
    %c0_i32_0 = arith.constant 0 : i32
    return %arg0, %c0_i32 : i32, i32
  }
  func.func @transform_2(%arg0: i32) -> (i32, i32) {
    %c0_i32 = arith.constant 0 : i32
    %c0_i32_0 = arith.constant 0 : i32
    return %arg0, %c0_i32 : i32, i32
  }
  func.func @transform_3(%arg0: i32) -> i32 {
    %c0_i32 = arith.constant 0 : i32
    %c0_i32_0 = arith.constant 0 : i32
    return %c0_i32 : i32
  }
  func.func @transform_4(%arg0: i32) -> (i32, i32) {
    %c0_i32 = arith.constant 0 : i32
    %c0_i32_0 = arith.constant 0 : i32
    %c0_i32_1 = arith.constant 0 : i32
    return %c0_i32, %c0_i32_0 : i32, i32
  }
  func.func @transform_5(%arg0: i32) -> (i32, i32) {
    %c0_i32 = arith.constant 0 : i32
    %c0_i32_0 = arith.constant 0 : i32
    return %arg0, %c0_i32 : i32, i32
  }
}

module attributes {stable_mosaic.version = 14 : i64} {
  func.func @_tc3_body(%arg0: i32, %arg1: memref<2x1000x128xf32, #tpu.memory_space<vmem>>, %arg2: memref<1000x128xf32, #tpu.memory_space<vmem>>, %arg3: memref<1000x1xf32, #tpu.memory_space<vmem>>, %arg4: memref<128xf32, #tpu.memory_space<vmem>>, %arg5: memref<128x40xf32, #tpu.memory_space<vmem>>, %arg6: memref<40xf32, #tpu.memory_space<vmem>>, %arg7: memref<1000x40xf32, #tpu.memory_space<vmem>>) attributes {dimension_semantics = [#tpu.dimension_semantics<arbitrary>], iteration_bounds = array<i64: 10>, scalar_prefetch = 0 : i64, scratch_operands = 0 : i64, tpu.core_type = #tpu.core_type<tc>, window_params = [{transform_indices = @transform_0, window_bounds = array<i64: 2, 1000, 128>}, {transform_indices = @transform_1, window_bounds = array<i64: 1000, 128>}, {transform_indices = @transform_2, window_bounds = array<i64: 1000, 1>}, {pipeline_mode = #tpu.pipeline_mode<synchronous>, transform_indices = @transform_3, window_bounds = array<i64: 128>}, {pipeline_mode = #tpu.pipeline_mode<synchronous>, transform_indices = @transform_4, window_bounds = array<i64: 128, 40>}, {pipeline_mode = #tpu.pipeline_mode<synchronous>, transform_indices = @transform_5, window_bounds = array<i64: 40>}, {transform_indices = @transform_6, window_bounds = array<i64: 1000, 40>}]} {
    %get3A = arith.constant 0 : index
    %get3A_0 = arith.constant 0 : index
    %get3A_1 = vector.load %arg3[%get3A, %get3A_0] : memref<1000x1xf32, #tpu.memory_space<vmem>>, vector<1000x1xf32>
    %get3A_2 = arith.constant 0 : index
    %get3A_3 = arith.constant 0 : index
    %get3A_4 = arith.constant 0 : index
    %get3A_5 = vector.load %arg1[%get3A_2, %get3A_3, %get3A_4] : memref<2x1000x128xf32, #tpu.memory_space<vmem>>, vector<1x1000x128xf32>
    %get3A_6 = vector.shape_cast %get3A_5 : vector<1x1000x128xf32> to vector<1000x128xf32>
    %get3A_7 = arith.constant 1 : index
    %get3A_8 = arith.constant 0 : index
    %get3A_9 = arith.constant 0 : index
    %get3A_10 = vector.load %arg1[%get3A_7, %get3A_8, %get3A_9] : memref<2x1000x128xf32, #tpu.memory_space<vmem>>, vector<1x1000x128xf32>
    %get3A_11 = vector.shape_cast %get3A_10 : vector<1x1000x128xf32> to vector<1000x128xf32>
    %add3A = arith.addf %get3A_6, %get3A_11 : vector<1000x128xf32>
    %get3A_12 = arith.constant 0 : index
    %get3A_13 = arith.constant 0 : index
    %get3A_14 = vector.load %arg2[%get3A_12, %get3A_13] : memref<1000x128xf32, #tpu.memory_space<vmem>>, vector<1000x128xf32>
    %add3A_15 = arith.addf %add3A, %get3A_14 : vector<1000x128xf32>
    %mul3A = vector.broadcast %get3A_1 : vector<1000x1xf32> to vector<1000x128xf32>
    %mul3A_16 = arith.mulf %mul3A, %add3A_15 : vector<1000x128xf32>
    %get3A_17 = arith.constant 0 : index
    %get3A_18 = vector.load %arg4[%get3A_17] : memref<128xf32, #tpu.memory_space<vmem>>, vector<128xf32>
    %broadcast_in_dim3A = vector.shape_cast %get3A_18 : vector<128xf32> to vector<1x128xf32>
    %add3A_19 = vector.broadcast %broadcast_in_dim3A : vector<1x128xf32> to vector<1000x128xf32>
    %add3A_20 = arith.addf %mul3A_16, %add3A_19 : vector<1000x128xf32>
    %max3A = arith.constant 0.000000e+00 : f32
    %max3A_21 = vector.broadcast %max3A : f32 to vector<1000x128xf32>
    %max3A_22 = arith.maximumf %add3A_20, %max3A_21 : vector<1000x128xf32>
    %get3A_23 = arith.constant 0 : index
    %get3A_24 = arith.constant 0 : index
    %get3A_25 = vector.load %arg5[%get3A_23, %get3A_24] : memref<128x40xf32, #tpu.memory_space<vmem>>, vector<128x40xf32>
    %dot_general3A = arith.constant dense<0.000000e+00> : vector<1000x40xf32>
    %dot_general3A_26 = tpu.matmul %max3A_22, %get3A_25, %dot_general3A {dimension_numbers = #tpu.dot_dimension_numbers<[1], [0], [0], [1], [0, 0, 1, 1], [], []>, transpose_lhs_hint = false} : vector<1000x128xf32>, vector<128x40xf32>, vector<1000x40xf32> -> vector<1000x40xf32>
    %get3A_27 = arith.constant 0 : index
    %get3A_28 = vector.load %arg6[%get3A_27] : memref<40xf32, #tpu.memory_space<vmem>>, vector<40xf32>
    %broadcast_in_dim3A_29 = vector.shape_cast %get3A_28 : vector<40xf32> to vector<1x40xf32>
    %add3A_30 = vector.broadcast %broadcast_in_dim3A_29 : vector<1x40xf32> to vector<1000x40xf32>
    %add3A_31 = arith.addf %dot_general3A_26, %add3A_30 : vector<1000x40xf32>
    %reduce_max3A = arith.constant dense<0xFF800000> : vector<1000xf32>
    %reduce_max3A_32 = vector.multi_reduction <maximumf>, %add3A_31, %reduce_max3A [1] : vector<1000x40xf32> to vector<1000xf32>
    %broadcast_in_dim3A_33 = vector.shape_cast %reduce_max3A_32 : vector<1000xf32> to vector<1000x1xf32>
    %sub3A = vector.broadcast %broadcast_in_dim3A_33 : vector<1000x1xf32> to vector<1000x40xf32>
    %sub3A_34 = arith.subf %add3A_31, %sub3A : vector<1000x40xf32>
    %exp3A = math.exp %sub3A_34 : vector<1000x40xf32>
    %reduce_sum3A = arith.constant dense<0.000000e+00> : vector<1000xf32>
    %reduce_sum3A_35 = vector.multi_reduction <add>, %exp3A, %reduce_sum3A [1] : vector<1000x40xf32> to vector<1000xf32>
    %broadcast_in_dim3A_36 = vector.shape_cast %reduce_sum3A_35 : vector<1000xf32> to vector<1000x1xf32>
    %log3A = math.log %broadcast_in_dim3A_36 : vector<1000x1xf32>
    %add3A_37 = arith.addf %log3A, %broadcast_in_dim3A_33 : vector<1000x1xf32>
    %sub3A_38 = vector.broadcast %add3A_37 : vector<1000x1xf32> to vector<1000x40xf32>
    %sub3A_39 = arith.subf %add3A_31, %sub3A_38 : vector<1000x40xf32>
    %swap3A = arith.constant 0 : index
    %swap3A_40 = arith.constant 0 : index
    %swap3A_41 = vector.load %arg7[%swap3A, %swap3A_40] : memref<1000x40xf32, #tpu.memory_space<vmem>>, vector<1000x40xf32>
    tpu.vector_store %arg7[%swap3A, %swap3A_40], %sub3A_39 {strides = array<i32>} : memref<1000x40xf32, #tpu.memory_space<vmem>>, vector<1000x40xf32>,
    return
  }
  func.func @transform_0(%arg0: i32) -> (i32, i32, i32) {
    %c0_i32 = arith.constant 0 : i32
    %c0_i32_0 = arith.constant 0 : i32
    %c0_i32_1 = arith.constant 0 : i32
    return %c0_i32, %arg0, %c0_i32_0 : i32, i32, i32
  }
  func.func @transform_1(%arg0: i32) -> (i32, i32) {
    %c0_i32 = arith.constant 0 : i32
    %c0_i32_0 = arith.constant 0 : i32
    return %arg0, %c0_i32 : i32, i32
  }
  func.func @transform_2(%arg0: i32) -> (i32, i32) {
    %c0_i32 = arith.constant 0 : i32
    %c0_i32_0 = arith.constant 0 : i32
    return %arg0, %c0_i32 : i32, i32
  }
  func.func @transform_3(%arg0: i32) -> i32 {
    %c0_i32 = arith.constant 0 : i32
    %c0_i32_0 = arith.constant 0 : i32
    return %c0_i32 : i32
  }
  func.func @transform_4(%arg0: i32) -> (i32, i32) {
    %c0_i32 = arith.constant 0 : i32
    %c0_i32_0 = arith.constant 0 : i32
    %c0_i32_1 = arith.constant 0 : i32
    return %c0_i32, %c0_i32_0 : i32, i32
  }
  func.func @transform_5(%arg0: i32) -> i32 {
    %c0_i32 = arith.constant 0 : i32
    %c0_i32_0 = arith.constant 0 : i32
    return %c0_i32 : i32
  }
  func.func @transform_6(%arg0: i32) -> (i32, i32) {
    %c0_i32 = arith.constant 0 : i32
    %c0_i32_0 = arith.constant 0 : i32
    return %arg0, %c0_i32 : i32, i32
  }
}

</mosaic_0001>

<sc_bundles>
// kernel: kernel.12.cloned.1.call-start
scs
__scs_entry_jumppad:
0x0: {  	(pc) =	sbr.rel $0x88, $3  }
0x1: {  	(tag) =	ssettag $0x0;
	lr =	simm.s32 $0x1  }
0x2: {  	[smem:$0x3F97] =	sst lr;
	_ =	strace $0xD0000000  }
0x3: {  	_ = 	snop  }
0x4: {  	_ = 	snop  }
0x5: {  	_ = 	snop  }
0x6: {  	_ = 	snop  }
0x7: {  	_ = 	snop  }
__scs_overlays_trampoline_lowered:
0x8: {  	[smem:$0x3FA6] =	sst s0  }
0x9: {  	[smem:$0x3FA7] =	sst s1  }
0xa: {  	[smem:$0x3FA8] =	sst s2  }
0xb: {  	[smem:$0x3FA9] =	sst s3  }
0xc: {  	[smem:$0x3FAA] =	sst s4  }
0xd: {  	[smem:$0x3FAB] =	sst s5  }
0xe: {  	[smem:$0x3FAC] =	sst s6  }
0xf: {  	[smem:$0x3FAD] =	sst s7  }
0x10: {  	[smem:$0x3FAE] =	sst s8  }
0x11: {  	[smem:$0x3FAF] =	sst s9;
	s0 =	simm.s32 @!p0 $0x0  }
0x12: {  	s1 =	sld [smem:$0x3F95];
	s0 =	simm.s32 @p0 $0x1  }
0x13: {  	[smem:$0x3FB0] =	sst s0;
	s0 =	simm.s32 @!p1 $0x0  }
0x14: {  	s2 =	sld [smem:$0x3F94];
	s0 =	simm.s32 @p1 $0x1  }
0x15: {  	[smem:$0x3FB1] =	sst s0;
	s0 =	simm.s32 @!p2 $0x0  }
0x16: {  	s3 =	sld [smem:$0x3FDB];
	s0 =	simm.s32 @p2 $0x1  }
0x17: {  	s4 =	simm.s32 $0x1BF5;
	[smem:$0x3FB3] =	sst s0  }
0x18: {  	s0 =	sld [smem:$0x3F96];
	_ =	swait.ge [sflag:s4], $0x0  }
0x19: {  	s7 =	sld [smem:$0x3F97]  }
0x1a: {  	s8 =	sadd.s32 $0xFFFFE003, lr  }
0x1b: {  	s9 =	sadd.s32 $0xFFFFFEF7, lr;
	s5 =	simm.s32 $0xFFFFFFFF;
	p2 =	slt.u32 s8, $0xFFFFF086  }
0x1c: {  	p1 =	slt.u32 s9, $0xF7A;
	s5 =	simm.s32 @!p2 $0x0  }
0x1d: {  	s5 =	simm.s32 @p1 $0x1;
	p0 =	seq.s32 s7, s2  }
0x1e: {  	s7 =	smul.u32 @!p0 $0xF7A, s2;
	p2 =	seq.s32 @!p0 s5, $0x0  }
0x1f: {  	s9 =	smul.u32 $0xF7A, s1;
	s8 =	simm.s32 @!p0 $0x1BF5;
	p2 =	por !p2, p0  }
0x20: {  	[sflag:s8] =	ssyncset.s32 @!p0 $0xFFFFF086;
	s6 =	sadd.s32 @!p0 s3, s7;
	s7 =	simm.s32 @!p0 $0x108  }
0x21: {  	s3 =	sadd.s32 s3, s9;
	s6 =	sadd.s32 @!p0 $0x88, s6;
	s7 =	simm.s32 @p2 $0x1082  }
0x22: {  	[simem:s7], [sflag:s8] =	dma.local @!p0 [hbm:s6], $0xF7A  }
0x23: {  	s9 =	sor.u32 $0xD0000000, s2;
	s6 =	simm.s32 $0x108;
	_ =	swait.ge @!p0 [sflag:s8], $0x0  }
0x24: {  	s3 =	sadd.s32 $0x88, s3;
	s6 =	simm.s32 @!p1 $0x1082;
	[sflag:s4] =	ssyncset.s32 $0xFFFFF086  }
0x25: {  	[simem:s6], [sflag:s4] =	dma.local [hbm:s3], $0xF7A  }
0x26: {  	[smem:$0x3F97] =	sst s1;
	(tag) =	ssettag s2;
	_ =	strace s9  }
0x27: {  	s1 =	sld [smem:$0x3FA7]  }
0x28: {  	s2 =	sld [smem:$0x3FA8]  }
0x29: {  	s4 =	sld [smem:$0x3FAA]  }
0x2a: {  	p0 =	seq.s32 s5, $0x0;
	s5 =	sld [smem:$0x3FAB]  }
0x2b: {  	s6 =	sld [smem:$0x3FAC]  }
0x2c: {  	s7 =	sld [smem:$0x3FAD]  }
0x2d: {  	s3 =	simm.s32 $0x108;
	s8 =	sld [smem:$0x3FAE]  }
0x2e: {  	s3 =	simm.s32 @!p0 $0x1082;
	s9 =	sld [smem:$0x3FAF]  }
0x2f: {  	lr =	sadd.s32 s0, s3;
	s0 =	sld [smem:$0x3FA6]  }
0x30: {  	s3 =	sld [smem:$0x3FA9]  }
0x31: {  	[smem:$0x3FB2] =	sst s10  }
0x32: {  	s10 =	sld [smem:$0x3FB0];
	_ =	sdelay $0x3  }
0x33: {  	p0 =	seq.s32 s10, $0x1;
	s10 =	sld [smem:$0x3FB2];
	_ =	sdelay $0x3  }
0x34: {  	[smem:$0x3FB2] =	sst s10  }
0x35: {  	s10 =	sld [smem:$0x3FB1];
	_ =	sdelay $0x3  }
0x36: {  	p1 =	seq.s32 s10, $0x1;
	s10 =	sld [smem:$0x3FB2];
	_ =	sdelay $0x3  }
0x37: {  	[smem:$0x3FB2] =	sst s10  }
0x38: {  	s10 =	sld [smem:$0x3FB3]  }
0x39: {  	_ = 	snop;
	(pc) =	sbr.ind lr, $3  }
0x3a: {  	_ = 	snop  }
0x3b: {  	_ = 	snop  }
0x3c: {  	p2 =	seq.s32 s10, $0x1;
	s10 =	sld [smem:$0x3FB2]  }
0x3d: {  	_ =	shalt  }
0x3e: {  	_ =	shalt  }
0x3f: {  	_ =	shalt  }
0x40: {  	_ =	shalt  }
0x41: {  	_ =	shalt  }
0x42: {  	_ =	shalt  }
0x43: {  	_ =	shalt  }
0x44: {  	_ =	shalt  }
0x45: {  	_ =	shalt  }
0x46: {  	_ =	shalt  }
0x47: {  	_ =	shalt  }
0x48: {  	_ =	shalt  }
0x49: {  	_ =	shalt  }
0x4a: {  	_ =	shalt  }
0x4b: {  	_ =	shalt  }
0x4c: {  	_ =	shalt  }
0x4d: {  	_ =	shalt  }
0x4e: {  	_ =	shalt  }
0x4f: {  	_ =	shalt  }
0x50: {  	_ =	shalt  }
0x51: {  	_ =	shalt  }
0x52: {  	_ =	shalt  }
0x53: {  	_ =	shalt  }
0x54: {  	_ =	shalt  }
0x55: {  	_ =	shalt  }
0x56: {  	_ =	shalt  }
0x57: {  	_ =	shalt  }
0x58: {  	_ =	shalt  }
0x59: {  	_ =	shalt  }
0x5a: {  	_ =	shalt  }
0x5b: {  	_ =	shalt  }
0x5c: {  	_ =	shalt  }
0x5d: {  	_ =	shalt  }
0x5e: {  	_ =	shalt  }
0x5f: {  	_ =	shalt  }
0x60: {  	_ =	shalt  }
0x61: {  	_ =	shalt  }
0x62: {  	_ =	shalt  }
0x63: {  	_ =	shalt  }
0x64: {  	_ =	shalt  }
0x65: {  	_ =	shalt  }
0x66: {  	_ =	shalt  }
0x67: {  	_ =	shalt  }
0x68: {  	_ =	shalt  }
0x69: {  	_ =	shalt  }
0x6a: {  	_ =	shalt  }
0x6b: {  	_ =	shalt  }
0x6c: {  	_ =	shalt  }
0x6d: {  	_ =	shalt  }
0x6e: {  	_ =	shalt  }
0x6f: {  	_ =	shalt  }
0x70: {  	_ =	shalt  }
0x71: {  	_ =	shalt  }
0x72: {  	_ =	shalt  }
0x73: {  	_ =	shalt  }
0x74: {  	_ =	shalt  }
0x75: {  	_ =	shalt  }
0x76: {  	_ =	shalt  }
0x77: {  	_ =	shalt  }
0x78: {  	_ =	shalt  }
0x79: {  	_ =	shalt  }
0x7a: {  	_ =	shalt  }
0x7b: {  	_ =	shalt  }
0x7c: {  	_ =	shalt  }
0x7d: {  	_ =	shalt  }
0x7e: {  	_ =	shalt  }
0x7f: {  	_ =	shalt  }
0x80: {  	_ =	shalt  }
0x81: {  	_ =	shalt  }
0x82: {  	_ =	shalt  }
0x83: {  	_ =	shalt  }
0x84: {  	_ =	shalt  }
0x85: {  	_ =	shalt  }
0x86: {  	_ =	shalt  }
0x87: {  	_ =	shalt  }
.Lfunc_end0:
.L_simem_size_0:
called_computation.1_lowered:
.L_overlay_start_0:
0x88: {  	s2 =	sld [smem:$0x3FD9]  }
0x89: {  	s3 =	sld [smem:$0x3FFE];
	_ =	sdelay $0x1  }
0x8a: {  	s1 =	srdreg.scid  }
0x8b: {  	s0 =	sand.u32 $0x1, s1  }
0x8c: {  	s17 =	sshll.u32 s0, $0xA;
	s2 =	sadd.s32 s3, s2  }
0x8d: {  	s2 =	sadd.s32 s2, s17  }
0x8e: {  	[smem:$0x3FBE] =	sst s2  }
0x8f: {  	_ = 	snop  }
0x90: {  	s2 =	sld [smem:$0x3FD0];
	(tm) =	ssettm $0x1  }
0x91: {  	s18 =	sld [smem:$0x3FFB];
	_ =	sdelay $0x3  }
0x92: {  	_ =	strace s18  }
0x93: {  	s3 =	sld [smem:$0x3FFC];
	_ =	sdelay $0x3  }
0x94: {  	_ =	strace s3  }
0x95: {  	s3 =	sld [smem:$0x3FFD];
	_ =	sdelay $0x3  }
0x96: {  	_ =	strace s3  }
0x97: {  	_ =	strace $0x8FFFFFFF  }
0x98: {  	s19 =	sld [smem:$0x3FDB];
	_ =	sdelay $0x1  }
0x99: {  	s4 =	simm.s32 $_scs_section_size  }
0x9a: {  	s5 =	simm.s32 $_size__tile_overlayer_lowered;
	s6 =	simm.s32 $_tile_overlayer_lowered  }
0x9b: {  	s22 =	simm.s32 $0x1BFF;
	s21 =	sshll.u32 s6, $0x1;
	s3 =	sadd.s32 s4, s19  }
0x9c: {  	s7 =	simm.s32 $0x0;
	s20 =	sshll.u32 s5, $0x1;
	s5 =	sadd.s32 s21, s3  }
0x9d: {  	[timem:s7], [sflag:s22] =	dma.local [hbm:s5], s20  }
0x9e: {  	_ =	swait.ge [sflag:s22], s20  }
0x9f: {  	s4 =	ssub.s32 $0x0, s20;
	[sflag:s22] =	ssyncset.done $0x0  }
0xa0: {  	[sflag:s22] =	ssyncadd.s32 s4;
	_ =	sdelay $0x1  }
0xa1: {  	s23 =	simm.s32 $0x1B8B  }
0xa2: {  	_ =	swait.ge [sflag:s23], $0x1  }
0xa3: {  	[sflag:s23] =	ssyncset.done $0x0  }
0xa4: {  	s25 =	simm.s32 $0x1B8E;
	s24 =	sld [smem:$0x3FFE];
	[sflag:s23] =	ssyncadd.s32 $0xFFFFFFFF  }
0xa5: {  	s26 =	simm.s32 $execute0_lowered;
	[smem:$0x3FD2] =	sst s25  }
0xa6: {  	s5 =	sshll.u32 s26, $0x1;
	_ =	strace $0x80000049;
	[dreg:$0x1] =	wrdreg $0xFFFFFFFF  }
0xa7: {  	s28 =	simm.s32 $_size_execute0_lowered;
	s3 =	sadd.s32 s3, s5;
	[dreg:$0x0] =	wrdreg $0x0  }
0xa8: {  	s5 =	sshll.u32 s28, $0x1;
	[dreg:$0x2] =	wrdreg s3  }
0xa9: {  	[dreg:$0x3] =	wrdreg s5  }
0xaa: {  	[dreg:$0x4] =	wrdreg $0xC0  }
0xab: {  	_ =	task [dreg:s7], $0x5FFFF  }
0xac: {  	[dreg:$0x1] =	wrdreg $0xFFFFFFFF  }
0xad: {  	[dreg:$0x0] =	wrdreg $0x60  }
0xae: {  	[dreg:$0x2] =	wrdreg s24  }
0xaf: {  	[dreg:$0x3] =	wrdreg s2  }
0xb0: {  	[dreg:$0x4] =	wrdreg $0x88000  }
0xb1: {  	[dreg:$0x5] =	wrdreg $0x9  }
0xb2: {  	_ =	task.clear_ibuf [dreg:s7], $0x6FFFF;
	_ =	strace $0x90000049  }
0xb3: {  	s29 =	simm.s32 $0x9;
	_ =	strace $0x8000004B  }
0xb4: {  	_ =	swait.ge [sflag:s29], $0x1  }
0xb5: {  	[sflag:s29] =	ssyncadd.s32 $0xFFFFFFFF  }
0xb6: {  	_ =	strace $0x9000004B  }
0xb7: {  	_ =	sfence  }
0xb8: {  	s30 =	sld [smem:$0x0];
	_ =	sdelay $0x2  }
0xb9: {  	s31 =	sshll.u32 s1, $0xD;
	s1 =	sshrl.u32 s1, $0x2  }
0xba: {  	s3 =	sand.u32 $0x4000, s31;
	s1 =	sadd.s32 s1, s30  }
0xbb: {  	s0 =	sor.u32 s3, s0;
	s1 =	sshll.u32 s1, $0x11  }
0xbc: {  	s0 =	sor.u32 s1, s0  }
0xbd: {  	s0 =	sadd.s32 $0x8F2B, s0  }
0xbe: {  	[sflag:s0] =	ssyncadd.remote.s32 $0x1  }
0xbf: {  	_ =	sfence.sel $0xFFFF  }
0xc0: {  	[dreg:$0x0] =	wrdreg $0xFFFFFFFF;
	(pc) =	sbr.abs _section_cstart, $3  }
0xc1: {  	[dreg:$0x1] =	wrdreg $0xFFFFFFFF  }
0xc2: {  	_ =	task.clear_ibuf [dreg:s7], $0x2FFFF;
	_ =	strace $0x9FFFFFFF  }
0xc3: {  	(tm) =	ssettm $0x7FFFFFFF  }
tec
execute0_lowered:
.L_overlay_start_1:
0x0: {  	(tag) =	ssettag $0x1  }
0x1: {  	s0 =	rddreg [dreg:$0x0]  }
0x2: {  	s2 =	rddreg [dreg:$0x1]  }
0x3: {  	s21 =	rddreg [dreg:$0x2]  }
0x4: {  	s4 =	srdreg.scid;
	s3 =	simm.s32 $0x0;
	s11 =	stileid.u32  }
0x5: {  	s29 =	simm.s32 $0x2;
	s31 =	simm.s32 $0x9;
	s7 =	smul.u32 $0x14000, s11  }
0x6: {  	s28 =	simm.s32 $0x200;
	s5 =	sand.u32 $0x1, s4;
	s24 =	smul.u32 $0x50000, s11  }
0x7: {  	[smem:$0x7FF] =	sst s3;
	s9 =	sadd.s32 $0x3000, s0;
	s6 =	smul.u32 $0x140000, s5  }
0x8: {  	s4 =	sshll.u32 s5, $0x4;
	_ =	strace $0x8000004A;
	s10 =	ssub.s32 $0x2, s5  }
0x9: {  	s5 =	smul.u32 $0x500, s5;
	s8 =	sor.u32 s11, s4;
	s4 =	sadd.s32 $0xD000, s0  }
0xa: {  	s25 =	sshrl.u32 s10, $0x1;
	s11 =	smul.u32 $0x50, s11;
	s6 =	sadd.s32 s7, s6  }
0xb: {  	s8 =	smul.u32 $0x500, s8;
	s7 =	sshrl.u32 s24, $0x2;
	s6 =	sshrl.u32 s6, $0x3  }
0xc: {  	s5 =	sadd.s32 s11, s5;
	s24 =	sadd.s32 s7, s21;
	s0 =	sadd.s32 s6, s0  }
0xd: {  	s6 =	ssub.s32 s10, s25;
	s26 =	sadd.s32 s9, s8;
	[dreg:$0x10] =	wrdreg s24  }
0xe: {  	s30 =	sadd.s32 s2, s8;
	s8 =	sor.u32 $0x10, s8;
	[dreg:$0xd] =	wrdreg s26  }
0xf: {  	s5 =	sshll.u32 s5, $0x4;
	s11 =	sadd.s32 $0x4000, s24;
	[dreg:$0xe] =	wrdreg s30  }
0x10: {  	s13 =	sadd.s32 $0x8000, s24;
	s14 =	sadd.s32 $0xC000, s24;
	[dreg:$0x12] =	wrdreg s11  }
0x11: {  	s17 =	sadd.s32 $0x10000, s24;
	s1 =	sadd.s32 s9, s8;
	[dreg:$0x13] =	wrdreg s13  }
0x12: {  	s10 =	sadd.s32 s2, s8;
	s12 =	sor.u32 $0x80, s5;
	[dreg:$0x14] =	wrdreg s14  }
0x13: {  	s16 =	sor.u32 $0x60, s5;
	[dreg:$0x15] =	wrdreg s17;
	s20 =	sor.u32 $0x40, s5  }
0x14: {  	s0 =	sadd.s32 $0x35000, s0;
	s25 =	sor.u32 $0x20, s5;
	s6 =	smax.u32 s6, $0x1  }
0x15: {  	s17 =	sadd.s32 s5, s2;
	s11 =	simm.s32 $0xB;
	[dreg:$0xf] =	wrdreg s1  }
0x16: {  	s13 =	simm.s32 $0x180;
	s8 =	simm.s32 $0x7;
	[dreg:$0x11] =	wrdreg s10  }
0x17: {  	s14 =	simm.s32 $0x4;
	s15 =	sadd.s32 s12, s9;
	[dreg:$0x16] =	wrdreg s0  }
0x18: {  	s7 =	sadd.s32 s12, s2;
	s18 =	sadd.s32 s16, s9;
	[dreg:$0x17] =	wrdreg s6  }
0x19: {  	s19 =	sadd.s32 s16, s2;
	s22 =	sadd.s32 s20, s9;
	[dreg:$0x4] =	wrdreg s15  }
0x1a: {  	s23 =	sadd.s32 s20, s2;
	s26 =	sadd.s32 s25, s9;
	[dreg:$0x5] =	wrdreg s7  }
0x1b: {  	s16 =	sadd.s32 s5, s9;
	s30 =	sadd.s32 s25, s2;
	[dreg:$0x6] =	wrdreg s18  }
0x1c: {  	s2 =	simm.s32 $0x400;
	s9 =	simm.s32 $0x480;
	[dreg:$0x7] =	wrdreg s19  }
0x1d: {  	s10 =	simm.s32 $0x100;
	s12 =	simm.s32 $0x500;
	[dreg:$0x8] =	wrdreg s22  }
0x1e: {  	s25 =	simm.s32 $0x1;
	s1 =	simm.s32 $0x4800;
	[dreg:$0x9] =	wrdreg s23  }
0x1f: {  	s6 =	simm.s32 $0xA;
	s5 =	simm.s32 $0x5;
	[dreg:$0xa] =	wrdreg s26  }
0x20: {  	s20 =	simm.s32 $0x8;
	[dreg:$0xb] =	wrdreg s30;
	s19 =	simm.s32 $0x80  }
0x21: {  	s22 =	simm.s32 $0x800;
	s15 =	simm.s32 $0x580;
	s7 =	simm.s32 $0xC  }
0x22: {  	v0 =	vimm.f32 $0.0e+00;
	s18 =	simm.s32 $0x6;
	s23 =	simm.s32 $0x0;
	[dreg:$0xc] =	wrdreg s16  }
.LBB2_1:
0x23: {  	[dreg:$0x18] =	wrdreg s23  }
0x24: {  	s0 =	rddreg [dreg:$0xd]  }
0x25: {  	[tilespmem:s3], [sflag:$0x1] =	stream.linear.gather [hbm4b:s0+s3], $0x80, $0x38;
	[tilespmem:$0x1C800] =	vst v63  }
0x26: {  	s23 =	rddreg [dreg:$0xe]  }
0x27: {  	[tilespmem:s2], [sflag:$0x1] =	stream.linear.gather [hbm4b:s23+s3], $0x80, $0x38;
	[tilespmem:$0x1C800] =	vst v63  }
0x28: {  	s26 =	rddreg [dreg:$0xf]  }
0x29: {  	[tilespmem:s19], [sflag:$0x2] =	stream.linear.gather [hbm4b:s26+s3], $0x80, $0x38;
	[tilespmem:$0x1C800] =	vst v63  }
0x2a: {  	s30 =	rddreg [dreg:$0x11];
	s0 =	simm.s32 $0x0;
	s23 =	simm.s32 $0x200  }
0x2b: {  	[tilespmem:s9], [sflag:$0x2] =	stream.linear.gather [hbm4b:s30+s3], $0x80, $0x38;
	[tilespmem:$0x1C800] =	vst v63  }
.LBB2_2:
0x2c: {  	p0 =	sne.s32 s23, $0xFE00;
	[tilespmem:s0+$0x870] =	vst v0  }
0x2d: {  	[tilespmem:s0+$0x800] =	vst v0  }
0x2e: {  	[tilespmem:s0+$0x810] =	vst v0  }
.Ltmp0:
0x2f: {  	[tilespmem:s0+$0x820] =	vst v0;
	(pc) =	sbr.rel @p0 .LBB2_2-.Ltmp0, $4  }
0x30: {  	[tilespmem:s0+$0x830] =	vst v0  }
0x31: {  	[tilespmem:s0+$0x840] =	vst v0  }
0x32: {  	[tilespmem:s0+$0x850] =	vst v0  }
0x33: {  	[tilespmem:s0+$0x860] =	vst v0;
	s0 =	sshra.s32 s23, $0x2;
	s23 =	sadd.s32 $0x200, s23  }
0x34: {  	[tilespmem:s0+$0x870] =	vst v0  }
0x35: {  	[tilespmem:s0+$0x800] =	vst v0  }
0x36: {  	[tilespmem:s0+$0x810] =	vst v0  }
0x37: {  	[tilespmem:s0+$0x820] =	vst v0  }
0x38: {  	[tilespmem:s0+$0x830] =	vst v0  }
0x39: {  	[tilespmem:s0+$0x840] =	vst v0  }
0x3a: {  	[tilespmem:s0+$0x850] =	vst v0  }
0x3b: {  	[tilespmem:s0+$0x860] =	vst v0  }
0x3c: {  	[spmem:s24] =	stream.linear.scatter [tilespmem:s22], [sflag:$0xB], $0x4000, $0x38;
	[tilespmem:$0x1C800] =	vst v63  }
0x3d: {  	s24 =	rddreg [dreg:$0x12]  }
0x3e: {  	[spmem:s24] =	stream.linear.scatter [tilespmem:s22], [sflag:$0xB], $0x4000, $0x38;
	[tilespmem:$0x1C800] =	vst v63  }
0x3f: {  	s26 =	rddreg [dreg:$0x13]  }
0x40: {  	[spmem:s26] =	stream.linear.scatter [tilespmem:s22], [sflag:$0xB], $0x4000, $0x38;
	[tilespmem:$0x1C800] =	vst v63  }
0x41: {  	s23 =	rddreg [dreg:$0x14]  }
0x42: {  	[spmem:s23] =	stream.linear.scatter [tilespmem:s22], [sflag:$0xB], $0x4000, $0x38;
	[tilespmem:$0x1C800] =	vst v63  }
0x43: {  	s24 =	rddreg [dreg:$0x15]  }
0x44: {  	[spmem:s24] =	stream.linear.scatter [tilespmem:s22], [sflag:$0xB], $0x4000, $0x38;
	[tilespmem:$0x1C800] =	vst v63  }
0x45: {  	_ =	swait.ge [sflag:s11], $0x4000  }
0x46: {  	[sflag:s11] =	ssyncset.done $0x0  }
0x47: {  	[sflag:s11] =	ssyncadd.s32 $0xFFFFC000  }
0x48: {  	_ =	swait.ge [sflag:s11], $0x4000  }
0x49: {  	[sflag:s11] =	ssyncset.done $0x0  }
0x4a: {  	[sflag:s11] =	ssyncadd.s32 $0xFFFFC000  }
0x4b: {  	_ =	swait.ge [sflag:s11], $0x4000  }
0x4c: {  	[sflag:s11] =	ssyncset.done $0x0  }
0x4d: {  	[sflag:s11] =	ssyncadd.s32 $0xFFFFC000  }
0x4e: {  	_ =	swait.ge [sflag:s11], $0x4000  }
0x4f: {  	[sflag:s11] =	ssyncset.done $0x0  }
0x50: {  	[sflag:s11] =	ssyncadd.s32 $0xFFFFC000  }
0x51: {  	_ =	swait.ge [sflag:s11], $0x4000  }
0x52: {  	[sflag:s11] =	ssyncset.done $0x0  }
0x53: {  	p0 =	por $0x1, $0x1;
	[sflag:s11] =	ssyncadd.s32 $0xFFFFC000  }
0x54: {  	s0 =	simm.s32 @!p0 $0xB;
	[bflag:$0x0] =	sbarrier.arrive $0xFFFF  }
0x55: {  	_ =	swait.ge @!p0 [sflag:s0], $0x4000  }
0x56: {  	s23 =	rddreg [dreg:$0xa];
	[sflag:s0] =	ssyncset.done @!p0 $0x0  }
0x57: {  	s26 =	rddreg [dreg:$0xb];
	[sflag:s0] =	ssyncadd.s32 @!p0 $0xFFFFC000;
	s23 =	sadd.s32 $0x0, s23  }
0x58: {  	[tilespmem:s10], [sflag:$0x3] =	stream.linear.gather [hbm4b:s23+s3], $0x80, $0x38;
	[tilespmem:$0x1C800] =	vst v63  }
0x59: {  	s24 =	sadd.s32 $0x0, s26  }
0x5a: {  	[tilespmem:s12], [sflag:$0x3] =	stream.linear.gather [hbm4b:s24+s3], $0x80, $0x38;
	[tilespmem:$0x1C800] =	vst v63  }
0x5b: {  	_ =	swait.ge [sflag:s25], $0x80  }
0x5c: {  	[sflag:s25] =	ssyncset.done $0x0  }
0x5d: {  	[sflag:s25] =	ssyncadd.s32 $0xFFFFFF80  }
0x5e: {  	_ =	swait.ge [sflag:s25], $0x80  }
0x5f: {  	[sflag:s25] =	ssyncset.done $0x0  }
0x60: {  	s0 =	simm.s32 @!p0 $0xA;
	[sflag:s25] =	ssyncadd.s32 $0xFFFFFF80  }
0x61: {  	[tilespmem:s22], [sflag:$0x9] =	stream.indirect.gather [hbm4b:s4+s19], $0x80, s3, s19, $0xb8;
	[tilespmem:$0x1C800] =	vst v63  }
0x62: {  	_ =	swait.ge @!p0 [sflag:s0], $0x4000  }
0x63: {  	s26 =	simm.s32 @!p0 $0x780;
	s23 =	simm.s32 @!p0 $0x4800;
	[sflag:s0] =	ssyncset.done @!p0 $0x0  }
0x64: {  	s24 =	simm.s32 @!p0 $0xC;
	[sflag:s0] =	ssyncadd.s32 @!p0 $0xFFFFC000;
	s0 =	simm.s32 @!p0 $0x80  }
0x65: {  	[spmem:s21] =	stream.indirect.scatter.add.f32 @!p0 [tilespmem:s23], [sflag:$0xC], $0x80, s26, s0, $0xb8;
	[tilespmem:$0x1C800] =	vst v63  }
0x66: {  	_ =	swait.ge @!p0 [sflag:s24], $0x4000  }
0x67: {  	s0 =	sadd.s32 $0x0, s16;
	[sflag:s24] =	ssyncset.done @!p0 $0x0  }
0x68: {  	s23 =	sadd.s32 $0x0, s17;
	s26 =	sadd.s32 $0x30, s0;
	[sflag:s24] =	ssyncadd.s32 @!p0 $0xFFFFC000  }
0x69: {  	[tilespmem:s13], [sflag:$0x4] =	stream.linear.gather [hbm4b:s26+s3], $0x80, $0x38;
	[tilespmem:$0x1C800] =	vst v63  }
0x6a: {  	s16 =	sadd.s32 $0x30, s23  }
0x6b: {  	[tilespmem:s15], [sflag:$0x4] =	stream.linear.gather [hbm4b:s16+s3], $0x80, $0x38;
	[tilespmem:$0x1C800] =	vst v63  }
0x6c: {  	_ =	swait.ge [sflag:s29], $0x80  }
0x6d: {  	[sflag:s29] =	ssyncset.done $0x0  }
0x6e: {  	[sflag:s29] =	ssyncadd.s32 $0xFFFFFF80  }
0x6f: {  	_ =	swait.ge [sflag:s29], $0x80  }
0x70: {  	[sflag:s29] =	ssyncset.done $0x0  }
0x71: {  	[sflag:s29] =	ssyncadd.s32 $0xFFFFFF80  }
0x72: {  	[tilespmem:s1], [sflag:$0xA] =	stream.indirect.gather [hbm4b:s4+s19], $0x80, s19, s19, $0xb8;
	[tilespmem:$0x1C800] =	vst v63  }
0x73: {  	_ =	swait.ge [sflag:s31], $0x4000  }
0x74: {  	[sflag:s31] =	ssyncset.done $0x0  }
0x75: {  	[sflag:s31] =	ssyncadd.s32 $0xFFFFC000  }
0x76: {  	[spmem:s21] =	stream.indirect.scatter.add.f32 [tilespmem:s22], [sflag:$0xB], $0x80, s2, s19, $0xb8;
	[tilespmem:$0x1C800] =	vst v63  }
0x77: {  	_ =	swait.ge [sflag:s11], $0x4000  }
0x78: {  	s26 =	rddreg [dreg:$0x8];
	[sflag:s11] =	ssyncset.done $0x0  }
0x79: {  	s2 =	rddreg [dreg:$0x9];
	[sflag:s11] =	ssyncadd.s32 $0xFFFFC000;
	s24 =	sadd.s32 $0x0, s26  }
0x7a: {  	[tilespmem:s28], [sflag:$0x5] =	stream.linear.gather [hbm4b:s24+s3], $0x80, $0x38;
	[tilespmem:$0x1C800] =	vst v63  }
0x7b: {  	s30 =	simm.s32 $0x600;
	s16 =	sadd.s32 $0x0, s2;
	s26 =	simm.s32 $0x3  }
0x7c: {  	[tilespmem:s30], [sflag:$0x5] =	stream.linear.gather [hbm4b:s16+s3], $0x80, $0x38;
	[tilespmem:$0x1C800] =	vst v63  }
0x7d: {  	_ =	swait.ge [sflag:s26], $0x80  }
0x7e: {  	[sflag:s26] =	ssyncset.done $0x0  }
0x7f: {  	[sflag:s26] =	ssyncadd.s32 $0xFFFFFF80  }
0x80: {  	_ =	swait.ge [sflag:s26], $0x80  }
0x81: {  	[sflag:s26] =	ssyncset.done $0x0  }
0x82: {  	[sflag:s26] =	ssyncadd.s32 $0xFFFFFF80  }
0x83: {  	[tilespmem:s22], [sflag:$0x9] =	stream.indirect.gather [hbm4b:s4+s19], $0x80, s10, s19, $0xb8;
	[tilespmem:$0x1C800] =	vst v63  }
0x84: {  	_ =	swait.ge [sflag:s6], $0x4000  }
0x85: {  	[sflag:s6] =	ssyncset.done $0x0  }
0x86: {  	[sflag:s6] =	ssyncadd.s32 $0xFFFFC000  }
0x87: {  	[spmem:s21] =	stream.indirect.scatter.add.f32 [tilespmem:s1], [sflag:$0xC], $0x80, s9, s19, $0xb8;
	[tilespmem:$0x1C800] =	vst v63  }
0x88: {  	_ =	swait.ge [sflag:s7], $0x4000  }
0x89: {  	[sflag:s7] =	ssyncset.done $0x0  }
0x8a: {  	s16 =	simm.s32 $0x280;
	s9 =	sadd.s32 $0x50, s0;
	[sflag:s7] =	ssyncadd.s32 $0xFFFFC000  }
0x8b: {  	[tilespmem:s16], [sflag:$0x6] =	stream.linear.gather [hbm4b:s9+s3], $0x80, $0x38;
	[tilespmem:$0x1C800] =	vst v63  }
0x8c: {  	s10 =	sadd.s32 $0x50, s23;
	s9 =	simm.s32 $0x680  }
0x8d: {  	[tilespmem:s9], [sflag:$0x6] =	stream.linear.gather [hbm4b:s10+s3], $0x80, $0x38;
	[tilespmem:$0x1C800] =	vst v63  }
0x8e: {  	_ =	swait.ge [sflag:s14], $0x80  }
0x8f: {  	[sflag:s14] =	ssyncset.done $0x0  }
0x90: {  	[sflag:s14] =	ssyncadd.s32 $0xFFFFFF80  }
0x91: {  	_ =	swait.ge [sflag:s14], $0x80  }
0x92: {  	[sflag:s14] =	ssyncset.done $0x0  }
0x93: {  	[sflag:s14] =	ssyncadd.s32 $0xFFFFFF80  }
0x94: {  	[tilespmem:s1], [sflag:$0xA] =	stream.indirect.gather [hbm4b:s4+s19], $0x80, s13, s19, $0xb8;
	[tilespmem:$0x1C800] =	vst v63  }
0x95: {  	_ =	swait.ge [sflag:s31], $0x4000  }
0x96: {  	[sflag:s31] =	ssyncset.done $0x0  }
0x97: {  	[sflag:s31] =	ssyncadd.s32 $0xFFFFC000  }
0x98: {  	[spmem:s21] =	stream.indirect.scatter.add.f32 [tilespmem:s22], [sflag:$0xB], $0x80, s12, s19, $0xb8;
	[tilespmem:$0x1C800] =	vst v63  }
0x99: {  	_ =	swait.ge [sflag:s11], $0x4000  }
0x9a: {  	s12 =	simm.s32 $0x300;
	s26 =	rddreg [dreg:$0x6];
	[sflag:s11] =	ssyncset.done $0x0  }
0x9b: {  	s2 =	rddreg [dreg:$0x7];
	[sflag:s11] =	ssyncadd.s32 $0xFFFFC000;
	s24 =	sadd.s32 $0x0, s26  }
0x9c: {  	[tilespmem:s12], [sflag:$0x7] =	stream.linear.gather [hbm4b:s24+s3], $0x80, $0x38;
	[tilespmem:$0x1C800] =	vst v63  }
0x9d: {  	s13 =	simm.s32 $0x700;
	s10 =	sadd.s32 $0x0, s2  }
0x9e: {  	[tilespmem:s13], [sflag:$0x7] =	stream.linear.gather [hbm4b:s10+s3], $0x80, $0x38;
	[tilespmem:$0x1C800] =	vst v63  }
0x9f: {  	_ =	swait.ge [sflag:s5], $0x80  }
0xa0: {  	[sflag:s5] =	ssyncset.done $0x0  }
0xa1: {  	[sflag:s5] =	ssyncadd.s32 $0xFFFFFF80  }
0xa2: {  	_ =	swait.ge [sflag:s5], $0x80  }
0xa3: {  	[sflag:s5] =	ssyncset.done $0x0  }
0xa4: {  	[sflag:s5] =	ssyncadd.s32 $0xFFFFFF80  }
0xa5: {  	[tilespmem:s22], [sflag:$0x9] =	stream.indirect.gather [hbm4b:s4+s19], $0x80, s28, s19, $0xb8;
	[tilespmem:$0x1C800] =	vst v63  }
0xa6: {  	_ =	swait.ge [sflag:s6], $0x4000  }
0xa7: {  	[sflag:s6] =	ssyncset.done $0x0  }
0xa8: {  	[sflag:s6] =	ssyncadd.s32 $0xFFFFC000  }
0xa9: {  	[spmem:s21] =	stream.indirect.scatter.add.f32 [tilespmem:s1], [sflag:$0xC], $0x80, s15, s19, $0xb8;
	[tilespmem:$0x1C800] =	vst v63  }
0xaa: {  	_ =	swait.ge [sflag:s7], $0x4000  }
0xab: {  	[sflag:s7] =	ssyncset.done $0x0  }
0xac: {  	s0 =	sadd.s32 $0x70, s0;
	s15 =	simm.s32 $0x380;
	[sflag:s7] =	ssyncadd.s32 $0xFFFFC000  }
0xad: {  	[tilespmem:s15], [sflag:$0x8] =	stream.linear.gather [hbm4b:s0+s3], $0x80, $0x38;
	[tilespmem:$0x1C800] =	vst v63  }
0xae: {  	s26 =	sadd.s32 $0x70, s23;
	s28 =	simm.s32 $0x780  }
0xaf: {  	[tilespmem:s28], [sflag:$0x8] =	stream.linear.gather [hbm4b:s26+s3], $0x80, $0x38;
	[tilespmem:$0x1C800] =	vst v63  }
0xb0: {  	_ =	swait.ge [sflag:s18], $0x80  }
0xb1: {  	[sflag:s18] =	ssyncset.done $0x0  }
0xb2: {  	[sflag:s18] =	ssyncadd.s32 $0xFFFFFF80  }
0xb3: {  	_ =	swait.ge [sflag:s18], $0x80  }
0xb4: {  	[sflag:s18] =	ssyncset.done $0x0  }
0xb5: {  	[sflag:s18] =	ssyncadd.s32 $0xFFFFFF80  }
0xb6: {  	[tilespmem:s1], [sflag:$0xA] =	stream.indirect.gather [hbm4b:s4+s19], $0x80, s16, s19, $0xb8;
	[tilespmem:$0x1C800] =	vst v63  }
0xb7: {  	s16 =	rddreg [dreg:$0xc];
	_ =	swait.ge [sflag:s31], $0x4000  }
0xb8: {  	[sflag:s31] =	ssyncset.done $0x0  }
0xb9: {  	[sflag:s31] =	ssyncadd.s32 $0xFFFFC000  }
0xba: {  	[spmem:s21] =	stream.indirect.scatter.add.f32 [tilespmem:s22], [sflag:$0xB], $0x80, s30, s19, $0xb8;
	[tilespmem:$0x1C800] =	vst v63  }
0xbb: {  	p0 =	por $0x0, $0x0;
	_ =	swait.ge [sflag:s11], $0x4000  }
0xbc: {  	s24 =	simm.s32 @!p0 $0x0;
	s0 =	rddreg [dreg:$0x4];
	[sflag:s11] =	ssyncset.done $0x0  }
0xbd: {  	s23 =	rddreg [dreg:$0x5];
	[sflag:s11] =	ssyncadd.s32 $0xFFFFC000;
	s0 =	sadd.s32 @!p0 $0x0, s0  }
0xbe: {  	[tilespmem:s24], [sflag:$0x1] =	stream.linear.gather @!p0 [hbm4b:s0+s24], $0x80, $0x38;
	[tilespmem:$0x1C800] =	vst v63  }
0xbf: {  	s0 =	sadd.s32 @!p0 $0x0, s23;
	s23 =	simm.s32 @!p0 $0x400  }
0xc0: {  	[tilespmem:s23], [sflag:$0x1] =	stream.linear.gather @!p0 [hbm4b:s0+s24], $0x80, $0x38;
	[tilespmem:$0x1C800] =	vst v63  }
0xc1: {  	_ =	swait.ge [sflag:s8], $0x80  }
0xc2: {  	[sflag:s8] =	ssyncset.done $0x0  }
0xc3: {  	[sflag:s8] =	ssyncadd.s32 $0xFFFFFF80  }
0xc4: {  	_ =	swait.ge [sflag:s8], $0x80  }
0xc5: {  	[sflag:s8] =	ssyncset.done $0x0  }
0xc6: {  	[sflag:s8] =	ssyncadd.s32 $0xFFFFFF80  }
0xc7: {  	[tilespmem:s22], [sflag:$0x9] =	stream.indirect.gather [hbm4b:s4+s19], $0x80, s12, s19, $0xb8;
	[tilespmem:$0x1C800] =	vst v63  }
0xc8: {  	_ =	swait.ge [sflag:s6], $0x4000  }
0xc9: {  	[sflag:s6] =	ssyncset.done $0x0  }
0xca: {  	[sflag:s6] =	ssyncadd.s32 $0xFFFFC000  }
0xcb: {  	[spmem:s21] =	stream.indirect.scatter.add.f32 [tilespmem:s1], [sflag:$0xC], $0x80, s9, s19, $0xb8;
	[tilespmem:$0x1C800] =	vst v63  }
0xcc: {  	_ =	swait.ge [sflag:s7], $0x4000  }
0xcd: {  	s0 =	sadd.s32 @!p0 $0x0, s16;
	[sflag:s7] =	ssyncset.done $0x0  }
0xce: {  	s23 =	simm.s32 @!p0 $0x80;
	s0 =	sadd.s32 @!p0 $0x90, s0;
	[sflag:s7] =	ssyncadd.s32 $0xFFFFC000  }
0xcf: {  	[tilespmem:s23], [sflag:$0x2] =	stream.linear.gather @!p0 [hbm4b:s0+s24], $0x80, $0x38;
	[tilespmem:$0x1C800] =	vst v63  }
0xd0: {  	s0 =	sadd.s32 @!p0 $0x0, s17  }
0xd1: {  	s23 =	simm.s32 @!p0 $0x480;
	s0 =	sadd.s32 @!p0 $0x90, s0  }
0xd2: {  	[tilespmem:s23], [sflag:$0x2] =	stream.linear.gather @!p0 [hbm4b:s0+s24], $0x80, $0x38;
	[tilespmem:$0x1C800] =	vst v63  }
0xd3: {  	_ =	swait.ge [sflag:s20], $0x80  }
0xd4: {  	[sflag:s20] =	ssyncset.done $0x0  }
0xd5: {  	[sflag:s20] =	ssyncadd.s32 $0xFFFFFF80  }
0xd6: {  	p1 =	por $0x0, $0x0;
	s18 =	simm.s32 $0x5;
	_ =	swait.ge [sflag:s20], $0x80  }
0xd7: {  	s30 =	simm.s32 $0x8;
	s11 =	simm.s32 $0xB;
	[sflag:s20] =	ssyncset.done $0x0  }
0xd8: {  	s8 =	simm.s32 $0x7;
	s22 =	simm.s32 $0x800;
	[sflag:s20] =	ssyncadd.s32 $0xFFFFFF80  }
0xd9: {  	[tilespmem:s1], [sflag:$0xA] =	stream.indirect.gather [hbm4b:s4+s19], $0x80, s15, s19, $0xb8;
	[tilespmem:$0x1C800] =	vst v63  }
0xda: {  	s23 =	simm.s32 $0x80;
	s24 =	simm.s32 $0x100;
	_ =	swait.ge [sflag:s31], $0x4000  }
0xdb: {  	s20 =	simm.s32 $0x6;
	s1 =	simm.s32 $0x4800;
	[sflag:s31] =	ssyncset.done $0x0  }
.LBB2_4:
0xdc: {  	s0 =	simm.s32 @!p1 $0xB;
	[sflag:s31] =	ssyncadd.s32 $0xFFFFC000;
	s15 =	simm.s32 $0x700  }
0xdd: {  	[spmem:s21] =	stream.indirect.scatter.add.f32 [tilespmem:s22], [sflag:$0xB], $0x80, s15, s19, $0xb8;
	[tilespmem:$0x1C800] =	vst v63  }
0xde: {  	_ =	swait.ge @!p1 [sflag:s0], $0x4000  }
0xdf: {  	s12 =	simm.s32 $0x100;
	[sflag:s0] =	ssyncset.done @!p1 $0x0;
	s28 =	rddreg [dreg:$0xa]  }
0xe0: {  	s10 =	rddreg [dreg:$0xb];
	[sflag:s0] =	ssyncadd.s32 @!p1 $0xFFFFC000;
	s28 =	sadd.s32 s23, s28  }
0xe1: {  	[tilespmem:s12], [sflag:$0x3] =	stream.linear.gather [hbm4b:s28+s3], $0x80, $0x38;
	[tilespmem:$0x1C800] =	vst v63  }
0xe2: {  	s0 =	sadd.s32 s23, s10;
	s10 =	simm.s32 $0x500  }
0xe3: {  	[tilespmem:s10], [sflag:$0x3] =	stream.linear.gather [hbm4b:s0+s3], $0x80, $0x38;
	[tilespmem:$0x1C800] =	vst v63  }
0xe4: {  	_ =	swait.ge [sflag:s25], $0x80  }
0xe5: {  	[sflag:s25] =	ssyncset.done $0x0  }
0xe6: {  	[sflag:s25] =	ssyncadd.s32 $0xFFFFFF80  }
0xe7: {  	_ =	swait.ge [sflag:s25], $0x80  }
0xe8: {  	[sflag:s25] =	ssyncset.done $0x0  }
0xe9: {  	s0 =	simm.s32 @!p1 $0xA;
	[sflag:s25] =	ssyncadd.s32 $0xFFFFFF80  }
0xea: {  	[tilespmem:s22], [sflag:$0x9] =	stream.indirect.gather [hbm4b:s4+s19], $0x80, s3, s19, $0xb8;
	[tilespmem:$0x1C800] =	vst v63  }
0xeb: {  	_ =	swait.ge @!p1 [sflag:s0], $0x4000  }
0xec: {  	s2 =	simm.s32 @!p1 $0xC;
	s9 =	simm.s32 @!p1 $0x780;
	[sflag:s0] =	ssyncset.done @!p1 $0x0  }
0xed: {  	s28 =	simm.s32 @!p1 $0x4800;
	[sflag:s0] =	ssyncadd.s32 @!p1 $0xFFFFC000;
	s0 =	simm.s32 @!p1 $0x80  }
0xee: {  	[spmem:s21] =	stream.indirect.scatter.add.f32 @!p1 [tilespmem:s28], [sflag:$0xC], $0x80, s9, s0, $0xb8;
	[tilespmem:$0x1C800] =	vst v63  }
0xef: {  	_ =	swait.ge @!p1 [sflag:s2], $0x4000  }
0xf0: {  	s5 =	simm.s32 $0x180;
	s28 =	sadd.s32 s23, s16;
	[sflag:s2] =	ssyncset.done @!p1 $0x0  }
0xf1: {  	s0 =	sadd.s32 s23, s17;
	s13 =	sadd.s32 $0x30, s28;
	[sflag:s2] =	ssyncadd.s32 @!p1 $0xFFFFC000  }
0xf2: {  	[tilespmem:s5], [sflag:$0x4] =	stream.linear.gather [hbm4b:s13+s3], $0x80, $0x38;
	[tilespmem:$0x1C800] =	vst v63  }
0xf3: {  	s25 =	simm.s32 $0x580;
	s16 =	sadd.s32 $0x30, s0  }
0xf4: {  	[tilespmem:s25], [sflag:$0x4] =	stream.linear.gather [hbm4b:s16+s3], $0x80, $0x38;
	[tilespmem:$0x1C800] =	vst v63  }
0xf5: {  	_ =	swait.ge [sflag:s29], $0x80  }
0xf6: {  	[sflag:s29] =	ssyncset.done $0x0  }
0xf7: {  	[sflag:s29] =	ssyncadd.s32 $0xFFFFFF80  }
0xf8: {  	_ =	swait.ge [sflag:s29], $0x80  }
0xf9: {  	[sflag:s29] =	ssyncset.done $0x0  }
0xfa: {  	[sflag:s29] =	ssyncadd.s32 $0xFFFFFF80  }
0xfb: {  	[tilespmem:s1], [sflag:$0xA] =	stream.indirect.gather [hbm4b:s4+s19], $0x80, s19, s19, $0xb8;
	[tilespmem:$0x1C800] =	vst v63  }
0xfc: {  	_ =	swait.ge [sflag:s31], $0x4000  }
0xfd: {  	[sflag:s31] =	ssyncset.done $0x0  }
0xfe: {  	s9 =	simm.s32 $0x400;
	[sflag:s31] =	ssyncadd.s32 $0xFFFFC000  }
0xff: {  	[spmem:s21] =	stream.indirect.scatter.add.f32 [tilespmem:s22], [sflag:$0xB], $0x80, s9, s19, $0xb8;
	[tilespmem:$0x1C800] =	vst v63  }
0x100: {  	_ =	swait.ge [sflag:s11], $0x4000  }
0x101: {  	s29 =	simm.s32 $0x200;
	s13 =	rddreg [dreg:$0x8];
	[sflag:s11] =	ssyncset.done $0x0  }
0x102: {  	s16 =	rddreg [dreg:$0x9];
	[sflag:s11] =	ssyncadd.s32 $0xFFFFC000;
	s2 =	sadd.s32 s23, s13  }
0x103: {  	[tilespmem:s29], [sflag:$0x5] =	stream.linear.gather [hbm4b:s2+s3], $0x80, $0x38;
	[tilespmem:$0x1C800] =	vst v63  }
0x104: {  	s9 =	sadd.s32 s23, s16;
	s13 =	simm.s32 $0x600;
	s16 =	simm.s32 $0x3  }
0x105: {  	[tilespmem:s13], [sflag:$0x5] =	stream.linear.gather [hbm4b:s9+s3], $0x80, $0x38;
	[tilespmem:$0x1C800] =	vst v63  }
0x106: {  	_ =	swait.ge [sflag:s16], $0x80  }
0x107: {  	[sflag:s16] =	ssyncset.done $0x0  }
0x108: {  	[sflag:s16] =	ssyncadd.s32 $0xFFFFFF80  }
0x109: {  	_ =	swait.ge [sflag:s16], $0x80  }
0x10a: {  	[sflag:s16] =	ssyncset.done $0x0  }
0x10b: {  	[sflag:s16] =	ssyncadd.s32 $0xFFFFFF80  }
0x10c: {  	[tilespmem:s22], [sflag:$0x9] =	stream.indirect.gather [hbm4b:s4+s19], $0x80, s12, s19, $0xb8;
	[tilespmem:$0x1C800] =	vst v63  }
0x10d: {  	_ =	swait.ge [sflag:s6], $0x4000  }
0x10e: {  	[sflag:s6] =	ssyncset.done $0x0  }
0x10f: {  	s9 =	simm.s32 $0x480;
	[sflag:s6] =	ssyncadd.s32 $0xFFFFC000  }
0x110: {  	[spmem:s21] =	stream.indirect.scatter.add.f32 [tilespmem:s1], [sflag:$0xC], $0x80, s9, s19, $0xb8;
	[tilespmem:$0x1C800] =	vst v63  }
0x111: {  	_ =	swait.ge [sflag:s7], $0x4000  }
0x112: {  	[sflag:s7] =	ssyncset.done $0x0  }
0x113: {  	s16 =	simm.s32 $0x280;
	s12 =	sadd.s32 $0x50, s28;
	[sflag:s7] =	ssyncadd.s32 $0xFFFFC000  }
0x114: {  	[tilespmem:s16], [sflag:$0x6] =	stream.linear.gather [hbm4b:s12+s3], $0x80, $0x38;
	[tilespmem:$0x1C800] =	vst v63  }
0x115: {  	s9 =	sadd.s32 $0x50, s0;
	s12 =	simm.s32 $0x680  }
0x116: {  	[tilespmem:s12], [sflag:$0x6] =	stream.linear.gather [hbm4b:s9+s3], $0x80, $0x38;
	[tilespmem:$0x1C800] =	vst v63  }
0x117: {  	_ =	swait.ge [sflag:s14], $0x80  }
0x118: {  	[sflag:s14] =	ssyncset.done $0x0  }
0x119: {  	[sflag:s14] =	ssyncadd.s32 $0xFFFFFF80  }
0x11a: {  	_ =	swait.ge [sflag:s14], $0x80  }
0x11b: {  	[sflag:s14] =	ssyncset.done $0x0  }
0x11c: {  	[sflag:s14] =	ssyncadd.s32 $0xFFFFFF80  }
0x11d: {  	[tilespmem:s1], [sflag:$0xA] =	stream.indirect.gather [hbm4b:s4+s19], $0x80, s5, s19, $0xb8;
	[tilespmem:$0x1C800] =	vst v63  }
0x11e: {  	_ =	swait.ge [sflag:s31], $0x4000  }
0x11f: {  	[sflag:s31] =	ssyncset.done $0x0  }
0x120: {  	[sflag:s31] =	ssyncadd.s32 $0xFFFFC000  }
0x121: {  	[spmem:s21] =	stream.indirect.scatter.add.f32 [tilespmem:s22], [sflag:$0xB], $0x80, s10, s19, $0xb8;
	[tilespmem:$0x1C800] =	vst v63  }
0x122: {  	_ =	swait.ge [sflag:s11], $0x4000  }
0x123: {  	s10 =	rddreg [dreg:$0x6]  }
0x124: {  	[sflag:s11] =	ssyncset.done $0x0;
	s5 =	rddreg [dreg:$0x7]  }
0x125: {  	[sflag:s11] =	ssyncadd.s32 $0xFFFFC000;
	s2 =	sadd.s32 s23, s10;
	s10 =	simm.s32 $0x300  }
0x126: {  	[tilespmem:s10], [sflag:$0x7] =	stream.linear.gather [hbm4b:s2+s3], $0x80, $0x38;
	[tilespmem:$0x1C800] =	vst v63  }
0x127: {  	s9 =	sadd.s32 s23, s5  }
0x128: {  	[tilespmem:s15], [sflag:$0x7] =	stream.linear.gather [hbm4b:s9+s3], $0x80, $0x38;
	[tilespmem:$0x1C800] =	vst v63  }
0x129: {  	_ =	swait.ge [sflag:s18], $0x80  }
0x12a: {  	[sflag:s18] =	ssyncset.done $0x0  }
0x12b: {  	[sflag:s18] =	ssyncadd.s32 $0xFFFFFF80  }
0x12c: {  	_ =	swait.ge [sflag:s18], $0x80  }
0x12d: {  	[sflag:s18] =	ssyncset.done $0x0  }
0x12e: {  	[sflag:s18] =	ssyncadd.s32 $0xFFFFFF80  }
0x12f: {  	[tilespmem:s22], [sflag:$0x9] =	stream.indirect.gather [hbm4b:s4+s19], $0x80, s29, s19, $0xb8;
	[tilespmem:$0x1C800] =	vst v63  }
0x130: {  	_ =	swait.ge [sflag:s6], $0x4000  }
0x131: {  	[sflag:s6] =	ssyncset.done $0x0  }
0x132: {  	[sflag:s6] =	ssyncadd.s32 $0xFFFFC000  }
0x133: {  	[spmem:s21] =	stream.indirect.scatter.add.f32 [tilespmem:s1], [sflag:$0xC], $0x80, s25, s19, $0xb8;
	[tilespmem:$0x1C800] =	vst v63  }
0x134: {  	_ =	swait.ge [sflag:s7], $0x4000  }
0x135: {  	[sflag:s7] =	ssyncset.done $0x0  }
0x136: {  	s28 =	sadd.s32 $0x70, s28;
	s5 =	simm.s32 $0x380;
	[sflag:s7] =	ssyncadd.s32 $0xFFFFC000  }
0x137: {  	[tilespmem:s5], [sflag:$0x8] =	stream.linear.gather [hbm4b:s28+s3], $0x80, $0x38;
	[tilespmem:$0x1C800] =	vst v63  }
0x138: {  	s0 =	sadd.s32 $0x70, s0;
	s28 =	simm.s32 $0x780  }
0x139: {  	[tilespmem:s28], [sflag:$0x8] =	stream.linear.gather [hbm4b:s0+s3], $0x80, $0x38;
	[tilespmem:$0x1C800] =	vst v63  }
0x13a: {  	_ =	swait.ge [sflag:s20], $0x80  }
0x13b: {  	[sflag:s20] =	ssyncset.done $0x0  }
0x13c: {  	[sflag:s20] =	ssyncadd.s32 $0xFFFFFF80  }
0x13d: {  	_ =	swait.ge [sflag:s20], $0x80  }
0x13e: {  	[sflag:s20] =	ssyncset.done $0x0  }
0x13f: {  	[sflag:s20] =	ssyncadd.s32 $0xFFFFFF80  }
0x140: {  	[tilespmem:s1], [sflag:$0xA] =	stream.indirect.gather [hbm4b:s4+s19], $0x80, s16, s19, $0xb8;
	[tilespmem:$0x1C800] =	vst v63  }
0x141: {  	s16 =	rddreg [dreg:$0xc];
	_ =	swait.ge [sflag:s31], $0x4000  }
0x142: {  	[sflag:s31] =	ssyncset.done $0x0  }
0x143: {  	[sflag:s31] =	ssyncadd.s32 $0xFFFFC000  }
0x144: {  	[spmem:s21] =	stream.indirect.scatter.add.f32 [tilespmem:s22], [sflag:$0xB], $0x80, s13, s19, $0xb8;
	[tilespmem:$0x1C800] =	vst v63  }
0x145: {  	p1 =	seq.s32 s23, $0x480;
	_ =	swait.ge [sflag:s11], $0x4000  }
0x146: {  	s9 =	simm.s32 @!p1 $0x0;
	s0 =	rddreg [dreg:$0x4];
	[sflag:s11] =	ssyncset.done $0x0  }
0x147: {  	s2 =	rddreg [dreg:$0x5];
	[sflag:s11] =	ssyncadd.s32 $0xFFFFC000;
	s0 =	sadd.s32 @!p1 s23, s0  }
0x148: {  	[tilespmem:s9], [sflag:$0x1] =	stream.linear.gather @!p1 [hbm4b:s0+s9], $0x80, $0x38;
	[tilespmem:$0x1C800] =	vst v63  }
0x149: {  	s0 =	sadd.s32 @!p1 s23, s2;
	s2 =	simm.s32 @!p1 $0x400  }
0x14a: {  	[tilespmem:s2], [sflag:$0x1] =	stream.linear.gather @!p1 [hbm4b:s0+s9], $0x80, $0x38;
	[tilespmem:$0x1C800] =	vst v63  }
0x14b: {  	_ =	swait.ge [sflag:s8], $0x80  }
0x14c: {  	[sflag:s8] =	ssyncset.done $0x0  }
0x14d: {  	[sflag:s8] =	ssyncadd.s32 $0xFFFFFF80  }
0x14e: {  	_ =	swait.ge [sflag:s8], $0x80  }
0x14f: {  	[sflag:s8] =	ssyncset.done $0x0  }
0x150: {  	[sflag:s8] =	ssyncadd.s32 $0xFFFFFF80  }
0x151: {  	[tilespmem:s22], [sflag:$0x9] =	stream.indirect.gather [hbm4b:s4+s19], $0x80, s10, s19, $0xb8;
	[tilespmem:$0x1C800] =	vst v63  }
0x152: {  	_ =	swait.ge [sflag:s6], $0x4000  }
0x153: {  	[sflag:s6] =	ssyncset.done $0x0  }
0x154: {  	[sflag:s6] =	ssyncadd.s32 $0xFFFFC000  }
0x155: {  	[spmem:s21] =	stream.indirect.scatter.add.f32 [tilespmem:s1], [sflag:$0xC], $0x80, s12, s19, $0xb8;
	[tilespmem:$0x1C800] =	vst v63  }
0x156: {  	s26 =	smov.u32 s24;
	s28 =	sadd.s32 @!p1 s23, s16;
	_ =	swait.ge [sflag:s7], $0x4000  }
0x157: {  	s0 =	sadd.s32 @!p1 $0x90, s28;
	s2 =	sadd.s32 @!p1 s23, s17;
	[sflag:s7] =	ssyncset.done $0x0  }
0x158: {  	s23 =	smov.u32 s26;
	s26 =	simm.s32 @!p1 $0x80;
	[sflag:s7] =	ssyncadd.s32 $0xFFFFC000  }
0x159: {  	[tilespmem:s26], [sflag:$0x2] =	stream.linear.gather @!p1 [hbm4b:s0+s9], $0x80, $0x38;
	[tilespmem:$0x1C800] =	vst v63  }
0x15a: {  	s2 =	sadd.s32 @!p1 $0x90, s2;
	s0 =	simm.s32 @!p1 $0x480  }
0x15b: {  	[tilespmem:s0], [sflag:$0x2] =	stream.linear.gather @!p1 [hbm4b:s2+s9], $0x80, $0x38;
	[tilespmem:$0x1C800] =	vst v63  }
0x15c: {  	_ =	swait.ge [sflag:s30], $0x80  }
0x15d: {  	[sflag:s30] =	ssyncset.done $0x0  }
0x15e: {  	s24 =	sadd.s32 $0x80, s24;
	[sflag:s30] =	ssyncadd.s32 $0xFFFFFF80  }
0x15f: {  	p0 =	sne.s32 s24, $0x500;
	_ =	swait.ge [sflag:s30], $0x80  }
.Ltmp1:
0x160: {  	[sflag:s30] =	ssyncset.done $0x0;
	(pc) =	sbr.rel @p0 .LBB2_4-.Ltmp1, $4  }
0x161: {  	[sflag:s30] =	ssyncadd.s32 $0xFFFFFF80  }
0x162: {  	[tilespmem:s1], [sflag:$0xA] =	stream.indirect.gather [hbm4b:s4+s19], $0x80, s5, s19, $0xb8;
	[tilespmem:$0x1C800] =	vst v63  }
0x163: {  	s29 =	simm.s32 $0x2;
	_ =	swait.ge [sflag:s31], $0x4000  }
0x164: {  	s25 =	simm.s32 $0x1;
	p1 =	seq.s32 s23, $0x0;
	[sflag:s31] =	ssyncset.done $0x0  }
0x165: {  	s0 =	simm.s32 @!p1 $0xB;
	[sflag:s31] =	ssyncadd.s32 $0xFFFFC000;
	s15 =	simm.s32 $0x700  }
0x166: {  	[spmem:s21] =	stream.indirect.scatter.add.f32 [tilespmem:s22], [sflag:$0xB], $0x80, s15, s19, $0xb8;
	[tilespmem:$0x1C800] =	vst v63  }
0x167: {  	_ =	swait.ge @!p1 [sflag:s0], $0x4000  }
0x168: {  	s10 =	simm.s32 $0x100;
	s2 =	rddreg [dreg:$0xa];
	[sflag:s0] =	ssyncset.done @!p1 $0x0  }
0x169: {  	s9 =	rddreg [dreg:$0xb];
	[sflag:s0] =	ssyncadd.s32 @!p1 $0xFFFFC000;
	s12 =	sadd.s32 s23, s2  }
0x16a: {  	[tilespmem:s10], [sflag:$0x3] =	stream.linear.gather [hbm4b:s12+s3], $0x80, $0x38;
	[tilespmem:$0x1C800] =	vst v63  }
0x16b: {  	s28 =	simm.s32 $0x500;
	s13 =	sadd.s32 s23, s9  }
0x16c: {  	[tilespmem:s28], [sflag:$0x3] =	stream.linear.gather [hbm4b:s13+s3], $0x80, $0x38;
	[tilespmem:$0x1C800] =	vst v63  }
0x16d: {  	_ =	swait.ge [sflag:s25], $0x80  }
0x16e: {  	[sflag:s25] =	ssyncset.done $0x0  }
0x16f: {  	[sflag:s25] =	ssyncadd.s32 $0xFFFFFF80  }
0x170: {  	_ =	swait.ge [sflag:s25], $0x80  }
0x171: {  	[sflag:s25] =	ssyncset.done $0x0  }
0x172: {  	s0 =	simm.s32 @!p1 $0xA;
	[sflag:s25] =	ssyncadd.s32 $0xFFFFFF80  }
0x173: {  	[tilespmem:s22], [sflag:$0x9] =	stream.indirect.gather [hbm4b:s4+s19], $0x80, s3, s19, $0xb8;
	[tilespmem:$0x1C800] =	vst v63  }
0x174: {  	_ =	swait.ge @!p1 [sflag:s0], $0x4000  }
0x175: {  	s24 =	simm.s32 @!p1 $0x780;
	s2 =	simm.s32 @!p1 $0x4800;
	[sflag:s0] =	ssyncset.done @!p1 $0x0  }
0x176: {  	s9 =	simm.s32 @!p1 $0xC;
	[sflag:s0] =	ssyncadd.s32 @!p1 $0xFFFFC000;
	s0 =	simm.s32 @!p1 $0x80  }
0x177: {  	[spmem:s21] =	stream.indirect.scatter.add.f32 @!p1 [tilespmem:s2], [sflag:$0xC], $0x80, s24, s0, $0xb8;
	[tilespmem:$0x1C800] =	vst v63  }
0x178: {  	_ =	swait.ge @!p1 [sflag:s9], $0x4000  }
0x179: {  	s5 =	simm.s32 $0x180;
	s0 =	sadd.s32 s23, s16;
	[sflag:s9] =	ssyncset.done @!p1 $0x0  }
0x17a: {  	s24 =	sadd.s32 s23, s17;
	s16 =	sadd.s32 $0x30, s0;
	[sflag:s9] =	ssyncadd.s32 @!p1 $0xFFFFC000  }
0x17b: {  	[tilespmem:s5], [sflag:$0x4] =	stream.linear.gather [hbm4b:s16+s3], $0x80, $0x38;
	[tilespmem:$0x1C800] =	vst v63  }
0x17c: {  	s13 =	simm.s32 $0x580;
	s26 =	sadd.s32 $0x30, s24  }
0x17d: {  	[tilespmem:s13], [sflag:$0x4] =	stream.linear.gather [hbm4b:s26+s3], $0x80, $0x38;
	[tilespmem:$0x1C800] =	vst v63  }
0x17e: {  	_ =	swait.ge [sflag:s29], $0x80  }
0x17f: {  	[sflag:s29] =	ssyncset.done $0x0  }
0x180: {  	[sflag:s29] =	ssyncadd.s32 $0xFFFFFF80  }
0x181: {  	_ =	swait.ge [sflag:s29], $0x80  }
0x182: {  	[sflag:s29] =	ssyncset.done $0x0  }
0x183: {  	[sflag:s29] =	ssyncadd.s32 $0xFFFFFF80  }
0x184: {  	[tilespmem:s1], [sflag:$0xA] =	stream.indirect.gather [hbm4b:s4+s19], $0x80, s19, s19, $0xb8;
	[tilespmem:$0x1C800] =	vst v63  }
0x185: {  	_ =	swait.ge [sflag:s31], $0x4000  }
0x186: {  	[sflag:s31] =	ssyncset.done $0x0  }
0x187: {  	s9 =	simm.s32 $0x400;
	[sflag:s31] =	ssyncadd.s32 $0xFFFFC000  }
0x188: {  	[spmem:s21] =	stream.indirect.scatter.add.f32 [tilespmem:s22], [sflag:$0xB], $0x80, s9, s19, $0xb8;
	[tilespmem:$0x1C800] =	vst v63  }
0x189: {  	_ =	swait.ge [sflag:s11], $0x4000  }
0x18a: {  	s26 =	simm.s32 $0x200;
	s12 =	rddreg [dreg:$0x8];
	[sflag:s11] =	ssyncset.done $0x0  }
0x18b: {  	s16 =	rddreg [dreg:$0x9];
	[sflag:s11] =	ssyncadd.s32 $0xFFFFC000;
	s2 =	sadd.s32 s23, s12  }
0x18c: {  	[tilespmem:s26], [sflag:$0x5] =	stream.linear.gather [hbm4b:s2+s3], $0x80, $0x38;
	[tilespmem:$0x1C800] =	vst v63  }
0x18d: {  	s9 =	sadd.s32 s23, s16;
	s12 =	simm.s32 $0x600;
	s16 =	simm.s32 $0x3  }
0x18e: {  	[tilespmem:s12], [sflag:$0x5] =	stream.linear.gather [hbm4b:s9+s3], $0x80, $0x38;
	[tilespmem:$0x1C800] =	vst v63  }
0x18f: {  	_ =	swait.ge [sflag:s16], $0x80  }
0x190: {  	[sflag:s16] =	ssyncset.done $0x0  }
0x191: {  	[sflag:s16] =	ssyncadd.s32 $0xFFFFFF80  }
0x192: {  	_ =	swait.ge [sflag:s16], $0x80  }
0x193: {  	[sflag:s16] =	ssyncset.done $0x0  }
0x194: {  	[sflag:s16] =	ssyncadd.s32 $0xFFFFFF80  }
0x195: {  	[tilespmem:s22], [sflag:$0x9] =	stream.indirect.gather [hbm4b:s4+s19], $0x80, s10, s19, $0xb8;
	[tilespmem:$0x1C800] =	vst v63  }
0x196: {  	_ =	swait.ge [sflag:s6], $0x4000  }
0x197: {  	[sflag:s6] =	ssyncset.done $0x0  }
0x198: {  	s9 =	simm.s32 $0x480;
	[sflag:s6] =	ssyncadd.s32 $0xFFFFC000  }
0x199: {  	[spmem:s21] =	stream.indirect.scatter.add.f32 [tilespmem:s1], [sflag:$0xC], $0x80, s9, s19, $0xb8;
	[tilespmem:$0x1C800] =	vst v63  }
0x19a: {  	_ =	swait.ge [sflag:s7], $0x4000  }
0x19b: {  	[sflag:s7] =	ssyncset.done $0x0  }
0x19c: {  	s16 =	simm.s32 $0x280;
	s10 =	sadd.s32 $0x50, s0;
	[sflag:s7] =	ssyncadd.s32 $0xFFFFC000  }
0x19d: {  	[tilespmem:s16], [sflag:$0x6] =	stream.linear.gather [hbm4b:s10+s3], $0x80, $0x38;
	[tilespmem:$0x1C800] =	vst v63  }
0x19e: {  	s9 =	sadd.s32 $0x50, s24;
	s10 =	simm.s32 $0x680  }
0x19f: {  	[tilespmem:s10], [sflag:$0x6] =	stream.linear.gather [hbm4b:s9+s3], $0x80, $0x38;
	[tilespmem:$0x1C800] =	vst v63  }
0x1a0: {  	_ =	swait.ge [sflag:s14], $0x80  }
0x1a1: {  	[sflag:s14] =	ssyncset.done $0x0  }
0x1a2: {  	[sflag:s14] =	ssyncadd.s32 $0xFFFFFF80  }
0x1a3: {  	_ =	swait.ge [sflag:s14], $0x80  }
0x1a4: {  	[sflag:s14] =	ssyncset.done $0x0  }
0x1a5: {  	[sflag:s14] =	ssyncadd.s32 $0xFFFFFF80  }
0x1a6: {  	[tilespmem:s1], [sflag:$0xA] =	stream.indirect.gather [hbm4b:s4+s19], $0x80, s5, s19, $0xb8;
	[tilespmem:$0x1C800] =	vst v63  }
0x1a7: {  	_ =	swait.ge [sflag:s31], $0x4000  }
0x1a8: {  	[sflag:s31] =	ssyncset.done $0x0  }
0x1a9: {  	[sflag:s31] =	ssyncadd.s32 $0xFFFFC000  }
0x1aa: {  	[spmem:s21] =	stream.indirect.scatter.add.f32 [tilespmem:s22], [sflag:$0xB], $0x80, s28, s19, $0xb8;
	[tilespmem:$0x1C800] =	vst v63  }
0x1ab: {  	_ =	swait.ge [sflag:s11], $0x4000  }
0x1ac: {  	s28 =	simm.s32 $0x300;
	s9 =	rddreg [dreg:$0x6];
	[sflag:s11] =	ssyncset.done $0x0  }
0x1ad: {  	s5 =	rddreg [dreg:$0x7];
	[sflag:s11] =	ssyncadd.s32 $0xFFFFC000;
	s2 =	sadd.s32 s23, s9  }
0x1ae: {  	[tilespmem:s28], [sflag:$0x7] =	stream.linear.gather [hbm4b:s2+s3], $0x80, $0x38;
	[tilespmem:$0x1C800] =	vst v63  }
0x1af: {  	s9 =	sadd.s32 s23, s5  }
0x1b0: {  	[tilespmem:s15], [sflag:$0x7] =	stream.linear.gather [hbm4b:s9+s3], $0x80, $0x38;
	[tilespmem:$0x1C800] =	vst v63  }
0x1b1: {  	_ =	swait.ge [sflag:s18], $0x80  }
0x1b2: {  	[sflag:s18] =	ssyncset.done $0x0  }
0x1b3: {  	[sflag:s18] =	ssyncadd.s32 $0xFFFFFF80  }
0x1b4: {  	_ =	swait.ge [sflag:s18], $0x80  }
0x1b5: {  	[sflag:s18] =	ssyncset.done $0x0  }
0x1b6: {  	[sflag:s18] =	ssyncadd.s32 $0xFFFFFF80  }
0x1b7: {  	[tilespmem:s22], [sflag:$0x9] =	stream.indirect.gather [hbm4b:s4+s19], $0x80, s26, s19, $0xb8;
	[tilespmem:$0x1C800] =	vst v63  }
0x1b8: {  	_ =	swait.ge [sflag:s6], $0x4000  }
0x1b9: {  	[sflag:s6] =	ssyncset.done $0x0  }
0x1ba: {  	[sflag:s6] =	ssyncadd.s32 $0xFFFFC000  }
0x1bb: {  	[spmem:s21] =	stream.indirect.scatter.add.f32 [tilespmem:s1], [sflag:$0xC], $0x80, s13, s19, $0xb8;
	[tilespmem:$0x1C800] =	vst v63  }
0x1bc: {  	_ =	swait.ge [sflag:s7], $0x4000  }
0x1bd: {  	[sflag:s7] =	ssyncset.done $0x0  }
0x1be: {  	s0 =	sadd.s32 $0x70, s0;
	s18 =	simm.s32 $0x380;
	[sflag:s7] =	ssyncadd.s32 $0xFFFFC000  }
0x1bf: {  	[tilespmem:s18], [sflag:$0x8] =	stream.linear.gather [hbm4b:s0+s3], $0x80, $0x38;
	[tilespmem:$0x1C800] =	vst v63  }
0x1c0: {  	s5 =	simm.s32 $0x780;
	s2 =	sadd.s32 $0x70, s24  }
0x1c1: {  	[tilespmem:s5], [sflag:$0x8] =	stream.linear.gather [hbm4b:s2+s3], $0x80, $0x38;
	[tilespmem:$0x1C800] =	vst v63  }
0x1c2: {  	_ =	swait.ge [sflag:s20], $0x80  }
0x1c3: {  	[sflag:s20] =	ssyncset.done $0x0  }
0x1c4: {  	[sflag:s20] =	ssyncadd.s32 $0xFFFFFF80  }
0x1c5: {  	_ =	swait.ge [sflag:s20], $0x80  }
0x1c6: {  	[sflag:s20] =	ssyncset.done $0x0  }
0x1c7: {  	[sflag:s20] =	ssyncadd.s32 $0xFFFFFF80  }
0x1c8: {  	[tilespmem:s1], [sflag:$0xA] =	stream.indirect.gather [hbm4b:s4+s19], $0x80, s16, s19, $0xb8;
	[tilespmem:$0x1C800] =	vst v63  }
0x1c9: {  	s16 =	rddreg [dreg:$0xc];
	_ =	swait.ge [sflag:s31], $0x4000  }
0x1ca: {  	[sflag:s31] =	ssyncset.done $0x0  }
0x1cb: {  	[sflag:s31] =	ssyncadd.s32 $0xFFFFC000  }
0x1cc: {  	[spmem:s21] =	stream.indirect.scatter.add.f32 [tilespmem:s22], [sflag:$0xB], $0x80, s12, s19, $0xb8;
	[tilespmem:$0x1C800] =	vst v63  }
0x1cd: {  	p0 =	seq.s32 s23, $0x480;
	_ =	swait.ge [sflag:s11], $0x4000  }
0x1ce: {  	s9 =	simm.s32 @!p0 $0x0;
	s0 =	rddreg [dreg:$0x4];
	[sflag:s11] =	ssyncset.done $0x0  }
0x1cf: {  	s2 =	rddreg [dreg:$0x5];
	[sflag:s11] =	ssyncadd.s32 $0xFFFFC000;
	s0 =	sadd.s32 @!p0 s23, s0  }
0x1d0: {  	[tilespmem:s9], [sflag:$0x1] =	stream.linear.gather @!p0 [hbm4b:s0+s9], $0x80, $0x38;
	[tilespmem:$0x1C800] =	vst v63  }
0x1d1: {  	s0 =	sadd.s32 @!p0 s23, s2;
	s2 =	simm.s32 @!p0 $0x400  }
0x1d2: {  	[tilespmem:s2], [sflag:$0x1] =	stream.linear.gather @!p0 [hbm4b:s0+s9], $0x80, $0x38;
	[tilespmem:$0x1C800] =	vst v63  }
0x1d3: {  	_ =	swait.ge [sflag:s8], $0x80  }
0x1d4: {  	[sflag:s8] =	ssyncset.done $0x0  }
0x1d5: {  	[sflag:s8] =	ssyncadd.s32 $0xFFFFFF80  }
0x1d6: {  	_ =	swait.ge [sflag:s8], $0x80  }
0x1d7: {  	[sflag:s8] =	ssyncset.done $0x0  }
0x1d8: {  	[sflag:s8] =	ssyncadd.s32 $0xFFFFFF80  }
0x1d9: {  	[tilespmem:s22], [sflag:$0x9] =	stream.indirect.gather [hbm4b:s4+s19], $0x80, s28, s19, $0xb8;
	[tilespmem:$0x1C800] =	vst v63  }
0x1da: {  	_ =	swait.ge [sflag:s6], $0x4000  }
0x1db: {  	[sflag:s6] =	ssyncset.done $0x0  }
0x1dc: {  	[sflag:s6] =	ssyncadd.s32 $0xFFFFC000  }
0x1dd: {  	[spmem:s21] =	stream.indirect.scatter.add.f32 [tilespmem:s1], [sflag:$0xC], $0x80, s10, s19, $0xb8;
	[tilespmem:$0x1C800] =	vst v63  }
0x1de: {  	_ =	swait.ge [sflag:s7], $0x4000  }
0x1df: {  	s0 =	sadd.s32 @!p0 s23, s16;
	[sflag:s7] =	ssyncset.done $0x0  }
0x1e0: {  	s2 =	simm.s32 @!p0 $0x80;
	s0 =	sadd.s32 @!p0 $0x90, s0;
	[sflag:s7] =	ssyncadd.s32 $0xFFFFC000  }
0x1e1: {  	[tilespmem:s2], [sflag:$0x2] =	stream.linear.gather @!p0 [hbm4b:s0+s9], $0x80, $0x38;
	[tilespmem:$0x1C800] =	vst v63  }
0x1e2: {  	s0 =	sadd.s32 @!p0 s23, s17  }
0x1e3: {  	s2 =	simm.s32 @!p0 $0x480;
	s0 =	sadd.s32 @!p0 $0x90, s0  }
0x1e4: {  	[tilespmem:s2], [sflag:$0x2] =	stream.linear.gather @!p0 [hbm4b:s0+s9], $0x80, $0x38;
	[tilespmem:$0x1C800] =	vst v63  }
0x1e5: {  	_ =	swait.ge [sflag:s30], $0x80  }
0x1e6: {  	[sflag:s30] =	ssyncset.done $0x0  }
0x1e7: {  	[sflag:s30] =	ssyncadd.s32 $0xFFFFFF80  }
0x1e8: {  	_ =	swait.ge [sflag:s30], $0x80  }
0x1e9: {  	[sflag:s30] =	ssyncset.done $0x0  }
0x1ea: {  	[sflag:s30] =	ssyncadd.s32 $0xFFFFFF80  }
0x1eb: {  	[tilespmem:s1], [sflag:$0xA] =	stream.indirect.gather [hbm4b:s4+s19], $0x80, s18, s19, $0xb8;
	[tilespmem:$0x1C800] =	vst v63  }
0x1ec: {  	_ =	swait.ge [sflag:s31], $0x4000  }
0x1ed: {  	[sflag:s31] =	ssyncset.done $0x0  }
0x1ee: {  	[sflag:s31] =	ssyncadd.s32 $0xFFFFC000  }
0x1ef: {  	[spmem:s21] =	stream.indirect.scatter.add.f32 [tilespmem:s22], [sflag:$0xB], $0x80, s15, s19, $0xb8;
	[tilespmem:$0x1C800] =	vst v63  }
0x1f0: {  	_ =	swait.ge [sflag:s6], $0x4000  }
0x1f1: {  	[sflag:s6] =	ssyncset.done $0x0  }
0x1f2: {  	[sflag:s6] =	ssyncadd.s32 $0xFFFFC000  }
0x1f3: {  	[spmem:s21] =	stream.indirect.scatter.add.f32 [tilespmem:s1], [sflag:$0xC], $0x80, s5, s19, $0xb8;
	[tilespmem:$0x1C800] =	vst v63  }
0x1f4: {  	_ =	swait.ge [sflag:s11], $0x4000  }
0x1f5: {  	[sflag:s11] =	ssyncset.done $0x0  }
0x1f6: {  	[sflag:s11] =	ssyncadd.s32 $0xFFFFC000  }
0x1f7: {  	_ =	swait.ge [sflag:s7], $0x4000  }
0x1f8: {  	[sflag:s7] =	ssyncset.done $0x0  }
0x1f9: {  	[sflag:s7] =	ssyncadd.s32 $0xFFFFC000  }
0x1fa: {  	s15 =	stileid.u32;
	[bflag:$0x0] =	sbarrier.arrive $0xFFFF  }
0x1fb: {  	s22 =	simm.s32 $0xD;
	s0 =	sshll.u32 s15, $0x6;
	s24 =	rddreg [dreg:$0x10]  }
0x1fc: {  	s0 =	sor.u32 $0x1C0D, s0;
	s20 =	rddreg [dreg:$0x16];
	s18 =	sshrl.u32 s24, $0x3  }
0x1fd: {  	[hbm:s20], [sflag:s0] =	dma.local [spmem:s18], $0x2800  }
0x1fe: {  	_ =	swait.ge [sflag:s22], $0x2800  }
0x1ff: {  	s26 =	rddreg [dreg:$0x18]  }
0x200: {  	s30 =	rddreg [dreg:$0x17];
	s23 =	sadd.s32 $0x1, s26  }
0x201: {  	s13 =	simm.s32 $0x180;
	s12 =	simm.s32 $0x500;
	p0 =	sne.s32 s23, s30  }
.Ltmp2:
0x202: {  	s8 =	simm.s32 $0x7;
	s28 =	simm.s32 $0x200;
	(pc) =	sbr.rel @p0 .LBB2_1-.Ltmp2, $4  }
0x203: {  	s10 =	simm.s32 $0x100;
	s2 =	simm.s32 $0x400;
	s9 =	simm.s32 $0x480  }
0x204: {  	s15 =	simm.s32 $0x580;
	s5 =	simm.s32 $0x5;
	s1 =	simm.s32 $0x4800  }
0x205: {  	s11 =	simm.s32 $0xB;
	s18 =	simm.s32 $0x6;
	[sflag:s22] =	ssyncset.done $0x0  }
0x206: {  	s20 =	simm.s32 $0x8;
	[sflag:s22] =	ssyncadd.s32 $0xFFFFD800;
	s22 =	simm.s32 $0x800  }
0x207: {  	_ =	sfence.sel $0x180000  }
0x208: {  	[bflag:$0x0] =	sbarrier.arrive $0xFFFF  }
0x209: {  	_ =	strace $0x9000004A  }
0x20a: {  	s0 =	stileid.u32;
	[bflag:$0x2] =	sbarrier.arrive $0xFFFF  }
0x20b: {  	p0 =	sne.s32 s0, $0x0;
	s0 =	rddreg [dreg:$0x3]  }
0x20c: {  	s0 =	sadd.s32 @!p0 $0x100000, s0  }
0x20d: {  	[sflag:s0] =	ssyncadd.tile.s32 @!p0 $0x1;
	_ =	shalt  }
.Lfunc_end2:
_tile_overlayer_lowered:
.L_overlay_start_2:
0x20e: {  	(tag) =	ssettag $0x2  }
0x20f: {  	s0 =	rddreg [dreg:$0x0];
	s2 =	stileid.u32  }
0x210: {  	s1 =	rddreg [dreg:$0x1];
	p0 =	sne.s32 s2, $0x0  }
0x211: {  	s3 =	rddreg [dreg:$0x2];
	[bflag:$0x3] =	sbarrier.arrive $0xFFFF;
	s2 =	simm.s32 @!p0 $0x1C0D  }
0x212: {  	[timem:s3], [sflag:s2] =	dma.local @!p0 [hbm:s0], s1  }
0x213: {  	s0 =	simm.s32 @!p0 $0xD  }
0x214: {  	_ =	swait.ge @!p0 [sflag:s0], s1  }
0x215: {  	s1 =	ssub.s32 @!p0 $0x0, s1;
	[sflag:s0] =	ssyncset.done @!p0 $0x0  }
0x216: {  	[sflag:s0] =	ssyncadd.s32 @!p0 s1  }
0x217: {  	[bflag:$0x3] =	sbarrier.arrive $0xFFFF  }
0x218: {  	_ =	shalt  }

// kernel: kernel.15.cloned.1.call-start
scs
__scs_entry_jumppad:
0x0: {  	(pc) =	sbr.rel $0x88, $3  }
0x1: {  	(tag) =	ssettag $0x0;
	lr =	simm.s32 $0x1  }
0x2: {  	[smem:$0x3F97] =	sst lr;
	_ =	strace $0xD0000000  }
0x3: {  	_ = 	snop  }
0x4: {  	_ = 	snop  }
0x5: {  	_ = 	snop  }
0x6: {  	_ = 	snop  }
0x7: {  	_ = 	snop  }
__scs_overlays_trampoline_lowered:
0x8: {  	[smem:$0x3FA6] =	sst s0  }
0x9: {  	[smem:$0x3FA7] =	sst s1  }
0xa: {  	[smem:$0x3FA8] =	sst s2  }
0xb: {  	[smem:$0x3FA9] =	sst s3  }
0xc: {  	[smem:$0x3FAA] =	sst s4  }
0xd: {  	[smem:$0x3FAB] =	sst s5  }
0xe: {  	[smem:$0x3FAC] =	sst s6  }
0xf: {  	[smem:$0x3FAD] =	sst s7  }
0x10: {  	[smem:$0x3FAE] =	sst s8  }
0x11: {  	[smem:$0x3FAF] =	sst s9;
	s0 =	simm.s32 @!p0 $0x0  }
0x12: {  	s1 =	sld [smem:$0x3F95];
	s0 =	simm.s32 @p0 $0x1  }
0x13: {  	[smem:$0x3FB0] =	sst s0;
	s0 =	simm.s32 @!p1 $0x0  }
0x14: {  	s2 =	sld [smem:$0x3F94];
	s0 =	simm.s32 @p1 $0x1  }
0x15: {  	[smem:$0x3FB1] =	sst s0;
	s0 =	simm.s32 @!p2 $0x0  }
0x16: {  	s3 =	sld [smem:$0x3FDB];
	s0 =	simm.s32 @p2 $0x1  }
0x17: {  	s4 =	simm.s32 $0x1BF5;
	[smem:$0x3FB3] =	sst s0  }
0x18: {  	s0 =	sld [smem:$0x3F96];
	_ =	swait.ge [sflag:s4], $0x0  }
0x19: {  	s7 =	sld [smem:$0x3F97]  }
0x1a: {  	s8 =	sadd.s32 $0xFFFFE003, lr  }
0x1b: {  	s9 =	sadd.s32 $0xFFFFFEF7, lr;
	s5 =	simm.s32 $0xFFFFFFFF;
	p2 =	slt.u32 s8, $0xFFFFF086  }
0x1c: {  	p1 =	slt.u32 s9, $0xF7A;
	s5 =	simm.s32 @!p2 $0x0  }
0x1d: {  	s5 =	simm.s32 @p1 $0x1;
	p0 =	seq.s32 s7, s2  }
0x1e: {  	s7 =	smul.u32 @!p0 $0xF7A, s2;
	p2 =	seq.s32 @!p0 s5, $0x0  }
0x1f: {  	s9 =	smul.u32 $0xF7A, s1;
	s8 =	simm.s32 @!p0 $0x1BF5;
	p2 =	por !p2, p0  }
0x20: {  	[sflag:s8] =	ssyncset.s32 @!p0 $0xFFFFF086;
	s6 =	sadd.s32 @!p0 s3, s7;
	s7 =	simm.s32 @!p0 $0x108  }
0x21: {  	s3 =	sadd.s32 s3, s9;
	s6 =	sadd.s32 @!p0 $0x88, s6;
	s7 =	simm.s32 @p2 $0x1082  }
0x22: {  	[simem:s7], [sflag:s8] =	dma.local @!p0 [hbm:s6], $0xF7A  }
0x23: {  	s9 =	sor.u32 $0xD0000000, s2;
	s6 =	simm.s32 $0x108;
	_ =	swait.ge @!p0 [sflag:s8], $0x0  }
0x24: {  	s3 =	sadd.s32 $0x88, s3;
	s6 =	simm.s32 @!p1 $0x1082;
	[sflag:s4] =	ssyncset.s32 $0xFFFFF086  }
0x25: {  	[simem:s6], [sflag:s4] =	dma.local [hbm:s3], $0xF7A  }
0x26: {  	[smem:$0x3F97] =	sst s1;
	(tag) =	ssettag s2;
	_ =	strace s9  }
0x27: {  	s1 =	sld [smem:$0x3FA7]  }
0x28: {  	s2 =	sld [smem:$0x3FA8]  }
0x29: {  	s4 =	sld [smem:$0x3FAA]  }
0x2a: {  	p0 =	seq.s32 s5, $0x0;
	s5 =	sld [smem:$0x3FAB]  }
0x2b: {  	s6 =	sld [smem:$0x3FAC]  }
0x2c: {  	s7 =	sld [smem:$0x3FAD]  }
0x2d: {  	s3 =	simm.s32 $0x108;
	s8 =	sld [smem:$0x3FAE]  }
0x2e: {  	s3 =	simm.s32 @!p0 $0x1082;
	s9 =	sld [smem:$0x3FAF]  }
0x2f: {  	lr =	sadd.s32 s0, s3;
	s0 =	sld [smem:$0x3FA6]  }
0x30: {  	s3 =	sld [smem:$0x3FA9]  }
0x31: {  	[smem:$0x3FB2] =	sst s10  }
0x32: {  	s10 =	sld [smem:$0x3FB0];
	_ =	sdelay $0x3  }
0x33: {  	p0 =	seq.s32 s10, $0x1;
	s10 =	sld [smem:$0x3FB2];
	_ =	sdelay $0x3  }
0x34: {  	[smem:$0x3FB2] =	sst s10  }
0x35: {  	s10 =	sld [smem:$0x3FB1];
	_ =	sdelay $0x3  }
0x36: {  	p1 =	seq.s32 s10, $0x1;
	s10 =	sld [smem:$0x3FB2];
	_ =	sdelay $0x3  }
0x37: {  	[smem:$0x3FB2] =	sst s10  }
0x38: {  	s10 =	sld [smem:$0x3FB3]  }
0x39: {  	_ = 	snop;
	(pc) =	sbr.ind lr, $3  }
0x3a: {  	_ = 	snop  }
0x3b: {  	_ = 	snop  }
0x3c: {  	p2 =	seq.s32 s10, $0x1;
	s10 =	sld [smem:$0x3FB2]  }
0x3d: {  	_ =	shalt  }
0x3e: {  	_ =	shalt  }
0x3f: {  	_ =	shalt  }
0x40: {  	_ =	shalt  }
0x41: {  	_ =	shalt  }
0x42: {  	_ =	shalt  }
0x43: {  	_ =	shalt  }
0x44: {  	_ =	shalt  }
0x45: {  	_ =	shalt  }
0x46: {  	_ =	shalt  }
0x47: {  	_ =	shalt  }
0x48: {  	_ =	shalt  }
0x49: {  	_ =	shalt  }
0x4a: {  	_ =	shalt  }
0x4b: {  	_ =	shalt  }
0x4c: {  	_ =	shalt  }
0x4d: {  	_ =	shalt  }
0x4e: {  	_ =	shalt  }
0x4f: {  	_ =	shalt  }
0x50: {  	_ =	shalt  }
0x51: {  	_ =	shalt  }
0x52: {  	_ =	shalt  }
0x53: {  	_ =	shalt  }
0x54: {  	_ =	shalt  }
0x55: {  	_ =	shalt  }
0x56: {  	_ =	shalt  }
0x57: {  	_ =	shalt  }
0x58: {  	_ =	shalt  }
0x59: {  	_ =	shalt  }
0x5a: {  	_ =	shalt  }
0x5b: {  	_ =	shalt  }
0x5c: {  	_ =	shalt  }
0x5d: {  	_ =	shalt  }
0x5e: {  	_ =	shalt  }
0x5f: {  	_ =	shalt  }
0x60: {  	_ =	shalt  }
0x61: {  	_ =	shalt  }
0x62: {  	_ =	shalt  }
0x63: {  	_ =	shalt  }
0x64: {  	_ =	shalt  }
0x65: {  	_ =	shalt  }
0x66: {  	_ =	shalt  }
0x67: {  	_ =	shalt  }
0x68: {  	_ =	shalt  }
0x69: {  	_ =	shalt  }
0x6a: {  	_ =	shalt  }
0x6b: {  	_ =	shalt  }
0x6c: {  	_ =	shalt  }
0x6d: {  	_ =	shalt  }
0x6e: {  	_ =	shalt  }
0x6f: {  	_ =	shalt  }
0x70: {  	_ =	shalt  }
0x71: {  	_ =	shalt  }
0x72: {  	_ =	shalt  }
0x73: {  	_ =	shalt  }
0x74: {  	_ =	shalt  }
0x75: {  	_ =	shalt  }
0x76: {  	_ =	shalt  }
0x77: {  	_ =	shalt  }
0x78: {  	_ =	shalt  }
0x79: {  	_ =	shalt  }
0x7a: {  	_ =	shalt  }
0x7b: {  	_ =	shalt  }
0x7c: {  	_ =	shalt  }
0x7d: {  	_ =	shalt  }
0x7e: {  	_ =	shalt  }
0x7f: {  	_ =	shalt  }
0x80: {  	_ =	shalt  }
0x81: {  	_ =	shalt  }
0x82: {  	_ =	shalt  }
0x83: {  	_ =	shalt  }
0x84: {  	_ =	shalt  }
0x85: {  	_ =	shalt  }
0x86: {  	_ =	shalt  }
0x87: {  	_ =	shalt  }
.Lfunc_end0:
.L_simem_size_0:
called_computation.2_lowered:
.L_overlay_start_0:
0x88: {  	s2 =	sld [smem:$0x3FD9]  }
0x89: {  	s3 =	sld [smem:$0x3FFE];
	_ =	sdelay $0x1  }
0x8a: {  	s1 =	srdreg.scid  }
0x8b: {  	s0 =	sand.u32 $0x1, s1  }
0x8c: {  	s17 =	sshll.u32 s0, $0xA;
	s2 =	sadd.s32 s3, s2  }
0x8d: {  	s2 =	sadd.s32 s2, s17  }
0x8e: {  	[smem:$0x3FBE] =	sst s2  }
0x8f: {  	_ = 	snop  }
0x90: {  	s2 =	sld [smem:$0x3FD0];
	(tm) =	ssettm $0x1  }
0x91: {  	s18 =	sld [smem:$0x3FFB];
	_ =	sdelay $0x3  }
0x92: {  	_ =	strace s18  }
0x93: {  	s3 =	sld [smem:$0x3FFC];
	_ =	sdelay $0x3  }
0x94: {  	_ =	strace s3  }
0x95: {  	s3 =	sld [smem:$0x3FFD];
	_ =	sdelay $0x3  }
0x96: {  	_ =	strace s3  }
0x97: {  	_ =	strace $0x8FFFFFFF  }
0x98: {  	s19 =	sld [smem:$0x3FDB];
	_ =	sdelay $0x1  }
0x99: {  	s4 =	simm.s32 $_scs_section_size  }
0x9a: {  	s5 =	simm.s32 $_size__tile_overlayer_lowered;
	s6 =	simm.s32 $_tile_overlayer_lowered  }
0x9b: {  	s22 =	simm.s32 $0x1BFF;
	s21 =	sshll.u32 s6, $0x1;
	s3 =	sadd.s32 s4, s19  }
0x9c: {  	s7 =	simm.s32 $0x0;
	s20 =	sshll.u32 s5, $0x1;
	s5 =	sadd.s32 s21, s3  }
0x9d: {  	[timem:s7], [sflag:s22] =	dma.local [hbm:s5], s20  }
0x9e: {  	_ =	swait.ge [sflag:s22], s20  }
0x9f: {  	s4 =	ssub.s32 $0x0, s20;
	[sflag:s22] =	ssyncset.done $0x0  }
0xa0: {  	[sflag:s22] =	ssyncadd.s32 s4;
	_ =	sdelay $0x1  }
0xa1: {  	s23 =	simm.s32 $0x1B8B  }
0xa2: {  	_ =	swait.ge [sflag:s23], $0x1  }
0xa3: {  	[sflag:s23] =	ssyncset.done $0x0  }
0xa4: {  	s25 =	simm.s32 $0x1B8E;
	s24 =	sld [smem:$0x3FFE];
	[sflag:s23] =	ssyncadd.s32 $0xFFFFFFFF  }
0xa5: {  	s26 =	simm.s32 $execute0_lowered;
	[smem:$0x3FD2] =	sst s25  }
0xa6: {  	s5 =	sshll.u32 s26, $0x1;
	_ =	strace $0x8000004C;
	[dreg:$0x1] =	wrdreg $0xFFFFFFFF  }
0xa7: {  	s28 =	simm.s32 $_size_execute0_lowered;
	s3 =	sadd.s32 s3, s5;
	[dreg:$0x0] =	wrdreg $0x0  }
0xa8: {  	s5 =	sshll.u32 s28, $0x1;
	[dreg:$0x2] =	wrdreg s3  }
0xa9: {  	[dreg:$0x3] =	wrdreg s5  }
0xaa: {  	[dreg:$0x4] =	wrdreg $0xC0  }
0xab: {  	_ =	task [dreg:s7], $0x5FFFF  }
0xac: {  	[dreg:$0x1] =	wrdreg $0xFFFFFFFF  }
0xad: {  	[dreg:$0x0] =	wrdreg $0x60  }
0xae: {  	[dreg:$0x2] =	wrdreg s24  }
0xaf: {  	[dreg:$0x3] =	wrdreg s2  }
0xb0: {  	[dreg:$0x4] =	wrdreg $0x88000  }
0xb1: {  	[dreg:$0x5] =	wrdreg $0x9  }
0xb2: {  	_ =	task.clear_ibuf [dreg:s7], $0x6FFFF;
	_ =	strace $0x9000004C  }
0xb3: {  	s29 =	simm.s32 $0x9;
	_ =	strace $0x8000004E  }
0xb4: {  	_ =	swait.ge [sflag:s29], $0x1  }
0xb5: {  	[sflag:s29] =	ssyncadd.s32 $0xFFFFFFFF  }
0xb6: {  	_ =	strace $0x9000004E  }
0xb7: {  	_ =	sfence  }
0xb8: {  	s30 =	sld [smem:$0x0];
	_ =	sdelay $0x2  }
0xb9: {  	s31 =	sshll.u32 s1, $0xD;
	s1 =	sshrl.u32 s1, $0x2  }
0xba: {  	s3 =	sand.u32 $0x4000, s31;
	s1 =	sadd.s32 s1, s30  }
0xbb: {  	s0 =	sor.u32 s3, s0;
	s1 =	sshll.u32 s1, $0x11  }
0xbc: {  	s0 =	sor.u32 s1, s0  }
0xbd: {  	s0 =	sadd.s32 $0x8F2B, s0  }
0xbe: {  	[sflag:s0] =	ssyncadd.remote.s32 $0x1  }
0xbf: {  	_ =	sfence.sel $0xFFFF  }
0xc0: {  	[dreg:$0x0] =	wrdreg $0xFFFFFFFF;
	(pc) =	sbr.abs _section_cstart, $3  }
0xc1: {  	[dreg:$0x1] =	wrdreg $0xFFFFFFFF  }
0xc2: {  	_ =	task.clear_ibuf [dreg:s7], $0x2FFFF;
	_ =	strace $0x9FFFFFFF  }
0xc3: {  	(tm) =	ssettm $0x7FFFFFFF  }
tec
execute0_lowered:
.L_overlay_start_1:
0x0: {  	(tag) =	ssettag $0x1  }
0x1: {  	s0 =	rddreg [dreg:$0x0]  }
0x2: {  	s2 =	rddreg [dreg:$0x1]  }
0x3: {  	s21 =	rddreg [dreg:$0x2]  }
0x4: {  	s4 =	srdreg.scid;
	s3 =	simm.s32 $0x0;
	s11 =	stileid.u32  }
0x5: {  	s29 =	simm.s32 $0x2;
	s31 =	simm.s32 $0x9;
	s7 =	smul.u32 $0x14000, s11  }
0x6: {  	s28 =	simm.s32 $0x200;
	s5 =	sand.u32 $0x1, s4;
	s24 =	smul.u32 $0x50000, s11  }
0x7: {  	[smem:$0x7FF] =	sst s3;
	s9 =	sadd.s32 $0x3000, s0;
	s6 =	smul.u32 $0x140000, s5  }
0x8: {  	s4 =	sshll.u32 s5, $0x4;
	_ =	strace $0x8000004D;
	s10 =	ssub.s32 $0x2, s5  }
0x9: {  	s5 =	smul.u32 $0x500, s5;
	s8 =	sor.u32 s11, s4;
	s4 =	sadd.s32 $0xD000, s0  }
0xa: {  	s25 =	sshrl.u32 s10, $0x1;
	s11 =	smul.u32 $0x50, s11;
	s6 =	sadd.s32 s7, s6  }
0xb: {  	s8 =	smul.u32 $0x500, s8;
	s7 =	sshrl.u32 s24, $0x2;
	s6 =	sshrl.u32 s6, $0x3  }
0xc: {  	s5 =	sadd.s32 s11, s5;
	s24 =	sadd.s32 s7, s21;
	s0 =	sadd.s32 s6, s0  }
0xd: {  	s6 =	ssub.s32 s10, s25;
	s26 =	sadd.s32 s9, s8;
	[dreg:$0x10] =	wrdreg s24  }
0xe: {  	s30 =	sadd.s32 s2, s8;
	s8 =	sor.u32 $0x10, s8;
	[dreg:$0xd] =	wrdreg s26  }
0xf: {  	s5 =	sshll.u32 s5, $0x4;
	s11 =	sadd.s32 $0x4000, s24;
	[dreg:$0xe] =	wrdreg s30  }
0x10: {  	s13 =	sadd.s32 $0x8000, s24;
	s14 =	sadd.s32 $0xC000, s24;
	[dreg:$0x12] =	wrdreg s11  }
0x11: {  	s17 =	sadd.s32 $0x10000, s24;
	s1 =	sadd.s32 s9, s8;
	[dreg:$0x13] =	wrdreg s13  }
0x12: {  	s10 =	sadd.s32 s2, s8;
	s12 =	sor.u32 $0x80, s5;
	[dreg:$0x14] =	wrdreg s14  }
0x13: {  	s16 =	sor.u32 $0x60, s5;
	[dreg:$0x15] =	wrdreg s17;
	s20 =	sor.u32 $0x40, s5  }
0x14: {  	s0 =	sadd.s32 $0x35000, s0;
	s25 =	sor.u32 $0x20, s5;
	s6 =	smax.u32 s6, $0x1  }
0x15: {  	s17 =	sadd.s32 s5, s2;
	s11 =	simm.s32 $0xB;
	[dreg:$0xf] =	wrdreg s1  }
0x16: {  	s13 =	simm.s32 $0x180;
	s8 =	simm.s32 $0x7;
	[dreg:$0x11] =	wrdreg s10  }
0x17: {  	s14 =	simm.s32 $0x4;
	s15 =	sadd.s32 s12, s9;
	[dreg:$0x16] =	wrdreg s0  }
0x18: {  	s7 =	sadd.s32 s12, s2;
	s18 =	sadd.s32 s16, s9;
	[dreg:$0x17] =	wrdreg s6  }
0x19: {  	s19 =	sadd.s32 s16, s2;
	s22 =	sadd.s32 s20, s9;
	[dreg:$0x4] =	wrdreg s15  }
0x1a: {  	s23 =	sadd.s32 s20, s2;
	s26 =	sadd.s32 s25, s9;
	[dreg:$0x5] =	wrdreg s7  }
0x1b: {  	s16 =	sadd.s32 s5, s9;
	s30 =	sadd.s32 s25, s2;
	[dreg:$0x6] =	wrdreg s18  }
0x1c: {  	s2 =	simm.s32 $0x400;
	s9 =	simm.s32 $0x480;
	[dreg:$0x7] =	wrdreg s19  }
0x1d: {  	s10 =	simm.s32 $0x100;
	s12 =	simm.s32 $0x500;
	[dreg:$0x8] =	wrdreg s22  }
0x1e: {  	s25 =	simm.s32 $0x1;
	s1 =	simm.s32 $0x4800;
	[dreg:$0x9] =	wrdreg s23  }
0x1f: {  	s6 =	simm.s32 $0xA;
	s5 =	simm.s32 $0x5;
	[dreg:$0xa] =	wrdreg s26  }
0x20: {  	s20 =	simm.s32 $0x8;
	[dreg:$0xb] =	wrdreg s30;
	s19 =	simm.s32 $0x80  }
0x21: {  	s22 =	simm.s32 $0x800;
	s15 =	simm.s32 $0x580;
	s7 =	simm.s32 $0xC  }
0x22: {  	v0 =	vimm.f32 $0.0e+00;
	s18 =	simm.s32 $0x6;
	s23 =	simm.s32 $0x0;
	[dreg:$0xc] =	wrdreg s16  }
.LBB2_1:
0x23: {  	[dreg:$0x18] =	wrdreg s23  }
0x24: {  	s0 =	rddreg [dreg:$0xd]  }
0x25: {  	[tilespmem:s3], [sflag:$0x1] =	stream.linear.gather [hbm4b:s0+s3], $0x80, $0x38;
	[tilespmem:$0x1C800] =	vst v63  }
0x26: {  	s23 =	rddreg [dreg:$0xe]  }
0x27: {  	[tilespmem:s2], [sflag:$0x1] =	stream.linear.gather [hbm4b:s23+s3], $0x80, $0x38;
	[tilespmem:$0x1C800] =	vst v63  }
0x28: {  	s26 =	rddreg [dreg:$0xf]  }
0x29: {  	[tilespmem:s19], [sflag:$0x2] =	stream.linear.gather [hbm4b:s26+s3], $0x80, $0x38;
	[tilespmem:$0x1C800] =	vst v63  }
0x2a: {  	s30 =	rddreg [dreg:$0x11];
	s0 =	simm.s32 $0x0;
	s23 =	simm.s32 $0x200  }
0x2b: {  	[tilespmem:s9], [sflag:$0x2] =	stream.linear.gather [hbm4b:s30+s3], $0x80, $0x38;
	[tilespmem:$0x1C800] =	vst v63  }
.LBB2_2:
0x2c: {  	p0 =	sne.s32 s23, $0xFE00;
	[tilespmem:s0+$0x870] =	vst v0  }
0x2d: {  	[tilespmem:s0+$0x800] =	vst v0  }
0x2e: {  	[tilespmem:s0+$0x810] =	vst v0  }
.Ltmp0:
0x2f: {  	[tilespmem:s0+$0x820] =	vst v0;
	(pc) =	sbr.rel @p0 .LBB2_2-.Ltmp0, $4  }
0x30: {  	[tilespmem:s0+$0x830] =	vst v0  }
0x31: {  	[tilespmem:s0+$0x840] =	vst v0  }
0x32: {  	[tilespmem:s0+$0x850] =	vst v0  }
0x33: {  	[tilespmem:s0+$0x860] =	vst v0;
	s0 =	sshra.s32 s23, $0x2;
	s23 =	sadd.s32 $0x200, s23  }
0x34: {  	[tilespmem:s0+$0x870] =	vst v0  }
0x35: {  	[tilespmem:s0+$0x800] =	vst v0  }
0x36: {  	[tilespmem:s0+$0x810] =	vst v0  }
0x37: {  	[tilespmem:s0+$0x820] =	vst v0  }
0x38: {  	[tilespmem:s0+$0x830] =	vst v0  }
0x39: {  	[tilespmem:s0+$0x840] =	vst v0  }
0x3a: {  	[tilespmem:s0+$0x850] =	vst v0  }
0x3b: {  	[tilespmem:s0+$0x860] =	vst v0  }
0x3c: {  	[spmem:s24] =	stream.linear.scatter [tilespmem:s22], [sflag:$0xB], $0x4000, $0x38;
	[tilespmem:$0x1C800] =	vst v63  }
0x3d: {  	s24 =	rddreg [dreg:$0x12]  }
0x3e: {  	[spmem:s24] =	stream.linear.scatter [tilespmem:s22], [sflag:$0xB], $0x4000, $0x38;
	[tilespmem:$0x1C800] =	vst v63  }
0x3f: {  	s26 =	rddreg [dreg:$0x13]  }
0x40: {  	[spmem:s26] =	stream.linear.scatter [tilespmem:s22], [sflag:$0xB], $0x4000, $0x38;
	[tilespmem:$0x1C800] =	vst v63  }
0x41: {  	s23 =	rddreg [dreg:$0x14]  }
0x42: {  	[spmem:s23] =	stream.linear.scatter [tilespmem:s22], [sflag:$0xB], $0x4000, $0x38;
	[tilespmem:$0x1C800] =	vst v63  }
0x43: {  	s24 =	rddreg [dreg:$0x15]  }
0x44: {  	[spmem:s24] =	stream.linear.scatter [tilespmem:s22], [sflag:$0xB], $0x4000, $0x38;
	[tilespmem:$0x1C800] =	vst v63  }
0x45: {  	_ =	swait.ge [sflag:s11], $0x4000  }
0x46: {  	[sflag:s11] =	ssyncset.done $0x0  }
0x47: {  	[sflag:s11] =	ssyncadd.s32 $0xFFFFC000  }
0x48: {  	_ =	swait.ge [sflag:s11], $0x4000  }
0x49: {  	[sflag:s11] =	ssyncset.done $0x0  }
0x4a: {  	[sflag:s11] =	ssyncadd.s32 $0xFFFFC000  }
0x4b: {  	_ =	swait.ge [sflag:s11], $0x4000  }
0x4c: {  	[sflag:s11] =	ssyncset.done $0x0  }
0x4d: {  	[sflag:s11] =	ssyncadd.s32 $0xFFFFC000  }
0x4e: {  	_ =	swait.ge [sflag:s11], $0x4000  }
0x4f: {  	[sflag:s11] =	ssyncset.done $0x0  }
0x50: {  	[sflag:s11] =	ssyncadd.s32 $0xFFFFC000  }
0x51: {  	_ =	swait.ge [sflag:s11], $0x4000  }
0x52: {  	[sflag:s11] =	ssyncset.done $0x0  }
0x53: {  	p0 =	por $0x1, $0x1;
	[sflag:s11] =	ssyncadd.s32 $0xFFFFC000  }
0x54: {  	s0 =	simm.s32 @!p0 $0xB;
	[bflag:$0x0] =	sbarrier.arrive $0xFFFF  }
0x55: {  	_ =	swait.ge @!p0 [sflag:s0], $0x4000  }
0x56: {  	s23 =	rddreg [dreg:$0xa];
	[sflag:s0] =	ssyncset.done @!p0 $0x0  }
0x57: {  	s26 =	rddreg [dreg:$0xb];
	[sflag:s0] =	ssyncadd.s32 @!p0 $0xFFFFC000;
	s23 =	sadd.s32 $0x0, s23  }
0x58: {  	[tilespmem:s10], [sflag:$0x3] =	stream.linear.gather [hbm4b:s23+s3], $0x80, $0x38;
	[tilespmem:$0x1C800] =	vst v63  }
0x59: {  	s24 =	sadd.s32 $0x0, s26  }
0x5a: {  	[tilespmem:s12], [sflag:$0x3] =	stream.linear.gather [hbm4b:s24+s3], $0x80, $0x38;
	[tilespmem:$0x1C800] =	vst v63  }
0x5b: {  	_ =	swait.ge [sflag:s25], $0x80  }
0x5c: {  	[sflag:s25] =	ssyncset.done $0x0  }
0x5d: {  	[sflag:s25] =	ssyncadd.s32 $0xFFFFFF80  }
0x5e: {  	_ =	swait.ge [sflag:s25], $0x80  }
0x5f: {  	[sflag:s25] =	ssyncset.done $0x0  }
0x60: {  	s0 =	simm.s32 @!p0 $0xA;
	[sflag:s25] =	ssyncadd.s32 $0xFFFFFF80  }
0x61: {  	[tilespmem:s22], [sflag:$0x9] =	stream.indirect.gather [hbm4b:s4+s19], $0x80, s3, s19, $0xb8;
	[tilespmem:$0x1C800] =	vst v63  }
0x62: {  	_ =	swait.ge @!p0 [sflag:s0], $0x4000  }
0x63: {  	s26 =	simm.s32 @!p0 $0x780;
	s23 =	simm.s32 @!p0 $0x4800;
	[sflag:s0] =	ssyncset.done @!p0 $0x0  }
0x64: {  	s24 =	simm.s32 @!p0 $0xC;
	[sflag:s0] =	ssyncadd.s32 @!p0 $0xFFFFC000;
	s0 =	simm.s32 @!p0 $0x80  }
0x65: {  	[spmem:s21] =	stream.indirect.scatter.add.f32 @!p0 [tilespmem:s23], [sflag:$0xC], $0x80, s26, s0, $0xb8;
	[tilespmem:$0x1C800] =	vst v63  }
0x66: {  	_ =	swait.ge @!p0 [sflag:s24], $0x4000  }
0x67: {  	s0 =	sadd.s32 $0x0, s16;
	[sflag:s24] =	ssyncset.done @!p0 $0x0  }
0x68: {  	s23 =	sadd.s32 $0x0, s17;
	s26 =	sadd.s32 $0x30, s0;
	[sflag:s24] =	ssyncadd.s32 @!p0 $0xFFFFC000  }
0x69: {  	[tilespmem:s13], [sflag:$0x4] =	stream.linear.gather [hbm4b:s26+s3], $0x80, $0x38;
	[tilespmem:$0x1C800] =	vst v63  }
0x6a: {  	s16 =	sadd.s32 $0x30, s23  }
0x6b: {  	[tilespmem:s15], [sflag:$0x4] =	stream.linear.gather [hbm4b:s16+s3], $0x80, $0x38;
	[tilespmem:$0x1C800] =	vst v63  }
0x6c: {  	_ =	swait.ge [sflag:s29], $0x80  }
0x6d: {  	[sflag:s29] =	ssyncset.done $0x0  }
0x6e: {  	[sflag:s29] =	ssyncadd.s32 $0xFFFFFF80  }
0x6f: {  	_ =	swait.ge [sflag:s29], $0x80  }
0x70: {  	[sflag:s29] =	ssyncset.done $0x0  }
0x71: {  	[sflag:s29] =	ssyncadd.s32 $0xFFFFFF80  }
0x72: {  	[tilespmem:s1], [sflag:$0xA] =	stream.indirect.gather [hbm4b:s4+s19], $0x80, s19, s19, $0xb8;
	[tilespmem:$0x1C800] =	vst v63  }
0x73: {  	_ =	swait.ge [sflag:s31], $0x4000  }
0x74: {  	[sflag:s31] =	ssyncset.done $0x0  }
0x75: {  	[sflag:s31] =	ssyncadd.s32 $0xFFFFC000  }
0x76: {  	[spmem:s21] =	stream.indirect.scatter.add.f32 [tilespmem:s22], [sflag:$0xB], $0x80, s2, s19, $0xb8;
	[tilespmem:$0x1C800] =	vst v63  }
0x77: {  	_ =	swait.ge [sflag:s11], $0x4000  }
0x78: {  	s26 =	rddreg [dreg:$0x8];
	[sflag:s11] =	ssyncset.done $0x0  }
0x79: {  	s2 =	rddreg [dreg:$0x9];
	[sflag:s11] =	ssyncadd.s32 $0xFFFFC000;
	s24 =	sadd.s32 $0x0, s26  }
0x7a: {  	[tilespmem:s28], [sflag:$0x5] =	stream.linear.gather [hbm4b:s24+s3], $0x80, $0x38;
	[tilespmem:$0x1C800] =	vst v63  }
0x7b: {  	s30 =	simm.s32 $0x600;
	s16 =	sadd.s32 $0x0, s2;
	s26 =	simm.s32 $0x3  }
0x7c: {  	[tilespmem:s30], [sflag:$0x5] =	stream.linear.gather [hbm4b:s16+s3], $0x80, $0x38;
	[tilespmem:$0x1C800] =	vst v63  }
0x7d: {  	_ =	swait.ge [sflag:s26], $0x80  }
0x7e: {  	[sflag:s26] =	ssyncset.done $0x0  }
0x7f: {  	[sflag:s26] =	ssyncadd.s32 $0xFFFFFF80  }
0x80: {  	_ =	swait.ge [sflag:s26], $0x80  }
0x81: {  	[sflag:s26] =	ssyncset.done $0x0  }
0x82: {  	[sflag:s26] =	ssyncadd.s32 $0xFFFFFF80  }
0x83: {  	[tilespmem:s22], [sflag:$0x9] =	stream.indirect.gather [hbm4b:s4+s19], $0x80, s10, s19, $0xb8;
	[tilespmem:$0x1C800] =	vst v63  }
0x84: {  	_ =	swait.ge [sflag:s6], $0x4000  }
0x85: {  	[sflag:s6] =	ssyncset.done $0x0  }
0x86: {  	[sflag:s6] =	ssyncadd.s32 $0xFFFFC000  }
0x87: {  	[spmem:s21] =	stream.indirect.scatter.add.f32 [tilespmem:s1], [sflag:$0xC], $0x80, s9, s19, $0xb8;
	[tilespmem:$0x1C800] =	vst v63  }
0x88: {  	_ =	swait.ge [sflag:s7], $0x4000  }
0x89: {  	[sflag:s7] =	ssyncset.done $0x0  }
0x8a: {  	s16 =	simm.s32 $0x280;
	s9 =	sadd.s32 $0x50, s0;
	[sflag:s7] =	ssyncadd.s32 $0xFFFFC000  }
0x8b: {  	[tilespmem:s16], [sflag:$0x6] =	stream.linear.gather [hbm4b:s9+s3], $0x80, $0x38;
	[tilespmem:$0x1C800] =	vst v63  }
0x8c: {  	s10 =	sadd.s32 $0x50, s23;
	s9 =	simm.s32 $0x680  }
0x8d: {  	[tilespmem:s9], [sflag:$0x6] =	stream.linear.gather [hbm4b:s10+s3], $0x80, $0x38;
	[tilespmem:$0x1C800] =	vst v63  }
0x8e: {  	_ =	swait.ge [sflag:s14], $0x80  }
0x8f: {  	[sflag:s14] =	ssyncset.done $0x0  }
0x90: {  	[sflag:s14] =	ssyncadd.s32 $0xFFFFFF80  }
0x91: {  	_ =	swait.ge [sflag:s14], $0x80  }
0x92: {  	[sflag:s14] =	ssyncset.done $0x0  }
0x93: {  	[sflag:s14] =	ssyncadd.s32 $0xFFFFFF80  }
0x94: {  	[tilespmem:s1], [sflag:$0xA] =	stream.indirect.gather [hbm4b:s4+s19], $0x80, s13, s19, $0xb8;
	[tilespmem:$0x1C800] =	vst v63  }
0x95: {  	_ =	swait.ge [sflag:s31], $0x4000  }
0x96: {  	[sflag:s31] =	ssyncset.done $0x0  }
0x97: {  	[sflag:s31] =	ssyncadd.s32 $0xFFFFC000  }
0x98: {  	[spmem:s21] =	stream.indirect.scatter.add.f32 [tilespmem:s22], [sflag:$0xB], $0x80, s12, s19, $0xb8;
	[tilespmem:$0x1C800] =	vst v63  }
0x99: {  	_ =	swait.ge [sflag:s11], $0x4000  }
0x9a: {  	s12 =	simm.s32 $0x300;
	s26 =	rddreg [dreg:$0x6];
	[sflag:s11] =	ssyncset.done $0x0  }
0x9b: {  	s2 =	rddreg [dreg:$0x7];
	[sflag:s11] =	ssyncadd.s32 $0xFFFFC000;
	s24 =	sadd.s32 $0x0, s26  }
0x9c: {  	[tilespmem:s12], [sflag:$0x7] =	stream.linear.gather [hbm4b:s24+s3], $0x80, $0x38;
	[tilespmem:$0x1C800] =	vst v63  }
0x9d: {  	s13 =	simm.s32 $0x700;
	s10 =	sadd.s32 $0x0, s2  }
0x9e: {  	[tilespmem:s13], [sflag:$0x7] =	stream.linear.gather [hbm4b:s10+s3], $0x80, $0x38;
	[tilespmem:$0x1C800] =	vst v63  }
0x9f: {  	_ =	swait.ge [sflag:s5], $0x80  }
0xa0: {  	[sflag:s5] =	ssyncset.done $0x0  }
0xa1: {  	[sflag:s5] =	ssyncadd.s32 $0xFFFFFF80  }
0xa2: {  	_ =	swait.ge [sflag:s5], $0x80  }
0xa3: {  	[sflag:s5] =	ssyncset.done $0x0  }
0xa4: {  	[sflag:s5] =	ssyncadd.s32 $0xFFFFFF80  }
0xa5: {  	[tilespmem:s22], [sflag:$0x9] =	stream.indirect.gather [hbm4b:s4+s19], $0x80, s28, s19, $0xb8;
	[tilespmem:$0x1C800] =	vst v63  }
0xa6: {  	_ =	swait.ge [sflag:s6], $0x4000  }
0xa7: {  	[sflag:s6] =	ssyncset.done $0x0  }
0xa8: {  	[sflag:s6] =	ssyncadd.s32 $0xFFFFC000  }
0xa9: {  	[spmem:s21] =	stream.indirect.scatter.add.f32 [tilespmem:s1], [sflag:$0xC], $0x80, s15, s19, $0xb8;
	[tilespmem:$0x1C800] =	vst v63  }
0xaa: {  	_ =	swait.ge [sflag:s7], $0x4000  }
0xab: {  	[sflag:s7] =	ssyncset.done $0x0  }
0xac: {  	s0 =	sadd.s32 $0x70, s0;
	s15 =	simm.s32 $0x380;
	[sflag:s7] =	ssyncadd.s32 $0xFFFFC000  }
0xad: {  	[tilespmem:s15], [sflag:$0x8] =	stream.linear.gather [hbm4b:s0+s3], $0x80, $0x38;
	[tilespmem:$0x1C800] =	vst v63  }
0xae: {  	s26 =	sadd.s32 $0x70, s23;
	s28 =	simm.s32 $0x780  }
0xaf: {  	[tilespmem:s28], [sflag:$0x8] =	stream.linear.gather [hbm4b:s26+s3], $0x80, $0x38;
	[tilespmem:$0x1C800] =	vst v63  }
0xb0: {  	_ =	swait.ge [sflag:s18], $0x80  }
0xb1: {  	[sflag:s18] =	ssyncset.done $0x0  }
0xb2: {  	[sflag:s18] =	ssyncadd.s32 $0xFFFFFF80  }
0xb3: {  	_ =	swait.ge [sflag:s18], $0x80  }
0xb4: {  	[sflag:s18] =	ssyncset.done $0x0  }
0xb5: {  	[sflag:s18] =	ssyncadd.s32 $0xFFFFFF80  }
0xb6: {  	[tilespmem:s1], [sflag:$0xA] =	stream.indirect.gather [hbm4b:s4+s19], $0x80, s16, s19, $0xb8;
	[tilespmem:$0x1C800] =	vst v63  }
0xb7: {  	s16 =	rddreg [dreg:$0xc];
	_ =	swait.ge [sflag:s31], $0x4000  }
0xb8: {  	[sflag:s31] =	ssyncset.done $0x0  }
0xb9: {  	[sflag:s31] =	ssyncadd.s32 $0xFFFFC000  }
0xba: {  	[spmem:s21] =	stream.indirect.scatter.add.f32 [tilespmem:s22], [sflag:$0xB], $0x80, s30, s19, $0xb8;
	[tilespmem:$0x1C800] =	vst v63  }
0xbb: {  	p0 =	por $0x0, $0x0;
	_ =	swait.ge [sflag:s11], $0x4000  }
0xbc: {  	s24 =	simm.s32 @!p0 $0x0;
	s0 =	rddreg [dreg:$0x4];
	[sflag:s11] =	ssyncset.done $0x0  }
0xbd: {  	s23 =	rddreg [dreg:$0x5];
	[sflag:s11] =	ssyncadd.s32 $0xFFFFC000;
	s0 =	sadd.s32 @!p0 $0x0, s0  }
0xbe: {  	[tilespmem:s24], [sflag:$0x1] =	stream.linear.gather @!p0 [hbm4b:s0+s24], $0x80, $0x38;
	[tilespmem:$0x1C800] =	vst v63  }
0xbf: {  	s0 =	sadd.s32 @!p0 $0x0, s23;
	s23 =	simm.s32 @!p0 $0x400  }
0xc0: {  	[tilespmem:s23], [sflag:$0x1] =	stream.linear.gather @!p0 [hbm4b:s0+s24], $0x80, $0x38;
	[tilespmem:$0x1C800] =	vst v63  }
0xc1: {  	_ =	swait.ge [sflag:s8], $0x80  }
0xc2: {  	[sflag:s8] =	ssyncset.done $0x0  }
0xc3: {  	[sflag:s8] =	ssyncadd.s32 $0xFFFFFF80  }
0xc4: {  	_ =	swait.ge [sflag:s8], $0x80  }
0xc5: {  	[sflag:s8] =	ssyncset.done $0x0  }
0xc6: {  	[sflag:s8] =	ssyncadd.s32 $0xFFFFFF80  }
0xc7: {  	[tilespmem:s22], [sflag:$0x9] =	stream.indirect.gather [hbm4b:s4+s19], $0x80, s12, s19, $0xb8;
	[tilespmem:$0x1C800] =	vst v63  }
0xc8: {  	_ =	swait.ge [sflag:s6], $0x4000  }
0xc9: {  	[sflag:s6] =	ssyncset.done $0x0  }
0xca: {  	[sflag:s6] =	ssyncadd.s32 $0xFFFFC000  }
0xcb: {  	[spmem:s21] =	stream.indirect.scatter.add.f32 [tilespmem:s1], [sflag:$0xC], $0x80, s9, s19, $0xb8;
	[tilespmem:$0x1C800] =	vst v63  }
0xcc: {  	_ =	swait.ge [sflag:s7], $0x4000  }
0xcd: {  	s0 =	sadd.s32 @!p0 $0x0, s16;
	[sflag:s7] =	ssyncset.done $0x0  }
0xce: {  	s23 =	simm.s32 @!p0 $0x80;
	s0 =	sadd.s32 @!p0 $0x90, s0;
	[sflag:s7] =	ssyncadd.s32 $0xFFFFC000  }
0xcf: {  	[tilespmem:s23], [sflag:$0x2] =	stream.linear.gather @!p0 [hbm4b:s0+s24], $0x80, $0x38;
	[tilespmem:$0x1C800] =	vst v63  }
0xd0: {  	s0 =	sadd.s32 @!p0 $0x0, s17  }
0xd1: {  	s23 =	simm.s32 @!p0 $0x480;
	s0 =	sadd.s32 @!p0 $0x90, s0  }
0xd2: {  	[tilespmem:s23], [sflag:$0x2] =	stream.linear.gather @!p0 [hbm4b:s0+s24], $0x80, $0x38;
	[tilespmem:$0x1C800] =	vst v63  }
0xd3: {  	_ =	swait.ge [sflag:s20], $0x80  }
0xd4: {  	[sflag:s20] =	ssyncset.done $0x0  }
0xd5: {  	[sflag:s20] =	ssyncadd.s32 $0xFFFFFF80  }
0xd6: {  	p1 =	por $0x0, $0x0;
	s18 =	simm.s32 $0x5;
	_ =	swait.ge [sflag:s20], $0x80  }
0xd7: {  	s30 =	simm.s32 $0x8;
	s11 =	simm.s32 $0xB;
	[sflag:s20] =	ssyncset.done $0x0  }
0xd8: {  	s8 =	simm.s32 $0x7;
	s22 =	simm.s32 $0x800;
	[sflag:s20] =	ssyncadd.s32 $0xFFFFFF80  }
0xd9: {  	[tilespmem:s1], [sflag:$0xA] =	stream.indirect.gather [hbm4b:s4+s19], $0x80, s15, s19, $0xb8;
	[tilespmem:$0x1C800] =	vst v63  }
0xda: {  	s23 =	simm.s32 $0x80;
	s24 =	simm.s32 $0x100;
	_ =	swait.ge [sflag:s31], $0x4000  }
0xdb: {  	s20 =	simm.s32 $0x6;
	s1 =	simm.s32 $0x4800;
	[sflag:s31] =	ssyncset.done $0x0  }
.LBB2_4:
0xdc: {  	s0 =	simm.s32 @!p1 $0xB;
	[sflag:s31] =	ssyncadd.s32 $0xFFFFC000;
	s15 =	simm.s32 $0x700  }
0xdd: {  	[spmem:s21] =	stream.indirect.scatter.add.f32 [tilespmem:s22], [sflag:$0xB], $0x80, s15, s19, $0xb8;
	[tilespmem:$0x1C800] =	vst v63  }
0xde: {  	_ =	swait.ge @!p1 [sflag:s0], $0x4000  }
0xdf: {  	s12 =	simm.s32 $0x100;
	[sflag:s0] =	ssyncset.done @!p1 $0x0;
	s28 =	rddreg [dreg:$0xa]  }
0xe0: {  	s10 =	rddreg [dreg:$0xb];
	[sflag:s0] =	ssyncadd.s32 @!p1 $0xFFFFC000;
	s28 =	sadd.s32 s23, s28  }
0xe1: {  	[tilespmem:s12], [sflag:$0x3] =	stream.linear.gather [hbm4b:s28+s3], $0x80, $0x38;
	[tilespmem:$0x1C800] =	vst v63  }
0xe2: {  	s0 =	sadd.s32 s23, s10;
	s10 =	simm.s32 $0x500  }
0xe3: {  	[tilespmem:s10], [sflag:$0x3] =	stream.linear.gather [hbm4b:s0+s3], $0x80, $0x38;
	[tilespmem:$0x1C800] =	vst v63  }
0xe4: {  	_ =	swait.ge [sflag:s25], $0x80  }
0xe5: {  	[sflag:s25] =	ssyncset.done $0x0  }
0xe6: {  	[sflag:s25] =	ssyncadd.s32 $0xFFFFFF80  }
0xe7: {  	_ =	swait.ge [sflag:s25], $0x80  }
0xe8: {  	[sflag:s25] =	ssyncset.done $0x0  }
0xe9: {  	s0 =	simm.s32 @!p1 $0xA;
	[sflag:s25] =	ssyncadd.s32 $0xFFFFFF80  }
0xea: {  	[tilespmem:s22], [sflag:$0x9] =	stream.indirect.gather [hbm4b:s4+s19], $0x80, s3, s19, $0xb8;
	[tilespmem:$0x1C800] =	vst v63  }
0xeb: {  	_ =	swait.ge @!p1 [sflag:s0], $0x4000  }
0xec: {  	s2 =	simm.s32 @!p1 $0xC;
	s9 =	simm.s32 @!p1 $0x780;
	[sflag:s0] =	ssyncset.done @!p1 $0x0  }
0xed: {  	s28 =	simm.s32 @!p1 $0x4800;
	[sflag:s0] =	ssyncadd.s32 @!p1 $0xFFFFC000;
	s0 =	simm.s32 @!p1 $0x80  }
0xee: {  	[spmem:s21] =	stream.indirect.scatter.add.f32 @!p1 [tilespmem:s28], [sflag:$0xC], $0x80, s9, s0, $0xb8;
	[tilespmem:$0x1C800] =	vst v63  }
0xef: {  	_ =	swait.ge @!p1 [sflag:s2], $0x4000  }
0xf0: {  	s5 =	simm.s32 $0x180;
	s28 =	sadd.s32 s23, s16;
	[sflag:s2] =	ssyncset.done @!p1 $0x0  }
0xf1: {  	s0 =	sadd.s32 s23, s17;
	s13 =	sadd.s32 $0x30, s28;
	[sflag:s2] =	ssyncadd.s32 @!p1 $0xFFFFC000  }
0xf2: {  	[tilespmem:s5], [sflag:$0x4] =	stream.linear.gather [hbm4b:s13+s3], $0x80, $0x38;
	[tilespmem:$0x1C800] =	vst v63  }
0xf3: {  	s25 =	simm.s32 $0x580;
	s16 =	sadd.s32 $0x30, s0  }
0xf4: {  	[tilespmem:s25], [sflag:$0x4] =	stream.linear.gather [hbm4b:s16+s3], $0x80, $0x38;
	[tilespmem:$0x1C800] =	vst v63  }
0xf5: {  	_ =	swait.ge [sflag:s29], $0x80  }
0xf6: {  	[sflag:s29] =	ssyncset.done $0x0  }
0xf7: {  	[sflag:s29] =	ssyncadd.s32 $0xFFFFFF80  }
0xf8: {  	_ =	swait.ge [sflag:s29], $0x80  }
0xf9: {  	[sflag:s29] =	ssyncset.done $0x0  }
0xfa: {  	[sflag:s29] =	ssyncadd.s32 $0xFFFFFF80  }
0xfb: {  	[tilespmem:s1], [sflag:$0xA] =	stream.indirect.gather [hbm4b:s4+s19], $0x80, s19, s19, $0xb8;
	[tilespmem:$0x1C800] =	vst v63  }
0xfc: {  	_ =	swait.ge [sflag:s31], $0x4000  }
0xfd: {  	[sflag:s31] =	ssyncset.done $0x0  }
0xfe: {  	s9 =	simm.s32 $0x400;
	[sflag:s31] =	ssyncadd.s32 $0xFFFFC000  }
0xff: {  	[spmem:s21] =	stream.indirect.scatter.add.f32 [tilespmem:s22], [sflag:$0xB], $0x80, s9, s19, $0xb8;
	[tilespmem:$0x1C800] =	vst v63  }
0x100: {  	_ =	swait.ge [sflag:s11], $0x4000  }
0x101: {  	s29 =	simm.s32 $0x200;
	s13 =	rddreg [dreg:$0x8];
	[sflag:s11] =	ssyncset.done $0x0  }
0x102: {  	s16 =	rddreg [dreg:$0x9];
	[sflag:s11] =	ssyncadd.s32 $0xFFFFC000;
	s2 =	sadd.s32 s23, s13  }
0x103: {  	[tilespmem:s29], [sflag:$0x5] =	stream.linear.gather [hbm4b:s2+s3], $0x80, $0x38;
	[tilespmem:$0x1C800] =	vst v63  }
0x104: {  	s9 =	sadd.s32 s23, s16;
	s13 =	simm.s32 $0x600;
	s16 =	simm.s32 $0x3  }
0x105: {  	[tilespmem:s13], [sflag:$0x5] =	stream.linear.gather [hbm4b:s9+s3], $0x80, $0x38;
	[tilespmem:$0x1C800] =	vst v63  }
0x106: {  	_ =	swait.ge [sflag:s16], $0x80  }
0x107: {  	[sflag:s16] =	ssyncset.done $0x0  }
0x108: {  	[sflag:s16] =	ssyncadd.s32 $0xFFFFFF80  }
0x109: {  	_ =	swait.ge [sflag:s16], $0x80  }
0x10a: {  	[sflag:s16] =	ssyncset.done $0x0  }
0x10b: {  	[sflag:s16] =	ssyncadd.s32 $0xFFFFFF80  }
0x10c: {  	[tilespmem:s22], [sflag:$0x9] =	stream.indirect.gather [hbm4b:s4+s19], $0x80, s12, s19, $0xb8;
	[tilespmem:$0x1C800] =	vst v63  }
0x10d: {  	_ =	swait.ge [sflag:s6], $0x4000  }
0x10e: {  	[sflag:s6] =	ssyncset.done $0x0  }
0x10f: {  	s9 =	simm.s32 $0x480;
	[sflag:s6] =	ssyncadd.s32 $0xFFFFC000  }
0x110: {  	[spmem:s21] =	stream.indirect.scatter.add.f32 [tilespmem:s1], [sflag:$0xC], $0x80, s9, s19, $0xb8;
	[tilespmem:$0x1C800] =	vst v63  }
0x111: {  	_ =	swait.ge [sflag:s7], $0x4000  }
0x112: {  	[sflag:s7] =	ssyncset.done $0x0  }
0x113: {  	s16 =	simm.s32 $0x280;
	s12 =	sadd.s32 $0x50, s28;
	[sflag:s7] =	ssyncadd.s32 $0xFFFFC000  }
0x114: {  	[tilespmem:s16], [sflag:$0x6] =	stream.linear.gather [hbm4b:s12+s3], $0x80, $0x38;
	[tilespmem:$0x1C800] =	vst v63  }
0x115: {  	s9 =	sadd.s32 $0x50, s0;
	s12 =	simm.s32 $0x680  }
0x116: {  	[tilespmem:s12], [sflag:$0x6] =	stream.linear.gather [hbm4b:s9+s3], $0x80, $0x38;
	[tilespmem:$0x1C800] =	vst v63  }
0x117: {  	_ =	swait.ge [sflag:s14], $0x80  }
0x118: {  	[sflag:s14] =	ssyncset.done $0x0  }
0x119: {  	[sflag:s14] =	ssyncadd.s32 $0xFFFFFF80  }
0x11a: {  	_ =	swait.ge [sflag:s14], $0x80  }
0x11b: {  	[sflag:s14] =	ssyncset.done $0x0  }
0x11c: {  	[sflag:s14] =	ssyncadd.s32 $0xFFFFFF80  }
0x11d: {  	[tilespmem:s1], [sflag:$0xA] =	stream.indirect.gather [hbm4b:s4+s19], $0x80, s5, s19, $0xb8;
	[tilespmem:$0x1C800] =	vst v63  }
0x11e: {  	_ =	swait.ge [sflag:s31], $0x4000  }
0x11f: {  	[sflag:s31] =	ssyncset.done $0x0  }
0x120: {  	[sflag:s31] =	ssyncadd.s32 $0xFFFFC000  }
0x121: {  	[spmem:s21] =	stream.indirect.scatter.add.f32 [tilespmem:s22], [sflag:$0xB], $0x80, s10, s19, $0xb8;
	[tilespmem:$0x1C800] =	vst v63  }
0x122: {  	_ =	swait.ge [sflag:s11], $0x4000  }
0x123: {  	s10 =	rddreg [dreg:$0x6]  }
0x124: {  	[sflag:s11] =	ssyncset.done $0x0;
	s5 =	rddreg [dreg:$0x7]  }
0x125: {  	[sflag:s11] =	ssyncadd.s32 $0xFFFFC000;
	s2 =	sadd.s32 s23, s10;
	s10 =	simm.s32 $0x300  }
0x126: {  	[tilespmem:s10], [sflag:$0x7] =	stream.linear.gather [hbm4b:s2+s3], $0x80, $0x38;
	[tilespmem:$0x1C800] =	vst v63  }
0x127: {  	s9 =	sadd.s32 s23, s5  }
0x128: {  	[tilespmem:s15], [sflag:$0x7] =	stream.linear.gather [hbm4b:s9+s3], $0x80, $0x38;
	[tilespmem:$0x1C800] =	vst v63  }
0x129: {  	_ =	swait.ge [sflag:s18], $0x80  }
0x12a: {  	[sflag:s18] =	ssyncset.done $0x0  }
0x12b: {  	[sflag:s18] =	ssyncadd.s32 $0xFFFFFF80  }
0x12c: {  	_ =	swait.ge [sflag:s18], $0x80  }
0x12d: {  	[sflag:s18] =	ssyncset.done $0x0  }
0x12e: {  	[sflag:s18] =	ssyncadd.s32 $0xFFFFFF80  }
0x12f: {  	[tilespmem:s22], [sflag:$0x9] =	stream.indirect.gather [hbm4b:s4+s19], $0x80, s29, s19, $0xb8;
	[tilespmem:$0x1C800] =	vst v63  }
0x130: {  	_ =	swait.ge [sflag:s6], $0x4000  }
0x131: {  	[sflag:s6] =	ssyncset.done $0x0  }
0x132: {  	[sflag:s6] =	ssyncadd.s32 $0xFFFFC000  }
0x133: {  	[spmem:s21] =	stream.indirect.scatter.add.f32 [tilespmem:s1], [sflag:$0xC], $0x80, s25, s19, $0xb8;
	[tilespmem:$0x1C800] =	vst v63  }
0x134: {  	_ =	swait.ge [sflag:s7], $0x4000  }
0x135: {  	[sflag:s7] =	ssyncset.done $0x0  }
0x136: {  	s28 =	sadd.s32 $0x70, s28;
	s5 =	simm.s32 $0x380;
	[sflag:s7] =	ssyncadd.s32 $0xFFFFC000  }
0x137: {  	[tilespmem:s5], [sflag:$0x8] =	stream.linear.gather [hbm4b:s28+s3], $0x80, $0x38;
	[tilespmem:$0x1C800] =	vst v63  }
0x138: {  	s0 =	sadd.s32 $0x70, s0;
	s28 =	simm.s32 $0x780  }
0x139: {  	[tilespmem:s28], [sflag:$0x8] =	stream.linear.gather [hbm4b:s0+s3], $0x80, $0x38;
	[tilespmem:$0x1C800] =	vst v63  }
0x13a: {  	_ =	swait.ge [sflag:s20], $0x80  }
0x13b: {  	[sflag:s20] =	ssyncset.done $0x0  }
0x13c: {  	[sflag:s20] =	ssyncadd.s32 $0xFFFFFF80  }
0x13d: {  	_ =	swait.ge [sflag:s20], $0x80  }
0x13e: {  	[sflag:s20] =	ssyncset.done $0x0  }
0x13f: {  	[sflag:s20] =	ssyncadd.s32 $0xFFFFFF80  }
0x140: {  	[tilespmem:s1], [sflag:$0xA] =	stream.indirect.gather [hbm4b:s4+s19], $0x80, s16, s19, $0xb8;
	[tilespmem:$0x1C800] =	vst v63  }
0x141: {  	s16 =	rddreg [dreg:$0xc];
	_ =	swait.ge [sflag:s31], $0x4000  }
0x142: {  	[sflag:s31] =	ssyncset.done $0x0  }
0x143: {  	[sflag:s31] =	ssyncadd.s32 $0xFFFFC000  }
0x144: {  	[spmem:s21] =	stream.indirect.scatter.add.f32 [tilespmem:s22], [sflag:$0xB], $0x80, s13, s19, $0xb8;
	[tilespmem:$0x1C800] =	vst v63  }
0x145: {  	p1 =	seq.s32 s23, $0x480;
	_ =	swait.ge [sflag:s11], $0x4000  }
0x146: {  	s9 =	simm.s32 @!p1 $0x0;
	s0 =	rddreg [dreg:$0x4];
	[sflag:s11] =	ssyncset.done $0x0  }
0x147: {  	s2 =	rddreg [dreg:$0x5];
	[sflag:s11] =	ssyncadd.s32 $0xFFFFC000;
	s0 =	sadd.s32 @!p1 s23, s0  }
0x148: {  	[tilespmem:s9], [sflag:$0x1] =	stream.linear.gather @!p1 [hbm4b:s0+s9], $0x80, $0x38;
	[tilespmem:$0x1C800] =	vst v63  }
0x149: {  	s0 =	sadd.s32 @!p1 s23, s2;
	s2 =	simm.s32 @!p1 $0x400  }
0x14a: {  	[tilespmem:s2], [sflag:$0x1] =	stream.linear.gather @!p1 [hbm4b:s0+s9], $0x80, $0x38;
	[tilespmem:$0x1C800] =	vst v63  }
0x14b: {  	_ =	swait.ge [sflag:s8], $0x80  }
0x14c: {  	[sflag:s8] =	ssyncset.done $0x0  }
0x14d: {  	[sflag:s8] =	ssyncadd.s32 $0xFFFFFF80  }
0x14e: {  	_ =	swait.ge [sflag:s8], $0x80  }
0x14f: {  	[sflag:s8] =	ssyncset.done $0x0  }
0x150: {  	[sflag:s8] =	ssyncadd.s32 $0xFFFFFF80  }
0x151: {  	[tilespmem:s22], [sflag:$0x9] =	stream.indirect.gather [hbm4b:s4+s19], $0x80, s10, s19, $0xb8;
	[tilespmem:$0x1C800] =	vst v63  }
0x152: {  	_ =	swait.ge [sflag:s6], $0x4000  }
0x153: {  	[sflag:s6] =	ssyncset.done $0x0  }
0x154: {  	[sflag:s6] =	ssyncadd.s32 $0xFFFFC000  }
0x155: {  	[spmem:s21] =	stream.indirect.scatter.add.f32 [tilespmem:s1], [sflag:$0xC], $0x80, s12, s19, $0xb8;
	[tilespmem:$0x1C800] =	vst v63  }
0x156: {  	s26 =	smov.u32 s24;
	s28 =	sadd.s32 @!p1 s23, s16;
	_ =	swait.ge [sflag:s7], $0x4000  }
0x157: {  	s0 =	sadd.s32 @!p1 $0x90, s28;
	s2 =	sadd.s32 @!p1 s23, s17;
	[sflag:s7] =	ssyncset.done $0x0  }
0x158: {  	s23 =	smov.u32 s26;
	s26 =	simm.s32 @!p1 $0x80;
	[sflag:s7] =	ssyncadd.s32 $0xFFFFC000  }
0x159: {  	[tilespmem:s26], [sflag:$0x2] =	stream.linear.gather @!p1 [hbm4b:s0+s9], $0x80, $0x38;
	[tilespmem:$0x1C800] =	vst v63  }
0x15a: {  	s2 =	sadd.s32 @!p1 $0x90, s2;
	s0 =	simm.s32 @!p1 $0x480  }
0x15b: {  	[tilespmem:s0], [sflag:$0x2] =	stream.linear.gather @!p1 [hbm4b:s2+s9], $0x80, $0x38;
	[tilespmem:$0x1C800] =	vst v63  }
0x15c: {  	_ =	swait.ge [sflag:s30], $0x80  }
0x15d: {  	[sflag:s30] =	ssyncset.done $0x0  }
0x15e: {  	s24 =	sadd.s32 $0x80, s24;
	[sflag:s30] =	ssyncadd.s32 $0xFFFFFF80  }
0x15f: {  	p0 =	sne.s32 s24, $0x500;
	_ =	swait.ge [sflag:s30], $0x80  }
.Ltmp1:
0x160: {  	[sflag:s30] =	ssyncset.done $0x0;
	(pc) =	sbr.rel @p0 .LBB2_4-.Ltmp1, $4  }
0x161: {  	[sflag:s30] =	ssyncadd.s32 $0xFFFFFF80  }
0x162: {  	[tilespmem:s1], [sflag:$0xA] =	stream.indirect.gather [hbm4b:s4+s19], $0x80, s5, s19, $0xb8;
	[tilespmem:$0x1C800] =	vst v63  }
0x163: {  	s29 =	simm.s32 $0x2;
	_ =	swait.ge [sflag:s31], $0x4000  }
0x164: {  	s25 =	simm.s32 $0x1;
	p1 =	seq.s32 s23, $0x0;
	[sflag:s31] =	ssyncset.done $0x0  }
0x165: {  	s0 =	simm.s32 @!p1 $0xB;
	[sflag:s31] =	ssyncadd.s32 $0xFFFFC000;
	s15 =	simm.s32 $0x700  }
0x166: {  	[spmem:s21] =	stream.indirect.scatter.add.f32 [tilespmem:s22], [sflag:$0xB], $0x80, s15, s19, $0xb8;
	[tilespmem:$0x1C800] =	vst v63  }
0x167: {  	_ =	swait.ge @!p1 [sflag:s0], $0x4000  }
0x168: {  	s10 =	simm.s32 $0x100;
	s2 =	rddreg [dreg:$0xa];
	[sflag:s0] =	ssyncset.done @!p1 $0x0  }
0x169: {  	s9 =	rddreg [dreg:$0xb];
	[sflag:s0] =	ssyncadd.s32 @!p1 $0xFFFFC000;
	s12 =	sadd.s32 s23, s2  }
0x16a: {  	[tilespmem:s10], [sflag:$0x3] =	stream.linear.gather [hbm4b:s12+s3], $0x80, $0x38;
	[tilespmem:$0x1C800] =	vst v63  }
0x16b: {  	s28 =	simm.s32 $0x500;
	s13 =	sadd.s32 s23, s9  }
0x16c: {  	[tilespmem:s28], [sflag:$0x3] =	stream.linear.gather [hbm4b:s13+s3], $0x80, $0x38;
	[tilespmem:$0x1C800] =	vst v63  }
0x16d: {  	_ =	swait.ge [sflag:s25], $0x80  }
0x16e: {  	[sflag:s25] =	ssyncset.done $0x0  }
0x16f: {  	[sflag:s25] =	ssyncadd.s32 $0xFFFFFF80  }
0x170: {  	_ =	swait.ge [sflag:s25], $0x80  }
0x171: {  	[sflag:s25] =	ssyncset.done $0x0  }
0x172: {  	s0 =	simm.s32 @!p1 $0xA;
	[sflag:s25] =	ssyncadd.s32 $0xFFFFFF80  }
0x173: {  	[tilespmem:s22], [sflag:$0x9] =	stream.indirect.gather [hbm4b:s4+s19], $0x80, s3, s19, $0xb8;
	[tilespmem:$0x1C800] =	vst v63  }
0x174: {  	_ =	swait.ge @!p1 [sflag:s0], $0x4000  }
0x175: {  	s24 =	simm.s32 @!p1 $0x780;
	s2 =	simm.s32 @!p1 $0x4800;
	[sflag:s0] =	ssyncset.done @!p1 $0x0  }
0x176: {  	s9 =	simm.s32 @!p1 $0xC;
	[sflag:s0] =	ssyncadd.s32 @!p1 $0xFFFFC000;
	s0 =	simm.s32 @!p1 $0x80  }
0x177: {  	[spmem:s21] =	stream.indirect.scatter.add.f32 @!p1 [tilespmem:s2], [sflag:$0xC], $0x80, s24, s0, $0xb8;
	[tilespmem:$0x1C800] =	vst v63  }
0x178: {  	_ =	swait.ge @!p1 [sflag:s9], $0x4000  }
0x179: {  	s5 =	simm.s32 $0x180;
	s0 =	sadd.s32 s23, s16;
	[sflag:s9] =	ssyncset.done @!p1 $0x0  }
0x17a: {  	s24 =	sadd.s32 s23, s17;
	s16 =	sadd.s32 $0x30, s0;
	[sflag:s9] =	ssyncadd.s32 @!p1 $0xFFFFC000  }
0x17b: {  	[tilespmem:s5], [sflag:$0x4] =	stream.linear.gather [hbm4b:s16+s3], $0x80, $0x38;
	[tilespmem:$0x1C800] =	vst v63  }
0x17c: {  	s13 =	simm.s32 $0x580;
	s26 =	sadd.s32 $0x30, s24  }
0x17d: {  	[tilespmem:s13], [sflag:$0x4] =	stream.linear.gather [hbm4b:s26+s3], $0x80, $0x38;
	[tilespmem:$0x1C800] =	vst v63  }
0x17e: {  	_ =	swait.ge [sflag:s29], $0x80  }
0x17f: {  	[sflag:s29] =	ssyncset.done $0x0  }
0x180: {  	[sflag:s29] =	ssyncadd.s32 $0xFFFFFF80  }
0x181: {  	_ =	swait.ge [sflag:s29], $0x80  }
0x182: {  	[sflag:s29] =	ssyncset.done $0x0  }
0x183: {  	[sflag:s29] =	ssyncadd.s32 $0xFFFFFF80  }
0x184: {  	[tilespmem:s1], [sflag:$0xA] =	stream.indirect.gather [hbm4b:s4+s19], $0x80, s19, s19, $0xb8;
	[tilespmem:$0x1C800] =	vst v63  }
0x185: {  	_ =	swait.ge [sflag:s31], $0x4000  }
0x186: {  	[sflag:s31] =	ssyncset.done $0x0  }
0x187: {  	s9 =	simm.s32 $0x400;
	[sflag:s31] =	ssyncadd.s32 $0xFFFFC000  }
0x188: {  	[spmem:s21] =	stream.indirect.scatter.add.f32 [tilespmem:s22], [sflag:$0xB], $0x80, s9, s19, $0xb8;
	[tilespmem:$0x1C800] =	vst v63  }
0x189: {  	_ =	swait.ge [sflag:s11], $0x4000  }
0x18a: {  	s26 =	simm.s32 $0x200;
	s12 =	rddreg [dreg:$0x8];
	[sflag:s11] =	ssyncset.done $0x0  }
0x18b: {  	s16 =	rddreg [dreg:$0x9];
	[sflag:s11] =	ssyncadd.s32 $0xFFFFC000;
	s2 =	sadd.s32 s23, s12  }
0x18c: {  	[tilespmem:s26], [sflag:$0x5] =	stream.linear.gather [hbm4b:s2+s3], $0x80, $0x38;
	[tilespmem:$0x1C800] =	vst v63  }
0x18d: {  	s9 =	sadd.s32 s23, s16;
	s12 =	simm.s32 $0x600;
	s16 =	simm.s32 $0x3  }
0x18e: {  	[tilespmem:s12], [sflag:$0x5] =	stream.linear.gather [hbm4b:s9+s3], $0x80, $0x38;
	[tilespmem:$0x1C800] =	vst v63  }
0x18f: {  	_ =	swait.ge [sflag:s16], $0x80  }
0x190: {  	[sflag:s16] =	ssyncset.done $0x0  }
0x191: {  	[sflag:s16] =	ssyncadd.s32 $0xFFFFFF80  }
0x192: {  	_ =	swait.ge [sflag:s16], $0x80  }
0x193: {  	[sflag:s16] =	ssyncset.done $0x0  }
0x194: {  	[sflag:s16] =	ssyncadd.s32 $0xFFFFFF80  }
0x195: {  	[tilespmem:s22], [sflag:$0x9] =	stream.indirect.gather [hbm4b:s4+s19], $0x80, s10, s19, $0xb8;
	[tilespmem:$0x1C800] =	vst v63  }
0x196: {  	_ =	swait.ge [sflag:s6], $0x4000  }
0x197: {  	[sflag:s6] =	ssyncset.done $0x0  }
0x198: {  	s9 =	simm.s32 $0x480;
	[sflag:s6] =	ssyncadd.s32 $0xFFFFC000  }
0x199: {  	[spmem:s21] =	stream.indirect.scatter.add.f32 [tilespmem:s1], [sflag:$0xC], $0x80, s9, s19, $0xb8;
	[tilespmem:$0x1C800] =	vst v63  }
0x19a: {  	_ =	swait.ge [sflag:s7], $0x4000  }
0x19b: {  	[sflag:s7] =	ssyncset.done $0x0  }
0x19c: {  	s16 =	simm.s32 $0x280;
	s10 =	sadd.s32 $0x50, s0;
	[sflag:s7] =	ssyncadd.s32 $0xFFFFC000  }
0x19d: {  	[tilespmem:s16], [sflag:$0x6] =	stream.linear.gather [hbm4b:s10+s3], $0x80, $0x38;
	[tilespmem:$0x1C800] =	vst v63  }
0x19e: {  	s9 =	sadd.s32 $0x50, s24;
	s10 =	simm.s32 $0x680  }
0x19f: {  	[tilespmem:s10], [sflag:$0x6] =	stream.linear.gather [hbm4b:s9+s3], $0x80, $0x38;
	[tilespmem:$0x1C800] =	vst v63  }
0x1a0: {  	_ =	swait.ge [sflag:s14], $0x80  }
0x1a1: {  	[sflag:s14] =	ssyncset.done $0x0  }
0x1a2: {  	[sflag:s14] =	ssyncadd.s32 $0xFFFFFF80  }
0x1a3: {  	_ =	swait.ge [sflag:s14], $0x80  }
0x1a4: {  	[sflag:s14] =	ssyncset.done $0x0  }
0x1a5: {  	[sflag:s14] =	ssyncadd.s32 $0xFFFFFF80  }
0x1a6: {  	[tilespmem:s1], [sflag:$0xA] =	stream.indirect.gather [hbm4b:s4+s19], $0x80, s5, s19, $0xb8;
	[tilespmem:$0x1C800] =	vst v63  }
0x1a7: {  	_ =	swait.ge [sflag:s31], $0x4000  }
0x1a8: {  	[sflag:s31] =	ssyncset.done $0x0  }
0x1a9: {  	[sflag:s31] =	ssyncadd.s32 $0xFFFFC000  }
0x1aa: {  	[spmem:s21] =	stream.indirect.scatter.add.f32 [tilespmem:s22], [sflag:$0xB], $0x80, s28, s19, $0xb8;
	[tilespmem:$0x1C800] =	vst v63  }
0x1ab: {  	_ =	swait.ge [sflag:s11], $0x4000  }
0x1ac: {  	s28 =	simm.s32 $0x300;
	s9 =	rddreg [dreg:$0x6];
	[sflag:s11] =	ssyncset.done $0x0  }
0x1ad: {  	s5 =	rddreg [dreg:$0x7];
	[sflag:s11] =	ssyncadd.s32 $0xFFFFC000;
	s2 =	sadd.s32 s23, s9  }
0x1ae: {  	[tilespmem:s28], [sflag:$0x7] =	stream.linear.gather [hbm4b:s2+s3], $0x80, $0x38;
	[tilespmem:$0x1C800] =	vst v63  }
0x1af: {  	s9 =	sadd.s32 s23, s5  }
0x1b0: {  	[tilespmem:s15], [sflag:$0x7] =	stream.linear.gather [hbm4b:s9+s3], $0x80, $0x38;
	[tilespmem:$0x1C800] =	vst v63  }
0x1b1: {  	_ =	swait.ge [sflag:s18], $0x80  }
0x1b2: {  	[sflag:s18] =	ssyncset.done $0x0  }
0x1b3: {  	[sflag:s18] =	ssyncadd.s32 $0xFFFFFF80  }
0x1b4: {  	_ =	swait.ge [sflag:s18], $0x80  }
0x1b5: {  	[sflag:s18] =	ssyncset.done $0x0  }
0x1b6: {  	[sflag:s18] =	ssyncadd.s32 $0xFFFFFF80  }
0x1b7: {  	[tilespmem:s22], [sflag:$0x9] =	stream.indirect.gather [hbm4b:s4+s19], $0x80, s26, s19, $0xb8;
	[tilespmem:$0x1C800] =	vst v63  }
0x1b8: {  	_ =	swait.ge [sflag:s6], $0x4000  }
0x1b9: {  	[sflag:s6] =	ssyncset.done $0x0  }
0x1ba: {  	[sflag:s6] =	ssyncadd.s32 $0xFFFFC000  }
0x1bb: {  	[spmem:s21] =	stream.indirect.scatter.add.f32 [tilespmem:s1], [sflag:$0xC], $0x80, s13, s19, $0xb8;
	[tilespmem:$0x1C800] =	vst v63  }
0x1bc: {  	_ =	swait.ge [sflag:s7], $0x4000  }
0x1bd: {  	[sflag:s7] =	ssyncset.done $0x0  }
0x1be: {  	s0 =	sadd.s32 $0x70, s0;
	s18 =	simm.s32 $0x380;
	[sflag:s7] =	ssyncadd.s32 $0xFFFFC000  }
0x1bf: {  	[tilespmem:s18], [sflag:$0x8] =	stream.linear.gather [hbm4b:s0+s3], $0x80, $0x38;
	[tilespmem:$0x1C800] =	vst v63  }
0x1c0: {  	s5 =	simm.s32 $0x780;
	s2 =	sadd.s32 $0x70, s24  }
0x1c1: {  	[tilespmem:s5], [sflag:$0x8] =	stream.linear.gather [hbm4b:s2+s3], $0x80, $0x38;
	[tilespmem:$0x1C800] =	vst v63  }
0x1c2: {  	_ =	swait.ge [sflag:s20], $0x80  }
0x1c3: {  	[sflag:s20] =	ssyncset.done $0x0  }
0x1c4: {  	[sflag:s20] =	ssyncadd.s32 $0xFFFFFF80  }
0x1c5: {  	_ =	swait.ge [sflag:s20], $0x80  }
0x1c6: {  	[sflag:s20] =	ssyncset.done $0x0  }
0x1c7: {  	[sflag:s20] =	ssyncadd.s32 $0xFFFFFF80  }
0x1c8: {  	[tilespmem:s1], [sflag:$0xA] =	stream.indirect.gather [hbm4b:s4+s19], $0x80, s16, s19, $0xb8;
	[tilespmem:$0x1C800] =	vst v63  }
0x1c9: {  	s16 =	rddreg [dreg:$0xc];
	_ =	swait.ge [sflag:s31], $0x4000  }
0x1ca: {  	[sflag:s31] =	ssyncset.done $0x0  }
0x1cb: {  	[sflag:s31] =	ssyncadd.s32 $0xFFFFC000  }
0x1cc: {  	[spmem:s21] =	stream.indirect.scatter.add.f32 [tilespmem:s22], [sflag:$0xB], $0x80, s12, s19, $0xb8;
	[tilespmem:$0x1C800] =	vst v63  }
0x1cd: {  	p0 =	seq.s32 s23, $0x480;
	_ =	swait.ge [sflag:s11], $0x4000  }
0x1ce: {  	s9 =	simm.s32 @!p0 $0x0;
	s0 =	rddreg [dreg:$0x4];
	[sflag:s11] =	ssyncset.done $0x0  }
0x1cf: {  	s2 =	rddreg [dreg:$0x5];
	[sflag:s11] =	ssyncadd.s32 $0xFFFFC000;
	s0 =	sadd.s32 @!p0 s23, s0  }
0x1d0: {  	[tilespmem:s9], [sflag:$0x1] =	stream.linear.gather @!p0 [hbm4b:s0+s9], $0x80, $0x38;
	[tilespmem:$0x1C800] =	vst v63  }
0x1d1: {  	s0 =	sadd.s32 @!p0 s23, s2;
	s2 =	simm.s32 @!p0 $0x400  }
0x1d2: {  	[tilespmem:s2], [sflag:$0x1] =	stream.linear.gather @!p0 [hbm4b:s0+s9], $0x80, $0x38;
	[tilespmem:$0x1C800] =	vst v63  }
0x1d3: {  	_ =	swait.ge [sflag:s8], $0x80  }
0x1d4: {  	[sflag:s8] =	ssyncset.done $0x0  }
0x1d5: {  	[sflag:s8] =	ssyncadd.s32 $0xFFFFFF80  }
0x1d6: {  	_ =	swait.ge [sflag:s8], $0x80  }
0x1d7: {  	[sflag:s8] =	ssyncset.done $0x0  }
0x1d8: {  	[sflag:s8] =	ssyncadd.s32 $0xFFFFFF80  }
0x1d9: {  	[tilespmem:s22], [sflag:$0x9] =	stream.indirect.gather [hbm4b:s4+s19], $0x80, s28, s19, $0xb8;
	[tilespmem:$0x1C800] =	vst v63  }
0x1da: {  	_ =	swait.ge [sflag:s6], $0x4000  }
0x1db: {  	[sflag:s6] =	ssyncset.done $0x0  }
0x1dc: {  	[sflag:s6] =	ssyncadd.s32 $0xFFFFC000  }
0x1dd: {  	[spmem:s21] =	stream.indirect.scatter.add.f32 [tilespmem:s1], [sflag:$0xC], $0x80, s10, s19, $0xb8;
	[tilespmem:$0x1C800] =	vst v63  }
0x1de: {  	_ =	swait.ge [sflag:s7], $0x4000  }
0x1df: {  	s0 =	sadd.s32 @!p0 s23, s16;
	[sflag:s7] =	ssyncset.done $0x0  }
0x1e0: {  	s2 =	simm.s32 @!p0 $0x80;
	s0 =	sadd.s32 @!p0 $0x90, s0;
	[sflag:s7] =	ssyncadd.s32 $0xFFFFC000  }
0x1e1: {  	[tilespmem:s2], [sflag:$0x2] =	stream.linear.gather @!p0 [hbm4b:s0+s9], $0x80, $0x38;
	[tilespmem:$0x1C800] =	vst v63  }
0x1e2: {  	s0 =	sadd.s32 @!p0 s23, s17  }
0x1e3: {  	s2 =	simm.s32 @!p0 $0x480;
	s0 =	sadd.s32 @!p0 $0x90, s0  }
0x1e4: {  	[tilespmem:s2], [sflag:$0x2] =	stream.linear.gather @!p0 [hbm4b:s0+s9], $0x80, $0x38;
	[tilespmem:$0x1C800] =	vst v63  }
0x1e5: {  	_ =	swait.ge [sflag:s30], $0x80  }
0x1e6: {  	[sflag:s30] =	ssyncset.done $0x0  }
0x1e7: {  	[sflag:s30] =	ssyncadd.s32 $0xFFFFFF80  }
0x1e8: {  	_ =	swait.ge [sflag:s30], $0x80  }
0x1e9: {  	[sflag:s30] =	ssyncset.done $0x0  }
0x1ea: {  	[sflag:s30] =	ssyncadd.s32 $0xFFFFFF80  }
0x1eb: {  	[tilespmem:s1], [sflag:$0xA] =	stream.indirect.gather [hbm4b:s4+s19], $0x80, s18, s19, $0xb8;
	[tilespmem:$0x1C800] =	vst v63  }
0x1ec: {  	_ =	swait.ge [sflag:s31], $0x4000  }
0x1ed: {  	[sflag:s31] =	ssyncset.done $0x0  }
0x1ee: {  	[sflag:s31] =	ssyncadd.s32 $0xFFFFC000  }
0x1ef: {  	[spmem:s21] =	stream.indirect.scatter.add.f32 [tilespmem:s22], [sflag:$0xB], $0x80, s15, s19, $0xb8;
	[tilespmem:$0x1C800] =	vst v63  }
0x1f0: {  	_ =	swait.ge [sflag:s6], $0x4000  }
0x1f1: {  	[sflag:s6] =	ssyncset.done $0x0  }
0x1f2: {  	[sflag:s6] =	ssyncadd.s32 $0xFFFFC000  }
0x1f3: {  	[spmem:s21] =	stream.indirect.scatter.add.f32 [tilespmem:s1], [sflag:$0xC], $0x80, s5, s19, $0xb8;
	[tilespmem:$0x1C800] =	vst v63  }
0x1f4: {  	_ =	swait.ge [sflag:s11], $0x4000  }
0x1f5: {  	[sflag:s11] =	ssyncset.done $0x0  }
0x1f6: {  	[sflag:s11] =	ssyncadd.s32 $0xFFFFC000  }
0x1f7: {  	_ =	swait.ge [sflag:s7], $0x4000  }
0x1f8: {  	[sflag:s7] =	ssyncset.done $0x0  }
0x1f9: {  	[sflag:s7] =	ssyncadd.s32 $0xFFFFC000  }
0x1fa: {  	s15 =	stileid.u32;
	[bflag:$0x0] =	sbarrier.arrive $0xFFFF  }
0x1fb: {  	s22 =	simm.s32 $0xD;
	s0 =	sshll.u32 s15, $0x6;
	s24 =	rddreg [dreg:$0x10]  }
0x1fc: {  	s0 =	sor.u32 $0x1C0D, s0;
	s20 =	rddreg [dreg:$0x16];
	s18 =	sshrl.u32 s24, $0x3  }
0x1fd: {  	[hbm:s20], [sflag:s0] =	dma.local [spmem:s18], $0x2800  }
0x1fe: {  	_ =	swait.ge [sflag:s22], $0x2800  }
0x1ff: {  	s26 =	rddreg [dreg:$0x18]  }
0x200: {  	s30 =	rddreg [dreg:$0x17];
	s23 =	sadd.s32 $0x1, s26  }
0x201: {  	s13 =	simm.s32 $0x180;
	s12 =	simm.s32 $0x500;
	p0 =	sne.s32 s23, s30  }
.Ltmp2:
0x202: {  	s8 =	simm.s32 $0x7;
	s28 =	simm.s32 $0x200;
	(pc) =	sbr.rel @p0 .LBB2_1-.Ltmp2, $4  }
0x203: {  	s10 =	simm.s32 $0x100;
	s2 =	simm.s32 $0x400;
	s9 =	simm.s32 $0x480  }
0x204: {  	s15 =	simm.s32 $0x580;
	s5 =	simm.s32 $0x5;
	s1 =	simm.s32 $0x4800  }
0x205: {  	s11 =	simm.s32 $0xB;
	s18 =	simm.s32 $0x6;
	[sflag:s22] =	ssyncset.done $0x0  }
0x206: {  	s20 =	simm.s32 $0x8;
	[sflag:s22] =	ssyncadd.s32 $0xFFFFD800;
	s22 =	simm.s32 $0x800  }
0x207: {  	_ =	sfence.sel $0x180000  }
0x208: {  	[bflag:$0x0] =	sbarrier.arrive $0xFFFF  }
0x209: {  	_ =	strace $0x9000004D  }
0x20a: {  	s0 =	stileid.u32;
	[bflag:$0x2] =	sbarrier.arrive $0xFFFF  }
0x20b: {  	p0 =	sne.s32 s0, $0x0;
	s0 =	rddreg [dreg:$0x3]  }
0x20c: {  	s0 =	sadd.s32 @!p0 $0x100000, s0  }
0x20d: {  	[sflag:s0] =	ssyncadd.tile.s32 @!p0 $0x1;
	_ =	shalt  }
.Lfunc_end2:
_tile_overlayer_lowered:
.L_overlay_start_2:
0x20e: {  	(tag) =	ssettag $0x2  }
0x20f: {  	s0 =	rddreg [dreg:$0x0];
	s2 =	stileid.u32  }
0x210: {  	s1 =	rddreg [dreg:$0x1];
	p0 =	sne.s32 s2, $0x0  }
0x211: {  	s3 =	rddreg [dreg:$0x2];
	[bflag:$0x3] =	sbarrier.arrive $0xFFFF;
	s2 =	simm.s32 @!p0 $0x1C0D  }
0x212: {  	[timem:s3], [sflag:s2] =	dma.local @!p0 [hbm:s0], s1  }
0x213: {  	s0 =	simm.s32 @!p0 $0xD  }
0x214: {  	_ =	swait.ge @!p0 [sflag:s0], s1  }
0x215: {  	s1 =	ssub.s32 @!p0 $0x0, s1;
	[sflag:s0] =	ssyncset.done @!p0 $0x0  }
0x216: {  	[sflag:s0] =	ssyncadd.s32 @!p0 s1  }
0x217: {  	[bflag:$0x3] =	sbarrier.arrive $0xFFFF  }
0x218: {  	_ =	shalt  }

// kernel: kernel.9.cloned.1.call-start
scs
__scs_entry_jumppad:
0x0: {  	(pc) =	sbr.rel $0x88, $3  }
0x1: {  	(tag) =	ssettag $0x0;
	lr =	simm.s32 $0x1  }
0x2: {  	[smem:$0x3F97] =	sst lr;
	_ =	strace $0xD0000000  }
0x3: {  	_ = 	snop  }
0x4: {  	_ = 	snop  }
0x5: {  	_ = 	snop  }
0x6: {  	_ = 	snop  }
0x7: {  	_ = 	snop  }
__scs_overlays_trampoline_lowered:
0x8: {  	[smem:$0x3FA6] =	sst s0  }
0x9: {  	[smem:$0x3FA7] =	sst s1  }
0xa: {  	[smem:$0x3FA8] =	sst s2  }
0xb: {  	[smem:$0x3FA9] =	sst s3  }
0xc: {  	[smem:$0x3FAA] =	sst s4  }
0xd: {  	[smem:$0x3FAB] =	sst s5  }
0xe: {  	[smem:$0x3FAC] =	sst s6  }
0xf: {  	[smem:$0x3FAD] =	sst s7  }
0x10: {  	[smem:$0x3FAE] =	sst s8  }
0x11: {  	[smem:$0x3FAF] =	sst s9;
	s0 =	simm.s32 @!p0 $0x0  }
0x12: {  	s1 =	sld [smem:$0x3F95];
	s0 =	simm.s32 @p0 $0x1  }
0x13: {  	[smem:$0x3FB0] =	sst s0;
	s0 =	simm.s32 @!p1 $0x0  }
0x14: {  	s2 =	sld [smem:$0x3F94];
	s0 =	simm.s32 @p1 $0x1  }
0x15: {  	[smem:$0x3FB1] =	sst s0;
	s0 =	simm.s32 @!p2 $0x0  }
0x16: {  	s3 =	sld [smem:$0x3FDB];
	s0 =	simm.s32 @p2 $0x1  }
0x17: {  	s4 =	simm.s32 $0x1BF5;
	[smem:$0x3FB3] =	sst s0  }
0x18: {  	s0 =	sld [smem:$0x3F96];
	_ =	swait.ge [sflag:s4], $0x0  }
0x19: {  	s7 =	sld [smem:$0x3F97]  }
0x1a: {  	s8 =	sadd.s32 $0xFFFFE003, lr  }
0x1b: {  	s9 =	sadd.s32 $0xFFFFFEF7, lr;
	s5 =	simm.s32 $0xFFFFFFFF;
	p2 =	slt.u32 s8, $0xFFFFF086  }
0x1c: {  	p1 =	slt.u32 s9, $0xF7A;
	s5 =	simm.s32 @!p2 $0x0  }
0x1d: {  	s5 =	simm.s32 @p1 $0x1;
	p0 =	seq.s32 s7, s2  }
0x1e: {  	s7 =	smul.u32 @!p0 $0xF7A, s2;
	p2 =	seq.s32 @!p0 s5, $0x0  }
0x1f: {  	s9 =	smul.u32 $0xF7A, s1;
	s8 =	simm.s32 @!p0 $0x1BF5;
	p2 =	por !p2, p0  }
0x20: {  	[sflag:s8] =	ssyncset.s32 @!p0 $0xFFFFF086;
	s6 =	sadd.s32 @!p0 s3, s7;
	s7 =	simm.s32 @!p0 $0x108  }
0x21: {  	s3 =	sadd.s32 s3, s9;
	s6 =	sadd.s32 @!p0 $0x88, s6;
	s7 =	simm.s32 @p2 $0x1082  }
0x22: {  	[simem:s7], [sflag:s8] =	dma.local @!p0 [hbm:s6], $0xF7A  }
0x23: {  	s9 =	sor.u32 $0xD0000000, s2;
	s6 =	simm.s32 $0x108;
	_ =	swait.ge @!p0 [sflag:s8], $0x0  }
0x24: {  	s3 =	sadd.s32 $0x88, s3;
	s6 =	simm.s32 @!p1 $0x1082;
	[sflag:s4] =	ssyncset.s32 $0xFFFFF086  }
0x25: {  	[simem:s6], [sflag:s4] =	dma.local [hbm:s3], $0xF7A  }
0x26: {  	[smem:$0x3F97] =	sst s1;
	(tag) =	ssettag s2;
	_ =	strace s9  }
0x27: {  	s1 =	sld [smem:$0x3FA7]  }
0x28: {  	s2 =	sld [smem:$0x3FA8]  }
0x29: {  	s4 =	sld [smem:$0x3FAA]  }
0x2a: {  	p0 =	seq.s32 s5, $0x0;
	s5 =	sld [smem:$0x3FAB]  }
0x2b: {  	s6 =	sld [smem:$0x3FAC]  }
0x2c: {  	s7 =	sld [smem:$0x3FAD]  }
0x2d: {  	s3 =	simm.s32 $0x108;
	s8 =	sld [smem:$0x3FAE]  }
0x2e: {  	s3 =	simm.s32 @!p0 $0x1082;
	s9 =	sld [smem:$0x3FAF]  }
0x2f: {  	lr =	sadd.s32 s0, s3;
	s0 =	sld [smem:$0x3FA6]  }
0x30: {  	s3 =	sld [smem:$0x3FA9]  }
0x31: {  	[smem:$0x3FB2] =	sst s10  }
0x32: {  	s10 =	sld [smem:$0x3FB0];
	_ =	sdelay $0x3  }
0x33: {  	p0 =	seq.s32 s10, $0x1;
	s10 =	sld [smem:$0x3FB2];
	_ =	sdelay $0x3  }
0x34: {  	[smem:$0x3FB2] =	sst s10  }
0x35: {  	s10 =	sld [smem:$0x3FB1];
	_ =	sdelay $0x3  }
0x36: {  	p1 =	seq.s32 s10, $0x1;
	s10 =	sld [smem:$0x3FB2];
	_ =	sdelay $0x3  }
0x37: {  	[smem:$0x3FB2] =	sst s10  }
0x38: {  	s10 =	sld [smem:$0x3FB3]  }
0x39: {  	_ = 	snop;
	(pc) =	sbr.ind lr, $3  }
0x3a: {  	_ = 	snop  }
0x3b: {  	_ = 	snop  }
0x3c: {  	p2 =	seq.s32 s10, $0x1;
	s10 =	sld [smem:$0x3FB2]  }
0x3d: {  	_ =	shalt  }
0x3e: {  	_ =	shalt  }
0x3f: {  	_ =	shalt  }
0x40: {  	_ =	shalt  }
0x41: {  	_ =	shalt  }
0x42: {  	_ =	shalt  }
0x43: {  	_ =	shalt  }
0x44: {  	_ =	shalt  }
0x45: {  	_ =	shalt  }
0x46: {  	_ =	shalt  }
0x47: {  	_ =	shalt  }
0x48: {  	_ =	shalt  }
0x49: {  	_ =	shalt  }
0x4a: {  	_ =	shalt  }
0x4b: {  	_ =	shalt  }
0x4c: {  	_ =	shalt  }
0x4d: {  	_ =	shalt  }
0x4e: {  	_ =	shalt  }
0x4f: {  	_ =	shalt  }
0x50: {  	_ =	shalt  }
0x51: {  	_ =	shalt  }
0x52: {  	_ =	shalt  }
0x53: {  	_ =	shalt  }
0x54: {  	_ =	shalt  }
0x55: {  	_ =	shalt  }
0x56: {  	_ =	shalt  }
0x57: {  	_ =	shalt  }
0x58: {  	_ =	shalt  }
0x59: {  	_ =	shalt  }
0x5a: {  	_ =	shalt  }
0x5b: {  	_ =	shalt  }
0x5c: {  	_ =	shalt  }
0x5d: {  	_ =	shalt  }
0x5e: {  	_ =	shalt  }
0x5f: {  	_ =	shalt  }
0x60: {  	_ =	shalt  }
0x61: {  	_ =	shalt  }
0x62: {  	_ =	shalt  }
0x63: {  	_ =	shalt  }
0x64: {  	_ =	shalt  }
0x65: {  	_ =	shalt  }
0x66: {  	_ =	shalt  }
0x67: {  	_ =	shalt  }
0x68: {  	_ =	shalt  }
0x69: {  	_ =	shalt  }
0x6a: {  	_ =	shalt  }
0x6b: {  	_ =	shalt  }
0x6c: {  	_ =	shalt  }
0x6d: {  	_ =	shalt  }
0x6e: {  	_ =	shalt  }
0x6f: {  	_ =	shalt  }
0x70: {  	_ =	shalt  }
0x71: {  	_ =	shalt  }
0x72: {  	_ =	shalt  }
0x73: {  	_ =	shalt  }
0x74: {  	_ =	shalt  }
0x75: {  	_ =	shalt  }
0x76: {  	_ =	shalt  }
0x77: {  	_ =	shalt  }
0x78: {  	_ =	shalt  }
0x79: {  	_ =	shalt  }
0x7a: {  	_ =	shalt  }
0x7b: {  	_ =	shalt  }
0x7c: {  	_ =	shalt  }
0x7d: {  	_ =	shalt  }
0x7e: {  	_ =	shalt  }
0x7f: {  	_ =	shalt  }
0x80: {  	_ =	shalt  }
0x81: {  	_ =	shalt  }
0x82: {  	_ =	shalt  }
0x83: {  	_ =	shalt  }
0x84: {  	_ =	shalt  }
0x85: {  	_ =	shalt  }
0x86: {  	_ =	shalt  }
0x87: {  	_ =	shalt  }
.Lfunc_end0:
.L_simem_size_0:
called_computation_lowered:
.L_overlay_start_0:
0x88: {  	s2 =	sld [smem:$0x3FD9]  }
0x89: {  	s3 =	sld [smem:$0x3FFE];
	_ =	sdelay $0x1  }
0x8a: {  	s1 =	srdreg.scid  }
0x8b: {  	s0 =	sand.u32 $0x1, s1  }
0x8c: {  	s17 =	sshll.u32 s0, $0xA;
	s2 =	sadd.s32 s3, s2  }
0x8d: {  	s2 =	sadd.s32 s2, s17  }
0x8e: {  	[smem:$0x3FBE] =	sst s2  }
0x8f: {  	_ = 	snop  }
0x90: {  	s2 =	sld [smem:$0x3FD0];
	(tm) =	ssettm $0x1  }
0x91: {  	s18 =	sld [smem:$0x3FFB];
	_ =	sdelay $0x3  }
0x92: {  	_ =	strace s18  }
0x93: {  	s3 =	sld [smem:$0x3FFC];
	_ =	sdelay $0x3  }
0x94: {  	_ =	strace s3  }
0x95: {  	s3 =	sld [smem:$0x3FFD];
	_ =	sdelay $0x3  }
0x96: {  	_ =	strace s3  }
0x97: {  	_ =	strace $0x8FFFFFFF  }
0x98: {  	s19 =	sld [smem:$0x3FDB];
	_ =	sdelay $0x1  }
0x99: {  	s4 =	simm.s32 $_scs_section_size  }
0x9a: {  	s5 =	simm.s32 $_size__tile_overlayer_lowered;
	s6 =	simm.s32 $_tile_overlayer_lowered  }
0x9b: {  	s22 =	simm.s32 $0x1BFF;
	s21 =	sshll.u32 s6, $0x1;
	s3 =	sadd.s32 s4, s19  }
0x9c: {  	s7 =	simm.s32 $0x0;
	s20 =	sshll.u32 s5, $0x1;
	s5 =	sadd.s32 s21, s3  }
0x9d: {  	[timem:s7], [sflag:s22] =	dma.local [hbm:s5], s20  }
0x9e: {  	_ =	swait.ge [sflag:s22], s20  }
0x9f: {  	s4 =	ssub.s32 $0x0, s20;
	[sflag:s22] =	ssyncset.done $0x0  }
0xa0: {  	[sflag:s22] =	ssyncadd.s32 s4;
	_ =	sdelay $0x1  }
0xa1: {  	s23 =	simm.s32 $0x1B8B  }
0xa2: {  	_ =	swait.ge [sflag:s23], $0x1  }
0xa3: {  	[sflag:s23] =	ssyncset.done $0x0  }
0xa4: {  	s25 =	simm.s32 $0x1B8E;
	s24 =	sld [smem:$0x3FFE];
	[sflag:s23] =	ssyncadd.s32 $0xFFFFFFFF  }
0xa5: {  	s26 =	simm.s32 $execute0_lowered;
	[smem:$0x3FD2] =	sst s25  }
0xa6: {  	s5 =	sshll.u32 s26, $0x1;
	_ =	strace $0x80000046;
	[dreg:$0x1] =	wrdreg $0xFFFFFFFF  }
0xa7: {  	s28 =	simm.s32 $_size_execute0_lowered;
	s3 =	sadd.s32 s3, s5;
	[dreg:$0x0] =	wrdreg $0x0  }
0xa8: {  	s5 =	sshll.u32 s28, $0x1;
	[dreg:$0x2] =	wrdreg s3  }
0xa9: {  	[dreg:$0x3] =	wrdreg s5  }
0xaa: {  	[dreg:$0x4] =	wrdreg $0xC0  }
0xab: {  	_ =	task [dreg:s7], $0x5FFFF  }
0xac: {  	[dreg:$0x1] =	wrdreg $0xFFFFFFFF  }
0xad: {  	[dreg:$0x0] =	wrdreg $0x60  }
0xae: {  	[dreg:$0x2] =	wrdreg s2  }
0xaf: {  	[dreg:$0x3] =	wrdreg s24  }
0xb0: {  	[dreg:$0x4] =	wrdreg $0x5000  }
0xb1: {  	[dreg:$0x5] =	wrdreg $0x9  }
0xb2: {  	_ =	task.clear_ibuf [dreg:s7], $0x6FFFF;
	_ =	strace $0x90000046  }
0xb3: {  	s29 =	simm.s32 $0x9;
	_ =	strace $0x80000048  }
0xb4: {  	_ =	swait.ge [sflag:s29], $0x1  }
0xb5: {  	[sflag:s29] =	ssyncadd.s32 $0xFFFFFFFF  }
0xb6: {  	_ =	strace $0x90000048  }
0xb7: {  	_ =	sfence  }
0xb8: {  	s30 =	sld [smem:$0x0];
	_ =	sdelay $0x2  }
0xb9: {  	s31 =	sshll.u32 s1, $0xD;
	s1 =	sshrl.u32 s1, $0x2  }
0xba: {  	s3 =	sand.u32 $0x4000, s31;
	s1 =	sadd.s32 s1, s30  }
0xbb: {  	s0 =	sor.u32 s3, s0;
	s1 =	sshll.u32 s1, $0x11  }
0xbc: {  	s0 =	sor.u32 s1, s0  }
0xbd: {  	s0 =	sadd.s32 $0x8F2B, s0  }
0xbe: {  	[sflag:s0] =	ssyncadd.remote.s32 $0x1  }
0xbf: {  	_ =	sfence.sel $0xFFFF  }
0xc0: {  	[dreg:$0x0] =	wrdreg $0xFFFFFFFF;
	(pc) =	sbr.abs _section_cstart, $3  }
0xc1: {  	[dreg:$0x1] =	wrdreg $0xFFFFFFFF  }
0xc2: {  	_ =	task.clear_ibuf [dreg:s7], $0x2FFFF;
	_ =	strace $0x9FFFFFFF  }
0xc3: {  	(tm) =	ssettm $0x7FFFFFFF  }
tec
execute0_lowered:
.L_overlay_start_1:
0x0: {  	(tag) =	ssettag $0x1  }
0x1: {  	s1 =	rddreg [dreg:$0x0]  }
0x2: {  	s0 =	rddreg [dreg:$0x1]  }
0x3: {  	s3 =	rddreg [dreg:$0x2]  }
0x4: {  	s5 =	srdreg.scid;
	s2 =	stileid.u32  }
0x5: {  	s4 =	simm.s32 $0x0;
	s12 =	simm.s32 $0x80;
	s13 =	simm.s32 $0x1  }
0x6: {  	s14 =	simm.s32 $0x200;
	s15 =	simm.s32 $0x100;
	s16 =	simm.s32 $0x2  }
0x7: {  	s17 =	simm.s32 $0x180;
	s18 =	simm.s32 $0x3;
	s19 =	simm.s32 $0x5  }
0x8: {  	s20 =	simm.s32 $0x4;
	s21 =	simm.s32 $0x6;
	s22 =	simm.s32 $0x7  }
0x9: {  	s23 =	simm.s32 $0x8;
	s24 =	simm.s32 $0x20;
	s25 =	simm.s32 $0x10  }
0xa: {  	s26 =	simm.s32 $0x0;
	s6 =	sand.u32 $0x1, s5;
	s9 =	smul.u32 $0x500, s2  }
0xb: {  	[smem:$0x7FF] =	sst s4;
	s8 =	smul.u32 $0xA00, s2;
	s5 =	sshll.u32 s6, $0x7  }
0xc: {  	_ =	strace $0x80000047;
	s7 =	sshll.u32 s6, $0x4;
	s31 =	ssub.s32 $0x2, s6  }
0xd: {  	s11 =	smul.u32 $0x5000, s6;
	s5 =	sor.u32 s5, s9;
	s7 =	sor.u32 s2, s7  }
0xe: {  	s10 =	sshrl.u32 s31, $0x1;
	s8 =	sshrl.u32 s8, $0x2;
	s5 =	sshrl.u32 s5, $0x3  }
0xf: {  	s7 =	smul.u32 $0x500, s7;
	s10 =	ssub.s32 s31, s10;
	s9 =	sadd.s32 s9, s11  }
0x10: {  	s11 =	simm.s32 $0x9;
	s0 =	sadd.s32 s5, s0;
	s5 =	sadd.s32 s8, s3  }
0x11: {  	v0 =	vimm.f32 $1.000000000e+00;
	v1 =	vimm.f32 $0.0e+00;
	s8 =	smax.u32 s10, $0x1;
	s6 =	sadd.s32 s1, s7;
	s7 =	sadd.s32 $0xD000, s0  }
.LBB2_1:
0x12: {  	[tilespmem:$0x200] =	vst v0  }
0x13: {  	[tilespmem:$0x210] =	vst v0  }
0x14: {  	[tilespmem:$0x220] =	vst v0  }
0x15: {  	[tilespmem:$0x230] =	vst v0  }
0x16: {  	[tilespmem:$0x240] =	vst v0  }
0x17: {  	[tilespmem:$0x250] =	vst v0  }
0x18: {  	[tilespmem:$0x260] =	vst v0  }
0x19: {  	[tilespmem:$0x270] =	vst v0  }
0x1a: {  	[tilespmem:$0x280] =	vst v1  }
0x1b: {  	[tilespmem:$0x290] =	vst v1  }
0x1c: {  	[tilespmem:$0x2A0] =	vst v1  }
0x1d: {  	[tilespmem:$0x2B0] =	vst v1  }
0x1e: {  	[tilespmem:$0x2C0] =	vst v1  }
0x1f: {  	[tilespmem:$0x2D0] =	vst v1  }
0x20: {  	[tilespmem:$0x2E0] =	vst v1  }
0x21: {  	[tilespmem:$0x2F0] =	vst v1  }
0x22: {  	[tilespmem:$0x300] =	vst v1  }
0x23: {  	[tilespmem:$0x310] =	vst v1  }
0x24: {  	[tilespmem:$0x320] =	vst v1  }
0x25: {  	[tilespmem:$0x330] =	vst v1  }
0x26: {  	[tilespmem:$0x340] =	vst v1  }
0x27: {  	[tilespmem:$0x350] =	vst v1  }
0x28: {  	[tilespmem:$0x360] =	vst v1  }
0x29: {  	[tilespmem:$0x370] =	vst v1  }
0x2a: {  	[tilespmem:$0x380] =	vst v1  }
0x2b: {  	[tilespmem:$0x390] =	vst v1  }
0x2c: {  	[tilespmem:$0x3A0] =	vst v1  }
0x2d: {  	[tilespmem:$0x3B0] =	vst v1  }
0x2e: {  	[tilespmem:$0x3C0] =	vst v1  }
0x2f: {  	[tilespmem:$0x3D0] =	vst v1  }
0x30: {  	[tilespmem:$0x3E0] =	vst v1  }
0x31: {  	[tilespmem:$0x3F0] =	vst v1  }
0x32: {  	[tilespmem:$0x400] =	vst v1  }
0x33: {  	[tilespmem:$0x410] =	vst v1  }
0x34: {  	[tilespmem:$0x420] =	vst v1  }
0x35: {  	[tilespmem:$0x430] =	vst v1  }
0x36: {  	[tilespmem:$0x440] =	vst v1  }
0x37: {  	[tilespmem:$0x450] =	vst v1  }
0x38: {  	[tilespmem:$0x460] =	vst v1  }
0x39: {  	[tilespmem:$0x470] =	vst v1  }
0x3a: {  	[tilespmem:$0x480] =	vst v1  }
0x3b: {  	[tilespmem:$0x490] =	vst v1  }
0x3c: {  	[tilespmem:$0x4A0] =	vst v1  }
0x3d: {  	[tilespmem:$0x4B0] =	vst v1  }
0x3e: {  	[tilespmem:$0x4C0] =	vst v1  }
0x3f: {  	[tilespmem:$0x4D0] =	vst v1  }
0x40: {  	[tilespmem:$0x4E0] =	vst v1  }
0x41: {  	[tilespmem:$0x4F0] =	vst v1;
	s0 =	simm.s32 $0x280  }
0x42: {  	[spmem:s5] =	stream.linear.scatter [tilespmem:s0], [sflag:$0x9], $0x280, $0x38;
	[tilespmem:$0x780] =	vst v63  }
0x43: {  	_ =	swait.ge [sflag:s11], $0x280  }
0x44: {  	p0 =	por $0x1, $0x1;
	[sflag:s11] =	ssyncset.done $0x0  }
0x45: {  	s28 =	sadd.s32 $0x0, s9;
	p0 =	por p0, p0;
	[sflag:s11] =	ssyncadd.s32 $0xFFFFFD80  }
0x46: {  	s29 =	sand.u32 $0x40, s4;
	s0 =	simm.s32 @!p0 $0x6;
	[bflag:$0x0] =	sbarrier.arrive $0xFFFF  }
0x47: {  	[tilespmem:s4], [sflag:$0x1] =	stream.linear.gather [hbm4b:s6+s4], $0x80, $0x38;
	[tilespmem:$0x780] =	vst v63  }
0x48: {  	s29 =	sadd.s32 s29, s1;
	s28 =	sand.u32 $0xFFFFF80, s28;
	_ =	swait.ge @!p0 [sflag:s0], $0x80  }
0x49: {  	s28 =	sadd.s32 s28, s29;
	[sflag:s0] =	ssyncset.done @!p0 $0x0  }
0x4a: {  	s10 =	sadd.s32 $0x10, s28;
	[sflag:s0] =	ssyncadd.s32 @!p0 $0xFFFFFF80  }
0x4b: {  	[tilespmem:s12], [sflag:$0x2] =	stream.linear.gather [hbm4b:s10+s4], $0x80, $0x38;
	[tilespmem:$0x780] =	vst v63  }
0x4c: {  	_ =	swait.ge [sflag:s13], $0x80  }
0x4d: {  	[sflag:s13] =	ssyncset.done $0x0  }
0x4e: {  	s0 =	simm.s32 @!p0 $0x7;
	[sflag:s13] =	ssyncadd.s32 $0xFFFFFF80  }
0x4f: {  	[spmem:s3] =	stream.indirect.scatter.add.f32 [tilespmem:s14], [sflag:$0x5], $0x1, s4, s12, $0xb8;
	[tilespmem:$0x780] =	vst v63  }
0x50: {  	_ =	swait.ge @!p0 [sflag:s0], $0x80  }
0x51: {  	[sflag:s0] =	ssyncset.done @!p0 $0x0  }
0x52: {  	s10 =	sadd.s32 $0x20, s28;
	[sflag:s0] =	ssyncadd.s32 @!p0 $0xFFFFFF80  }
0x53: {  	[tilespmem:s15], [sflag:$0x3] =	stream.linear.gather [hbm4b:s10+s4], $0x80, $0x38;
	[tilespmem:$0x780] =	vst v63  }
0x54: {  	_ =	swait.ge [sflag:s16], $0x80  }
0x55: {  	[sflag:s16] =	ssyncset.done $0x0  }
0x56: {  	s0 =	simm.s32 @!p0 $0x8;
	[sflag:s16] =	ssyncadd.s32 $0xFFFFFF80  }
0x57: {  	[spmem:s3] =	stream.indirect.scatter.add.f32 [tilespmem:s14], [sflag:$0x6], $0x1, s12, s12, $0xb8;
	[tilespmem:$0x780] =	vst v63  }
0x58: {  	_ =	swait.ge @!p0 [sflag:s0], $0x80  }
0x59: {  	[sflag:s0] =	ssyncset.done @!p0 $0x0  }
0x5a: {  	p1 =	por $0x0, $0x0;
	s10 =	sadd.s32 $0x30, s28;
	[sflag:s0] =	ssyncadd.s32 @!p0 $0xFFFFFF80  }
0x5b: {  	[tilespmem:s17], [sflag:$0x4] =	stream.linear.gather [hbm4b:s10+s4], $0x80, $0x38;
	[tilespmem:$0x780] =	vst v63  }
0x5c: {  	s29 =	sxor.u32 @!p1 $0xFFFFFFFF, s4;
	_ =	swait.ge [sflag:s18], $0x80  }
0x5d: {  	p6 =	por $0x0, $0x0;
	s29 =	sand.u32 @!p1 $0x40, s29;
	[sflag:s18] =	ssyncset.done $0x0  }
0x5e: {  	s29 =	sadd.s32 @!p1 s1, s29;
	s0 =	sadd.s32 @!p1 $0x0, s9;
	[sflag:s18] =	ssyncadd.s32 $0xFFFFFF80  }
0x5f: {  	[spmem:s3] =	stream.indirect.scatter.add.f32 [tilespmem:s14], [sflag:$0x7], $0x1, s15, s12, $0xb8;
	[tilespmem:$0x780] =	vst v63  }
0x60: {  	s28 =	simm.s32 $0x40;
	s0 =	sadd.s32 @!p1 $0x40, s0;
	_ =	swait.ge [sflag:s19], $0x80  }
0x61: {  	p0 =	por p6, p6;
	s0 =	sand.u32 @!p1 $0xFFFFF80, s0;
	[sflag:s19] =	ssyncset.done $0x0  }
0x62: {  	s0 =	sadd.s32 @!p1 s0, s29;
	s29 =	simm.s32 @!p1 $0x0;
	[sflag:s19] =	ssyncadd.s32 $0xFFFFFF80  }
0x63: {  	[tilespmem:s29], [sflag:$0x1] =	stream.linear.gather @!p1 [hbm4b:s0+s29], $0x80, $0x38;
	[tilespmem:$0x780] =	vst v63  }
0x64: {  	s30 =	sand.u32 $0x40, s28;
	s31 =	simm.s32 @!p0 $0x6;
	_ =	swait.ge [sflag:s20], $0x80  }
0x65: {  	s29 =	simm.s32 $0x80;
	s0 =	sadd.s32 $0x40, s9;
	[sflag:s20] =	ssyncset.done $0x0  }
.LBB2_2:
0x66: {  	p2 =	seq.s32 s29, $0x0  }
0x67: {  	s10 =	sadd.s32 s30, s1;
	[sflag:s20] =	ssyncadd.s32 $0xFFFFFF80;
	s30 =	smov.u32 s29  }
0x68: {  	[spmem:s3] =	stream.indirect.scatter.add.f32 [tilespmem:s14], [sflag:$0x8], $0x1, s17, s12, $0xb8;
	[tilespmem:$0x780] =	vst v63  }
0x69: {  	s29 =	sadd.s32 $0x40, s29;
	s0 =	sand.u32 $0xFFFFF80, s0;
	_ =	swait.ge @!p0 [sflag:s31], $0x80  }
0x6a: {  	p1 =	sne.s32 s29, $0x500;
	s0 =	sadd.s32 s0, s10;
	[sflag:s31] =	ssyncset.done @!p0 $0x0  }
0x6b: {  	s10 =	sadd.s32 $0x10, s0;
	[sflag:s31] =	ssyncadd.s32 @!p0 $0xFFFFFF80  }
0x6c: {  	[tilespmem:s12], [sflag:$0x2] =	stream.linear.gather [hbm4b:s10+s4], $0x80, $0x38;
	[tilespmem:$0x780] =	vst v63  }
0x6d: {  	_ =	swait.ge [sflag:s13], $0x80  }
0x6e: {  	[sflag:s13] =	ssyncset.done $0x0  }
0x6f: {  	s10 =	simm.s32 @!p0 $0x7;
	[sflag:s13] =	ssyncadd.s32 $0xFFFFFF80  }
0x70: {  	[spmem:s3] =	stream.indirect.scatter.add.f32 [tilespmem:s14], [sflag:$0x5], $0x1, s4, s12, $0xb8;
	[tilespmem:$0x780] =	vst v63  }
0x71: {  	_ =	swait.ge @!p0 [sflag:s10], $0x80  }
0x72: {  	[sflag:s10] =	ssyncset.done @!p0 $0x0  }
0x73: {  	[sflag:s10] =	ssyncadd.s32 @!p0 $0xFFFFFF80;
	s10 =	sadd.s32 $0x20, s0  }
0x74: {  	[tilespmem:s15], [sflag:$0x3] =	stream.linear.gather [hbm4b:s10+s4], $0x80, $0x38;
	[tilespmem:$0x780] =	vst v63  }
0x75: {  	_ =	swait.ge [sflag:s16], $0x80  }
0x76: {  	[sflag:s16] =	ssyncset.done $0x0  }
0x77: {  	s10 =	simm.s32 @!p0 $0x8;
	[sflag:s16] =	ssyncadd.s32 $0xFFFFFF80  }
0x78: {  	[spmem:s3] =	stream.indirect.scatter.add.f32 [tilespmem:s14], [sflag:$0x6], $0x1, s12, s12, $0xb8;
	[tilespmem:$0x780] =	vst v63  }
0x79: {  	_ =	swait.ge @!p0 [sflag:s10], $0x80  }
0x7a: {  	[sflag:s10] =	ssyncset.done @!p0 $0x0  }
0x7b: {  	s0 =	sadd.s32 $0x30, s0;
	[sflag:s10] =	ssyncadd.s32 @!p0 $0xFFFFFF80;
	p0 =	por p2, p2  }
0x7c: {  	[tilespmem:s17], [sflag:$0x4] =	stream.linear.gather [hbm4b:s0+s4], $0x80, $0x38;
	[tilespmem:$0x780] =	vst v63  }
0x7d: {  	_ =	swait.ge [sflag:s18], $0x80  }
0x7e: {  	p2 =	seq.s32 s28, $0x4C0;
	[sflag:s18] =	ssyncset.done $0x0  }
0x7f: {  	s0 =	sadd.s32 @!p2 s28, s9;
	[sflag:s18] =	ssyncadd.s32 $0xFFFFFF80  }
0x80: {  	[spmem:s3] =	stream.indirect.scatter.add.f32 [tilespmem:s14], [sflag:$0x7], $0x1, s15, s12, $0xb8;
	[tilespmem:$0x780] =	vst v63  }
0x81: {  	s10 =	sxor.u32 @!p2 $0xFFFFFFFF, s28;
	s0 =	sadd.s32 @!p2 $0x40, s0;
	_ =	swait.ge [sflag:s19], $0x80  }
0x82: {  	s10 =	sand.u32 @!p2 $0x40, s10;
	s0 =	sand.u32 @!p2 $0xFFFFF80, s0;
	[sflag:s19] =	ssyncset.done $0x0  }
.Ltmp0:
0x83: {  	s10 =	sadd.s32 @!p2 s1, s10;
	[sflag:s19] =	ssyncadd.s32 $0xFFFFFF80;
	(pc) =	sbr.rel @p1 .LBB2_2-.Ltmp0, $4  }
0x84: {  	s28 =	smov.u32 s30;
	s0 =	sadd.s32 @!p2 s0, s10;
	s10 =	simm.s32 @!p2 $0x0  }
0x85: {  	[tilespmem:s10], [sflag:$0x1] =	stream.linear.gather @!p2 [hbm4b:s0+s10], $0x80, $0x38;
	[tilespmem:$0x780] =	vst v63  }
0x86: {  	s31 =	simm.s32 @!p0 $0x6;
	_ =	swait.ge [sflag:s20], $0x80  }
0x87: {  	s30 =	sand.u32 $0x40, s28;
	s0 =	sadd.s32 s28, s9;
	[sflag:s20] =	ssyncset.done $0x0  }
0x88: {  	[sflag:s20] =	ssyncadd.s32 $0xFFFFFF80  }
0x89: {  	[spmem:s3] =	stream.indirect.scatter.add.f32 [tilespmem:s14], [sflag:$0x8], $0x1, s17, s12, $0xb8;
	[tilespmem:$0x780] =	vst v63  }
0x8a: {  	s10 =	sadd.s32 s30, s1;
	s0 =	sand.u32 $0xFFFFF80, s0;
	_ =	swait.ge @!p0 [sflag:s31], $0x80  }
0x8b: {  	s0 =	sadd.s32 s0, s10;
	[sflag:s31] =	ssyncset.done @!p0 $0x0  }
0x8c: {  	s10 =	sadd.s32 $0x10, s0;
	[sflag:s31] =	ssyncadd.s32 @!p0 $0xFFFFFF80  }
0x8d: {  	[tilespmem:s12], [sflag:$0x2] =	stream.linear.gather [hbm4b:s10+s4], $0x80, $0x38;
	[tilespmem:$0x780] =	vst v63  }
0x8e: {  	_ =	swait.ge [sflag:s13], $0x80  }
0x8f: {  	[sflag:s13] =	ssyncset.done $0x0  }
0x90: {  	s10 =	simm.s32 @!p0 $0x7;
	[sflag:s13] =	ssyncadd.s32 $0xFFFFFF80  }
0x91: {  	[spmem:s3] =	stream.indirect.scatter.add.f32 [tilespmem:s14], [sflag:$0x5], $0x1, s4, s12, $0xb8;
	[tilespmem:$0x780] =	vst v63  }
0x92: {  	_ =	swait.ge @!p0 [sflag:s10], $0x80  }
0x93: {  	[sflag:s10] =	ssyncset.done @!p0 $0x0  }
0x94: {  	s29 =	sadd.s32 $0x20, s0;
	[sflag:s10] =	ssyncadd.s32 @!p0 $0xFFFFFF80  }
0x95: {  	[tilespmem:s15], [sflag:$0x3] =	stream.linear.gather [hbm4b:s29+s4], $0x80, $0x38;
	[tilespmem:$0x780] =	vst v63  }
0x96: {  	_ =	swait.ge [sflag:s16], $0x80  }
0x97: {  	[sflag:s16] =	ssyncset.done $0x0  }
0x98: {  	s10 =	simm.s32 @!p0 $0x8;
	[sflag:s16] =	ssyncadd.s32 $0xFFFFFF80  }
0x99: {  	[spmem:s3] =	stream.indirect.scatter.add.f32 [tilespmem:s14], [sflag:$0x6], $0x1, s12, s12, $0xb8;
	[tilespmem:$0x780] =	vst v63  }
0x9a: {  	_ =	swait.ge @!p0 [sflag:s10], $0x80  }
0x9b: {  	[sflag:s10] =	ssyncset.done @!p0 $0x0  }
0x9c: {  	s0 =	sadd.s32 $0x30, s0;
	[sflag:s10] =	ssyncadd.s32 @!p0 $0xFFFFFF80  }
0x9d: {  	[tilespmem:s17], [sflag:$0x4] =	stream.linear.gather [hbm4b:s0+s4], $0x80, $0x38;
	[tilespmem:$0x780] =	vst v63  }
0x9e: {  	_ =	swait.ge [sflag:s18], $0x80  }
0x9f: {  	p0 =	seq.s32 s28, $0x4C0;
	[sflag:s18] =	ssyncset.done $0x0  }
0xa0: {  	s0 =	sadd.s32 @!p0 s28, s9;
	s10 =	sxor.u32 @!p0 $0xFFFFFFFF, s28;
	[sflag:s18] =	ssyncadd.s32 $0xFFFFFF80  }
0xa1: {  	[spmem:s3] =	stream.indirect.scatter.add.f32 [tilespmem:s14], [sflag:$0x7], $0x1, s15, s12, $0xb8;
	[tilespmem:$0x780] =	vst v63  }
0xa2: {  	s0 =	sadd.s32 @!p0 $0x40, s0;
	s10 =	sand.u32 @!p0 $0x40, s10;
	_ =	swait.ge [sflag:s19], $0x80  }
0xa3: {  	s0 =	sand.u32 @!p0 $0xFFFFF80, s0;
	s10 =	sadd.s32 @!p0 s1, s10;
	[sflag:s19] =	ssyncset.done $0x0  }
0xa4: {  	s0 =	sadd.s32 @!p0 s0, s10;
	s10 =	simm.s32 @!p0 $0x0;
	[sflag:s19] =	ssyncadd.s32 $0xFFFFFF80  }
0xa5: {  	[tilespmem:s10], [sflag:$0x1] =	stream.linear.gather @!p0 [hbm4b:s0+s10], $0x80, $0x38;
	[tilespmem:$0x780] =	vst v63  }
0xa6: {  	_ =	swait.ge [sflag:s20], $0x80  }
0xa7: {  	[sflag:s20] =	ssyncset.done $0x0  }
0xa8: {  	[sflag:s20] =	ssyncadd.s32 $0xFFFFFF80  }
0xa9: {  	[spmem:s3] =	stream.indirect.scatter.add.f32 [tilespmem:s14], [sflag:$0x8], $0x1, s17, s12, $0xb8;
	[tilespmem:$0x780] =	vst v63  }
0xaa: {  	_ =	swait.ge [sflag:s21], $0x80  }
0xab: {  	[sflag:s21] =	ssyncset.done $0x0  }
0xac: {  	[sflag:s21] =	ssyncadd.s32 $0xFFFFFF80  }
0xad: {  	_ =	swait.ge [sflag:s22], $0x80  }
0xae: {  	[sflag:s22] =	ssyncset.done $0x0  }
0xaf: {  	[sflag:s22] =	ssyncadd.s32 $0xFFFFFF80  }
0xb0: {  	_ =	swait.ge [sflag:s23], $0x80  }
0xb1: {  	s30 =	sshll.u32 s2, $0x6;
	s26 =	sadd.s32 $0x1, s26;
	[sflag:s23] =	ssyncset.done $0x0  }
0xb2: {  	s31 =	sshrl.u32 s5, $0x3;
	p0 =	sne.s32 s26, s8;
	[sflag:s23] =	ssyncadd.s32 $0xFFFFFF80  }
.Ltmp1:
0xb3: {  	s0 =	sor.u32 $0x1C09, s30;
	[bflag:$0x0] =	sbarrier.arrive $0xFFFF;
	(pc) =	sbr.rel @p0 .LBB2_1-.Ltmp1, $4  }
0xb4: {  	[hbm:s7@s24], [sflag:s0] =	dma.strided [spmem:s31@s25], $0x50, s13, $0x10   }
0xb5: {  	_ =	swait.ge [sflag:s11], $0x50  }
0xb6: {  	[sflag:s11] =	ssyncset.done $0x0  }
0xb7: {  	[sflag:s11] =	ssyncadd.s32 $0xFFFFFFB0  }
0xb8: {  	_ =	sfence.sel $0x180000  }
0xb9: {  	[bflag:$0x0] =	sbarrier.arrive $0xFFFF  }
0xba: {  	_ =	strace $0x90000047  }
0xbb: {  	[bflag:$0x2] =	sbarrier.arrive $0xFFFF  }
0xbc: {  	p0 =	sne.s32 s2, $0x0;
	s0 =	rddreg [dreg:$0x3]  }
0xbd: {  	s0 =	sadd.s32 @!p0 $0x100000, s0  }
0xbe: {  	[sflag:s0] =	ssyncadd.tile.s32 @!p0 $0x1;
	_ =	shalt  }
.Lfunc_end2:
_tile_overlayer_lowered:
.L_overlay_start_2:
0xbf: {  	(tag) =	ssettag $0x2  }
0xc0: {  	s0 =	rddreg [dreg:$0x0];
	s2 =	stileid.u32  }
0xc1: {  	s1 =	rddreg [dreg:$0x1];
	p0 =	sne.s32 s2, $0x0  }
0xc2: {  	s3 =	rddreg [dreg:$0x2];
	[bflag:$0x3] =	sbarrier.arrive $0xFFFF;
	s2 =	simm.s32 @!p0 $0x1C09  }
0xc3: {  	[timem:s3], [sflag:s2] =	dma.local @!p0 [hbm:s0], s1  }
0xc4: {  	s0 =	simm.s32 @!p0 $0x9  }
0xc5: {  	_ =	swait.ge @!p0 [sflag:s0], s1  }
0xc6: {  	s1 =	ssub.s32 @!p0 $0x0, s1;
	[sflag:s0] =	ssyncset.done @!p0 $0x0  }
0xc7: {  	[sflag:s0] =	ssyncadd.s32 @!p0 s1  }
0xc8: {  	[bflag:$0x3] =	sbarrier.arrive $0xFFFF  }
0xc9: {  	_ =	shalt  }

</sc_bundles>
